<compile_context>
chip_gen: v7x
topology: tpu7x:2x2x1
jax: 0.10.2.dev20260603
libtpu: 0.0.44.dev20260713+nightly
codegen_flags: <defaults>
</compile_context>

<pallas_src>
import functools

import jax
import jax.numpy as jnp
from jax import lax
from jax.experimental import pallas as pl
from jax.experimental.pallas import tpu as pltpu
from jax.experimental.pallas import tpu_sc as plsc

N_NODES = 10000
N_EDGES = 320000
NC = 2
NS = 16
NW = NC * NS
LANES = 16
D = 64
CHUNK = 128
NBUF = 2
NPAD = 10112
ROWS_PER_TILE = NPAD // NS
WB = ROWS_PER_TILE // CHUNK
WTAIL = ROWS_PER_TILE - WB * CHUNK

EW1 = N_EDGES // NS
NCHUNK1 = 160
EWPAD1 = NCHUNK1 * CHUNK
GRP = 16
EW2 = N_EDGES // NW
NCHUNK2 = 80
EWPAD2 = NCHUNK2 * CHUNK



def _make_scatter(vertical):
    nchunk = NCHUNK1 if vertical else NCHUNK2
    mesh = plsc.VectorSubcoreMesh(core_axis_name="c", subcore_axis_name="s")

    @functools.partial(
        pl.kernel,
        out_type=jax.ShapeDtypeStruct((NC, NPAD, D), jnp.float32),
        mesh=mesh,
        compiler_params=pltpu.CompilerParams(use_tc_tiling_on_sc=False),
        scratch_types=(
            [
                pltpu.VMEM((nchunk, CHUNK), jnp.int32),
                pltpu.VMEM((GRP, CHUNK), jnp.int32),
                pltpu.VMEM((NBUF, CHUNK, D), jnp.float32),
                pltpu.VMEM_SHARED((NPAD, D), jnp.float32),
                pltpu.VMEM_SHARED((NPAD, D), jnp.float32),
            ]
            + [pltpu.SemaphoreType.DMA] * (3 * NBUF)
        ),
    )
    def scatter_kernel(table, src_idx, dst_idx, zrows, out,
                       src_v, didx, rows_v, tbl, acc, *sems):
        gsems = sems[:NBUF]
        ssems = sems[NBUF:2 * NBUF]
        dsems = sems[2 * NBUF:]
        cid = lax.axis_index("c")
        sid = lax.axis_index("s")
        slab = sid if vertical else cid * NS + sid

        pltpu.sync_copy(src_idx.at[slab], src_v)

        tbase = cid * NPAD if vertical else 0
        for k in range(WB):
            off = sid * ROWS_PER_TILE + k * CHUNK
            pltpu.sync_copy(table.at[pl.ds(tbase + off, CHUNK)],
                            tbl.at[pl.ds(off, CHUNK)])
        if WTAIL:
            off = sid * ROWS_PER_TILE + WB * CHUNK
            pltpu.sync_copy(table.at[pl.ds(tbase + off, WTAIL)],
                            tbl.at[pl.ds(off, WTAIL)])

        pltpu.sync_copy(zrows, rows_v.at[0])
        for b in range(WB):
            off = sid * ROWS_PER_TILE + b * CHUNK
            pltpu.sync_copy(rows_v.at[0], acc.at[pl.ds(off, CHUNK)])
        if WTAIL:
            zoff = sid * ROWS_PER_TILE + WB * CHUNK
            pltpu.sync_copy(rows_v.at[0, pl.ds(0, WTAIL)],
                            acc.at[pl.ds(zoff, WTAIL)])
        plsc.subcore_barrier()

        def g_start(j, b):
            pltpu.async_copy(tbl.at[src_v.at[j]], rows_v.at[b], gsems[b])

        def g_wait(j, b):
            pltpu.make_async_copy(tbl.at[src_v.at[j]], rows_v.at[b],
                                  gsems[b]).wait()

        def s_do(b):
            pltpu.async_copy(rows_v.at[b], acc.at[didx.at[b]], ssems[b],
                             add=True).wait()

        def d_start(j, b):
            pltpu.async_copy(dst_idx.at[slab, j], didx.at[b], dsems[b])

        def d_wait(j, b):
            pltpu.make_async_copy(dst_idx.at[slab, j], didx.at[b],
                                  dsems[b]).wait()

        def body(g, carry):
            pltpu.async_copy(dst_idx.at[slab, pl.ds(g * GRP, GRP)], didx,
                             dsems[0]).wait()
            for q in range(GRP):
                j = g * GRP + q
                pltpu.async_copy(tbl.at[src_v.at[j]], rows_v.at[0],
                                 gsems[0]).wait()
                pltpu.async_copy(rows_v.at[0], acc.at[didx.at[q]], ssems[0],
                                 add=True).wait()
            return carry

        lax.fori_loop(0, nchunk // GRP, body, 0)
        plsc.subcore_barrier()

        for b in range(WB):
            off = sid * ROWS_PER_TILE + b * CHUNK
            buf = b % NBUF
            pltpu.sync_copy(acc.at[pl.ds(off, CHUNK)], rows_v.at[buf])
            pltpu.sync_copy(rows_v.at[buf], out.at[cid, pl.ds(off, CHUNK)])
        if WTAIL:
            toff = sid * ROWS_PER_TILE + WB * CHUNK
            pltpu.sync_copy(acc.at[pl.ds(toff, WTAIL)],
                            rows_v.at[0, pl.ds(0, WTAIL)])
            pltpu.sync_copy(rows_v.at[0, pl.ds(0, WTAIL)],
                            out.at[cid, pl.ds(toff, WTAIL)])

    return scatter_kernel


_scatter_cols = _make_scatter(True)
_scatter_edges = _make_scatter(False)



_BM = 1000


def _l1_body(x_ref, w_ref, wl_ref, b_ref, sup_ref, self_ref):
    x = x_ref[...]
    sup = jnp.dot(x, w_ref[...], preferred_element_type=jnp.float32)
    sup_ref[0] = sup[:, :D]
    sup_ref[1] = sup[:, D:]
    self_ref[...] = (jnp.dot(x, wl_ref[...], preferred_element_type=jnp.float32)
                     + b_ref[...])


def _layer1(fea, w, wl, b):
    return pl.pallas_call(
        _l1_body,
        grid=(N_NODES // _BM,),
        in_specs=[
            pl.BlockSpec((_BM, 128), lambda i: (i, 0)),
            pl.BlockSpec((128, 128), lambda i: (0, 0)),
            pl.BlockSpec((128, 128), lambda i: (0, 0)),
            pl.BlockSpec((1, 128), lambda i: (0, 0)),
        ],
        out_specs=[
            pl.BlockSpec((NC, _BM, D), lambda i: (0, i, 0)),
            pl.BlockSpec((_BM, 128), lambda i: (i, 0)),
        ],
        out_shape=[
            jax.ShapeDtypeStruct((NC, NPAD, D), jnp.float32),
            jax.ShapeDtypeStruct((N_NODES, 128), jnp.float32),
        ],
    )(fea, w, wl, b.reshape(1, 128))


def _l2_body(p_ref, self_ref, w_ref, wl_ref, b_ref, sup2_ref, self2_ref):
    x1 = jnp.concatenate([p_ref[0], p_ref[1]], axis=1) + self_ref[...]
    sup2_ref[...] = jnp.dot(x1, w_ref[...], preferred_element_type=jnp.float32)
    self2_ref[...] = (jnp.dot(x1, wl_ref[...], preferred_element_type=jnp.float32)
                      + b_ref[...])


def _layer2(part1, self1, w, wl, b):
    return pl.pallas_call(
        _l2_body,
        grid=(N_NODES // _BM,),
        in_specs=[
            pl.BlockSpec((NC, _BM, D), lambda i: (0, i, 0)),
            pl.BlockSpec((_BM, 128), lambda i: (i, 0)),
            pl.BlockSpec((128, D), lambda i: (0, 0)),
            pl.BlockSpec((128, D), lambda i: (0, 0)),
            pl.BlockSpec((1, D), lambda i: (0, 0)),
        ],
        out_specs=[
            pl.BlockSpec((_BM, D), lambda i: (i, 0)),
            pl.BlockSpec((_BM, D), lambda i: (i, 0)),
        ],
        out_shape=[
            jax.ShapeDtypeStruct((NPAD, D), jnp.float32),
            jax.ShapeDtypeStruct((N_NODES, D), jnp.float32),
        ],
    )(part1, self1, w, wl, b.reshape(1, D))


def _l3_body(p_ref, self2_ref, out_ref):
    x = p_ref[0] + p_ref[1] + self2_ref[...]
    m = jnp.max(x, axis=1, keepdims=True)
    e = jnp.exp(x - m)
    lse = jnp.log(jnp.sum(e, axis=1, keepdims=True))
    out_ref[...] = x - m - lse


def _layer3(part2, self2):
    return pl.pallas_call(
        _l3_body,
        grid=(N_NODES // _BM,),
        in_specs=[
            pl.BlockSpec((NC, _BM, D), lambda i: (0, i, 0)),
            pl.BlockSpec((_BM, D), lambda i: (i, 0)),
        ],
        out_specs=pl.BlockSpec((_BM, D), lambda i: (i, 0)),
        out_shape=jax.ShapeDtypeStruct((N_NODES, D), jnp.float32),
    )(part2, self2)



def kernel(fea, adj, W_in, Wl_in, b_in, W_out, Wl_out, b_out):
    src = adj[0]
    dst = adj[1]
    src1 = jnp.pad(src.reshape(NS, EW1), ((0, 0), (0, EWPAD1 - EW1)))
    dst1 = jnp.pad(dst.reshape(NS, EW1), ((0, 0), (0, EWPAD1 - EW1)),
                   constant_values=N_NODES)
    src1 = src1.reshape(NS, NCHUNK1, CHUNK)
    dst1 = dst1.reshape(NS, NCHUNK1, CHUNK)
    src2 = jnp.pad(src.reshape(NW, EW2), ((0, 0), (0, EWPAD2 - EW2)))
    dst2 = jnp.pad(dst.reshape(NW, EW2), ((0, 0), (0, EWPAD2 - EW2)),
                   constant_values=N_NODES)
    src2 = src2.reshape(NW, NCHUNK2, CHUNK)
    dst2 = dst2.reshape(NW, NCHUNK2, CHUNK)
    zrows = jnp.zeros((CHUNK, D), jnp.float32)

    sup1, self1 = _layer1(fea, W_in, Wl_in, b_in)
    part1 = _scatter_cols(sup1.reshape(NC * NPAD, D), src1, dst1, zrows)
    sup2, self2 = _layer2(part1, self1, W_out, Wl_out, b_out)
    part2 = _scatter_edges(sup2, src2, dst2, zrows)
    return _layer3(part2, self2)

# --- scband reference (transcript-rebuilt; emitter-appended) ---
"""Pipeline reference for scband-jknet-model-68247030334298 (READ-ONLY COPY).

The authoritative reference and input builder live on the scoring server;
editing this copy changes nothing except your own understanding.
"""

import jax, jax.numpy as jnp
import numpy as np

N, E, NFEAT, NHID, NCLASS = 10000, 320000, 128, 128, 64

def setup_inputs(seed: int = 0) -> dict:
    key = jax.random.key(seed)
    ks = jax.random.split(key, 8)
    fea = jax.random.normal(ks[0], (N, NFEAT), dtype=jnp.float32)
    adj = jax.random.randint(ks[1], (2, E), 0, N, dtype=jnp.int32)
    W_in = jax.random.normal(ks[2], (NFEAT, NHID), dtype=jnp.float32) * 0.05
    Wl_in = jax.random.normal(ks[3], (NFEAT, NHID), dtype=jnp.float32) * 0.05
    b_in = jnp.zeros((NHID,), dtype=jnp.float32)
    W_out = jax.random.normal(ks[4], (NHID, NCLASS), dtype=jnp.float32) * 0.05
    Wl_out = jax.random.normal(ks[5], (NHID, NCLASS), dtype=jnp.float32) * 0.05
    b_out = jnp.zeros((NCLASS,), dtype=jnp.float32)
    return {"fea": fea, "adj": adj, "W_in": W_in, "Wl_in": Wl_in, "b_in": b_in,
            "W_out": W_out, "Wl_out": Wl_out, "b_out": b_out}

def _gcn_bs(x, src, dst, num_nodes, W, Wl, b):
    # GraphConvolutionBS with withloop=True, withbn=False, identity activation:
    # out = spmm(adj, x @ W) + x @ W_self + b
    support = x @ W
    agg = jax.ops.segment_sum(jnp.take(support, src, axis=0), dst, num_segments=num_nodes)
    return agg + x @ Wl + b

def reference(fea, adj, W_in, Wl_in, b_in, W_out, Wl_out, b_out):
    src = adj[0]
    dst = adj[1]
    num_nodes = fea.shape[0]
    # input GCN layer (identity activation), dropout p=0.0 is identity
    x = _gcn_bs(fea, src, dst, num_nodes, W_in, Wl_in, b_in)
    # nhidlayer=0 -> no mid blocks
    # output GCN layer (identity activation)
    x = _gcn_bs(x, src, dst, num_nodes, W_out, Wl_out, b_out)
    return jax.nn.log_softmax(x, axis=1)

if __name__ == "__main__":
    import jax
    _d = setup_inputs()
    print(jax.jit(kernel)(*tuple(_d.values())))

</pallas_src>

<mosaic_0001>
#map = affine_map<(d0, d1) -> (0, 0)>
#map1 = affine_map<(d0, d1) -> (0, 0, 0)>
module attributes {stable_mosaic.version = 14 : i64} {
  func.func @scatter_kernel(%arg0: i32, %arg1: i32, %arg2: memref<20224x64xf32, #tpu.memory_space<hbm>>, %arg3: memref<16x160x128xi32, #tpu.memory_space<hbm>>, %arg4: memref<16x160x128xi32, #tpu.memory_space<hbm>>, %arg5: memref<128x64xf32, #tpu.memory_space<hbm>>, %arg6: memref<2x10112x64xf32, #tpu.memory_space<hbm>>, %arg7: memref<160x128xi32, #tpu.memory_space<vmem>>, %arg8: memref<16x128xi32, #tpu.memory_space<vmem>>, %arg9: memref<2x128x64xf32, #tpu.memory_space<vmem>>, %arg10: memref<10112x64xf32, #tpu.memory_space<vmem_shared>>, %arg11: memref<10112x64xf32, #tpu.memory_space<vmem_shared>>, %arg12: memref<!tpu.dma_semaphore, #tpu.memory_space<semaphore_mem>>, %arg13: memref<!tpu.dma_semaphore, #tpu.memory_space<semaphore_mem>>, %arg14: memref<!tpu.dma_semaphore, #tpu.memory_space<semaphore_mem>>, %arg15: memref<!tpu.dma_semaphore, #tpu.memory_space<semaphore_mem>>, %arg16: memref<!tpu.dma_semaphore, #tpu.memory_space<semaphore_mem>>, %arg17: memref<!tpu.dma_semaphore, #tpu.memory_space<semaphore_mem>>) attributes {dimension_semantics = [#tpu.dimension_semantics<core_parallel>, #tpu.dimension_semantics<subcore_parallel>], iteration_bounds = array<i64: 2, 16>, scalar_prefetch = 0 : i64, scratch_operands = 11 : i64, tpu.core_type = #tpu.core_type<sc_vector_subcore>, window_params = [{transform_indices = #map}, {transform_indices = #map1}, {transform_indices = #map1}, {transform_indices = #map}, {transform_indices = #map1}]} {
    "tpu.region"() ({
      %run_scoped3A_86 = tpu.sem_alloc : memref<!tpu.dma_semaphore, #tpu.memory_space<semaphore_mem>>
      %dma_start3A = arith.constant 0 : i32
      %dma_start3A_87 = arith.constant 0 : i32
      %dma_start3A_88 = tpu.memref_slice %arg3[%arg1, %dma_start3A, %dma_start3A_87] : memref<16x160x128xi32, #tpu.memory_space<hbm>> -> memref<1x160x128xi32, #tpu.memory_space<hbm>>
      %dma_start3A_89 = tpu.memref_squeeze %dma_start3A_88 : memref<1x160x128xi32, #tpu.memory_space<hbm>> -> memref<160x128xi32, #tpu.memory_space<hbm>>
      %dma_start3A_90 = arith.constant 0 : i32
      %dma_start3A_91 = arith.constant 0 : i32
      %dma_start3A_92 = tpu.memref_slice %arg3[%arg1, %dma_start3A_90, %dma_start3A_91] : memref<16x160x128xi32, #tpu.memory_space<hbm>> -> memref<1x160x128xi32, #tpu.memory_space<hbm>>
      %dma_start3A_93 = tpu.memref_squeeze %dma_start3A_92 : memref<1x160x128xi32, #tpu.memory_space<hbm>> -> memref<160x128xi32, #tpu.memory_space<hbm>>
      tpu.enqueue_dma source(%dma_start3A_93 : memref<160x128xi32, #tpu.memory_space<hbm>>) target(%arg7 : memref<160x128xi32, #tpu.memory_space<vmem>>) target_semaphore(%run_scoped3A_86 : memref<!tpu.dma_semaphore, #tpu.memory_space<semaphore_mem>>)
      %dma_wait3A = arith.constant 0 : i32
      %dma_wait3A_94 = arith.constant 0 : i32
      %dma_wait3A_95 = tpu.memref_slice %arg3[%arg1, %dma_wait3A, %dma_wait3A_94] : memref<16x160x128xi32, #tpu.memory_space<hbm>> -> memref<1x160x128xi32, #tpu.memory_space<hbm>>
      %dma_wait3A_96 = tpu.memref_squeeze %dma_wait3A_95 : memref<1x160x128xi32, #tpu.memory_space<hbm>> -> memref<160x128xi32, #tpu.memory_space<hbm>>
      %dma_wait3A_97 = arith.constant 0 : i32
      %dma_wait3A_98 = arith.constant 0 : i32
      %dma_wait3A_99 = tpu.memref_slice %arg3[%arg1, %dma_wait3A_97, %dma_wait3A_98] : memref<16x160x128xi32, #tpu.memory_space<hbm>> -> memref<1x160x128xi32, #tpu.memory_space<hbm>>
      %dma_wait3A_100 = tpu.memref_squeeze %dma_wait3A_99 : memref<1x160x128xi32, #tpu.memory_space<hbm>> -> memref<160x128xi32, #tpu.memory_space<hbm>>
      tpu.wait_dma2 semaphore(%run_scoped3A_86 : memref<!tpu.dma_semaphore, #tpu.memory_space<semaphore_mem>>) src(%dma_wait3A_100 : memref<160x128xi32, #tpu.memory_space<hbm>>) dst(%arg7 : memref<160x128xi32, #tpu.memory_space<vmem>>)
      tpu.yield
    }) : () -> ()
    %mul3A = arith.constant 10112 : i32
    %mul3A_0 = arith.muli %arg0, %mul3A : i32
    %mul3A_1 = arith.constant 632 : i32
    %mul3A_2 = arith.muli %arg1, %mul3A_1 : i32
    %add3A = arith.constant 0 : i32
    %add3A_3 = arith.addi %mul3A_2, %add3A : i32
    %add3A_4 = arith.addi %mul3A_0, %add3A_3 : i32
    "tpu.region"() ({
      %run_scoped3A_86 = tpu.sem_alloc : memref<!tpu.dma_semaphore, #tpu.memory_space<semaphore_mem>>
      %dma_start3A = arith.constant 0 : i32
      %dma_start3A_87 = tpu.memref_slice %arg10[%add3A_3, %dma_start3A] : memref<10112x64xf32, #tpu.memory_space<vmem_shared>> -> memref<128x64xf32, #tpu.memory_space<vmem_shared>>
      %dma_start3A_88 = arith.constant 0 : i32
      %dma_start3A_89 = tpu.memref_slice %arg2[%add3A_4, %dma_start3A_88] : memref<20224x64xf32, #tpu.memory_space<hbm>> -> memref<128x64xf32, #tpu.memory_space<hbm>>
      tpu.enqueue_dma source(%dma_start3A_89 : memref<128x64xf32, #tpu.memory_space<hbm>>) target(%dma_start3A_87 : memref<128x64xf32, #tpu.memory_space<vmem_shared>>) target_semaphore(%run_scoped3A_86 : memref<!tpu.dma_semaphore, #tpu.memory_space<semaphore_mem>>)
      %dma_wait3A = arith.constant 0 : i32
      %dma_wait3A_90 = tpu.memref_slice %arg10[%add3A_3, %dma_wait3A] : memref<10112x64xf32, #tpu.memory_space<vmem_shared>> -> memref<128x64xf32, #tpu.memory_space<vmem_shared>>
      %dma_wait3A_91 = arith.constant 0 : i32
      %dma_wait3A_92 = tpu.memref_slice %arg2[%add3A_4, %dma_wait3A_91] : memref<20224x64xf32, #tpu.memory_space<hbm>> -> memref<128x64xf32, #tpu.memory_space<hbm>>
      tpu.wait_dma2 semaphore(%run_scoped3A_86 : memref<!tpu.dma_semaphore, #tpu.memory_space<semaphore_mem>>) src(%dma_wait3A_92 : memref<128x64xf32, #tpu.memory_space<hbm>>) dst(%dma_wait3A_90 : memref<128x64xf32, #tpu.memory_space<vmem_shared>>)
      tpu.yield
    }) : () -> ()
    %mul3A_5 = arith.constant 632 : i32
    %mul3A_6 = arith.muli %arg1, %mul3A_5 : i32
    %add3A_7 = arith.constant 128 : i32
    %add3A_8 = arith.addi %mul3A_6, %add3A_7 : i32
    %add3A_9 = arith.addi %mul3A_0, %add3A_8 : i32
    "tpu.region"() ({
      %run_scoped3A_86 = tpu.sem_alloc : memref<!tpu.dma_semaphore, #tpu.memory_space<semaphore_mem>>
      %dma_start3A = arith.constant 0 : i32
      %dma_start3A_87 = tpu.memref_slice %arg10[%add3A_8, %dma_start3A] : memref<10112x64xf32, #tpu.memory_space<vmem_shared>> -> memref<128x64xf32, #tpu.memory_space<vmem_shared>>
      %dma_start3A_88 = arith.constant 0 : i32
      %dma_start3A_89 = tpu.memref_slice %arg2[%add3A_9, %dma_start3A_88] : memref<20224x64xf32, #tpu.memory_space<hbm>> -> memref<128x64xf32, #tpu.memory_space<hbm>>
      tpu.enqueue_dma source(%dma_start3A_89 : memref<128x64xf32, #tpu.memory_space<hbm>>) target(%dma_start3A_87 : memref<128x64xf32, #tpu.memory_space<vmem_shared>>) target_semaphore(%run_scoped3A_86 : memref<!tpu.dma_semaphore, #tpu.memory_space<semaphore_mem>>)
      %dma_wait3A = arith.constant 0 : i32
      %dma_wait3A_90 = tpu.memref_slice %arg10[%add3A_8, %dma_wait3A] : memref<10112x64xf32, #tpu.memory_space<vmem_shared>> -> memref<128x64xf32, #tpu.memory_space<vmem_shared>>
      %dma_wait3A_91 = arith.constant 0 : i32
      %dma_wait3A_92 = tpu.memref_slice %arg2[%add3A_9, %dma_wait3A_91] : memref<20224x64xf32, #tpu.memory_space<hbm>> -> memref<128x64xf32, #tpu.memory_space<hbm>>
      tpu.wait_dma2 semaphore(%run_scoped3A_86 : memref<!tpu.dma_semaphore, #tpu.memory_space<semaphore_mem>>) src(%dma_wait3A_92 : memref<128x64xf32, #tpu.memory_space<hbm>>) dst(%dma_wait3A_90 : memref<128x64xf32, #tpu.memory_space<vmem_shared>>)
      tpu.yield
    }) : () -> ()
    %mul3A_10 = arith.constant 632 : i32
    %mul3A_11 = arith.muli %arg1, %mul3A_10 : i32
    %add3A_12 = arith.constant 256 : i32
    %add3A_13 = arith.addi %mul3A_11, %add3A_12 : i32
    %add3A_14 = arith.addi %mul3A_0, %add3A_13 : i32
    "tpu.region"() ({
      %run_scoped3A_86 = tpu.sem_alloc : memref<!tpu.dma_semaphore, #tpu.memory_space<semaphore_mem>>
      %dma_start3A = arith.constant 0 : i32
      %dma_start3A_87 = tpu.memref_slice %arg10[%add3A_13, %dma_start3A] : memref<10112x64xf32, #tpu.memory_space<vmem_shared>> -> memref<128x64xf32, #tpu.memory_space<vmem_shared>>
      %dma_start3A_88 = arith.constant 0 : i32
      %dma_start3A_89 = tpu.memref_slice %arg2[%add3A_14, %dma_start3A_88] : memref<20224x64xf32, #tpu.memory_space<hbm>> -> memref<128x64xf32, #tpu.memory_space<hbm>>
      tpu.enqueue_dma source(%dma_start3A_89 : memref<128x64xf32, #tpu.memory_space<hbm>>) target(%dma_start3A_87 : memref<128x64xf32, #tpu.memory_space<vmem_shared>>) target_semaphore(%run_scoped3A_86 : memref<!tpu.dma_semaphore, #tpu.memory_space<semaphore_mem>>)
      %dma_wait3A = arith.constant 0 : i32
      %dma_wait3A_90 = tpu.memref_slice %arg10[%add3A_13, %dma_wait3A] : memref<10112x64xf32, #tpu.memory_space<vmem_shared>> -> memref<128x64xf32, #tpu.memory_space<vmem_shared>>
      %dma_wait3A_91 = arith.constant 0 : i32
      %dma_wait3A_92 = tpu.memref_slice %arg2[%add3A_14, %dma_wait3A_91] : memref<20224x64xf32, #tpu.memory_space<hbm>> -> memref<128x64xf32, #tpu.memory_space<hbm>>
      tpu.wait_dma2 semaphore(%run_scoped3A_86 : memref<!tpu.dma_semaphore, #tpu.memory_space<semaphore_mem>>) src(%dma_wait3A_92 : memref<128x64xf32, #tpu.memory_space<hbm>>) dst(%dma_wait3A_90 : memref<128x64xf32, #tpu.memory_space<vmem_shared>>)
      tpu.yield
    }) : () -> ()
    %mul3A_15 = arith.constant 632 : i32
    %mul3A_16 = arith.muli %arg1, %mul3A_15 : i32
    %add3A_17 = arith.constant 384 : i32
    %add3A_18 = arith.addi %mul3A_16, %add3A_17 : i32
    %add3A_19 = arith.addi %mul3A_0, %add3A_18 : i32
    "tpu.region"() ({
      %run_scoped3A_86 = tpu.sem_alloc : memref<!tpu.dma_semaphore, #tpu.memory_space<semaphore_mem>>
      %dma_start3A = arith.constant 0 : i32
      %dma_start3A_87 = tpu.memref_slice %arg10[%add3A_18, %dma_start3A] : memref<10112x64xf32, #tpu.memory_space<vmem_shared>> -> memref<128x64xf32, #tpu.memory_space<vmem_shared>>
      %dma_start3A_88 = arith.constant 0 : i32
      %dma_start3A_89 = tpu.memref_slice %arg2[%add3A_19, %dma_start3A_88] : memref<20224x64xf32, #tpu.memory_space<hbm>> -> memref<128x64xf32, #tpu.memory_space<hbm>>
      tpu.enqueue_dma source(%dma_start3A_89 : memref<128x64xf32, #tpu.memory_space<hbm>>) target(%dma_start3A_87 : memref<128x64xf32, #tpu.memory_space<vmem_shared>>) target_semaphore(%run_scoped3A_86 : memref<!tpu.dma_semaphore, #tpu.memory_space<semaphore_mem>>)
      %dma_wait3A = arith.constant 0 : i32
      %dma_wait3A_90 = tpu.memref_slice %arg10[%add3A_18, %dma_wait3A] : memref<10112x64xf32, #tpu.memory_space<vmem_shared>> -> memref<128x64xf32, #tpu.memory_space<vmem_shared>>
      %dma_wait3A_91 = arith.constant 0 : i32
      %dma_wait3A_92 = tpu.memref_slice %arg2[%add3A_19, %dma_wait3A_91] : memref<20224x64xf32, #tpu.memory_space<hbm>> -> memref<128x64xf32, #tpu.memory_space<hbm>>
      tpu.wait_dma2 semaphore(%run_scoped3A_86 : memref<!tpu.dma_semaphore, #tpu.memory_space<semaphore_mem>>) src(%dma_wait3A_92 : memref<128x64xf32, #tpu.memory_space<hbm>>) dst(%dma_wait3A_90 : memref<128x64xf32, #tpu.memory_space<vmem_shared>>)
      tpu.yield
    }) : () -> ()
    %mul3A_20 = arith.constant 632 : i32
    %mul3A_21 = arith.muli %arg1, %mul3A_20 : i32
    %add3A_22 = arith.constant 512 : i32
    %add3A_23 = arith.addi %mul3A_21, %add3A_22 : i32
    %add3A_24 = arith.addi %mul3A_0, %add3A_23 : i32
    "tpu.region"() ({
      %run_scoped3A_86 = tpu.sem_alloc : memref<!tpu.dma_semaphore, #tpu.memory_space<semaphore_mem>>
      %dma_start3A = arith.constant 0 : i32
      %dma_start3A_87 = tpu.memref_slice %arg10[%add3A_23, %dma_start3A] : memref<10112x64xf32, #tpu.memory_space<vmem_shared>> -> memref<120x64xf32, #tpu.memory_space<vmem_shared>>
      %dma_start3A_88 = arith.constant 0 : i32
      %dma_start3A_89 = tpu.memref_slice %arg2[%add3A_24, %dma_start3A_88] : memref<20224x64xf32, #tpu.memory_space<hbm>> -> memref<120x64xf32, #tpu.memory_space<hbm>>
      tpu.enqueue_dma source(%dma_start3A_89 : memref<120x64xf32, #tpu.memory_space<hbm>>) target(%dma_start3A_87 : memref<120x64xf32, #tpu.memory_space<vmem_shared>>) target_semaphore(%run_scoped3A_86 : memref<!tpu.dma_semaphore, #tpu.memory_space<semaphore_mem>>)
      %dma_wait3A = arith.constant 0 : i32
      %dma_wait3A_90 = tpu.memref_slice %arg10[%add3A_23, %dma_wait3A] : memref<10112x64xf32, #tpu.memory_space<vmem_shared>> -> memref<120x64xf32, #tpu.memory_space<vmem_shared>>
      %dma_wait3A_91 = arith.constant 0 : i32
      %dma_wait3A_92 = tpu.memref_slice %arg2[%add3A_24, %dma_wait3A_91] : memref<20224x64xf32, #tpu.memory_space<hbm>> -> memref<120x64xf32, #tpu.memory_space<hbm>>
      tpu.wait_dma2 semaphore(%run_scoped3A_86 : memref<!tpu.dma_semaphore, #tpu.memory_space<semaphore_mem>>) src(%dma_wait3A_92 : memref<120x64xf32, #tpu.memory_space<hbm>>) dst(%dma_wait3A_90 : memref<120x64xf32, #tpu.memory_space<vmem_shared>>)
      tpu.yield
    }) : () -> ()
    %run_scoped3A = arith.constant 0 : i32
    "tpu.region"() ({
      %run_scoped3A_86 = tpu.sem_alloc : memref<!tpu.dma_semaphore, #tpu.memory_space<semaphore_mem>>
      %dma_start3A = arith.constant 0 : i32
      %dma_start3A_87 = arith.constant 0 : i32
      %dma_start3A_88 = tpu.memref_slice %arg9[%run_scoped3A, %dma_start3A, %dma_start3A_87] : memref<2x128x64xf32, #tpu.memory_space<vmem>> -> memref<1x128x64xf32, #tpu.memory_space<vmem>>
      %dma_start3A_89 = tpu.memref_squeeze %dma_start3A_88 : memref<1x128x64xf32, #tpu.memory_space<vmem>> -> memref<128x64xf32, #tpu.memory_space<vmem>>
      %dma_start3A_90 = arith.constant 0 : i32
      %dma_start3A_91 = arith.constant 0 : i32
      %dma_start3A_92 = tpu.memref_slice %arg9[%run_scoped3A, %dma_start3A_90, %dma_start3A_91] : memref<2x128x64xf32, #tpu.memory_space<vmem>> -> memref<1x128x64xf32, #tpu.memory_space<vmem>>
      %dma_start3A_93 = tpu.memref_squeeze %dma_start3A_92 : memref<1x128x64xf32, #tpu.memory_space<vmem>> -> memref<128x64xf32, #tpu.memory_space<vmem>>
      tpu.enqueue_dma source(%arg5 : memref<128x64xf32, #tpu.memory_space<hbm>>) target(%dma_start3A_93 : memref<128x64xf32, #tpu.memory_space<vmem>>) target_semaphore(%run_scoped3A_86 : memref<!tpu.dma_semaphore, #tpu.memory_space<semaphore_mem>>)
      %dma_wait3A = arith.constant 0 : i32
      %dma_wait3A_94 = arith.constant 0 : i32
      %dma_wait3A_95 = tpu.memref_slice %arg9[%run_scoped3A, %dma_wait3A, %dma_wait3A_94] : memref<2x128x64xf32, #tpu.memory_space<vmem>> -> memref<1x128x64xf32, #tpu.memory_space<vmem>>
      %dma_wait3A_96 = tpu.memref_squeeze %dma_wait3A_95 : memref<1x128x64xf32, #tpu.memory_space<vmem>> -> memref<128x64xf32, #tpu.memory_space<vmem>>
      %dma_wait3A_97 = arith.constant 0 : i32
      %dma_wait3A_98 = arith.constant 0 : i32
      %dma_wait3A_99 = tpu.memref_slice %arg9[%run_scoped3A, %dma_wait3A_97, %dma_wait3A_98] : memref<2x128x64xf32, #tpu.memory_space<vmem>> -> memref<1x128x64xf32, #tpu.memory_space<vmem>>
      %dma_wait3A_100 = tpu.memref_squeeze %dma_wait3A_99 : memref<1x128x64xf32, #tpu.memory_space<vmem>> -> memref<128x64xf32, #tpu.memory_space<vmem>>
      tpu.wait_dma2 semaphore(%run_scoped3A_86 : memref<!tpu.dma_semaphore, #tpu.memory_space<semaphore_mem>>) src(%arg5 : memref<128x64xf32, #tpu.memory_space<hbm>>) dst(%dma_wait3A_100 : memref<128x64xf32, #tpu.memory_space<vmem>>)
      tpu.yield
    }) : () -> ()
    %mul3A_25 = arith.constant 632 : i32
    %mul3A_26 = arith.muli %arg1, %mul3A_25 : i32
    %add3A_27 = arith.constant 0 : i32
    %add3A_28 = arith.addi %mul3A_26, %add3A_27 : i32
    %run_scoped3A_29 = arith.constant 0 : i32
    "tpu.region"() ({
      %run_scoped3A_86 = tpu.sem_alloc : memref<!tpu.dma_semaphore, #tpu.memory_space<semaphore_mem>>
      %dma_start3A = arith.constant 0 : i32
      %dma_start3A_87 = arith.constant 0 : i32
      %dma_start3A_88 = tpu.memref_slice %arg9[%run_scoped3A_29, %dma_start3A, %dma_start3A_87] : memref<2x128x64xf32, #tpu.memory_space<vmem>> -> memref<1x128x64xf32, #tpu.memory_space<vmem>>
      %dma_start3A_89 = tpu.memref_squeeze %dma_start3A_88 : memref<1x128x64xf32, #tpu.memory_space<vmem>> -> memref<128x64xf32, #tpu.memory_space<vmem>>
      %dma_start3A_90 = arith.constant 0 : i32
      %dma_start3A_91 = tpu.memref_slice %arg11[%add3A_28, %dma_start3A_90] : memref<10112x64xf32, #tpu.memory_space<vmem_shared>> -> memref<128x64xf32, #tpu.memory_space<vmem_shared>>
      %dma_start3A_92 = arith.constant 0 : i32
      %dma_start3A_93 = tpu.memref_slice %arg11[%add3A_28, %dma_start3A_92] : memref<10112x64xf32, #tpu.memory_space<vmem_shared>> -> memref<128x64xf32, #tpu.memory_space<vmem_shared>>
      %dma_start3A_94 = arith.constant 0 : i32
      %dma_start3A_95 = arith.constant 0 : i32
      %dma_start3A_96 = tpu.memref_slice %arg9[%run_scoped3A_29, %dma_start3A_94, %dma_start3A_95] : memref<2x128x64xf32, #tpu.memory_space<vmem>> -> memref<1x128x64xf32, #tpu.memory_space<vmem>>
      %dma_start3A_97 = tpu.memref_squeeze %dma_start3A_96 : memref<1x128x64xf32, #tpu.memory_space<vmem>> -> memref<128x64xf32, #tpu.memory_space<vmem>>
      tpu.enqueue_dma source(%dma_start3A_97 : memref<128x64xf32, #tpu.memory_space<vmem>>) target(%dma_start3A_93 : memref<128x64xf32, #tpu.memory_space<vmem_shared>>) target_semaphore(%run_scoped3A_86 : memref<!tpu.dma_semaphore, #tpu.memory_space<semaphore_mem>>)
      %dma_wait3A = arith.constant 0 : i32
      %dma_wait3A_98 = arith.constant 0 : i32
      %dma_wait3A_99 = tpu.memref_slice %arg9[%run_scoped3A_29, %dma_wait3A, %dma_wait3A_98] : memref<2x128x64xf32, #tpu.memory_space<vmem>> -> memref<1x128x64xf32, #tpu.memory_space<vmem>>
      %dma_wait3A_100 = tpu.memref_squeeze %dma_wait3A_99 : memref<1x128x64xf32, #tpu.memory_space<vmem>> -> memref<128x64xf32, #tpu.memory_space<vmem>>
      %dma_wait3A_101 = arith.constant 0 : i32
      %dma_wait3A_102 = tpu.memref_slice %arg11[%add3A_28, %dma_wait3A_101] : memref<10112x64xf32, #tpu.memory_space<vmem_shared>> -> memref<128x64xf32, #tpu.memory_space<vmem_shared>>
      %dma_wait3A_103 = arith.constant 0 : i32
      %dma_wait3A_104 = tpu.memref_slice %arg11[%add3A_28, %dma_wait3A_103] : memref<10112x64xf32, #tpu.memory_space<vmem_shared>> -> memref<128x64xf32, #tpu.memory_space<vmem_shared>>
      %dma_wait3A_105 = arith.constant 0 : i32
      %dma_wait3A_106 = arith.constant 0 : i32
      %dma_wait3A_107 = tpu.memref_slice %arg9[%run_scoped3A_29, %dma_wait3A_105, %dma_wait3A_106] : memref<2x128x64xf32, #tpu.memory_space<vmem>> -> memref<1x128x64xf32, #tpu.memory_space<vmem>>
      %dma_wait3A_108 = tpu.memref_squeeze %dma_wait3A_107 : memref<1x128x64xf32, #tpu.memory_space<vmem>> -> memref<128x64xf32, #tpu.memory_space<vmem>>
      tpu.wait_dma2 semaphore(%run_scoped3A_86 : memref<!tpu.dma_semaphore, #tpu.memory_space<semaphore_mem>>) src(%dma_wait3A_108 : memref<128x64xf32, #tpu.memory_space<vmem>>) dst(%dma_wait3A_104 : memref<128x64xf32, #tpu.memory_space<vmem_shared>>)
      tpu.yield
    }) : () -> ()
    %mul3A_30 = arith.constant 632 : i32
    %mul3A_31 = arith.muli %arg1, %mul3A_30 : i32
    %add3A_32 = arith.constant 128 : i32
    %add3A_33 = arith.addi %mul3A_31, %add3A_32 : i32
    %run_scoped3A_34 = arith.constant 0 : i32
    "tpu.region"() ({
      %run_scoped3A_86 = tpu.sem_alloc : memref<!tpu.dma_semaphore, #tpu.memory_space<semaphore_mem>>
      %dma_start3A = arith.constant 0 : i32
      %dma_start3A_87 = arith.constant 0 : i32
      %dma_start3A_88 = tpu.memref_slice %arg9[%run_scoped3A_34, %dma_start3A, %dma_start3A_87] : memref<2x128x64xf32, #tpu.memory_space<vmem>> -> memref<1x128x64xf32, #tpu.memory_space<vmem>>
      %dma_start3A_89 = tpu.memref_squeeze %dma_start3A_88 : memref<1x128x64xf32, #tpu.memory_space<vmem>> -> memref<128x64xf32, #tpu.memory_space<vmem>>
      %dma_start3A_90 = arith.constant 0 : i32
      %dma_start3A_91 = tpu.memref_slice %arg11[%add3A_33, %dma_start3A_90] : memref<10112x64xf32, #tpu.memory_space<vmem_shared>> -> memref<128x64xf32, #tpu.memory_space<vmem_shared>>
      %dma_start3A_92 = arith.constant 0 : i32
      %dma_start3A_93 = tpu.memref_slice %arg11[%add3A_33, %dma_start3A_92] : memref<10112x64xf32, #tpu.memory_space<vmem_shared>> -> memref<128x64xf32, #tpu.memory_space<vmem_shared>>
      %dma_start3A_94 = arith.constant 0 : i32
      %dma_start3A_95 = arith.constant 0 : i32
      %dma_start3A_96 = tpu.memref_slice %arg9[%run_scoped3A_34, %dma_start3A_94, %dma_start3A_95] : memref<2x128x64xf32, #tpu.memory_space<vmem>> -> memref<1x128x64xf32, #tpu.memory_space<vmem>>
      %dma_start3A_97 = tpu.memref_squeeze %dma_start3A_96 : memref<1x128x64xf32, #tpu.memory_space<vmem>> -> memref<128x64xf32, #tpu.memory_space<vmem>>
      tpu.enqueue_dma source(%dma_start3A_97 : memref<128x64xf32, #tpu.memory_space<vmem>>) target(%dma_start3A_93 : memref<128x64xf32, #tpu.memory_space<vmem_shared>>) target_semaphore(%run_scoped3A_86 : memref<!tpu.dma_semaphore, #tpu.memory_space<semaphore_mem>>)
      %dma_wait3A = arith.constant 0 : i32
      %dma_wait3A_98 = arith.constant 0 : i32
      %dma_wait3A_99 = tpu.memref_slice %arg9[%run_scoped3A_34, %dma_wait3A, %dma_wait3A_98] : memref<2x128x64xf32, #tpu.memory_space<vmem>> -> memref<1x128x64xf32, #tpu.memory_space<vmem>>
      %dma_wait3A_100 = tpu.memref_squeeze %dma_wait3A_99 : memref<1x128x64xf32, #tpu.memory_space<vmem>> -> memref<128x64xf32, #tpu.memory_space<vmem>>
      %dma_wait3A_101 = arith.constant 0 : i32
      %dma_wait3A_102 = tpu.memref_slice %arg11[%add3A_33, %dma_wait3A_101] : memref<10112x64xf32, #tpu.memory_space<vmem_shared>> -> memref<128x64xf32, #tpu.memory_space<vmem_shared>>
      %dma_wait3A_103 = arith.constant 0 : i32
      %dma_wait3A_104 = tpu.memref_slice %arg11[%add3A_33, %dma_wait3A_103] : memref<10112x64xf32, #tpu.memory_space<vmem_shared>> -> memref<128x64xf32, #tpu.memory_space<vmem_shared>>
      %dma_wait3A_105 = arith.constant 0 : i32
      %dma_wait3A_106 = arith.constant 0 : i32
      %dma_wait3A_107 = tpu.memref_slice %arg9[%run_scoped3A_34, %dma_wait3A_105, %dma_wait3A_106] : memref<2x128x64xf32, #tpu.memory_space<vmem>> -> memref<1x128x64xf32, #tpu.memory_space<vmem>>
      %dma_wait3A_108 = tpu.memref_squeeze %dma_wait3A_107 : memref<1x128x64xf32, #tpu.memory_space<vmem>> -> memref<128x64xf32, #tpu.memory_space<vmem>>
      tpu.wait_dma2 semaphore(%run_scoped3A_86 : memref<!tpu.dma_semaphore, #tpu.memory_space<semaphore_mem>>) src(%dma_wait3A_108 : memref<128x64xf32, #tpu.memory_space<vmem>>) dst(%dma_wait3A_104 : memref<128x64xf32, #tpu.memory_space<vmem_shared>>)
      tpu.yield
    }) : () -> ()
    %mul3A_35 = arith.constant 632 : i32
    %mul3A_36 = arith.muli %arg1, %mul3A_35 : i32
    %add3A_37 = arith.constant 256 : i32
    %add3A_38 = arith.addi %mul3A_36, %add3A_37 : i32
    %run_scoped3A_39 = arith.constant 0 : i32
    "tpu.region"() ({
      %run_scoped3A_86 = tpu.sem_alloc : memref<!tpu.dma_semaphore, #tpu.memory_space<semaphore_mem>>
      %dma_start3A = arith.constant 0 : i32
      %dma_start3A_87 = arith.constant 0 : i32
      %dma_start3A_88 = tpu.memref_slice %arg9[%run_scoped3A_39, %dma_start3A, %dma_start3A_87] : memref<2x128x64xf32, #tpu.memory_space<vmem>> -> memref<1x128x64xf32, #tpu.memory_space<vmem>>
      %dma_start3A_89 = tpu.memref_squeeze %dma_start3A_88 : memref<1x128x64xf32, #tpu.memory_space<vmem>> -> memref<128x64xf32, #tpu.memory_space<vmem>>
      %dma_start3A_90 = arith.constant 0 : i32
      %dma_start3A_91 = tpu.memref_slice %arg11[%add3A_38, %dma_start3A_90] : memref<10112x64xf32, #tpu.memory_space<vmem_shared>> -> memref<128x64xf32, #tpu.memory_space<vmem_shared>>
      %dma_start3A_92 = arith.constant 0 : i32
      %dma_start3A_93 = tpu.memref_slice %arg11[%add3A_38, %dma_start3A_92] : memref<10112x64xf32, #tpu.memory_space<vmem_shared>> -> memref<128x64xf32, #tpu.memory_space<vmem_shared>>
      %dma_start3A_94 = arith.constant 0 : i32
      %dma_start3A_95 = arith.constant 0 : i32
      %dma_start3A_96 = tpu.memref_slice %arg9[%run_scoped3A_39, %dma_start3A_94, %dma_start3A_95] : memref<2x128x64xf32, #tpu.memory_space<vmem>> -> memref<1x128x64xf32, #tpu.memory_space<vmem>>
      %dma_start3A_97 = tpu.memref_squeeze %dma_start3A_96 : memref<1x128x64xf32, #tpu.memory_space<vmem>> -> memref<128x64xf32, #tpu.memory_space<vmem>>
      tpu.enqueue_dma source(%dma_start3A_97 : memref<128x64xf32, #tpu.memory_space<vmem>>) target(%dma_start3A_93 : memref<128x64xf32, #tpu.memory_space<vmem_shared>>) target_semaphore(%run_scoped3A_86 : memref<!tpu.dma_semaphore, #tpu.memory_space<semaphore_mem>>)
      %dma_wait3A = arith.constant 0 : i32
      %dma_wait3A_98 = arith.constant 0 : i32
      %dma_wait3A_99 = tpu.memref_slice %arg9[%run_scoped3A_39, %dma_wait3A, %dma_wait3A_98] : memref<2x128x64xf32, #tpu.memory_space<vmem>> -> memref<1x128x64xf32, #tpu.memory_space<vmem>>
      %dma_wait3A_100 = tpu.memref_squeeze %dma_wait3A_99 : memref<1x128x64xf32, #tpu.memory_space<vmem>> -> memref<128x64xf32, #tpu.memory_space<vmem>>
      %dma_wait3A_101 = arith.constant 0 : i32
      %dma_wait3A_102 = tpu.memref_slice %arg11[%add3A_38, %dma_wait3A_101] : memref<10112x64xf32, #tpu.memory_space<vmem_shared>> -> memref<128x64xf32, #tpu.memory_space<vmem_shared>>
      %dma_wait3A_103 = arith.constant 0 : i32
      %dma_wait3A_104 = tpu.memref_slice %arg11[%add3A_38, %dma_wait3A_103] : memref<10112x64xf32, #tpu.memory_space<vmem_shared>> -> memref<128x64xf32, #tpu.memory_space<vmem_shared>>
      %dma_wait3A_105 = arith.constant 0 : i32
      %dma_wait3A_106 = arith.constant 0 : i32
      %dma_wait3A_107 = tpu.memref_slice %arg9[%run_scoped3A_39, %dma_wait3A_105, %dma_wait3A_106] : memref<2x128x64xf32, #tpu.memory_space<vmem>> -> memref<1x128x64xf32, #tpu.memory_space<vmem>>
      %dma_wait3A_108 = tpu.memref_squeeze %dma_wait3A_107 : memref<1x128x64xf32, #tpu.memory_space<vmem>> -> memref<128x64xf32, #tpu.memory_space<vmem>>
      tpu.wait_dma2 semaphore(%run_scoped3A_86 : memref<!tpu.dma_semaphore, #tpu.memory_space<semaphore_mem>>) src(%dma_wait3A_108 : memref<128x64xf32, #tpu.memory_space<vmem>>) dst(%dma_wait3A_104 : memref<128x64xf32, #tpu.memory_space<vmem_shared>>)
      tpu.yield
    }) : () -> ()
    %mul3A_40 = arith.constant 632 : i32
    %mul3A_41 = arith.muli %arg1, %mul3A_40 : i32
    %add3A_42 = arith.constant 384 : i32
    %add3A_43 = arith.addi %mul3A_41, %add3A_42 : i32
    %run_scoped3A_44 = arith.constant 0 : i32
    "tpu.region"() ({
      %run_scoped3A_86 = tpu.sem_alloc : memref<!tpu.dma_semaphore, #tpu.memory_space<semaphore_mem>>
      %dma_start3A = arith.constant 0 : i32
      %dma_start3A_87 = arith.constant 0 : i32
      %dma_start3A_88 = tpu.memref_slice %arg9[%run_scoped3A_44, %dma_start3A, %dma_start3A_87] : memref<2x128x64xf32, #tpu.memory_space<vmem>> -> memref<1x128x64xf32, #tpu.memory_space<vmem>>
      %dma_start3A_89 = tpu.memref_squeeze %dma_start3A_88 : memref<1x128x64xf32, #tpu.memory_space<vmem>> -> memref<128x64xf32, #tpu.memory_space<vmem>>
      %dma_start3A_90 = arith.constant 0 : i32
      %dma_start3A_91 = tpu.memref_slice %arg11[%add3A_43, %dma_start3A_90] : memref<10112x64xf32, #tpu.memory_space<vmem_shared>> -> memref<128x64xf32, #tpu.memory_space<vmem_shared>>
      %dma_start3A_92 = arith.constant 0 : i32
      %dma_start3A_93 = tpu.memref_slice %arg11[%add3A_43, %dma_start3A_92] : memref<10112x64xf32, #tpu.memory_space<vmem_shared>> -> memref<128x64xf32, #tpu.memory_space<vmem_shared>>
      %dma_start3A_94 = arith.constant 0 : i32
      %dma_start3A_95 = arith.constant 0 : i32
      %dma_start3A_96 = tpu.memref_slice %arg9[%run_scoped3A_44, %dma_start3A_94, %dma_start3A_95] : memref<2x128x64xf32, #tpu.memory_space<vmem>> -> memref<1x128x64xf32, #tpu.memory_space<vmem>>
      %dma_start3A_97 = tpu.memref_squeeze %dma_start3A_96 : memref<1x128x64xf32, #tpu.memory_space<vmem>> -> memref<128x64xf32, #tpu.memory_space<vmem>>
      tpu.enqueue_dma source(%dma_start3A_97 : memref<128x64xf32, #tpu.memory_space<vmem>>) target(%dma_start3A_93 : memref<128x64xf32, #tpu.memory_space<vmem_shared>>) target_semaphore(%run_scoped3A_86 : memref<!tpu.dma_semaphore, #tpu.memory_space<semaphore_mem>>)
      %dma_wait3A = arith.constant 0 : i32
      %dma_wait3A_98 = arith.constant 0 : i32
      %dma_wait3A_99 = tpu.memref_slice %arg9[%run_scoped3A_44, %dma_wait3A, %dma_wait3A_98] : memref<2x128x64xf32, #tpu.memory_space<vmem>> -> memref<1x128x64xf32, #tpu.memory_space<vmem>>
      %dma_wait3A_100 = tpu.memref_squeeze %dma_wait3A_99 : memref<1x128x64xf32, #tpu.memory_space<vmem>> -> memref<128x64xf32, #tpu.memory_space<vmem>>
      %dma_wait3A_101 = arith.constant 0 : i32
      %dma_wait3A_102 = tpu.memref_slice %arg11[%add3A_43, %dma_wait3A_101] : memref<10112x64xf32, #tpu.memory_space<vmem_shared>> -> memref<128x64xf32, #tpu.memory_space<vmem_shared>>
      %dma_wait3A_103 = arith.constant 0 : i32
      %dma_wait3A_104 = tpu.memref_slice %arg11[%add3A_43, %dma_wait3A_103] : memref<10112x64xf32, #tpu.memory_space<vmem_shared>> -> memref<128x64xf32, #tpu.memory_space<vmem_shared>>
      %dma_wait3A_105 = arith.constant 0 : i32
      %dma_wait3A_106 = arith.constant 0 : i32
      %dma_wait3A_107 = tpu.memref_slice %arg9[%run_scoped3A_44, %dma_wait3A_105, %dma_wait3A_106] : memref<2x128x64xf32, #tpu.memory_space<vmem>> -> memref<1x128x64xf32, #tpu.memory_space<vmem>>
      %dma_wait3A_108 = tpu.memref_squeeze %dma_wait3A_107 : memref<1x128x64xf32, #tpu.memory_space<vmem>> -> memref<128x64xf32, #tpu.memory_space<vmem>>
      tpu.wait_dma2 semaphore(%run_scoped3A_86 : memref<!tpu.dma_semaphore, #tpu.memory_space<semaphore_mem>>) src(%dma_wait3A_108 : memref<128x64xf32, #tpu.memory_space<vmem>>) dst(%dma_wait3A_104 : memref<128x64xf32, #tpu.memory_space<vmem_shared>>)
      tpu.yield
    }) : () -> ()
    %mul3A_45 = arith.constant 632 : i32
    %mul3A_46 = arith.muli %arg1, %mul3A_45 : i32
    %add3A_47 = arith.constant 512 : i32
    %add3A_48 = arith.addi %mul3A_46, %add3A_47 : i32
    %run_scoped3A_49 = arith.constant 0 : i32
    "tpu.region"() ({
      %run_scoped3A_86 = tpu.sem_alloc : memref<!tpu.dma_semaphore, #tpu.memory_space<semaphore_mem>>
      %dma_start3A = arith.constant 0 : i32
      %dma_start3A_87 = arith.constant 0 : i32
      %dma_start3A_88 = tpu.memref_slice %arg9[%run_scoped3A_49, %dma_start3A, %dma_start3A_87] : memref<2x128x64xf32, #tpu.memory_space<vmem>> -> memref<1x120x64xf32, #tpu.memory_space<vmem>>
      %dma_start3A_89 = tpu.memref_squeeze %dma_start3A_88 : memref<1x120x64xf32, #tpu.memory_space<vmem>> -> memref<120x64xf32, #tpu.memory_space<vmem>>
      %dma_start3A_90 = arith.constant 0 : i32
      %dma_start3A_91 = tpu.memref_slice %arg11[%add3A_48, %dma_start3A_90] : memref<10112x64xf32, #tpu.memory_space<vmem_shared>> -> memref<120x64xf32, #tpu.memory_space<vmem_shared>>
      %dma_start3A_92 = arith.constant 0 : i32
      %dma_start3A_93 = tpu.memref_slice %arg11[%add3A_48, %dma_start3A_92] : memref<10112x64xf32, #tpu.memory_space<vmem_shared>> -> memref<120x64xf32, #tpu.memory_space<vmem_shared>>
      %dma_start3A_94 = arith.constant 0 : i32
      %dma_start3A_95 = arith.constant 0 : i32
      %dma_start3A_96 = tpu.memref_slice %arg9[%run_scoped3A_49, %dma_start3A_94, %dma_start3A_95] : memref<2x128x64xf32, #tpu.memory_space<vmem>> -> memref<1x120x64xf32, #tpu.memory_space<vmem>>
      %dma_start3A_97 = tpu.memref_squeeze %dma_start3A_96 : memref<1x120x64xf32, #tpu.memory_space<vmem>> -> memref<120x64xf32, #tpu.memory_space<vmem>>
      tpu.enqueue_dma source(%dma_start3A_97 : memref<120x64xf32, #tpu.memory_space<vmem>>) target(%dma_start3A_93 : memref<120x64xf32, #tpu.memory_space<vmem_shared>>) target_semaphore(%run_scoped3A_86 : memref<!tpu.dma_semaphore, #tpu.memory_space<semaphore_mem>>)
      %dma_wait3A = arith.constant 0 : i32
      %dma_wait3A_98 = arith.constant 0 : i32
      %dma_wait3A_99 = tpu.memref_slice %arg9[%run_scoped3A_49, %dma_wait3A, %dma_wait3A_98] : memref<2x128x64xf32, #tpu.memory_space<vmem>> -> memref<1x120x64xf32, #tpu.memory_space<vmem>>
      %dma_wait3A_100 = tpu.memref_squeeze %dma_wait3A_99 : memref<1x120x64xf32, #tpu.memory_space<vmem>> -> memref<120x64xf32, #tpu.memory_space<vmem>>
      %dma_wait3A_101 = arith.constant 0 : i32
      %dma_wait3A_102 = tpu.memref_slice %arg11[%add3A_48, %dma_wait3A_101] : memref<10112x64xf32, #tpu.memory_space<vmem_shared>> -> memref<120x64xf32, #tpu.memory_space<vmem_shared>>
      %dma_wait3A_103 = arith.constant 0 : i32
      %dma_wait3A_104 = tpu.memref_slice %arg11[%add3A_48, %dma_wait3A_103] : memref<10112x64xf32, #tpu.memory_space<vmem_shared>> -> memref<120x64xf32, #tpu.memory_space<vmem_shared>>
      %dma_wait3A_105 = arith.constant 0 : i32
      %dma_wait3A_106 = arith.constant 0 : i32
      %dma_wait3A_107 = tpu.memref_slice %arg9[%run_scoped3A_49, %dma_wait3A_105, %dma_wait3A_106] : memref<2x128x64xf32, #tpu.memory_space<vmem>> -> memref<1x120x64xf32, #tpu.memory_space<vmem>>
      %dma_wait3A_108 = tpu.memref_squeeze %dma_wait3A_107 : memref<1x120x64xf32, #tpu.memory_space<vmem>> -> memref<120x64xf32, #tpu.memory_space<vmem>>
      tpu.wait_dma2 semaphore(%run_scoped3A_86 : memref<!tpu.dma_semaphore, #tpu.memory_space<semaphore_mem>>) src(%dma_wait3A_108 : memref<120x64xf32, #tpu.memory_space<vmem>>) dst(%dma_wait3A_104 : memref<120x64xf32, #tpu.memory_space<vmem_shared>>)
      tpu.yield
    }) : () -> ()
    %barrier3A = arith.constant 0 : index
    tpu.barrier barrier_id(%barrier3A)
    %scan3A = arith.constant 0 : i32
    %scan3A_50 = arith.constant 0 : i32
    %scan3A_51 = arith.constant 10 : i32
    %scan3A_52 = arith.addi %scan3A_50, %scan3A_51 : i32
    %scan3A_53 = arith.constant 1 : i32
    scf.for %scan3A_86 = %scan3A_50 to %scan3A_52 step %scan3A_53  : i32 {
      %mul3A_87 = arith.constant 16 : i32
      %mul3A_88 = arith.muli %scan3A_86, %mul3A_87 : i32
      %dma_start3A = arith.constant 0 : i32
      %dma_start3A_89 = tpu.memref_slice %arg4[%arg1, %mul3A_88, %dma_start3A] : memref<16x160x128xi32, #tpu.memory_space<hbm>> -> memref<1x16x128xi32, #tpu.memory_space<hbm>>
      %dma_start3A_90 = tpu.memref_squeeze %dma_start3A_89 : memref<1x16x128xi32, #tpu.memory_space<hbm>> -> memref<16x128xi32, #tpu.memory_space<hbm>>
      %dma_start3A_91 = arith.constant 0 : i32
      %dma_start3A_92 = tpu.memref_slice %arg4[%arg1, %mul3A_88, %dma_start3A_91] : memref<16x160x128xi32, #tpu.memory_space<hbm>> -> memref<1x16x128xi32, #tpu.memory_space<hbm>>
      %dma_start3A_93 = tpu.memref_squeeze %dma_start3A_92 : memref<1x16x128xi32, #tpu.memory_space<hbm>> -> memref<16x128xi32, #tpu.memory_space<hbm>>
      tpu.enqueue_dma source(%dma_start3A_93 : memref<16x128xi32, #tpu.memory_space<hbm>>) target(%arg8 : memref<16x128xi32, #tpu.memory_space<vmem>>) target_semaphore(%arg16 : memref<!tpu.dma_semaphore, #tpu.memory_space<semaphore_mem>>)
      %dma_wait3A = arith.constant 0 : i32
      %dma_wait3A_94 = tpu.memref_slice %arg4[%arg1, %mul3A_88, %dma_wait3A] : memref<16x160x128xi32, #tpu.memory_space<hbm>> -> memref<1x16x128xi32, #tpu.memory_space<hbm>>
      %dma_wait3A_95 = tpu.memref_squeeze %dma_wait3A_94 : memref<1x16x128xi32, #tpu.memory_space<hbm>> -> memref<16x128xi32, #tpu.memory_space<hbm>>
      %dma_wait3A_96 = arith.constant 0 : i32
      %dma_wait3A_97 = tpu.memref_slice %arg4[%arg1, %mul3A_88, %dma_wait3A_96] : memref<16x160x128xi32, #tpu.memory_space<hbm>> -> memref<1x16x128xi32, #tpu.memory_space<hbm>>
      %dma_wait3A_98 = tpu.memref_squeeze %dma_wait3A_97 : memref<1x16x128xi32, #tpu.memory_space<hbm>> -> memref<16x128xi32, #tpu.memory_space<hbm>>
      tpu.wait_dma2 semaphore(%arg16 : memref<!tpu.dma_semaphore, #tpu.memory_space<semaphore_mem>>) src(%dma_wait3A_98 : memref<16x128xi32, #tpu.memory_space<hbm>>) dst(%arg8 : memref<16x128xi32, #tpu.memory_space<vmem>>)
      %mul3A_99 = arith.constant 16 : i32
      %mul3A_100 = arith.muli %scan3A_86, %mul3A_99 : i32
      %add3A_101 = arith.constant 0 : i32
      %add3A_102 = arith.addi %mul3A_100, %add3A_101 : i32
      %dma_start3A_103 = arith.constant 0 : i32
      %dma_start3A_104 = arith.constant 0 : i32
      %dma_start3A_105 = arith.constant 0 : i32
      %dma_start3A_106 = tpu.memref_slice %arg9[%dma_start3A_103, %dma_start3A_104, %dma_start3A_105] : memref<2x128x64xf32, #tpu.memory_space<vmem>> -> memref<1x128x64xf32, #tpu.memory_space<vmem>>
      %dma_start3A_107 = tpu.memref_squeeze %dma_start3A_106 : memref<1x128x64xf32, #tpu.memory_space<vmem>> -> memref<128x64xf32, #tpu.memory_space<vmem>>
      %dma_start3A_108 = arith.constant 0 : i32
      %dma_start3A_109 = tpu.memref_slice %arg7[%add3A_102, %dma_start3A_108] : memref<160x128xi32, #tpu.memory_space<vmem>> -> memref<1x128xi32, #tpu.memory_space<vmem>>
      %dma_start3A_110 = tpu.memref_squeeze %dma_start3A_109 : memref<1x128xi32, #tpu.memory_space<vmem>> -> memref<128xi32, #tpu.memory_space<vmem>>
      %dma_start3A_111 = arith.constant 0 : i32
      %dma_start3A_112 = arith.constant 0 : i32
      %dma_start3A_113 = tpu.memref_slice %arg10[%dma_start3A_111, %dma_start3A_112] : memref<10112x64xf32, #tpu.memory_space<vmem_shared>> -> memref<10112x64xf32, #tpu.memory_space<vmem_shared>>
      tpu.enqueue_indirect_dma source(%dma_start3A_113 : memref<10112x64xf32, #tpu.memory_space<vmem_shared>>) target(%dma_start3A_107 : memref<128x64xf32, #tpu.memory_space<vmem>>) offsets(%dma_start3A_110 : memref<128xi32, #tpu.memory_space<vmem>>) semaphore(%arg12 : memref<!tpu.dma_semaphore, #tpu.memory_space<semaphore_mem>>)
      %dma_wait3A_114 = arith.constant 0 : i32
      %dma_wait3A_115 = arith.constant 0 : i32
      %dma_wait3A_116 = arith.constant 0 : i32
      %dma_wait3A_117 = tpu.memref_slice %arg9[%dma_wait3A_114, %dma_wait3A_115, %dma_wait3A_116] : memref<2x128x64xf32, #tpu.memory_space<vmem>> -> memref<1x128x64xf32, #tpu.memory_space<vmem>>
      %dma_wait3A_118 = tpu.memref_squeeze %dma_wait3A_117 : memref<1x128x64xf32, #tpu.memory_space<vmem>> -> memref<128x64xf32, #tpu.memory_space<vmem>>
      %dma_wait3A_119 = arith.constant 0 : i32
      %dma_wait3A_120 = tpu.memref_slice %arg7[%add3A_102, %dma_wait3A_119] : memref<160x128xi32, #tpu.memory_space<vmem>> -> memref<1x128xi32, #tpu.memory_space<vmem>>
      %dma_wait3A_121 = tpu.memref_squeeze %dma_wait3A_120 : memref<1x128xi32, #tpu.memory_space<vmem>> -> memref<128xi32, #tpu.memory_space<vmem>>
      %dma_wait3A_122 = arith.constant 0 : i32
      %dma_wait3A_123 = arith.constant 0 : i32
      %dma_wait3A_124 = tpu.memref_slice %arg10[%dma_wait3A_122, %dma_wait3A_123] : memref<10112x64xf32, #tpu.memory_space<vmem_shared>> -> memref<10112x64xf32, #tpu.memory_space<vmem_shared>>
      tpu.wait_indirect_dma semaphore(%arg12 : memref<!tpu.dma_semaphore, #tpu.memory_space<semaphore_mem>>) src(%dma_wait3A_124 : memref<10112x64xf32, #tpu.memory_space<vmem_shared>>) dst(%dma_wait3A_118 : memref<128x64xf32, #tpu.memory_space<vmem>>)
      %dma_start3A_125 = arith.constant 0 : i32
      %dma_start3A_126 = arith.constant 0 : i32
      %dma_start3A_127 = arith.constant 0 : i32
      %dma_start3A_128 = arith.constant 0 : i32
      %dma_start3A_129 = tpu.memref_slice %arg9[%dma_start3A_125, %dma_start3A_127, %dma_start3A_128] : memref<2x128x64xf32, #tpu.memory_space<vmem>> -> memref<1x128x64xf32, #tpu.memory_space<vmem>>
      %dma_start3A_130 = tpu.memref_squeeze %dma_start3A_129 : memref<1x128x64xf32, #tpu.memory_space<vmem>> -> memref<128x64xf32, #tpu.memory_space<vmem>>
      %dma_start3A_131 = arith.constant 0 : i32
      %dma_start3A_132 = tpu.memref_slice %arg8[%dma_start3A_126, %dma_start3A_131] : memref<16x128xi32, #tpu.memory_space<vmem>> -> memref<1x128xi32, #tpu.memory_space<vmem>>
      %dma_start3A_133 = tpu.memref_squeeze %dma_start3A_132 : memref<1x128xi32, #tpu.memory_space<vmem>> -> memref<128xi32, #tpu.memory_space<vmem>>
      %dma_start3A_134 = arith.constant 0 : i32
      %dma_start3A_135 = arith.constant 0 : i32
      %dma_start3A_136 = tpu.memref_slice %arg11[%dma_start3A_134, %dma_start3A_135] : memref<10112x64xf32, #tpu.memory_space<vmem_shared>> -> memref<10112x64xf32, #tpu.memory_space<vmem_shared>>
      tpu.enqueue_indirect_dma source(%dma_start3A_130 : memref<128x64xf32, #tpu.memory_space<vmem>>) target(%dma_start3A_136 : memref<10112x64xf32, #tpu.memory_space<vmem_shared>>) offsets(%dma_start3A_133 : memref<128xi32, #tpu.memory_space<vmem>>) semaphore(%arg14 : memref<!tpu.dma_semaphore, #tpu.memory_space<semaphore_mem>>) {add = true}
      %dma_wait3A_137 = arith.constant 0 : i32
      %dma_wait3A_138 = arith.constant 0 : i32
      %dma_wait3A_139 = arith.constant 0 : i32
      %dma_wait3A_140 = arith.constant 0 : i32
      %dma_wait3A_141 = tpu.memref_slice %arg9[%dma_wait3A_137, %dma_wait3A_139, %dma_wait3A_140] : memref<2x128x64xf32, #tpu.memory_space<vmem>> -> memref<1x128x64xf32, #tpu.memory_space<vmem>>
      %dma_wait3A_142 = tpu.memref_squeeze %dma_wait3A_141 : memref<1x128x64xf32, #tpu.memory_space<vmem>> -> memref<128x64xf32, #tpu.memory_space<vmem>>
      %dma_wait3A_143 = arith.constant 0 : i32
      %dma_wait3A_144 = tpu.memref_slice %arg8[%dma_wait3A_138, %dma_wait3A_143] : memref<16x128xi32, #tpu.memory_space<vmem>> -> memref<1x128xi32, #tpu.memory_space<vmem>>
      %dma_wait3A_145 = tpu.memref_squeeze %dma_wait3A_144 : memref<1x128xi32, #tpu.memory_space<vmem>> -> memref<128xi32, #tpu.memory_space<vmem>>
      %dma_wait3A_146 = arith.constant 0 : i32
      %dma_wait3A_147 = arith.constant 0 : i32
      %dma_wait3A_148 = tpu.memref_slice %arg11[%dma_wait3A_146, %dma_wait3A_147] : memref<10112x64xf32, #tpu.memory_space<vmem_shared>> -> memref<10112x64xf32, #tpu.memory_space<vmem_shared>>
      tpu.wait_indirect_dma semaphore(%arg14 : memref<!tpu.dma_semaphore, #tpu.memory_space<semaphore_mem>>) src(%dma_wait3A_142 : memref<128x64xf32, #tpu.memory_space<vmem>>) dst(%dma_wait3A_148 : memref<10112x64xf32, #tpu.memory_space<vmem_shared>>)
      %mul3A_149 = arith.constant 16 : i32
      %mul3A_150 = arith.muli %scan3A_86, %mul3A_149 : i32
      %add3A_151 = arith.constant 1 : i32
      %add3A_152 = arith.addi %mul3A_150, %add3A_151 : i32
      %dma_start3A_153 = arith.constant 0 : i32
      %dma_start3A_154 = arith.constant 0 : i32
      %dma_start3A_155 = arith.constant 0 : i32
      %dma_start3A_156 = tpu.memref_slice %arg9[%dma_start3A_153, %dma_start3A_154, %dma_start3A_155] : memref<2x128x64xf32, #tpu.memory_space<vmem>> -> memref<1x128x64xf32, #tpu.memory_space<vmem>>
      %dma_start3A_157 = tpu.memref_squeeze %dma_start3A_156 : memref<1x128x64xf32, #tpu.memory_space<vmem>> -> memref<128x64xf32, #tpu.memory_space<vmem>>
      %dma_start3A_158 = arith.constant 0 : i32
      %dma_start3A_159 = tpu.memref_slice %arg7[%add3A_152, %dma_start3A_158] : memref<160x128xi32, #tpu.memory_space<vmem>> -> memref<1x128xi32, #tpu.memory_space<vmem>>
      %dma_start3A_160 = tpu.memref_squeeze %dma_start3A_159 : memref<1x128xi32, #tpu.memory_space<vmem>> -> memref<128xi32, #tpu.memory_space<vmem>>
      %dma_start3A_161 = arith.constant 0 : i32
      %dma_start3A_162 = arith.constant 0 : i32
      %dma_start3A_163 = tpu.memref_slice %arg10[%dma_start3A_161, %dma_start3A_162] : memref<10112x64xf32, #tpu.memory_space<vmem_shared>> -> memref<10112x64xf32, #tpu.memory_space<vmem_shared>>
      tpu.enqueue_indirect_dma source(%dma_start3A_163 : memref<10112x64xf32, #tpu.memory_space<vmem_shared>>) target(%dma_start3A_157 : memref<128x64xf32, #tpu.memory_space<vmem>>) offsets(%dma_start3A_160 : memref<128xi32, #tpu.memory_space<vmem>>) semaphore(%arg12 : memref<!tpu.dma_semaphore, #tpu.memory_space<semaphore_mem>>)
      %dma_wait3A_164 = arith.constant 0 : i32
      %dma_wait3A_165 = arith.constant 0 : i32
      %dma_wait3A_166 = arith.constant 0 : i32
      %dma_wait3A_167 = tpu.memref_slice %arg9[%dma_wait3A_164, %dma_wait3A_165, %dma_wait3A_166] : memref<2x128x64xf32, #tpu.memory_space<vmem>> -> memref<1x128x64xf32, #tpu.memory_space<vmem>>
      %dma_wait3A_168 = tpu.memref_squeeze %dma_wait3A_167 : memref<1x128x64xf32, #tpu.memory_space<vmem>> -> memref<128x64xf32, #tpu.memory_space<vmem>>
      %dma_wait3A_169 = arith.constant 0 : i32
      %dma_wait3A_170 = tpu.memref_slice %arg7[%add3A_152, %dma_wait3A_169] : memref<160x128xi32, #tpu.memory_space<vmem>> -> memref<1x128xi32, #tpu.memory_space<vmem>>
      %dma_wait3A_171 = tpu.memref_squeeze %dma_wait3A_170 : memref<1x128xi32, #tpu.memory_space<vmem>> -> memref<128xi32, #tpu.memory_space<vmem>>
      %dma_wait3A_172 = arith.constant 0 : i32
      %dma_wait3A_173 = arith.constant 0 : i32
      %dma_wait3A_174 = tpu.memref_slice %arg10[%dma_wait3A_172, %dma_wait3A_173] : memref<10112x64xf32, #tpu.memory_space<vmem_shared>> -> memref<10112x64xf32, #tpu.memory_space<vmem_shared>>
      tpu.wait_indirect_dma semaphore(%arg12 : memref<!tpu.dma_semaphore, #tpu.memory_space<semaphore_mem>>) src(%dma_wait3A_174 : memref<10112x64xf32, #tpu.memory_space<vmem_shared>>) dst(%dma_wait3A_168 : memref<128x64xf32, #tpu.memory_space<vmem>>)
      %dma_start3A_175 = arith.constant 0 : i32
      %dma_start3A_176 = arith.constant 1 : i32
      %dma_start3A_177 = arith.constant 0 : i32
      %dma_start3A_178 = arith.constant 0 : i32
      %dma_start3A_179 = tpu.memref_slice %arg9[%dma_start3A_175, %dma_start3A_177, %dma_start3A_178] : memref<2x128x64xf32, #tpu.memory_space<vmem>> -> memref<1x128x64xf32, #tpu.memory_space<vmem>>
      %dma_start3A_180 = tpu.memref_squeeze %dma_start3A_179 : memref<1x128x64xf32, #tpu.memory_space<vmem>> -> memref<128x64xf32, #tpu.memory_space<vmem>>
      %dma_start3A_181 = arith.constant 0 : i32
      %dma_start3A_182 = tpu.memref_slice %arg8[%dma_start3A_176, %dma_start3A_181] : memref<16x128xi32, #tpu.memory_space<vmem>> -> memref<1x128xi32, #tpu.memory_space<vmem>>
      %dma_start3A_183 = tpu.memref_squeeze %dma_start3A_182 : memref<1x128xi32, #tpu.memory_space<vmem>> -> memref<128xi32, #tpu.memory_space<vmem>>
      %dma_start3A_184 = arith.constant 0 : i32
      %dma_start3A_185 = arith.constant 0 : i32
      %dma_start3A_186 = tpu.memref_slice %arg11[%dma_start3A_184, %dma_start3A_185] : memref<10112x64xf32, #tpu.memory_space<vmem_shared>> -> memref<10112x64xf32, #tpu.memory_space<vmem_shared>>
      tpu.enqueue_indirect_dma source(%dma_start3A_180 : memref<128x64xf32, #tpu.memory_space<vmem>>) target(%dma_start3A_186 : memref<10112x64xf32, #tpu.memory_space<vmem_shared>>) offsets(%dma_start3A_183 : memref<128xi32, #tpu.memory_space<vmem>>) semaphore(%arg14 : memref<!tpu.dma_semaphore, #tpu.memory_space<semaphore_mem>>) {add = true}
      %dma_wait3A_187 = arith.constant 0 : i32
      %dma_wait3A_188 = arith.constant 1 : i32
      %dma_wait3A_189 = arith.constant 0 : i32
      %dma_wait3A_190 = arith.constant 0 : i32
      %dma_wait3A_191 = tpu.memref_slice %arg9[%dma_wait3A_187, %dma_wait3A_189, %dma_wait3A_190] : memref<2x128x64xf32, #tpu.memory_space<vmem>> -> memref<1x128x64xf32, #tpu.memory_space<vmem>>
      %dma_wait3A_192 = tpu.memref_squeeze %dma_wait3A_191 : memref<1x128x64xf32, #tpu.memory_space<vmem>> -> memref<128x64xf32, #tpu.memory_space<vmem>>
      %dma_wait3A_193 = arith.constant 0 : i32
      %dma_wait3A_194 = tpu.memref_slice %arg8[%dma_wait3A_188, %dma_wait3A_193] : memref<16x128xi32, #tpu.memory_space<vmem>> -> memref<1x128xi32, #tpu.memory_space<vmem>>
      %dma_wait3A_195 = tpu.memref_squeeze %dma_wait3A_194 : memref<1x128xi32, #tpu.memory_space<vmem>> -> memref<128xi32, #tpu.memory_space<vmem>>
      %dma_wait3A_196 = arith.constant 0 : i32
      %dma_wait3A_197 = arith.constant 0 : i32
      %dma_wait3A_198 = tpu.memref_slice %arg11[%dma_wait3A_196, %dma_wait3A_197] : memref<10112x64xf32, #tpu.memory_space<vmem_shared>> -> memref<10112x64xf32, #tpu.memory_space<vmem_shared>>
      tpu.wait_indirect_dma semaphore(%arg14 : memref<!tpu.dma_semaphore, #tpu.memory_space<semaphore_mem>>) src(%dma_wait3A_192 : memref<128x64xf32, #tpu.memory_space<vmem>>) dst(%dma_wait3A_198 : memref<10112x64xf32, #tpu.memory_space<vmem_shared>>)
      %mul3A_199 = arith.constant 16 : i32
      %mul3A_200 = arith.muli %scan3A_86, %mul3A_199 : i32
      %add3A_201 = arith.constant 2 : i32
      %add3A_202 = arith.addi %mul3A_200, %add3A_201 : i32
      %dma_start3A_203 = arith.constant 0 : i32
      %dma_start3A_204 = arith.constant 0 : i32
      %dma_start3A_205 = arith.constant 0 : i32
      %dma_start3A_206 = tpu.memref_slice %arg9[%dma_start3A_203, %dma_start3A_204, %dma_start3A_205] : memref<2x128x64xf32, #tpu.memory_space<vmem>> -> memref<1x128x64xf32, #tpu.memory_space<vmem>>
      %dma_start3A_207 = tpu.memref_squeeze %dma_start3A_206 : memref<1x128x64xf32, #tpu.memory_space<vmem>> -> memref<128x64xf32, #tpu.memory_space<vmem>>
      %dma_start3A_208 = arith.constant 0 : i32
      %dma_start3A_209 = tpu.memref_slice %arg7[%add3A_202, %dma_start3A_208] : memref<160x128xi32, #tpu.memory_space<vmem>> -> memref<1x128xi32, #tpu.memory_space<vmem>>
      %dma_start3A_210 = tpu.memref_squeeze %dma_start3A_209 : memref<1x128xi32, #tpu.memory_space<vmem>> -> memref<128xi32, #tpu.memory_space<vmem>>
      %dma_start3A_211 = arith.constant 0 : i32
      %dma_start3A_212 = arith.constant 0 : i32
      %dma_start3A_213 = tpu.memref_slice %arg10[%dma_start3A_211, %dma_start3A_212] : memref<10112x64xf32, #tpu.memory_space<vmem_shared>> -> memref<10112x64xf32, #tpu.memory_space<vmem_shared>>
      tpu.enqueue_indirect_dma source(%dma_start3A_213 : memref<10112x64xf32, #tpu.memory_space<vmem_shared>>) target(%dma_start3A_207 : memref<128x64xf32, #tpu.memory_space<vmem>>) offsets(%dma_start3A_210 : memref<128xi32, #tpu.memory_space<vmem>>) semaphore(%arg12 : memref<!tpu.dma_semaphore, #tpu.memory_space<semaphore_mem>>)
      %dma_wait3A_214 = arith.constant 0 : i32
      %dma_wait3A_215 = arith.constant 0 : i32
      %dma_wait3A_216 = arith.constant 0 : i32
      %dma_wait3A_217 = tpu.memref_slice %arg9[%dma_wait3A_214, %dma_wait3A_215, %dma_wait3A_216] : memref<2x128x64xf32, #tpu.memory_space<vmem>> -> memref<1x128x64xf32, #tpu.memory_space<vmem>>
      %dma_wait3A_218 = tpu.memref_squeeze %dma_wait3A_217 : memref<1x128x64xf32, #tpu.memory_space<vmem>> -> memref<128x64xf32, #tpu.memory_space<vmem>>
      %dma_wait3A_219 = arith.constant 0 : i32
      %dma_wait3A_220 = tpu.memref_slice %arg7[%add3A_202, %dma_wait3A_219] : memref<160x128xi32, #tpu.memory_space<vmem>> -> memref<1x128xi32, #tpu.memory_space<vmem>>
      %dma_wait3A_221 = tpu.memref_squeeze %dma_wait3A_220 : memref<1x128xi32, #tpu.memory_space<vmem>> -> memref<128xi32, #tpu.memory_space<vmem>>
      %dma_wait3A_222 = arith.constant 0 : i32
      %dma_wait3A_223 = arith.constant 0 : i32
      %dma_wait3A_224 = tpu.memref_slice %arg10[%dma_wait3A_222, %dma_wait3A_223] : memref<10112x64xf32, #tpu.memory_space<vmem_shared>> -> memref<10112x64xf32, #tpu.memory_space<vmem_shared>>
      tpu.wait_indirect_dma semaphore(%arg12 : memref<!tpu.dma_semaphore, #tpu.memory_space<semaphore_mem>>) src(%dma_wait3A_224 : memref<10112x64xf32, #tpu.memory_space<vmem_shared>>) dst(%dma_wait3A_218 : memref<128x64xf32, #tpu.memory_space<vmem>>)
      %dma_start3A_225 = arith.constant 0 : i32
      %dma_start3A_226 = arith.constant 2 : i32
      %dma_start3A_227 = arith.constant 0 : i32
      %dma_start3A_228 = arith.constant 0 : i32
      %dma_start3A_229 = tpu.memref_slice %arg9[%dma_start3A_225, %dma_start3A_227, %dma_start3A_228] : memref<2x128x64xf32, #tpu.memory_space<vmem>> -> memref<1x128x64xf32, #tpu.memory_space<vmem>>
      %dma_start3A_230 = tpu.memref_squeeze %dma_start3A_229 : memref<1x128x64xf32, #tpu.memory_space<vmem>> -> memref<128x64xf32, #tpu.memory_space<vmem>>
      %dma_start3A_231 = arith.constant 0 : i32
      %dma_start3A_232 = tpu.memref_slice %arg8[%dma_start3A_226, %dma_start3A_231] : memref<16x128xi32, #tpu.memory_space<vmem>> -> memref<1x128xi32, #tpu.memory_space<vmem>>
      %dma_start3A_233 = tpu.memref_squeeze %dma_start3A_232 : memref<1x128xi32, #tpu.memory_space<vmem>> -> memref<128xi32, #tpu.memory_space<vmem>>
      %dma_start3A_234 = arith.constant 0 : i32
      %dma_start3A_235 = arith.constant 0 : i32
      %dma_start3A_236 = tpu.memref_slice %arg11[%dma_start3A_234, %dma_start3A_235] : memref<10112x64xf32, #tpu.memory_space<vmem_shared>> -> memref<10112x64xf32, #tpu.memory_space<vmem_shared>>
      tpu.enqueue_indirect_dma source(%dma_start3A_230 : memref<128x64xf32, #tpu.memory_space<vmem>>) target(%dma_start3A_236 : memref<10112x64xf32, #tpu.memory_space<vmem_shared>>) offsets(%dma_start3A_233 : memref<128xi32, #tpu.memory_space<vmem>>) semaphore(%arg14 : memref<!tpu.dma_semaphore, #tpu.memory_space<semaphore_mem>>) {add = true}
      %dma_wait3A_237 = arith.constant 0 : i32
      %dma_wait3A_238 = arith.constant 2 : i32
      %dma_wait3A_239 = arith.constant 0 : i32
      %dma_wait3A_240 = arith.constant 0 : i32
      %dma_wait3A_241 = tpu.memref_slice %arg9[%dma_wait3A_237, %dma_wait3A_239, %dma_wait3A_240] : memref<2x128x64xf32, #tpu.memory_space<vmem>> -> memref<1x128x64xf32, #tpu.memory_space<vmem>>
      %dma_wait3A_242 = tpu.memref_squeeze %dma_wait3A_241 : memref<1x128x64xf32, #tpu.memory_space<vmem>> -> memref<128x64xf32, #tpu.memory_space<vmem>>
      %dma_wait3A_243 = arith.constant 0 : i32
      %dma_wait3A_244 = tpu.memref_slice %arg8[%dma_wait3A_238, %dma_wait3A_243] : memref<16x128xi32, #tpu.memory_space<vmem>> -> memref<1x128xi32, #tpu.memory_space<vmem>>
      %dma_wait3A_245 = tpu.memref_squeeze %dma_wait3A_244 : memref<1x128xi32, #tpu.memory_space<vmem>> -> memref<128xi32, #tpu.memory_space<vmem>>
      %dma_wait3A_246 = arith.constant 0 : i32
      %dma_wait3A_247 = arith.constant 0 : i32
      %dma_wait3A_248 = tpu.memref_slice %arg11[%dma_wait3A_246, %dma_wait3A_247] : memref<10112x64xf32, #tpu.memory_space<vmem_shared>> -> memref<10112x64xf32, #tpu.memory_space<vmem_shared>>
      tpu.wait_indirect_dma semaphore(%arg14 : memref<!tpu.dma_semaphore, #tpu.memory_space<semaphore_mem>>) src(%dma_wait3A_242 : memref<128x64xf32, #tpu.memory_space<vmem>>) dst(%dma_wait3A_248 : memref<10112x64xf32, #tpu.memory_space<vmem_shared>>)
      %mul3A_249 = arith.constant 16 : i32
      %mul3A_250 = arith.muli %scan3A_86, %mul3A_249 : i32
      %add3A_251 = arith.constant 3 : i32
      %add3A_252 = arith.addi %mul3A_250, %add3A_251 : i32
      %dma_start3A_253 = arith.constant 0 : i32
      %dma_start3A_254 = arith.constant 0 : i32
      %dma_start3A_255 = arith.constant 0 : i32
      %dma_start3A_256 = tpu.memref_slice %arg9[%dma_start3A_253, %dma_start3A_254, %dma_start3A_255] : memref<2x128x64xf32, #tpu.memory_space<vmem>> -> memref<1x128x64xf32, #tpu.memory_space<vmem>>
      %dma_start3A_257 = tpu.memref_squeeze %dma_start3A_256 : memref<1x128x64xf32, #tpu.memory_space<vmem>> -> memref<128x64xf32, #tpu.memory_space<vmem>>
      %dma_start3A_258 = arith.constant 0 : i32
      %dma_start3A_259 = tpu.memref_slice %arg7[%add3A_252, %dma_start3A_258] : memref<160x128xi32, #tpu.memory_space<vmem>> -> memref<1x128xi32, #tpu.memory_space<vmem>>
      %dma_start3A_260 = tpu.memref_squeeze %dma_start3A_259 : memref<1x128xi32, #tpu.memory_space<vmem>> -> memref<128xi32, #tpu.memory_space<vmem>>
      %dma_start3A_261 = arith.constant 0 : i32
      %dma_start3A_262 = arith.constant 0 : i32
      %dma_start3A_263 = tpu.memref_slice %arg10[%dma_start3A_261, %dma_start3A_262] : memref<10112x64xf32, #tpu.memory_space<vmem_shared>> -> memref<10112x64xf32, #tpu.memory_space<vmem_shared>>
      tpu.enqueue_indirect_dma source(%dma_start3A_263 : memref<10112x64xf32, #tpu.memory_space<vmem_shared>>) target(%dma_start3A_257 : memref<128x64xf32, #tpu.memory_space<vmem>>) offsets(%dma_start3A_260 : memref<128xi32, #tpu.memory_space<vmem>>) semaphore(%arg12 : memref<!tpu.dma_semaphore, #tpu.memory_space<semaphore_mem>>)
      %dma_wait3A_264 = arith.constant 0 : i32
      %dma_wait3A_265 = arith.constant 0 : i32
      %dma_wait3A_266 = arith.constant 0 : i32
      %dma_wait3A_267 = tpu.memref_slice %arg9[%dma_wait3A_264, %dma_wait3A_265, %dma_wait3A_266] : memref<2x128x64xf32, #tpu.memory_space<vmem>> -> memref<1x128x64xf32, #tpu.memory_space<vmem>>
      %dma_wait3A_268 = tpu.memref_squeeze %dma_wait3A_267 : memref<1x128x64xf32, #tpu.memory_space<vmem>> -> memref<128x64xf32, #tpu.memory_space<vmem>>
      %dma_wait3A_269 = arith.constant 0 : i32
      %dma_wait3A_270 = tpu.memref_slice %arg7[%add3A_252, %dma_wait3A_269] : memref<160x128xi32, #tpu.memory_space<vmem>> -> memref<1x128xi32, #tpu.memory_space<vmem>>
      %dma_wait3A_271 = tpu.memref_squeeze %dma_wait3A_270 : memref<1x128xi32, #tpu.memory_space<vmem>> -> memref<128xi32, #tpu.memory_space<vmem>>
      %dma_wait3A_272 = arith.constant 0 : i32
      %dma_wait3A_273 = arith.constant 0 : i32
      %dma_wait3A_274 = tpu.memref_slice %arg10[%dma_wait3A_272, %dma_wait3A_273] : memref<10112x64xf32, #tpu.memory_space<vmem_shared>> -> memref<10112x64xf32, #tpu.memory_space<vmem_shared>>
      tpu.wait_indirect_dma semaphore(%arg12 : memref<!tpu.dma_semaphore, #tpu.memory_space<semaphore_mem>>) src(%dma_wait3A_274 : memref<10112x64xf32, #tpu.memory_space<vmem_shared>>) dst(%dma_wait3A_268 : memref<128x64xf32, #tpu.memory_space<vmem>>)
      %dma_start3A_275 = arith.constant 0 : i32
      %dma_start3A_276 = arith.constant 3 : i32
      %dma_start3A_277 = arith.constant 0 : i32
      %dma_start3A_278 = arith.constant 0 : i32
      %dma_start3A_279 = tpu.memref_slice %arg9[%dma_start3A_275, %dma_start3A_277, %dma_start3A_278] : memref<2x128x64xf32, #tpu.memory_space<vmem>> -> memref<1x128x64xf32, #tpu.memory_space<vmem>>
      %dma_start3A_280 = tpu.memref_squeeze %dma_start3A_279 : memref<1x128x64xf32, #tpu.memory_space<vmem>> -> memref<128x64xf32, #tpu.memory_space<vmem>>
      %dma_start3A_281 = arith.constant 0 : i32
      %dma_start3A_282 = tpu.memref_slice %arg8[%dma_start3A_276, %dma_start3A_281] : memref<16x128xi32, #tpu.memory_space<vmem>> -> memref<1x128xi32, #tpu.memory_space<vmem>>
      %dma_start3A_283 = tpu.memref_squeeze %dma_start3A_282 : memref<1x128xi32, #tpu.memory_space<vmem>> -> memref<128xi32, #tpu.memory_space<vmem>>
      %dma_start3A_284 = arith.constant 0 : i32
      %dma_start3A_285 = arith.constant 0 : i32
      %dma_start3A_286 = tpu.memref_slice %arg11[%dma_start3A_284, %dma_start3A_285] : memref<10112x64xf32, #tpu.memory_space<vmem_shared>> -> memref<10112x64xf32, #tpu.memory_space<vmem_shared>>
      tpu.enqueue_indirect_dma source(%dma_start3A_280 : memref<128x64xf32, #tpu.memory_space<vmem>>) target(%dma_start3A_286 : memref<10112x64xf32, #tpu.memory_space<vmem_shared>>) offsets(%dma_start3A_283 : memref<128xi32, #tpu.memory_space<vmem>>) semaphore(%arg14 : memref<!tpu.dma_semaphore, #tpu.memory_space<semaphore_mem>>) {add = true}
      %dma_wait3A_287 = arith.constant 0 : i32
      %dma_wait3A_288 = arith.constant 3 : i32
      %dma_wait3A_289 = arith.constant 0 : i32
      %dma_wait3A_290 = arith.constant 0 : i32
      %dma_wait3A_291 = tpu.memref_slice %arg9[%dma_wait3A_287, %dma_wait3A_289, %dma_wait3A_290] : memref<2x128x64xf32, #tpu.memory_space<vmem>> -> memref<1x128x64xf32, #tpu.memory_space<vmem>>
      %dma_wait3A_292 = tpu.memref_squeeze %dma_wait3A_291 : memref<1x128x64xf32, #tpu.memory_space<vmem>> -> memref<128x64xf32, #tpu.memory_space<vmem>>
      %dma_wait3A_293 = arith.constant 0 : i32
      %dma_wait3A_294 = tpu.memref_slice %arg8[%dma_wait3A_288, %dma_wait3A_293] : memref<16x128xi32, #tpu.memory_space<vmem>> -> memref<1x128xi32, #tpu.memory_space<vmem>>
      %dma_wait3A_295 = tpu.memref_squeeze %dma_wait3A_294 : memref<1x128xi32, #tpu.memory_space<vmem>> -> memref<128xi32, #tpu.memory_space<vmem>>
      %dma_wait3A_296 = arith.constant 0 : i32
      %dma_wait3A_297 = arith.constant 0 : i32
      %dma_wait3A_298 = tpu.memref_slice %arg11[%dma_wait3A_296, %dma_wait3A_297] : memref<10112x64xf32, #tpu.memory_space<vmem_shared>> -> memref<10112x64xf32, #tpu.memory_space<vmem_shared>>
      tpu.wait_indirect_dma semaphore(%arg14 : memref<!tpu.dma_semaphore, #tpu.memory_space<semaphore_mem>>) src(%dma_wait3A_292 : memref<128x64xf32, #tpu.memory_space<vmem>>) dst(%dma_wait3A_298 : memref<10112x64xf32, #tpu.memory_space<vmem_shared>>)
      %mul3A_299 = arith.constant 16 : i32
      %mul3A_300 = arith.muli %scan3A_86, %mul3A_299 : i32
      %add3A_301 = arith.constant 4 : i32
      %add3A_302 = arith.addi %mul3A_300, %add3A_301 : i32
      %dma_start3A_303 = arith.constant 0 : i32
      %dma_start3A_304 = arith.constant 0 : i32
      %dma_start3A_305 = arith.constant 0 : i32
      %dma_start3A_306 = tpu.memref_slice %arg9[%dma_start3A_303, %dma_start3A_304, %dma_start3A_305] : memref<2x128x64xf32, #tpu.memory_space<vmem>> -> memref<1x128x64xf32, #tpu.memory_space<vmem>>
      %dma_start3A_307 = tpu.memref_squeeze %dma_start3A_306 : memref<1x128x64xf32, #tpu.memory_space<vmem>> -> memref<128x64xf32, #tpu.memory_space<vmem>>
      %dma_start3A_308 = arith.constant 0 : i32
      %dma_start3A_309 = tpu.memref_slice %arg7[%add3A_302, %dma_start3A_308] : memref<160x128xi32, #tpu.memory_space<vmem>> -> memref<1x128xi32, #tpu.memory_space<vmem>>
      %dma_start3A_310 = tpu.memref_squeeze %dma_start3A_309 : memref<1x128xi32, #tpu.memory_space<vmem>> -> memref<128xi32, #tpu.memory_space<vmem>>
      %dma_start3A_311 = arith.constant 0 : i32
      %dma_start3A_312 = arith.constant 0 : i32
      %dma_start3A_313 = tpu.memref_slice %arg10[%dma_start3A_311, %dma_start3A_312] : memref<10112x64xf32, #tpu.memory_space<vmem_shared>> -> memref<10112x64xf32, #tpu.memory_space<vmem_shared>>
      tpu.enqueue_indirect_dma source(%dma_start3A_313 : memref<10112x64xf32, #tpu.memory_space<vmem_shared>>) target(%dma_start3A_307 : memref<128x64xf32, #tpu.memory_space<vmem>>) offsets(%dma_start3A_310 : memref<128xi32, #tpu.memory_space<vmem>>) semaphore(%arg12 : memref<!tpu.dma_semaphore, #tpu.memory_space<semaphore_mem>>)
      %dma_wait3A_314 = arith.constant 0 : i32
      %dma_wait3A_315 = arith.constant 0 : i32
      %dma_wait3A_316 = arith.constant 0 : i32
      %dma_wait3A_317 = tpu.memref_slice %arg9[%dma_wait3A_314, %dma_wait3A_315, %dma_wait3A_316] : memref<2x128x64xf32, #tpu.memory_space<vmem>> -> memref<1x128x64xf32, #tpu.memory_space<vmem>>
      %dma_wait3A_318 = tpu.memref_squeeze %dma_wait3A_317 : memref<1x128x64xf32, #tpu.memory_space<vmem>> -> memref<128x64xf32, #tpu.memory_space<vmem>>
      %dma_wait3A_319 = arith.constant 0 : i32
      %dma_wait3A_320 = tpu.memref_slice %arg7[%add3A_302, %dma_wait3A_319] : memref<160x128xi32, #tpu.memory_space<vmem>> -> memref<1x128xi32, #tpu.memory_space<vmem>>
      %dma_wait3A_321 = tpu.memref_squeeze %dma_wait3A_320 : memref<1x128xi32, #tpu.memory_space<vmem>> -> memref<128xi32, #tpu.memory_space<vmem>>
      %dma_wait3A_322 = arith.constant 0 : i32
      %dma_wait3A_323 = arith.constant 0 : i32
      %dma_wait3A_324 = tpu.memref_slice %arg10[%dma_wait3A_322, %dma_wait3A_323] : memref<10112x64xf32, #tpu.memory_space<vmem_shared>> -> memref<10112x64xf32, #tpu.memory_space<vmem_shared>>
      tpu.wait_indirect_dma semaphore(%arg12 : memref<!tpu.dma_semaphore, #tpu.memory_space<semaphore_mem>>) src(%dma_wait3A_324 : memref<10112x64xf32, #tpu.memory_space<vmem_shared>>) dst(%dma_wait3A_318 : memref<128x64xf32, #tpu.memory_space<vmem>>)
      %dma_start3A_325 = arith.constant 0 : i32
      %dma_start3A_326 = arith.constant 4 : i32
      %dma_start3A_327 = arith.constant 0 : i32
      %dma_start3A_328 = arith.constant 0 : i32
      %dma_start3A_329 = tpu.memref_slice %arg9[%dma_start3A_325, %dma_start3A_327, %dma_start3A_328] : memref<2x128x64xf32, #tpu.memory_space<vmem>> -> memref<1x128x64xf32, #tpu.memory_space<vmem>>
      %dma_start3A_330 = tpu.memref_squeeze %dma_start3A_329 : memref<1x128x64xf32, #tpu.memory_space<vmem>> -> memref<128x64xf32, #tpu.memory_space<vmem>>
      %dma_start3A_331 = arith.constant 0 : i32
      %dma_start3A_332 = tpu.memref_slice %arg8[%dma_start3A_326, %dma_start3A_331] : memref<16x128xi32, #tpu.memory_space<vmem>> -> memref<1x128xi32, #tpu.memory_space<vmem>>
      %dma_start3A_333 = tpu.memref_squeeze %dma_start3A_332 : memref<1x128xi32, #tpu.memory_space<vmem>> -> memref<128xi32, #tpu.memory_space<vmem>>
      %dma_start3A_334 = arith.constant 0 : i32
      %dma_start3A_335 = arith.constant 0 : i32
      %dma_start3A_336 = tpu.memref_slice %arg11[%dma_start3A_334, %dma_start3A_335] : memref<10112x64xf32, #tpu.memory_space<vmem_shared>> -> memref<10112x64xf32, #tpu.memory_space<vmem_shared>>
      tpu.enqueue_indirect_dma source(%dma_start3A_330 : memref<128x64xf32, #tpu.memory_space<vmem>>) target(%dma_start3A_336 : memref<10112x64xf32, #tpu.memory_space<vmem_shared>>) offsets(%dma_start3A_333 : memref<128xi32, #tpu.memory_space<vmem>>) semaphore(%arg14 : memref<!tpu.dma_semaphore, #tpu.memory_space<semaphore_mem>>) {add = true}
      %dma_wait3A_337 = arith.constant 0 : i32
      %dma_wait3A_338 = arith.constant 4 : i32
      %dma_wait3A_339 = arith.constant 0 : i32
      %dma_wait3A_340 = arith.constant 0 : i32
      %dma_wait3A_341 = tpu.memref_slice %arg9[%dma_wait3A_337, %dma_wait3A_339, %dma_wait3A_340] : memref<2x128x64xf32, #tpu.memory_space<vmem>> -> memref<1x128x64xf32, #tpu.memory_space<vmem>>
      %dma_wait3A_342 = tpu.memref_squeeze %dma_wait3A_341 : memref<1x128x64xf32, #tpu.memory_space<vmem>> -> memref<128x64xf32, #tpu.memory_space<vmem>>
      %dma_wait3A_343 = arith.constant 0 : i32
      %dma_wait3A_344 = tpu.memref_slice %arg8[%dma_wait3A_338, %dma_wait3A_343] : memref<16x128xi32, #tpu.memory_space<vmem>> -> memref<1x128xi32, #tpu.memory_space<vmem>>
      %dma_wait3A_345 = tpu.memref_squeeze %dma_wait3A_344 : memref<1x128xi32, #tpu.memory_space<vmem>> -> memref<128xi32, #tpu.memory_space<vmem>>
      %dma_wait3A_346 = arith.constant 0 : i32
      %dma_wait3A_347 = arith.constant 0 : i32
      %dma_wait3A_348 = tpu.memref_slice %arg11[%dma_wait3A_346, %dma_wait3A_347] : memref<10112x64xf32, #tpu.memory_space<vmem_shared>> -> memref<10112x64xf32, #tpu.memory_space<vmem_shared>>
      tpu.wait_indirect_dma semaphore(%arg14 : memref<!tpu.dma_semaphore, #tpu.memory_space<semaphore_mem>>) src(%dma_wait3A_342 : memref<128x64xf32, #tpu.memory_space<vmem>>) dst(%dma_wait3A_348 : memref<10112x64xf32, #tpu.memory_space<vmem_shared>>)
      %mul3A_349 = arith.constant 16 : i32
      %mul3A_350 = arith.muli %scan3A_86, %mul3A_349 : i32
      %add3A_351 = arith.constant 5 : i32
      %add3A_352 = arith.addi %mul3A_350, %add3A_351 : i32
      %dma_start3A_353 = arith.constant 0 : i32
      %dma_start3A_354 = arith.constant 0 : i32
      %dma_start3A_355 = arith.constant 0 : i32
      %dma_start3A_356 = tpu.memref_slice %arg9[%dma_start3A_353, %dma_start3A_354, %dma_start3A_355] : memref<2x128x64xf32, #tpu.memory_space<vmem>> -> memref<1x128x64xf32, #tpu.memory_space<vmem>>
      %dma_start3A_357 = tpu.memref_squeeze %dma_start3A_356 : memref<1x128x64xf32, #tpu.memory_space<vmem>> -> memref<128x64xf32, #tpu.memory_space<vmem>>
      %dma_start3A_358 = arith.constant 0 : i32
      %dma_start3A_359 = tpu.memref_slice %arg7[%add3A_352, %dma_start3A_358] : memref<160x128xi32, #tpu.memory_space<vmem>> -> memref<1x128xi32, #tpu.memory_space<vmem>>
      %dma_start3A_360 = tpu.memref_squeeze %dma_start3A_359 : memref<1x128xi32, #tpu.memory_space<vmem>> -> memref<128xi32, #tpu.memory_space<vmem>>
      %dma_start3A_361 = arith.constant 0 : i32
      %dma_start3A_362 = arith.constant 0 : i32
      %dma_start3A_363 = tpu.memref_slice %arg10[%dma_start3A_361, %dma_start3A_362] : memref<10112x64xf32, #tpu.memory_space<vmem_shared>> -> memref<10112x64xf32, #tpu.memory_space<vmem_shared>>
      tpu.enqueue_indirect_dma source(%dma_start3A_363 : memref<10112x64xf32, #tpu.memory_space<vmem_shared>>) target(%dma_start3A_357 : memref<128x64xf32, #tpu.memory_space<vmem>>) offsets(%dma_start3A_360 : memref<128xi32, #tpu.memory_space<vmem>>) semaphore(%arg12 : memref<!tpu.dma_semaphore, #tpu.memory_space<semaphore_mem>>)
      %dma_wait3A_364 = arith.constant 0 : i32
      %dma_wait3A_365 = arith.constant 0 : i32
      %dma_wait3A_366 = arith.constant 0 : i32
      %dma_wait3A_367 = tpu.memref_slice %arg9[%dma_wait3A_364, %dma_wait3A_365, %dma_wait3A_366] : memref<2x128x64xf32, #tpu.memory_space<vmem>> -> memref<1x128x64xf32, #tpu.memory_space<vmem>>
      %dma_wait3A_368 = tpu.memref_squeeze %dma_wait3A_367 : memref<1x128x64xf32, #tpu.memory_space<vmem>> -> memref<128x64xf32, #tpu.memory_space<vmem>>
      %dma_wait3A_369 = arith.constant 0 : i32
      %dma_wait3A_370 = tpu.memref_slice %arg7[%add3A_352, %dma_wait3A_369] : memref<160x128xi32, #tpu.memory_space<vmem>> -> memref<1x128xi32, #tpu.memory_space<vmem>>
      %dma_wait3A_371 = tpu.memref_squeeze %dma_wait3A_370 : memref<1x128xi32, #tpu.memory_space<vmem>> -> memref<128xi32, #tpu.memory_space<vmem>>
      %dma_wait3A_372 = arith.constant 0 : i32
      %dma_wait3A_373 = arith.constant 0 : i32
      %dma_wait3A_374 = tpu.memref_slice %arg10[%dma_wait3A_372, %dma_wait3A_373] : memref<10112x64xf32, #tpu.memory_space<vmem_shared>> -> memref<10112x64xf32, #tpu.memory_space<vmem_shared>>
      tpu.wait_indirect_dma semaphore(%arg12 : memref<!tpu.dma_semaphore, #tpu.memory_space<semaphore_mem>>) src(%dma_wait3A_374 : memref<10112x64xf32, #tpu.memory_space<vmem_shared>>) dst(%dma_wait3A_368 : memref<128x64xf32, #tpu.memory_space<vmem>>)
      %dma_start3A_375 = arith.constant 0 : i32
      %dma_start3A_376 = arith.constant 5 : i32
      %dma_start3A_377 = arith.constant 0 : i32
      %dma_start3A_378 = arith.constant 0 : i32
      %dma_start3A_379 = tpu.memref_slice %arg9[%dma_start3A_375, %dma_start3A_377, %dma_start3A_378] : memref<2x128x64xf32, #tpu.memory_space<vmem>> -> memref<1x128x64xf32, #tpu.memory_space<vmem>>
      %dma_start3A_380 = tpu.memref_squeeze %dma_start3A_379 : memref<1x128x64xf32, #tpu.memory_space<vmem>> -> memref<128x64xf32, #tpu.memory_space<vmem>>
      %dma_start3A_381 = arith.constant 0 : i32
      %dma_start3A_382 = tpu.memref_slice %arg8[%dma_start3A_376, %dma_start3A_381] : memref<16x128xi32, #tpu.memory_space<vmem>> -> memref<1x128xi32, #tpu.memory_space<vmem>>
      %dma_start3A_383 = tpu.memref_squeeze %dma_start3A_382 : memref<1x128xi32, #tpu.memory_space<vmem>> -> memref<128xi32, #tpu.memory_space<vmem>>
      %dma_start3A_384 = arith.constant 0 : i32
      %dma_start3A_385 = arith.constant 0 : i32
      %dma_start3A_386 = tpu.memref_slice %arg11[%dma_start3A_384, %dma_start3A_385] : memref<10112x64xf32, #tpu.memory_space<vmem_shared>> -> memref<10112x64xf32, #tpu.memory_space<vmem_shared>>
      tpu.enqueue_indirect_dma source(%dma_start3A_380 : memref<128x64xf32, #tpu.memory_space<vmem>>) target(%dma_start3A_386 : memref<10112x64xf32, #tpu.memory_space<vmem_shared>>) offsets(%dma_start3A_383 : memref<128xi32, #tpu.memory_space<vmem>>) semaphore(%arg14 : memref<!tpu.dma_semaphore, #tpu.memory_space<semaphore_mem>>) {add = true}
      %dma_wait3A_387 = arith.constant 0 : i32
      %dma_wait3A_388 = arith.constant 5 : i32
      %dma_wait3A_389 = arith.constant 0 : i32
      %dma_wait3A_390 = arith.constant 0 : i32
      %dma_wait3A_391 = tpu.memref_slice %arg9[%dma_wait3A_387, %dma_wait3A_389, %dma_wait3A_390] : memref<2x128x64xf32, #tpu.memory_space<vmem>> -> memref<1x128x64xf32, #tpu.memory_space<vmem>>
      %dma_wait3A_392 = tpu.memref_squeeze %dma_wait3A_391 : memref<1x128x64xf32, #tpu.memory_space<vmem>> -> memref<128x64xf32, #tpu.memory_space<vmem>>
      %dma_wait3A_393 = arith.constant 0 : i32
      %dma_wait3A_394 = tpu.memref_slice %arg8[%dma_wait3A_388, %dma_wait3A_393] : memref<16x128xi32, #tpu.memory_space<vmem>> -> memref<1x128xi32, #tpu.memory_space<vmem>>
      %dma_wait3A_395 = tpu.memref_squeeze %dma_wait3A_394 : memref<1x128xi32, #tpu.memory_space<vmem>> -> memref<128xi32, #tpu.memory_space<vmem>>
      %dma_wait3A_396 = arith.constant 0 : i32
      %dma_wait3A_397 = arith.constant 0 : i32
      %dma_wait3A_398 = tpu.memref_slice %arg11[%dma_wait3A_396, %dma_wait3A_397] : memref<10112x64xf32, #tpu.memory_space<vmem_shared>> -> memref<10112x64xf32, #tpu.memory_space<vmem_shared>>
      tpu.wait_indirect_dma semaphore(%arg14 : memref<!tpu.dma_semaphore, #tpu.memory_space<semaphore_mem>>) src(%dma_wait3A_392 : memref<128x64xf32, #tpu.memory_space<vmem>>) dst(%dma_wait3A_398 : memref<10112x64xf32, #tpu.memory_space<vmem_shared>>)
      %mul3A_399 = arith.constant 16 : i32
      %mul3A_400 = arith.muli %scan3A_86, %mul3A_399 : i32
      %add3A_401 = arith.constant 6 : i32
      %add3A_402 = arith.addi %mul3A_400, %add3A_401 : i32
      %dma_start3A_403 = arith.constant 0 : i32
      %dma_start3A_404 = arith.constant 0 : i32
      %dma_start3A_405 = arith.constant 0 : i32
      %dma_start3A_406 = tpu.memref_slice %arg9[%dma_start3A_403, %dma_start3A_404, %dma_start3A_405] : memref<2x128x64xf32, #tpu.memory_space<vmem>> -> memref<1x128x64xf32, #tpu.memory_space<vmem>>
      %dma_start3A_407 = tpu.memref_squeeze %dma_start3A_406 : memref<1x128x64xf32, #tpu.memory_space<vmem>> -> memref<128x64xf32, #tpu.memory_space<vmem>>
      %dma_start3A_408 = arith.constant 0 : i32
      %dma_start3A_409 = tpu.memref_slice %arg7[%add3A_402, %dma_start3A_408] : memref<160x128xi32, #tpu.memory_space<vmem>> -> memref<1x128xi32, #tpu.memory_space<vmem>>
      %dma_start3A_410 = tpu.memref_squeeze %dma_start3A_409 : memref<1x128xi32, #tpu.memory_space<vmem>> -> memref<128xi32, #tpu.memory_space<vmem>>
      %dma_start3A_411 = arith.constant 0 : i32
      %dma_start3A_412 = arith.constant 0 : i32
      %dma_start3A_413 = tpu.memref_slice %arg10[%dma_start3A_411, %dma_start3A_412] : memref<10112x64xf32, #tpu.memory_space<vmem_shared>> -> memref<10112x64xf32, #tpu.memory_space<vmem_shared>>
      tpu.enqueue_indirect_dma source(%dma_start3A_413 : memref<10112x64xf32, #tpu.memory_space<vmem_shared>>) target(%dma_start3A_407 : memref<128x64xf32, #tpu.memory_space<vmem>>) offsets(%dma_start3A_410 : memref<128xi32, #tpu.memory_space<vmem>>) semaphore(%arg12 : memref<!tpu.dma_semaphore, #tpu.memory_space<semaphore_mem>>)
      %dma_wait3A_414 = arith.constant 0 : i32
      %dma_wait3A_415 = arith.constant 0 : i32
      %dma_wait3A_416 = arith.constant 0 : i32
      %dma_wait3A_417 = tpu.memref_slice %arg9[%dma_wait3A_414, %dma_wait3A_415, %dma_wait3A_416] : memref<2x128x64xf32, #tpu.memory_space<vmem>> -> memref<1x128x64xf32, #tpu.memory_space<vmem>>
      %dma_wait3A_418 = tpu.memref_squeeze %dma_wait3A_417 : memref<1x128x64xf32, #tpu.memory_space<vmem>> -> memref<128x64xf32, #tpu.memory_space<vmem>>
      %dma_wait3A_419 = arith.constant 0 : i32
      %dma_wait3A_420 = tpu.memref_slice %arg7[%add3A_402, %dma_wait3A_419] : memref<160x128xi32, #tpu.memory_space<vmem>> -> memref<1x128xi32, #tpu.memory_space<vmem>>
      %dma_wait3A_421 = tpu.memref_squeeze %dma_wait3A_420 : memref<1x128xi32, #tpu.memory_space<vmem>> -> memref<128xi32, #tpu.memory_space<vmem>>
      %dma_wait3A_422 = arith.constant 0 : i32
      %dma_wait3A_423 = arith.constant 0 : i32
      %dma_wait3A_424 = tpu.memref_slice %arg10[%dma_wait3A_422, %dma_wait3A_423] : memref<10112x64xf32, #tpu.memory_space<vmem_shared>> -> memref<10112x64xf32, #tpu.memory_space<vmem_shared>>
      tpu.wait_indirect_dma semaphore(%arg12 : memref<!tpu.dma_semaphore, #tpu.memory_space<semaphore_mem>>) src(%dma_wait3A_424 : memref<10112x64xf32, #tpu.memory_space<vmem_shared>>) dst(%dma_wait3A_418 : memref<128x64xf32, #tpu.memory_space<vmem>>)
      %dma_start3A_425 = arith.constant 0 : i32
      %dma_start3A_426 = arith.constant 6 : i32
      %dma_start3A_427 = arith.constant 0 : i32
      %dma_start3A_428 = arith.constant 0 : i32
      %dma_start3A_429 = tpu.memref_slice %arg9[%dma_start3A_425, %dma_start3A_427, %dma_start3A_428] : memref<2x128x64xf32, #tpu.memory_space<vmem>> -> memref<1x128x64xf32, #tpu.memory_space<vmem>>
      %dma_start3A_430 = tpu.memref_squeeze %dma_start3A_429 : memref<1x128x64xf32, #tpu.memory_space<vmem>> -> memref<128x64xf32, #tpu.memory_space<vmem>>
      %dma_start3A_431 = arith.constant 0 : i32
      %dma_start3A_432 = tpu.memref_slice %arg8[%dma_start3A_426, %dma_start3A_431] : memref<16x128xi32, #tpu.memory_space<vmem>> -> memref<1x128xi32, #tpu.memory_space<vmem>>
      %dma_start3A_433 = tpu.memref_squeeze %dma_start3A_432 : memref<1x128xi32, #tpu.memory_space<vmem>> -> memref<128xi32, #tpu.memory_space<vmem>>
      %dma_start3A_434 = arith.constant 0 : i32
      %dma_start3A_435 = arith.constant 0 : i32
      %dma_start3A_436 = tpu.memref_slice %arg11[%dma_start3A_434, %dma_start3A_435] : memref<10112x64xf32, #tpu.memory_space<vmem_shared>> -> memref<10112x64xf32, #tpu.memory_space<vmem_shared>>
      tpu.enqueue_indirect_dma source(%dma_start3A_430 : memref<128x64xf32, #tpu.memory_space<vmem>>) target(%dma_start3A_436 : memref<10112x64xf32, #tpu.memory_space<vmem_shared>>) offsets(%dma_start3A_433 : memref<128xi32, #tpu.memory_space<vmem>>) semaphore(%arg14 : memref<!tpu.dma_semaphore, #tpu.memory_space<semaphore_mem>>) {add = true}
      %dma_wait3A_437 = arith.constant 0 : i32
      %dma_wait3A_438 = arith.constant 6 : i32
      %dma_wait3A_439 = arith.constant 0 : i32
      %dma_wait3A_440 = arith.constant 0 : i32
      %dma_wait3A_441 = tpu.memref_slice %arg9[%dma_wait3A_437, %dma_wait3A_439, %dma_wait3A_440] : memref<2x128x64xf32, #tpu.memory_space<vmem>> -> memref<1x128x64xf32, #tpu.memory_space<vmem>>
      %dma_wait3A_442 = tpu.memref_squeeze %dma_wait3A_441 : memref<1x128x64xf32, #tpu.memory_space<vmem>> -> memref<128x64xf32, #tpu.memory_space<vmem>>
      %dma_wait3A_443 = arith.constant 0 : i32
      %dma_wait3A_444 = tpu.memref_slice %arg8[%dma_wait3A_438, %dma_wait3A_443] : memref<16x128xi32, #tpu.memory_space<vmem>> -> memref<1x128xi32, #tpu.memory_space<vmem>>
      %dma_wait3A_445 = tpu.memref_squeeze %dma_wait3A_444 : memref<1x128xi32, #tpu.memory_space<vmem>> -> memref<128xi32, #tpu.memory_space<vmem>>
      %dma_wait3A_446 = arith.constant 0 : i32
      %dma_wait3A_447 = arith.constant 0 : i32
      %dma_wait3A_448 = tpu.memref_slice %arg11[%dma_wait3A_446, %dma_wait3A_447] : memref<10112x64xf32, #tpu.memory_space<vmem_shared>> -> memref<10112x64xf32, #tpu.memory_space<vmem_shared>>
      tpu.wait_indirect_dma semaphore(%arg14 : memref<!tpu.dma_semaphore, #tpu.memory_space<semaphore_mem>>) src(%dma_wait3A_442 : memref<128x64xf32, #tpu.memory_space<vmem>>) dst(%dma_wait3A_448 : memref<10112x64xf32, #tpu.memory_space<vmem_shared>>)
      %mul3A_449 = arith.constant 16 : i32
      %mul3A_450 = arith.muli %scan3A_86, %mul3A_449 : i32
      %add3A_451 = arith.constant 7 : i32
      %add3A_452 = arith.addi %mul3A_450, %add3A_451 : i32
      %dma_start3A_453 = arith.constant 0 : i32
      %dma_start3A_454 = arith.constant 0 : i32
      %dma_start3A_455 = arith.constant 0 : i32
      %dma_start3A_456 = tpu.memref_slice %arg9[%dma_start3A_453, %dma_start3A_454, %dma_start3A_455] : memref<2x128x64xf32, #tpu.memory_space<vmem>> -> memref<1x128x64xf32, #tpu.memory_space<vmem>>
      %dma_start3A_457 = tpu.memref_squeeze %dma_start3A_456 : memref<1x128x64xf32, #tpu.memory_space<vmem>> -> memref<128x64xf32, #tpu.memory_space<vmem>>
      %dma_start3A_458 = arith.constant 0 : i32
      %dma_start3A_459 = tpu.memref_slice %arg7[%add3A_452, %dma_start3A_458] : memref<160x128xi32, #tpu.memory_space<vmem>> -> memref<1x128xi32, #tpu.memory_space<vmem>>
      %dma_start3A_460 = tpu.memref_squeeze %dma_start3A_459 : memref<1x128xi32, #tpu.memory_space<vmem>> -> memref<128xi32, #tpu.memory_space<vmem>>
      %dma_start3A_461 = arith.constant 0 : i32
      %dma_start3A_462 = arith.constant 0 : i32
      %dma_start3A_463 = tpu.memref_slice %arg10[%dma_start3A_461, %dma_start3A_462] : memref<10112x64xf32, #tpu.memory_space<vmem_shared>> -> memref<10112x64xf32, #tpu.memory_space<vmem_shared>>
      tpu.enqueue_indirect_dma source(%dma_start3A_463 : memref<10112x64xf32, #tpu.memory_space<vmem_shared>>) target(%dma_start3A_457 : memref<128x64xf32, #tpu.memory_space<vmem>>) offsets(%dma_start3A_460 : memref<128xi32, #tpu.memory_space<vmem>>) semaphore(%arg12 : memref<!tpu.dma_semaphore, #tpu.memory_space<semaphore_mem>>)
      %dma_wait3A_464 = arith.constant 0 : i32
      %dma_wait3A_465 = arith.constant 0 : i32
      %dma_wait3A_466 = arith.constant 0 : i32
      %dma_wait3A_467 = tpu.memref_slice %arg9[%dma_wait3A_464, %dma_wait3A_465, %dma_wait3A_466] : memref<2x128x64xf32, #tpu.memory_space<vmem>> -> memref<1x128x64xf32, #tpu.memory_space<vmem>>
      %dma_wait3A_468 = tpu.memref_squeeze %dma_wait3A_467 : memref<1x128x64xf32, #tpu.memory_space<vmem>> -> memref<128x64xf32, #tpu.memory_space<vmem>>
      %dma_wait3A_469 = arith.constant 0 : i32
      %dma_wait3A_470 = tpu.memref_slice %arg7[%add3A_452, %dma_wait3A_469] : memref<160x128xi32, #tpu.memory_space<vmem>> -> memref<1x128xi32, #tpu.memory_space<vmem>>
      %dma_wait3A_471 = tpu.memref_squeeze %dma_wait3A_470 : memref<1x128xi32, #tpu.memory_space<vmem>> -> memref<128xi32, #tpu.memory_space<vmem>>
      %dma_wait3A_472 = arith.constant 0 : i32
      %dma_wait3A_473 = arith.constant 0 : i32
      %dma_wait3A_474 = tpu.memref_slice %arg10[%dma_wait3A_472, %dma_wait3A_473] : memref<10112x64xf32, #tpu.memory_space<vmem_shared>> -> memref<10112x64xf32, #tpu.memory_space<vmem_shared>>
      tpu.wait_indirect_dma semaphore(%arg12 : memref<!tpu.dma_semaphore, #tpu.memory_space<semaphore_mem>>) src(%dma_wait3A_474 : memref<10112x64xf32, #tpu.memory_space<vmem_shared>>) dst(%dma_wait3A_468 : memref<128x64xf32, #tpu.memory_space<vmem>>)
      %dma_start3A_475 = arith.constant 0 : i32
      %dma_start3A_476 = arith.constant 7 : i32
      %dma_start3A_477 = arith.constant 0 : i32
      %dma_start3A_478 = arith.constant 0 : i32
      %dma_start3A_479 = tpu.memref_slice %arg9[%dma_start3A_475, %dma_start3A_477, %dma_start3A_478] : memref<2x128x64xf32, #tpu.memory_space<vmem>> -> memref<1x128x64xf32, #tpu.memory_space<vmem>>
      %dma_start3A_480 = tpu.memref_squeeze %dma_start3A_479 : memref<1x128x64xf32, #tpu.memory_space<vmem>> -> memref<128x64xf32, #tpu.memory_space<vmem>>
      %dma_start3A_481 = arith.constant 0 : i32
      %dma_start3A_482 = tpu.memref_slice %arg8[%dma_start3A_476, %dma_start3A_481] : memref<16x128xi32, #tpu.memory_space<vmem>> -> memref<1x128xi32, #tpu.memory_space<vmem>>
      %dma_start3A_483 = tpu.memref_squeeze %dma_start3A_482 : memref<1x128xi32, #tpu.memory_space<vmem>> -> memref<128xi32, #tpu.memory_space<vmem>>
      %dma_start3A_484 = arith.constant 0 : i32
      %dma_start3A_485 = arith.constant 0 : i32
      %dma_start3A_486 = tpu.memref_slice %arg11[%dma_start3A_484, %dma_start3A_485] : memref<10112x64xf32, #tpu.memory_space<vmem_shared>> -> memref<10112x64xf32, #tpu.memory_space<vmem_shared>>
      tpu.enqueue_indirect_dma source(%dma_start3A_480 : memref<128x64xf32, #tpu.memory_space<vmem>>) target(%dma_start3A_486 : memref<10112x64xf32, #tpu.memory_space<vmem_shared>>) offsets(%dma_start3A_483 : memref<128xi32, #tpu.memory_space<vmem>>) semaphore(%arg14 : memref<!tpu.dma_semaphore, #tpu.memory_space<semaphore_mem>>) {add = true}
      %dma_wait3A_487 = arith.constant 0 : i32
      %dma_wait3A_488 = arith.constant 7 : i32
      %dma_wait3A_489 = arith.constant 0 : i32
      %dma_wait3A_490 = arith.constant 0 : i32
      %dma_wait3A_491 = tpu.memref_slice %arg9[%dma_wait3A_487, %dma_wait3A_489, %dma_wait3A_490] : memref<2x128x64xf32, #tpu.memory_space<vmem>> -> memref<1x128x64xf32, #tpu.memory_space<vmem>>
      %dma_wait3A_492 = tpu.memref_squeeze %dma_wait3A_491 : memref<1x128x64xf32, #tpu.memory_space<vmem>> -> memref<128x64xf32, #tpu.memory_space<vmem>>
      %dma_wait3A_493 = arith.constant 0 : i32
      %dma_wait3A_494 = tpu.memref_slice %arg8[%dma_wait3A_488, %dma_wait3A_493] : memref<16x128xi32, #tpu.memory_space<vmem>> -> memref<1x128xi32, #tpu.memory_space<vmem>>
      %dma_wait3A_495 = tpu.memref_squeeze %dma_wait3A_494 : memref<1x128xi32, #tpu.memory_space<vmem>> -> memref<128xi32, #tpu.memory_space<vmem>>
      %dma_wait3A_496 = arith.constant 0 : i32
      %dma_wait3A_497 = arith.constant 0 : i32
      %dma_wait3A_498 = tpu.memref_slice %arg11[%dma_wait3A_496, %dma_wait3A_497] : memref<10112x64xf32, #tpu.memory_space<vmem_shared>> -> memref<10112x64xf32, #tpu.memory_space<vmem_shared>>
      tpu.wait_indirect_dma semaphore(%arg14 : memref<!tpu.dma_semaphore, #tpu.memory_space<semaphore_mem>>) src(%dma_wait3A_492 : memref<128x64xf32, #tpu.memory_space<vmem>>) dst(%dma_wait3A_498 : memref<10112x64xf32, #tpu.memory_space<vmem_shared>>)
      %mul3A_499 = arith.constant 16 : i32
      %mul3A_500 = arith.muli %scan3A_86, %mul3A_499 : i32
      %add3A_501 = arith.constant 8 : i32
      %add3A_502 = arith.addi %mul3A_500, %add3A_501 : i32
      %dma_start3A_503 = arith.constant 0 : i32
      %dma_start3A_504 = arith.constant 0 : i32
      %dma_start3A_505 = arith.constant 0 : i32
      %dma_start3A_506 = tpu.memref_slice %arg9[%dma_start3A_503, %dma_start3A_504, %dma_start3A_505] : memref<2x128x64xf32, #tpu.memory_space<vmem>> -> memref<1x128x64xf32, #tpu.memory_space<vmem>>
      %dma_start3A_507 = tpu.memref_squeeze %dma_start3A_506 : memref<1x128x64xf32, #tpu.memory_space<vmem>> -> memref<128x64xf32, #tpu.memory_space<vmem>>
      %dma_start3A_508 = arith.constant 0 : i32
      %dma_start3A_509 = tpu.memref_slice %arg7[%add3A_502, %dma_start3A_508] : memref<160x128xi32, #tpu.memory_space<vmem>> -> memref<1x128xi32, #tpu.memory_space<vmem>>
      %dma_start3A_510 = tpu.memref_squeeze %dma_start3A_509 : memref<1x128xi32, #tpu.memory_space<vmem>> -> memref<128xi32, #tpu.memory_space<vmem>>
      %dma_start3A_511 = arith.constant 0 : i32
      %dma_start3A_512 = arith.constant 0 : i32
      %dma_start3A_513 = tpu.memref_slice %arg10[%dma_start3A_511, %dma_start3A_512] : memref<10112x64xf32, #tpu.memory_space<vmem_shared>> -> memref<10112x64xf32, #tpu.memory_space<vmem_shared>>
      tpu.enqueue_indirect_dma source(%dma_start3A_513 : memref<10112x64xf32, #tpu.memory_space<vmem_shared>>) target(%dma_start3A_507 : memref<128x64xf32, #tpu.memory_space<vmem>>) offsets(%dma_start3A_510 : memref<128xi32, #tpu.memory_space<vmem>>) semaphore(%arg12 : memref<!tpu.dma_semaphore, #tpu.memory_space<semaphore_mem>>)
      %dma_wait3A_514 = arith.constant 0 : i32
      %dma_wait3A_515 = arith.constant 0 : i32
      %dma_wait3A_516 = arith.constant 0 : i32
      %dma_wait3A_517 = tpu.memref_slice %arg9[%dma_wait3A_514, %dma_wait3A_515, %dma_wait3A_516] : memref<2x128x64xf32, #tpu.memory_space<vmem>> -> memref<1x128x64xf32, #tpu.memory_space<vmem>>
      %dma_wait3A_518 = tpu.memref_squeeze %dma_wait3A_517 : memref<1x128x64xf32, #tpu.memory_space<vmem>> -> memref<128x64xf32, #tpu.memory_space<vmem>>
      %dma_wait3A_519 = arith.constant 0 : i32
      %dma_wait3A_520 = tpu.memref_slice %arg7[%add3A_502, %dma_wait3A_519] : memref<160x128xi32, #tpu.memory_space<vmem>> -> memref<1x128xi32, #tpu.memory_space<vmem>>
      %dma_wait3A_521 = tpu.memref_squeeze %dma_wait3A_520 : memref<1x128xi32, #tpu.memory_space<vmem>> -> memref<128xi32, #tpu.memory_space<vmem>>
      %dma_wait3A_522 = arith.constant 0 : i32
      %dma_wait3A_523 = arith.constant 0 : i32
      %dma_wait3A_524 = tpu.memref_slice %arg10[%dma_wait3A_522, %dma_wait3A_523] : memref<10112x64xf32, #tpu.memory_space<vmem_shared>> -> memref<10112x64xf32, #tpu.memory_space<vmem_shared>>
      tpu.wait_indirect_dma semaphore(%arg12 : memref<!tpu.dma_semaphore, #tpu.memory_space<semaphore_mem>>) src(%dma_wait3A_524 : memref<10112x64xf32, #tpu.memory_space<vmem_shared>>) dst(%dma_wait3A_518 : memref<128x64xf32, #tpu.memory_space<vmem>>)
      %dma_start3A_525 = arith.constant 0 : i32
      %dma_start3A_526 = arith.constant 8 : i32
      %dma_start3A_527 = arith.constant 0 : i32
      %dma_start3A_528 = arith.constant 0 : i32
      %dma_start3A_529 = tpu.memref_slice %arg9[%dma_start3A_525, %dma_start3A_527, %dma_start3A_528] : memref<2x128x64xf32, #tpu.memory_space<vmem>> -> memref<1x128x64xf32, #tpu.memory_space<vmem>>
      %dma_start3A_530 = tpu.memref_squeeze %dma_start3A_529 : memref<1x128x64xf32, #tpu.memory_space<vmem>> -> memref<128x64xf32, #tpu.memory_space<vmem>>
      %dma_start3A_531 = arith.constant 0 : i32
      %dma_start3A_532 = tpu.memref_slice %arg8[%dma_start3A_526, %dma_start3A_531] : memref<16x128xi32, #tpu.memory_space<vmem>> -> memref<1x128xi32, #tpu.memory_space<vmem>>
      %dma_start3A_533 = tpu.memref_squeeze %dma_start3A_532 : memref<1x128xi32, #tpu.memory_space<vmem>> -> memref<128xi32, #tpu.memory_space<vmem>>
      %dma_start3A_534 = arith.constant 0 : i32
      %dma_start3A_535 = arith.constant 0 : i32
      %dma_start3A_536 = tpu.memref_slice %arg11[%dma_start3A_534, %dma_start3A_535] : memref<10112x64xf32, #tpu.memory_space<vmem_shared>> -> memref<10112x64xf32, #tpu.memory_space<vmem_shared>>
      tpu.enqueue_indirect_dma source(%dma_start3A_530 : memref<128x64xf32, #tpu.memory_space<vmem>>) target(%dma_start3A_536 : memref<10112x64xf32, #tpu.memory_space<vmem_shared>>) offsets(%dma_start3A_533 : memref<128xi32, #tpu.memory_space<vmem>>) semaphore(%arg14 : memref<!tpu.dma_semaphore, #tpu.memory_space<semaphore_mem>>) {add = true}
      %dma_wait3A_537 = arith.constant 0 : i32
      %dma_wait3A_538 = arith.constant 8 : i32
      %dma_wait3A_539 = arith.constant 0 : i32
      %dma_wait3A_540 = arith.constant 0 : i32
      %dma_wait3A_541 = tpu.memref_slice %arg9[%dma_wait3A_537, %dma_wait3A_539, %dma_wait3A_540] : memref<2x128x64xf32, #tpu.memory_space<vmem>> -> memref<1x128x64xf32, #tpu.memory_space<vmem>>
      %dma_wait3A_542 = tpu.memref_squeeze %dma_wait3A_541 : memref<1x128x64xf32, #tpu.memory_space<vmem>> -> memref<128x64xf32, #tpu.memory_space<vmem>>
      %dma_wait3A_543 = arith.constant 0 : i32
      %dma_wait3A_544 = tpu.memref_slice %arg8[%dma_wait3A_538, %dma_wait3A_543] : memref<16x128xi32, #tpu.memory_space<vmem>> -> memref<1x128xi32, #tpu.memory_space<vmem>>
      %dma_wait3A_545 = tpu.memref_squeeze %dma_wait3A_544 : memref<1x128xi32, #tpu.memory_space<vmem>> -> memref<128xi32, #tpu.memory_space<vmem>>
      %dma_wait3A_546 = arith.constant 0 : i32
      %dma_wait3A_547 = arith.constant 0 : i32
      %dma_wait3A_548 = tpu.memref_slice %arg11[%dma_wait3A_546, %dma_wait3A_547] : memref<10112x64xf32, #tpu.memory_space<vmem_shared>> -> memref<10112x64xf32, #tpu.memory_space<vmem_shared>>
      tpu.wait_indirect_dma semaphore(%arg14 : memref<!tpu.dma_semaphore, #tpu.memory_space<semaphore_mem>>) src(%dma_wait3A_542 : memref<128x64xf32, #tpu.memory_space<vmem>>) dst(%dma_wait3A_548 : memref<10112x64xf32, #tpu.memory_space<vmem_shared>>)
      %mul3A_549 = arith.constant 16 : i32
      %mul3A_550 = arith.muli %scan3A_86, %mul3A_549 : i32
      %add3A_551 = arith.constant 9 : i32
      %add3A_552 = arith.addi %mul3A_550, %add3A_551 : i32
      %dma_start3A_553 = arith.constant 0 : i32
      %dma_start3A_554 = arith.constant 0 : i32
      %dma_start3A_555 = arith.constant 0 : i32
      %dma_start3A_556 = tpu.memref_slice %arg9[%dma_start3A_553, %dma_start3A_554, %dma_start3A_555] : memref<2x128x64xf32, #tpu.memory_space<vmem>> -> memref<1x128x64xf32, #tpu.memory_space<vmem>>
      %dma_start3A_557 = tpu.memref_squeeze %dma_start3A_556 : memref<1x128x64xf32, #tpu.memory_space<vmem>> -> memref<128x64xf32, #tpu.memory_space<vmem>>
      %dma_start3A_558 = arith.constant 0 : i32
      %dma_start3A_559 = tpu.memref_slice %arg7[%add3A_552, %dma_start3A_558] : memref<160x128xi32, #tpu.memory_space<vmem>> -> memref<1x128xi32, #tpu.memory_space<vmem>>
      %dma_start3A_560 = tpu.memref_squeeze %dma_start3A_559 : memref<1x128xi32, #tpu.memory_space<vmem>> -> memref<128xi32, #tpu.memory_space<vmem>>
      %dma_start3A_561 = arith.constant 0 : i32
      %dma_start3A_562 = arith.constant 0 : i32
      %dma_start3A_563 = tpu.memref_slice %arg10[%dma_start3A_561, %dma_start3A_562] : memref<10112x64xf32, #tpu.memory_space<vmem_shared>> -> memref<10112x64xf32, #tpu.memory_space<vmem_shared>>
      tpu.enqueue_indirect_dma source(%dma_start3A_563 : memref<10112x64xf32, #tpu.memory_space<vmem_shared>>) target(%dma_start3A_557 : memref<128x64xf32, #tpu.memory_space<vmem>>) offsets(%dma_start3A_560 : memref<128xi32, #tpu.memory_space<vmem>>) semaphore(%arg12 : memref<!tpu.dma_semaphore, #tpu.memory_space<semaphore_mem>>)
      %dma_wait3A_564 = arith.constant 0 : i32
      %dma_wait3A_565 = arith.constant 0 : i32
      %dma_wait3A_566 = arith.constant 0 : i32
      %dma_wait3A_567 = tpu.memref_slice %arg9[%dma_wait3A_564, %dma_wait3A_565, %dma_wait3A_566] : memref<2x128x64xf32, #tpu.memory_space<vmem>> -> memref<1x128x64xf32, #tpu.memory_space<vmem>>
      %dma_wait3A_568 = tpu.memref_squeeze %dma_wait3A_567 : memref<1x128x64xf32, #tpu.memory_space<vmem>> -> memref<128x64xf32, #tpu.memory_space<vmem>>
      %dma_wait3A_569 = arith.constant 0 : i32
      %dma_wait3A_570 = tpu.memref_slice %arg7[%add3A_552, %dma_wait3A_569] : memref<160x128xi32, #tpu.memory_space<vmem>> -> memref<1x128xi32, #tpu.memory_space<vmem>>
      %dma_wait3A_571 = tpu.memref_squeeze %dma_wait3A_570 : memref<1x128xi32, #tpu.memory_space<vmem>> -> memref<128xi32, #tpu.memory_space<vmem>>
      %dma_wait3A_572 = arith.constant 0 : i32
      %dma_wait3A_573 = arith.constant 0 : i32
      %dma_wait3A_574 = tpu.memref_slice %arg10[%dma_wait3A_572, %dma_wait3A_573] : memref<10112x64xf32, #tpu.memory_space<vmem_shared>> -> memref<10112x64xf32, #tpu.memory_space<vmem_shared>>
      tpu.wait_indirect_dma semaphore(%arg12 : memref<!tpu.dma_semaphore, #tpu.memory_space<semaphore_mem>>) src(%dma_wait3A_574 : memref<10112x64xf32, #tpu.memory_space<vmem_shared>>) dst(%dma_wait3A_568 : memref<128x64xf32, #tpu.memory_space<vmem>>)
      %dma_start3A_575 = arith.constant 0 : i32
      %dma_start3A_576 = arith.constant 9 : i32
      %dma_start3A_577 = arith.constant 0 : i32
      %dma_start3A_578 = arith.constant 0 : i32
      %dma_start3A_579 = tpu.memref_slice %arg9[%dma_start3A_575, %dma_start3A_577, %dma_start3A_578] : memref<2x128x64xf32, #tpu.memory_space<vmem>> -> memref<1x128x64xf32, #tpu.memory_space<vmem>>
      %dma_start3A_580 = tpu.memref_squeeze %dma_start3A_579 : memref<1x128x64xf32, #tpu.memory_space<vmem>> -> memref<128x64xf32, #tpu.memory_space<vmem>>
      %dma_start3A_581 = arith.constant 0 : i32
      %dma_start3A_582 = tpu.memref_slice %arg8[%dma_start3A_576, %dma_start3A_581] : memref<16x128xi32, #tpu.memory_space<vmem>> -> memref<1x128xi32, #tpu.memory_space<vmem>>
      %dma_start3A_583 = tpu.memref_squeeze %dma_start3A_582 : memref<1x128xi32, #tpu.memory_space<vmem>> -> memref<128xi32, #tpu.memory_space<vmem>>
      %dma_start3A_584 = arith.constant 0 : i32
      %dma_start3A_585 = arith.constant 0 : i32
      %dma_start3A_586 = tpu.memref_slice %arg11[%dma_start3A_584, %dma_start3A_585] : memref<10112x64xf32, #tpu.memory_space<vmem_shared>> -> memref<10112x64xf32, #tpu.memory_space<vmem_shared>>
      tpu.enqueue_indirect_dma source(%dma_start3A_580 : memref<128x64xf32, #tpu.memory_space<vmem>>) target(%dma_start3A_586 : memref<10112x64xf32, #tpu.memory_space<vmem_shared>>) offsets(%dma_start3A_583 : memref<128xi32, #tpu.memory_space<vmem>>) semaphore(%arg14 : memref<!tpu.dma_semaphore, #tpu.memory_space<semaphore_mem>>) {add = true}
      %dma_wait3A_587 = arith.constant 0 : i32
      %dma_wait3A_588 = arith.constant 9 : i32
      %dma_wait3A_589 = arith.constant 0 : i32
      %dma_wait3A_590 = arith.constant 0 : i32
      %dma_wait3A_591 = tpu.memref_slice %arg9[%dma_wait3A_587, %dma_wait3A_589, %dma_wait3A_590] : memref<2x128x64xf32, #tpu.memory_space<vmem>> -> memref<1x128x64xf32, #tpu.memory_space<vmem>>
      %dma_wait3A_592 = tpu.memref_squeeze %dma_wait3A_591 : memref<1x128x64xf32, #tpu.memory_space<vmem>> -> memref<128x64xf32, #tpu.memory_space<vmem>>
      %dma_wait3A_593 = arith.constant 0 : i32
      %dma_wait3A_594 = tpu.memref_slice %arg8[%dma_wait3A_588, %dma_wait3A_593] : memref<16x128xi32, #tpu.memory_space<vmem>> -> memref<1x128xi32, #tpu.memory_space<vmem>>
      %dma_wait3A_595 = tpu.memref_squeeze %dma_wait3A_594 : memref<1x128xi32, #tpu.memory_space<vmem>> -> memref<128xi32, #tpu.memory_space<vmem>>
      %dma_wait3A_596 = arith.constant 0 : i32
      %dma_wait3A_597 = arith.constant 0 : i32
      %dma_wait3A_598 = tpu.memref_slice %arg11[%dma_wait3A_596, %dma_wait3A_597] : memref<10112x64xf32, #tpu.memory_space<vmem_shared>> -> memref<10112x64xf32, #tpu.memory_space<vmem_shared>>
      tpu.wait_indirect_dma semaphore(%arg14 : memref<!tpu.dma_semaphore, #tpu.memory_space<semaphore_mem>>) src(%dma_wait3A_592 : memref<128x64xf32, #tpu.memory_space<vmem>>) dst(%dma_wait3A_598 : memref<10112x64xf32, #tpu.memory_space<vmem_shared>>)
      %mul3A_599 = arith.constant 16 : i32
      %mul3A_600 = arith.muli %scan3A_86, %mul3A_599 : i32
      %add3A_601 = arith.constant 10 : i32
      %add3A_602 = arith.addi %mul3A_600, %add3A_601 : i32
      %dma_start3A_603 = arith.constant 0 : i32
      %dma_start3A_604 = arith.constant 0 : i32
      %dma_start3A_605 = arith.constant 0 : i32
      %dma_start3A_606 = tpu.memref_slice %arg9[%dma_start3A_603, %dma_start3A_604, %dma_start3A_605] : memref<2x128x64xf32, #tpu.memory_space<vmem>> -> memref<1x128x64xf32, #tpu.memory_space<vmem>>
      %dma_start3A_607 = tpu.memref_squeeze %dma_start3A_606 : memref<1x128x64xf32, #tpu.memory_space<vmem>> -> memref<128x64xf32, #tpu.memory_space<vmem>>
      %dma_start3A_608 = arith.constant 0 : i32
      %dma_start3A_609 = tpu.memref_slice %arg7[%add3A_602, %dma_start3A_608] : memref<160x128xi32, #tpu.memory_space<vmem>> -> memref<1x128xi32, #tpu.memory_space<vmem>>
      %dma_start3A_610 = tpu.memref_squeeze %dma_start3A_609 : memref<1x128xi32, #tpu.memory_space<vmem>> -> memref<128xi32, #tpu.memory_space<vmem>>
      %dma_start3A_611 = arith.constant 0 : i32
      %dma_start3A_612 = arith.constant 0 : i32
      %dma_start3A_613 = tpu.memref_slice %arg10[%dma_start3A_611, %dma_start3A_612] : memref<10112x64xf32, #tpu.memory_space<vmem_shared>> -> memref<10112x64xf32, #tpu.memory_space<vmem_shared>>
      tpu.enqueue_indirect_dma source(%dma_start3A_613 : memref<10112x64xf32, #tpu.memory_space<vmem_shared>>) target(%dma_start3A_607 : memref<128x64xf32, #tpu.memory_space<vmem>>) offsets(%dma_start3A_610 : memref<128xi32, #tpu.memory_space<vmem>>) semaphore(%arg12 : memref<!tpu.dma_semaphore, #tpu.memory_space<semaphore_mem>>)
      %dma_wait3A_614 = arith.constant 0 : i32
      %dma_wait3A_615 = arith.constant 0 : i32
      %dma_wait3A_616 = arith.constant 0 : i32
      %dma_wait3A_617 = tpu.memref_slice %arg9[%dma_wait3A_614, %dma_wait3A_615, %dma_wait3A_616] : memref<2x128x64xf32, #tpu.memory_space<vmem>> -> memref<1x128x64xf32, #tpu.memory_space<vmem>>
      %dma_wait3A_618 = tpu.memref_squeeze %dma_wait3A_617 : memref<1x128x64xf32, #tpu.memory_space<vmem>> -> memref<128x64xf32, #tpu.memory_space<vmem>>
      %dma_wait3A_619 = arith.constant 0 : i32
      %dma_wait3A_620 = tpu.memref_slice %arg7[%add3A_602, %dma_wait3A_619] : memref<160x128xi32, #tpu.memory_space<vmem>> -> memref<1x128xi32, #tpu.memory_space<vmem>>
      %dma_wait3A_621 = tpu.memref_squeeze %dma_wait3A_620 : memref<1x128xi32, #tpu.memory_space<vmem>> -> memref<128xi32, #tpu.memory_space<vmem>>
      %dma_wait3A_622 = arith.constant 0 : i32
      %dma_wait3A_623 = arith.constant 0 : i32
      %dma_wait3A_624 = tpu.memref_slice %arg10[%dma_wait3A_622, %dma_wait3A_623] : memref<10112x64xf32, #tpu.memory_space<vmem_shared>> -> memref<10112x64xf32, #tpu.memory_space<vmem_shared>>
      tpu.wait_indirect_dma semaphore(%arg12 : memref<!tpu.dma_semaphore, #tpu.memory_space<semaphore_mem>>) src(%dma_wait3A_624 : memref<10112x64xf32, #tpu.memory_space<vmem_shared>>) dst(%dma_wait3A_618 : memref<128x64xf32, #tpu.memory_space<vmem>>)
      %dma_start3A_625 = arith.constant 0 : i32
      %dma_start3A_626 = arith.constant 10 : i32
      %dma_start3A_627 = arith.constant 0 : i32
      %dma_start3A_628 = arith.constant 0 : i32
      %dma_start3A_629 = tpu.memref_slice %arg9[%dma_start3A_625, %dma_start3A_627, %dma_start3A_628] : memref<2x128x64xf32, #tpu.memory_space<vmem>> -> memref<1x128x64xf32, #tpu.memory_space<vmem>>
      %dma_start3A_630 = tpu.memref_squeeze %dma_start3A_629 : memref<1x128x64xf32, #tpu.memory_space<vmem>> -> memref<128x64xf32, #tpu.memory_space<vmem>>
      %dma_start3A_631 = arith.constant 0 : i32
      %dma_start3A_632 = tpu.memref_slice %arg8[%dma_start3A_626, %dma_start3A_631] : memref<16x128xi32, #tpu.memory_space<vmem>> -> memref<1x128xi32, #tpu.memory_space<vmem>>
      %dma_start3A_633 = tpu.memref_squeeze %dma_start3A_632 : memref<1x128xi32, #tpu.memory_space<vmem>> -> memref<128xi32, #tpu.memory_space<vmem>>
      %dma_start3A_634 = arith.constant 0 : i32
      %dma_start3A_635 = arith.constant 0 : i32
      %dma_start3A_636 = tpu.memref_slice %arg11[%dma_start3A_634, %dma_start3A_635] : memref<10112x64xf32, #tpu.memory_space<vmem_shared>> -> memref<10112x64xf32, #tpu.memory_space<vmem_shared>>
      tpu.enqueue_indirect_dma source(%dma_start3A_630 : memref<128x64xf32, #tpu.memory_space<vmem>>) target(%dma_start3A_636 : memref<10112x64xf32, #tpu.memory_space<vmem_shared>>) offsets(%dma_start3A_633 : memref<128xi32, #tpu.memory_space<vmem>>) semaphore(%arg14 : memref<!tpu.dma_semaphore, #tpu.memory_space<semaphore_mem>>) {add = true}
      %dma_wait3A_637 = arith.constant 0 : i32
      %dma_wait3A_638 = arith.constant 10 : i32
      %dma_wait3A_639 = arith.constant 0 : i32
      %dma_wait3A_640 = arith.constant 0 : i32
      %dma_wait3A_641 = tpu.memref_slice %arg9[%dma_wait3A_637, %dma_wait3A_639, %dma_wait3A_640] : memref<2x128x64xf32, #tpu.memory_space<vmem>> -> memref<1x128x64xf32, #tpu.memory_space<vmem>>
      %dma_wait3A_642 = tpu.memref_squeeze %dma_wait3A_641 : memref<1x128x64xf32, #tpu.memory_space<vmem>> -> memref<128x64xf32, #tpu.memory_space<vmem>>
      %dma_wait3A_643 = arith.constant 0 : i32
      %dma_wait3A_644 = tpu.memref_slice %arg8[%dma_wait3A_638, %dma_wait3A_643] : memref<16x128xi32, #tpu.memory_space<vmem>> -> memref<1x128xi32, #tpu.memory_space<vmem>>
      %dma_wait3A_645 = tpu.memref_squeeze %dma_wait3A_644 : memref<1x128xi32, #tpu.memory_space<vmem>> -> memref<128xi32, #tpu.memory_space<vmem>>
      %dma_wait3A_646 = arith.constant 0 : i32
      %dma_wait3A_647 = arith.constant 0 : i32
      %dma_wait3A_648 = tpu.memref_slice %arg11[%dma_wait3A_646, %dma_wait3A_647] : memref<10112x64xf32, #tpu.memory_space<vmem_shared>> -> memref<10112x64xf32, #tpu.memory_space<vmem_shared>>
      tpu.wait_indirect_dma semaphore(%arg14 : memref<!tpu.dma_semaphore, #tpu.memory_space<semaphore_mem>>) src(%dma_wait3A_642 : memref<128x64xf32, #tpu.memory_space<vmem>>) dst(%dma_wait3A_648 : memref<10112x64xf32, #tpu.memory_space<vmem_shared>>)
      %mul3A_649 = arith.constant 16 : i32
      %mul3A_650 = arith.muli %scan3A_86, %mul3A_649 : i32
      %add3A_651 = arith.constant 11 : i32
      %add3A_652 = arith.addi %mul3A_650, %add3A_651 : i32
      %dma_start3A_653 = arith.constant 0 : i32
      %dma_start3A_654 = arith.constant 0 : i32
      %dma_start3A_655 = arith.constant 0 : i32
      %dma_start3A_656 = tpu.memref_slice %arg9[%dma_start3A_653, %dma_start3A_654, %dma_start3A_655] : memref<2x128x64xf32, #tpu.memory_space<vmem>> -> memref<1x128x64xf32, #tpu.memory_space<vmem>>
      %dma_start3A_657 = tpu.memref_squeeze %dma_start3A_656 : memref<1x128x64xf32, #tpu.memory_space<vmem>> -> memref<128x64xf32, #tpu.memory_space<vmem>>
      %dma_start3A_658 = arith.constant 0 : i32
      %dma_start3A_659 = tpu.memref_slice %arg7[%add3A_652, %dma_start3A_658] : memref<160x128xi32, #tpu.memory_space<vmem>> -> memref<1x128xi32, #tpu.memory_space<vmem>>
      %dma_start3A_660 = tpu.memref_squeeze %dma_start3A_659 : memref<1x128xi32, #tpu.memory_space<vmem>> -> memref<128xi32, #tpu.memory_space<vmem>>
      %dma_start3A_661 = arith.constant 0 : i32
      %dma_start3A_662 = arith.constant 0 : i32
      %dma_start3A_663 = tpu.memref_slice %arg10[%dma_start3A_661, %dma_start3A_662] : memref<10112x64xf32, #tpu.memory_space<vmem_shared>> -> memref<10112x64xf32, #tpu.memory_space<vmem_shared>>
      tpu.enqueue_indirect_dma source(%dma_start3A_663 : memref<10112x64xf32, #tpu.memory_space<vmem_shared>>) target(%dma_start3A_657 : memref<128x64xf32, #tpu.memory_space<vmem>>) offsets(%dma_start3A_660 : memref<128xi32, #tpu.memory_space<vmem>>) semaphore(%arg12 : memref<!tpu.dma_semaphore, #tpu.memory_space<semaphore_mem>>)
      %dma_wait3A_664 = arith.constant 0 : i32
      %dma_wait3A_665 = arith.constant 0 : i32
      %dma_wait3A_666 = arith.constant 0 : i32
      %dma_wait3A_667 = tpu.memref_slice %arg9[%dma_wait3A_664, %dma_wait3A_665, %dma_wait3A_666] : memref<2x128x64xf32, #tpu.memory_space<vmem>> -> memref<1x128x64xf32, #tpu.memory_space<vmem>>
      %dma_wait3A_668 = tpu.memref_squeeze %dma_wait3A_667 : memref<1x128x64xf32, #tpu.memory_space<vmem>> -> memref<128x64xf32, #tpu.memory_space<vmem>>
      %dma_wait3A_669 = arith.constant 0 : i32
      %dma_wait3A_670 = tpu.memref_slice %arg7[%add3A_652, %dma_wait3A_669] : memref<160x128xi32, #tpu.memory_space<vmem>> -> memref<1x128xi32, #tpu.memory_space<vmem>>
      %dma_wait3A_671 = tpu.memref_squeeze %dma_wait3A_670 : memref<1x128xi32, #tpu.memory_space<vmem>> -> memref<128xi32, #tpu.memory_space<vmem>>
      %dma_wait3A_672 = arith.constant 0 : i32
      %dma_wait3A_673 = arith.constant 0 : i32
      %dma_wait3A_674 = tpu.memref_slice %arg10[%dma_wait3A_672, %dma_wait3A_673] : memref<10112x64xf32, #tpu.memory_space<vmem_shared>> -> memref<10112x64xf32, #tpu.memory_space<vmem_shared>>
      tpu.wait_indirect_dma semaphore(%arg12 : memref<!tpu.dma_semaphore, #tpu.memory_space<semaphore_mem>>) src(%dma_wait3A_674 : memref<10112x64xf32, #tpu.memory_space<vmem_shared>>) dst(%dma_wait3A_668 : memref<128x64xf32, #tpu.memory_space<vmem>>)
      %dma_start3A_675 = arith.constant 0 : i32
      %dma_start3A_676 = arith.constant 11 : i32
      %dma_start3A_677 = arith.constant 0 : i32
      %dma_start3A_678 = arith.constant 0 : i32
      %dma_start3A_679 = tpu.memref_slice %arg9[%dma_start3A_675, %dma_start3A_677, %dma_start3A_678] : memref<2x128x64xf32, #tpu.memory_space<vmem>> -> memref<1x128x64xf32, #tpu.memory_space<vmem>>
      %dma_start3A_680 = tpu.memref_squeeze %dma_start3A_679 : memref<1x128x64xf32, #tpu.memory_space<vmem>> -> memref<128x64xf32, #tpu.memory_space<vmem>>
      %dma_start3A_681 = arith.constant 0 : i32
      %dma_start3A_682 = tpu.memref_slice %arg8[%dma_start3A_676, %dma_start3A_681] : memref<16x128xi32, #tpu.memory_space<vmem>> -> memref<1x128xi32, #tpu.memory_space<vmem>>
      %dma_start3A_683 = tpu.memref_squeeze %dma_start3A_682 : memref<1x128xi32, #tpu.memory_space<vmem>> -> memref<128xi32, #tpu.memory_space<vmem>>
      %dma_start3A_684 = arith.constant 0 : i32
      %dma_start3A_685 = arith.constant 0 : i32
      %dma_start3A_686 = tpu.memref_slice %arg11[%dma_start3A_684, %dma_start3A_685] : memref<10112x64xf32, #tpu.memory_space<vmem_shared>> -> memref<10112x64xf32, #tpu.memory_space<vmem_shared>>
      tpu.enqueue_indirect_dma source(%dma_start3A_680 : memref<128x64xf32, #tpu.memory_space<vmem>>) target(%dma_start3A_686 : memref<10112x64xf32, #tpu.memory_space<vmem_shared>>) offsets(%dma_start3A_683 : memref<128xi32, #tpu.memory_space<vmem>>) semaphore(%arg14 : memref<!tpu.dma_semaphore, #tpu.memory_space<semaphore_mem>>) {add = true}
      %dma_wait3A_687 = arith.constant 0 : i32
      %dma_wait3A_688 = arith.constant 11 : i32
      %dma_wait3A_689 = arith.constant 0 : i32
      %dma_wait3A_690 = arith.constant 0 : i32
      %dma_wait3A_691 = tpu.memref_slice %arg9[%dma_wait3A_687, %dma_wait3A_689, %dma_wait3A_690] : memref<2x128x64xf32, #tpu.memory_space<vmem>> -> memref<1x128x64xf32, #tpu.memory_space<vmem>>
      %dma_wait3A_692 = tpu.memref_squeeze %dma_wait3A_691 : memref<1x128x64xf32, #tpu.memory_space<vmem>> -> memref<128x64xf32, #tpu.memory_space<vmem>>
      %dma_wait3A_693 = arith.constant 0 : i32
      %dma_wait3A_694 = tpu.memref_slice %arg8[%dma_wait3A_688, %dma_wait3A_693] : memref<16x128xi32, #tpu.memory_space<vmem>> -> memref<1x128xi32, #tpu.memory_space<vmem>>
      %dma_wait3A_695 = tpu.memref_squeeze %dma_wait3A_694 : memref<1x128xi32, #tpu.memory_space<vmem>> -> memref<128xi32, #tpu.memory_space<vmem>>
      %dma_wait3A_696 = arith.constant 0 : i32
      %dma_wait3A_697 = arith.constant 0 : i32
      %dma_wait3A_698 = tpu.memref_slice %arg11[%dma_wait3A_696, %dma_wait3A_697] : memref<10112x64xf32, #tpu.memory_space<vmem_shared>> -> memref<10112x64xf32, #tpu.memory_space<vmem_shared>>
      tpu.wait_indirect_dma semaphore(%arg14 : memref<!tpu.dma_semaphore, #tpu.memory_space<semaphore_mem>>) src(%dma_wait3A_692 : memref<128x64xf32, #tpu.memory_space<vmem>>) dst(%dma_wait3A_698 : memref<10112x64xf32, #tpu.memory_space<vmem_shared>>)
      %mul3A_699 = arith.constant 16 : i32
      %mul3A_700 = arith.muli %scan3A_86, %mul3A_699 : i32
      %add3A_701 = arith.constant 12 : i32
      %add3A_702 = arith.addi %mul3A_700, %add3A_701 : i32
      %dma_start3A_703 = arith.constant 0 : i32
      %dma_start3A_704 = arith.constant 0 : i32
      %dma_start3A_705 = arith.constant 0 : i32
      %dma_start3A_706 = tpu.memref_slice %arg9[%dma_start3A_703, %dma_start3A_704, %dma_start3A_705] : memref<2x128x64xf32, #tpu.memory_space<vmem>> -> memref<1x128x64xf32, #tpu.memory_space<vmem>>
      %dma_start3A_707 = tpu.memref_squeeze %dma_start3A_706 : memref<1x128x64xf32, #tpu.memory_space<vmem>> -> memref<128x64xf32, #tpu.memory_space<vmem>>
      %dma_start3A_708 = arith.constant 0 : i32
      %dma_start3A_709 = tpu.memref_slice %arg7[%add3A_702, %dma_start3A_708] : memref<160x128xi32, #tpu.memory_space<vmem>> -> memref<1x128xi32, #tpu.memory_space<vmem>>
      %dma_start3A_710 = tpu.memref_squeeze %dma_start3A_709 : memref<1x128xi32, #tpu.memory_space<vmem>> -> memref<128xi32, #tpu.memory_space<vmem>>
      %dma_start3A_711 = arith.constant 0 : i32
      %dma_start3A_712 = arith.constant 0 : i32
      %dma_start3A_713 = tpu.memref_slice %arg10[%dma_start3A_711, %dma_start3A_712] : memref<10112x64xf32, #tpu.memory_space<vmem_shared>> -> memref<10112x64xf32, #tpu.memory_space<vmem_shared>>
      tpu.enqueue_indirect_dma source(%dma_start3A_713 : memref<10112x64xf32, #tpu.memory_space<vmem_shared>>) target(%dma_start3A_707 : memref<128x64xf32, #tpu.memory_space<vmem>>) offsets(%dma_start3A_710 : memref<128xi32, #tpu.memory_space<vmem>>) semaphore(%arg12 : memref<!tpu.dma_semaphore, #tpu.memory_space<semaphore_mem>>)
      %dma_wait3A_714 = arith.constant 0 : i32
      %dma_wait3A_715 = arith.constant 0 : i32
      %dma_wait3A_716 = arith.constant 0 : i32
      %dma_wait3A_717 = tpu.memref_slice %arg9[%dma_wait3A_714, %dma_wait3A_715, %dma_wait3A_716] : memref<2x128x64xf32, #tpu.memory_space<vmem>> -> memref<1x128x64xf32, #tpu.memory_space<vmem>>
      %dma_wait3A_718 = tpu.memref_squeeze %dma_wait3A_717 : memref<1x128x64xf32, #tpu.memory_space<vmem>> -> memref<128x64xf32, #tpu.memory_space<vmem>>
      %dma_wait3A_719 = arith.constant 0 : i32
      %dma_wait3A_720 = tpu.memref_slice %arg7[%add3A_702, %dma_wait3A_719] : memref<160x128xi32, #tpu.memory_space<vmem>> -> memref<1x128xi32, #tpu.memory_space<vmem>>
      %dma_wait3A_721 = tpu.memref_squeeze %dma_wait3A_720 : memref<1x128xi32, #tpu.memory_space<vmem>> -> memref<128xi32, #tpu.memory_space<vmem>>
      %dma_wait3A_722 = arith.constant 0 : i32
      %dma_wait3A_723 = arith.constant 0 : i32
      %dma_wait3A_724 = tpu.memref_slice %arg10[%dma_wait3A_722, %dma_wait3A_723] : memref<10112x64xf32, #tpu.memory_space<vmem_shared>> -> memref<10112x64xf32, #tpu.memory_space<vmem_shared>>
      tpu.wait_indirect_dma semaphore(%arg12 : memref<!tpu.dma_semaphore, #tpu.memory_space<semaphore_mem>>) src(%dma_wait3A_724 : memref<10112x64xf32, #tpu.memory_space<vmem_shared>>) dst(%dma_wait3A_718 : memref<128x64xf32, #tpu.memory_space<vmem>>)
      %dma_start3A_725 = arith.constant 0 : i32
      %dma_start3A_726 = arith.constant 12 : i32
      %dma_start3A_727 = arith.constant 0 : i32
      %dma_start3A_728 = arith.constant 0 : i32
      %dma_start3A_729 = tpu.memref_slice %arg9[%dma_start3A_725, %dma_start3A_727, %dma_start3A_728] : memref<2x128x64xf32, #tpu.memory_space<vmem>> -> memref<1x128x64xf32, #tpu.memory_space<vmem>>
      %dma_start3A_730 = tpu.memref_squeeze %dma_start3A_729 : memref<1x128x64xf32, #tpu.memory_space<vmem>> -> memref<128x64xf32, #tpu.memory_space<vmem>>
      %dma_start3A_731 = arith.constant 0 : i32
      %dma_start3A_732 = tpu.memref_slice %arg8[%dma_start3A_726, %dma_start3A_731] : memref<16x128xi32, #tpu.memory_space<vmem>> -> memref<1x128xi32, #tpu.memory_space<vmem>>
      %dma_start3A_733 = tpu.memref_squeeze %dma_start3A_732 : memref<1x128xi32, #tpu.memory_space<vmem>> -> memref<128xi32, #tpu.memory_space<vmem>>
      %dma_start3A_734 = arith.constant 0 : i32
      %dma_start3A_735 = arith.constant 0 : i32
      %dma_start3A_736 = tpu.memref_slice %arg11[%dma_start3A_734, %dma_start3A_735] : memref<10112x64xf32, #tpu.memory_space<vmem_shared>> -> memref<10112x64xf32, #tpu.memory_space<vmem_shared>>
      tpu.enqueue_indirect_dma source(%dma_start3A_730 : memref<128x64xf32, #tpu.memory_space<vmem>>) target(%dma_start3A_736 : memref<10112x64xf32, #tpu.memory_space<vmem_shared>>) offsets(%dma_start3A_733 : memref<128xi32, #tpu.memory_space<vmem>>) semaphore(%arg14 : memref<!tpu.dma_semaphore, #tpu.memory_space<semaphore_mem>>) {add = true}
      %dma_wait3A_737 = arith.constant 0 : i32
      %dma_wait3A_738 = arith.constant 12 : i32
      %dma_wait3A_739 = arith.constant 0 : i32
      %dma_wait3A_740 = arith.constant 0 : i32
      %dma_wait3A_741 = tpu.memref_slice %arg9[%dma_wait3A_737, %dma_wait3A_739, %dma_wait3A_740] : memref<2x128x64xf32, #tpu.memory_space<vmem>> -> memref<1x128x64xf32, #tpu.memory_space<vmem>>
      %dma_wait3A_742 = tpu.memref_squeeze %dma_wait3A_741 : memref<1x128x64xf32, #tpu.memory_space<vmem>> -> memref<128x64xf32, #tpu.memory_space<vmem>>
      %dma_wait3A_743 = arith.constant 0 : i32
      %dma_wait3A_744 = tpu.memref_slice %arg8[%dma_wait3A_738, %dma_wait3A_743] : memref<16x128xi32, #tpu.memory_space<vmem>> -> memref<1x128xi32, #tpu.memory_space<vmem>>
      %dma_wait3A_745 = tpu.memref_squeeze %dma_wait3A_744 : memref<1x128xi32, #tpu.memory_space<vmem>> -> memref<128xi32, #tpu.memory_space<vmem>>
      %dma_wait3A_746 = arith.constant 0 : i32
      %dma_wait3A_747 = arith.constant 0 : i32
      %dma_wait3A_748 = tpu.memref_slice %arg11[%dma_wait3A_746, %dma_wait3A_747] : memref<10112x64xf32, #tpu.memory_space<vmem_shared>> -> memref<10112x64xf32, #tpu.memory_space<vmem_shared>>
      tpu.wait_indirect_dma semaphore(%arg14 : memref<!tpu.dma_semaphore, #tpu.memory_space<semaphore_mem>>) src(%dma_wait3A_742 : memref<128x64xf32, #tpu.memory_space<vmem>>) dst(%dma_wait3A_748 : memref<10112x64xf32, #tpu.memory_space<vmem_shared>>)
      %mul3A_749 = arith.constant 16 : i32
      %mul3A_750 = arith.muli %scan3A_86, %mul3A_749 : i32
      %add3A_751 = arith.constant 13 : i32
      %add3A_752 = arith.addi %mul3A_750, %add3A_751 : i32
      %dma_start3A_753 = arith.constant 0 : i32
      %dma_start3A_754 = arith.constant 0 : i32
      %dma_start3A_755 = arith.constant 0 : i32
      %dma_start3A_756 = tpu.memref_slice %arg9[%dma_start3A_753, %dma_start3A_754, %dma_start3A_755] : memref<2x128x64xf32, #tpu.memory_space<vmem>> -> memref<1x128x64xf32, #tpu.memory_space<vmem>>
      %dma_start3A_757 = tpu.memref_squeeze %dma_start3A_756 : memref<1x128x64xf32, #tpu.memory_space<vmem>> -> memref<128x64xf32, #tpu.memory_space<vmem>>
      %dma_start3A_758 = arith.constant 0 : i32
      %dma_start3A_759 = tpu.memref_slice %arg7[%add3A_752, %dma_start3A_758] : memref<160x128xi32, #tpu.memory_space<vmem>> -> memref<1x128xi32, #tpu.memory_space<vmem>>
      %dma_start3A_760 = tpu.memref_squeeze %dma_start3A_759 : memref<1x128xi32, #tpu.memory_space<vmem>> -> memref<128xi32, #tpu.memory_space<vmem>>
      %dma_start3A_761 = arith.constant 0 : i32
      %dma_start3A_762 = arith.constant 0 : i32
      %dma_start3A_763 = tpu.memref_slice %arg10[%dma_start3A_761, %dma_start3A_762] : memref<10112x64xf32, #tpu.memory_space<vmem_shared>> -> memref<10112x64xf32, #tpu.memory_space<vmem_shared>>
      tpu.enqueue_indirect_dma source(%dma_start3A_763 : memref<10112x64xf32, #tpu.memory_space<vmem_shared>>) target(%dma_start3A_757 : memref<128x64xf32, #tpu.memory_space<vmem>>) offsets(%dma_start3A_760 : memref<128xi32, #tpu.memory_space<vmem>>) semaphore(%arg12 : memref<!tpu.dma_semaphore, #tpu.memory_space<semaphore_mem>>)
      %dma_wait3A_764 = arith.constant 0 : i32
      %dma_wait3A_765 = arith.constant 0 : i32
      %dma_wait3A_766 = arith.constant 0 : i32
      %dma_wait3A_767 = tpu.memref_slice %arg9[%dma_wait3A_764, %dma_wait3A_765, %dma_wait3A_766] : memref<2x128x64xf32, #tpu.memory_space<vmem>> -> memref<1x128x64xf32, #tpu.memory_space<vmem>>
      %dma_wait3A_768 = tpu.memref_squeeze %dma_wait3A_767 : memref<1x128x64xf32, #tpu.memory_space<vmem>> -> memref<128x64xf32, #tpu.memory_space<vmem>>
      %dma_wait3A_769 = arith.constant 0 : i32
      %dma_wait3A_770 = tpu.memref_slice %arg7[%add3A_752, %dma_wait3A_769] : memref<160x128xi32, #tpu.memory_space<vmem>> -> memref<1x128xi32, #tpu.memory_space<vmem>>
      %dma_wait3A_771 = tpu.memref_squeeze %dma_wait3A_770 : memref<1x128xi32, #tpu.memory_space<vmem>> -> memref<128xi32, #tpu.memory_space<vmem>>
      %dma_wait3A_772 = arith.constant 0 : i32
      %dma_wait3A_773 = arith.constant 0 : i32
      %dma_wait3A_774 = tpu.memref_slice %arg10[%dma_wait3A_772, %dma_wait3A_773] : memref<10112x64xf32, #tpu.memory_space<vmem_shared>> -> memref<10112x64xf32, #tpu.memory_space<vmem_shared>>
      tpu.wait_indirect_dma semaphore(%arg12 : memref<!tpu.dma_semaphore, #tpu.memory_space<semaphore_mem>>) src(%dma_wait3A_774 : memref<10112x64xf32, #tpu.memory_space<vmem_shared>>) dst(%dma_wait3A_768 : memref<128x64xf32, #tpu.memory_space<vmem>>)
      %dma_start3A_775 = arith.constant 0 : i32
      %dma_start3A_776 = arith.constant 13 : i32
      %dma_start3A_777 = arith.constant 0 : i32
      %dma_start3A_778 = arith.constant 0 : i32
      %dma_start3A_779 = tpu.memref_slice %arg9[%dma_start3A_775, %dma_start3A_777, %dma_start3A_778] : memref<2x128x64xf32, #tpu.memory_space<vmem>> -> memref<1x128x64xf32, #tpu.memory_space<vmem>>
      %dma_start3A_780 = tpu.memref_squeeze %dma_start3A_779 : memref<1x128x64xf32, #tpu.memory_space<vmem>> -> memref<128x64xf32, #tpu.memory_space<vmem>>
      %dma_start3A_781 = arith.constant 0 : i32
      %dma_start3A_782 = tpu.memref_slice %arg8[%dma_start3A_776, %dma_start3A_781] : memref<16x128xi32, #tpu.memory_space<vmem>> -> memref<1x128xi32, #tpu.memory_space<vmem>>
      %dma_start3A_783 = tpu.memref_squeeze %dma_start3A_782 : memref<1x128xi32, #tpu.memory_space<vmem>> -> memref<128xi32, #tpu.memory_space<vmem>>
      %dma_start3A_784 = arith.constant 0 : i32
      %dma_start3A_785 = arith.constant 0 : i32
      %dma_start3A_786 = tpu.memref_slice %arg11[%dma_start3A_784, %dma_start3A_785] : memref<10112x64xf32, #tpu.memory_space<vmem_shared>> -> memref<10112x64xf32, #tpu.memory_space<vmem_shared>>
      tpu.enqueue_indirect_dma source(%dma_start3A_780 : memref<128x64xf32, #tpu.memory_space<vmem>>) target(%dma_start3A_786 : memref<10112x64xf32, #tpu.memory_space<vmem_shared>>) offsets(%dma_start3A_783 : memref<128xi32, #tpu.memory_space<vmem>>) semaphore(%arg14 : memref<!tpu.dma_semaphore, #tpu.memory_space<semaphore_mem>>) {add = true}
      %dma_wait3A_787 = arith.constant 0 : i32
      %dma_wait3A_788 = arith.constant 13 : i32
      %dma_wait3A_789 = arith.constant 0 : i32
      %dma_wait3A_790 = arith.constant 0 : i32
      %dma_wait3A_791 = tpu.memref_slice %arg9[%dma_wait3A_787, %dma_wait3A_789, %dma_wait3A_790] : memref<2x128x64xf32, #tpu.memory_space<vmem>> -> memref<1x128x64xf32, #tpu.memory_space<vmem>>
      %dma_wait3A_792 = tpu.memref_squeeze %dma_wait3A_791 : memref<1x128x64xf32, #tpu.memory_space<vmem>> -> memref<128x64xf32, #tpu.memory_space<vmem>>
      %dma_wait3A_793 = arith.constant 0 : i32
      %dma_wait3A_794 = tpu.memref_slice %arg8[%dma_wait3A_788, %dma_wait3A_793] : memref<16x128xi32, #tpu.memory_space<vmem>> -> memref<1x128xi32, #tpu.memory_space<vmem>>
      %dma_wait3A_795 = tpu.memref_squeeze %dma_wait3A_794 : memref<1x128xi32, #tpu.memory_space<vmem>> -> memref<128xi32, #tpu.memory_space<vmem>>
      %dma_wait3A_796 = arith.constant 0 : i32
      %dma_wait3A_797 = arith.constant 0 : i32
      %dma_wait3A_798 = tpu.memref_slice %arg11[%dma_wait3A_796, %dma_wait3A_797] : memref<10112x64xf32, #tpu.memory_space<vmem_shared>> -> memref<10112x64xf32, #tpu.memory_space<vmem_shared>>
      tpu.wait_indirect_dma semaphore(%arg14 : memref<!tpu.dma_semaphore, #tpu.memory_space<semaphore_mem>>) src(%dma_wait3A_792 : memref<128x64xf32, #tpu.memory_space<vmem>>) dst(%dma_wait3A_798 : memref<10112x64xf32, #tpu.memory_space<vmem_shared>>)
      %mul3A_799 = arith.constant 16 : i32
      %mul3A_800 = arith.muli %scan3A_86, %mul3A_799 : i32
      %add3A_801 = arith.constant 14 : i32
      %add3A_802 = arith.addi %mul3A_800, %add3A_801 : i32
      %dma_start3A_803 = arith.constant 0 : i32
      %dma_start3A_804 = arith.constant 0 : i32
      %dma_start3A_805 = arith.constant 0 : i32
      %dma_start3A_806 = tpu.memref_slice %arg9[%dma_start3A_803, %dma_start3A_804, %dma_start3A_805] : memref<2x128x64xf32, #tpu.memory_space<vmem>> -> memref<1x128x64xf32, #tpu.memory_space<vmem>>
      %dma_start3A_807 = tpu.memref_squeeze %dma_start3A_806 : memref<1x128x64xf32, #tpu.memory_space<vmem>> -> memref<128x64xf32, #tpu.memory_space<vmem>>
      %dma_start3A_808 = arith.constant 0 : i32
      %dma_start3A_809 = tpu.memref_slice %arg7[%add3A_802, %dma_start3A_808] : memref<160x128xi32, #tpu.memory_space<vmem>> -> memref<1x128xi32, #tpu.memory_space<vmem>>
      %dma_start3A_810 = tpu.memref_squeeze %dma_start3A_809 : memref<1x128xi32, #tpu.memory_space<vmem>> -> memref<128xi32, #tpu.memory_space<vmem>>
      %dma_start3A_811 = arith.constant 0 : i32
      %dma_start3A_812 = arith.constant 0 : i32
      %dma_start3A_813 = tpu.memref_slice %arg10[%dma_start3A_811, %dma_start3A_812] : memref<10112x64xf32, #tpu.memory_space<vmem_shared>> -> memref<10112x64xf32, #tpu.memory_space<vmem_shared>>
      tpu.enqueue_indirect_dma source(%dma_start3A_813 : memref<10112x64xf32, #tpu.memory_space<vmem_shared>>) target(%dma_start3A_807 : memref<128x64xf32, #tpu.memory_space<vmem>>) offsets(%dma_start3A_810 : memref<128xi32, #tpu.memory_space<vmem>>) semaphore(%arg12 : memref<!tpu.dma_semaphore, #tpu.memory_space<semaphore_mem>>)
      %dma_wait3A_814 = arith.constant 0 : i32
      %dma_wait3A_815 = arith.constant 0 : i32
      %dma_wait3A_816 = arith.constant 0 : i32
      %dma_wait3A_817 = tpu.memref_slice %arg9[%dma_wait3A_814, %dma_wait3A_815, %dma_wait3A_816] : memref<2x128x64xf32, #tpu.memory_space<vmem>> -> memref<1x128x64xf32, #tpu.memory_space<vmem>>
      %dma_wait3A_818 = tpu.memref_squeeze %dma_wait3A_817 : memref<1x128x64xf32, #tpu.memory_space<vmem>> -> memref<128x64xf32, #tpu.memory_space<vmem>>
      %dma_wait3A_819 = arith.constant 0 : i32
      %dma_wait3A_820 = tpu.memref_slice %arg7[%add3A_802, %dma_wait3A_819] : memref<160x128xi32, #tpu.memory_space<vmem>> -> memref<1x128xi32, #tpu.memory_space<vmem>>
      %dma_wait3A_821 = tpu.memref_squeeze %dma_wait3A_820 : memref<1x128xi32, #tpu.memory_space<vmem>> -> memref<128xi32, #tpu.memory_space<vmem>>
      %dma_wait3A_822 = arith.constant 0 : i32
      %dma_wait3A_823 = arith.constant 0 : i32
      %dma_wait3A_824 = tpu.memref_slice %arg10[%dma_wait3A_822, %dma_wait3A_823] : memref<10112x64xf32, #tpu.memory_space<vmem_shared>> -> memref<10112x64xf32, #tpu.memory_space<vmem_shared>>
      tpu.wait_indirect_dma semaphore(%arg12 : memref<!tpu.dma_semaphore, #tpu.memory_space<semaphore_mem>>) src(%dma_wait3A_824 : memref<10112x64xf32, #tpu.memory_space<vmem_shared>>) dst(%dma_wait3A_818 : memref<128x64xf32, #tpu.memory_space<vmem>>)
      %dma_start3A_825 = arith.constant 0 : i32
      %dma_start3A_826 = arith.constant 14 : i32
      %dma_start3A_827 = arith.constant 0 : i32
      %dma_start3A_828 = arith.constant 0 : i32
      %dma_start3A_829 = tpu.memref_slice %arg9[%dma_start3A_825, %dma_start3A_827, %dma_start3A_828] : memref<2x128x64xf32, #tpu.memory_space<vmem>> -> memref<1x128x64xf32, #tpu.memory_space<vmem>>
      %dma_start3A_830 = tpu.memref_squeeze %dma_start3A_829 : memref<1x128x64xf32, #tpu.memory_space<vmem>> -> memref<128x64xf32, #tpu.memory_space<vmem>>
      %dma_start3A_831 = arith.constant 0 : i32
      %dma_start3A_832 = tpu.memref_slice %arg8[%dma_start3A_826, %dma_start3A_831] : memref<16x128xi32, #tpu.memory_space<vmem>> -> memref<1x128xi32, #tpu.memory_space<vmem>>
      %dma_start3A_833 = tpu.memref_squeeze %dma_start3A_832 : memref<1x128xi32, #tpu.memory_space<vmem>> -> memref<128xi32, #tpu.memory_space<vmem>>
      %dma_start3A_834 = arith.constant 0 : i32
      %dma_start3A_835 = arith.constant 0 : i32
      %dma_start3A_836 = tpu.memref_slice %arg11[%dma_start3A_834, %dma_start3A_835] : memref<10112x64xf32, #tpu.memory_space<vmem_shared>> -> memref<10112x64xf32, #tpu.memory_space<vmem_shared>>
      tpu.enqueue_indirect_dma source(%dma_start3A_830 : memref<128x64xf32, #tpu.memory_space<vmem>>) target(%dma_start3A_836 : memref<10112x64xf32, #tpu.memory_space<vmem_shared>>) offsets(%dma_start3A_833 : memref<128xi32, #tpu.memory_space<vmem>>) semaphore(%arg14 : memref<!tpu.dma_semaphore, #tpu.memory_space<semaphore_mem>>) {add = true}
      %dma_wait3A_837 = arith.constant 0 : i32
      %dma_wait3A_838 = arith.constant 14 : i32
      %dma_wait3A_839 = arith.constant 0 : i32
      %dma_wait3A_840 = arith.constant 0 : i32
      %dma_wait3A_841 = tpu.memref_slice %arg9[%dma_wait3A_837, %dma_wait3A_839, %dma_wait3A_840] : memref<2x128x64xf32, #tpu.memory_space<vmem>> -> memref<1x128x64xf32, #tpu.memory_space<vmem>>
      %dma_wait3A_842 = tpu.memref_squeeze %dma_wait3A_841 : memref<1x128x64xf32, #tpu.memory_space<vmem>> -> memref<128x64xf32, #tpu.memory_space<vmem>>
      %dma_wait3A_843 = arith.constant 0 : i32
      %dma_wait3A_844 = tpu.memref_slice %arg8[%dma_wait3A_838, %dma_wait3A_843] : memref<16x128xi32, #tpu.memory_space<vmem>> -> memref<1x128xi32, #tpu.memory_space<vmem>>
      %dma_wait3A_845 = tpu.memref_squeeze %dma_wait3A_844 : memref<1x128xi32, #tpu.memory_space<vmem>> -> memref<128xi32, #tpu.memory_space<vmem>>
      %dma_wait3A_846 = arith.constant 0 : i32
      %dma_wait3A_847 = arith.constant 0 : i32
      %dma_wait3A_848 = tpu.memref_slice %arg11[%dma_wait3A_846, %dma_wait3A_847] : memref<10112x64xf32, #tpu.memory_space<vmem_shared>> -> memref<10112x64xf32, #tpu.memory_space<vmem_shared>>
      tpu.wait_indirect_dma semaphore(%arg14 : memref<!tpu.dma_semaphore, #tpu.memory_space<semaphore_mem>>) src(%dma_wait3A_842 : memref<128x64xf32, #tpu.memory_space<vmem>>) dst(%dma_wait3A_848 : memref<10112x64xf32, #tpu.memory_space<vmem_shared>>)
      %mul3A_849 = arith.constant 16 : i32
      %mul3A_850 = arith.muli %scan3A_86, %mul3A_849 : i32
      %add3A_851 = arith.constant 15 : i32
      %add3A_852 = arith.addi %mul3A_850, %add3A_851 : i32
      %dma_start3A_853 = arith.constant 0 : i32
      %dma_start3A_854 = arith.constant 0 : i32
      %dma_start3A_855 = arith.constant 0 : i32
      %dma_start3A_856 = tpu.memref_slice %arg9[%dma_start3A_853, %dma_start3A_854, %dma_start3A_855] : memref<2x128x64xf32, #tpu.memory_space<vmem>> -> memref<1x128x64xf32, #tpu.memory_space<vmem>>
      %dma_start3A_857 = tpu.memref_squeeze %dma_start3A_856 : memref<1x128x64xf32, #tpu.memory_space<vmem>> -> memref<128x64xf32, #tpu.memory_space<vmem>>
      %dma_start3A_858 = arith.constant 0 : i32
      %dma_start3A_859 = tpu.memref_slice %arg7[%add3A_852, %dma_start3A_858] : memref<160x128xi32, #tpu.memory_space<vmem>> -> memref<1x128xi32, #tpu.memory_space<vmem>>
      %dma_start3A_860 = tpu.memref_squeeze %dma_start3A_859 : memref<1x128xi32, #tpu.memory_space<vmem>> -> memref<128xi32, #tpu.memory_space<vmem>>
      %dma_start3A_861 = arith.constant 0 : i32
      %dma_start3A_862 = arith.constant 0 : i32
      %dma_start3A_863 = tpu.memref_slice %arg10[%dma_start3A_861, %dma_start3A_862] : memref<10112x64xf32, #tpu.memory_space<vmem_shared>> -> memref<10112x64xf32, #tpu.memory_space<vmem_shared>>
      tpu.enqueue_indirect_dma source(%dma_start3A_863 : memref<10112x64xf32, #tpu.memory_space<vmem_shared>>) target(%dma_start3A_857 : memref<128x64xf32, #tpu.memory_space<vmem>>) offsets(%dma_start3A_860 : memref<128xi32, #tpu.memory_space<vmem>>) semaphore(%arg12 : memref<!tpu.dma_semaphore, #tpu.memory_space<semaphore_mem>>)
      %dma_wait3A_864 = arith.constant 0 : i32
      %dma_wait3A_865 = arith.constant 0 : i32
      %dma_wait3A_866 = arith.constant 0 : i32
      %dma_wait3A_867 = tpu.memref_slice %arg9[%dma_wait3A_864, %dma_wait3A_865, %dma_wait3A_866] : memref<2x128x64xf32, #tpu.memory_space<vmem>> -> memref<1x128x64xf32, #tpu.memory_space<vmem>>
      %dma_wait3A_868 = tpu.memref_squeeze %dma_wait3A_867 : memref<1x128x64xf32, #tpu.memory_space<vmem>> -> memref<128x64xf32, #tpu.memory_space<vmem>>
      %dma_wait3A_869 = arith.constant 0 : i32
      %dma_wait3A_870 = tpu.memref_slice %arg7[%add3A_852, %dma_wait3A_869] : memref<160x128xi32, #tpu.memory_space<vmem>> -> memref<1x128xi32, #tpu.memory_space<vmem>>
      %dma_wait3A_871 = tpu.memref_squeeze %dma_wait3A_870 : memref<1x128xi32, #tpu.memory_space<vmem>> -> memref<128xi32, #tpu.memory_space<vmem>>
      %dma_wait3A_872 = arith.constant 0 : i32
      %dma_wait3A_873 = arith.constant 0 : i32
      %dma_wait3A_874 = tpu.memref_slice %arg10[%dma_wait3A_872, %dma_wait3A_873] : memref<10112x64xf32, #tpu.memory_space<vmem_shared>> -> memref<10112x64xf32, #tpu.memory_space<vmem_shared>>
      tpu.wait_indirect_dma semaphore(%arg12 : memref<!tpu.dma_semaphore, #tpu.memory_space<semaphore_mem>>) src(%dma_wait3A_874 : memref<10112x64xf32, #tpu.memory_space<vmem_shared>>) dst(%dma_wait3A_868 : memref<128x64xf32, #tpu.memory_space<vmem>>)
      %dma_start3A_875 = arith.constant 0 : i32
      %dma_start3A_876 = arith.constant 15 : i32
      %dma_start3A_877 = arith.constant 0 : i32
      %dma_start3A_878 = arith.constant 0 : i32
      %dma_start3A_879 = tpu.memref_slice %arg9[%dma_start3A_875, %dma_start3A_877, %dma_start3A_878] : memref<2x128x64xf32, #tpu.memory_space<vmem>> -> memref<1x128x64xf32, #tpu.memory_space<vmem>>
      %dma_start3A_880 = tpu.memref_squeeze %dma_start3A_879 : memref<1x128x64xf32, #tpu.memory_space<vmem>> -> memref<128x64xf32, #tpu.memory_space<vmem>>
      %dma_start3A_881 = arith.constant 0 : i32
      %dma_start3A_882 = tpu.memref_slice %arg8[%dma_start3A_876, %dma_start3A_881] : memref<16x128xi32, #tpu.memory_space<vmem>> -> memref<1x128xi32, #tpu.memory_space<vmem>>
      %dma_start3A_883 = tpu.memref_squeeze %dma_start3A_882 : memref<1x128xi32, #tpu.memory_space<vmem>> -> memref<128xi32, #tpu.memory_space<vmem>>
      %dma_start3A_884 = arith.constant 0 : i32
      %dma_start3A_885 = arith.constant 0 : i32
      %dma_start3A_886 = tpu.memref_slice %arg11[%dma_start3A_884, %dma_start3A_885] : memref<10112x64xf32, #tpu.memory_space<vmem_shared>> -> memref<10112x64xf32, #tpu.memory_space<vmem_shared>>
      tpu.enqueue_indirect_dma source(%dma_start3A_880 : memref<128x64xf32, #tpu.memory_space<vmem>>) target(%dma_start3A_886 : memref<10112x64xf32, #tpu.memory_space<vmem_shared>>) offsets(%dma_start3A_883 : memref<128xi32, #tpu.memory_space<vmem>>) semaphore(%arg14 : memref<!tpu.dma_semaphore, #tpu.memory_space<semaphore_mem>>) {add = true}
      %dma_wait3A_887 = arith.constant 0 : i32
      %dma_wait3A_888 = arith.constant 15 : i32
      %dma_wait3A_889 = arith.constant 0 : i32
      %dma_wait3A_890 = arith.constant 0 : i32
      %dma_wait3A_891 = tpu.memref_slice %arg9[%dma_wait3A_887, %dma_wait3A_889, %dma_wait3A_890] : memref<2x128x64xf32, #tpu.memory_space<vmem>> -> memref<1x128x64xf32, #tpu.memory_space<vmem>>
      %dma_wait3A_892 = tpu.memref_squeeze %dma_wait3A_891 : memref<1x128x64xf32, #tpu.memory_space<vmem>> -> memref<128x64xf32, #tpu.memory_space<vmem>>
      %dma_wait3A_893 = arith.constant 0 : i32
      %dma_wait3A_894 = tpu.memref_slice %arg8[%dma_wait3A_888, %dma_wait3A_893] : memref<16x128xi32, #tpu.memory_space<vmem>> -> memref<1x128xi32, #tpu.memory_space<vmem>>
      %dma_wait3A_895 = tpu.memref_squeeze %dma_wait3A_894 : memref<1x128xi32, #tpu.memory_space<vmem>> -> memref<128xi32, #tpu.memory_space<vmem>>
      %dma_wait3A_896 = arith.constant 0 : i32
      %dma_wait3A_897 = arith.constant 0 : i32
      %dma_wait3A_898 = tpu.memref_slice %arg11[%dma_wait3A_896, %dma_wait3A_897] : memref<10112x64xf32, #tpu.memory_space<vmem_shared>> -> memref<10112x64xf32, #tpu.memory_space<vmem_shared>>
      tpu.wait_indirect_dma semaphore(%arg14 : memref<!tpu.dma_semaphore, #tpu.memory_space<semaphore_mem>>) src(%dma_wait3A_892 : memref<128x64xf32, #tpu.memory_space<vmem>>) dst(%dma_wait3A_898 : memref<10112x64xf32, #tpu.memory_space<vmem_shared>>)
    }
    %scan3A_54 = arith.constant 10 : i32
    %barrier3A_55 = arith.constant 0 : index
    tpu.barrier barrier_id(%barrier3A_55)
    %mul3A_56 = arith.constant 632 : i32
    %mul3A_57 = arith.muli %arg1, %mul3A_56 : i32
    %add3A_58 = arith.constant 0 : i32
    %add3A_59 = arith.addi %mul3A_57, %add3A_58 : i32
    %run_scoped3A_60 = arith.constant 0 : i32
    "tpu.region"() ({
      %run_scoped3A_86 = tpu.sem_alloc : memref<!tpu.dma_semaphore, #tpu.memory_space<semaphore_mem>>
      %dma_start3A = arith.constant 0 : i32
      %dma_start3A_87 = arith.constant 0 : i32
      %dma_start3A_88 = tpu.memref_slice %arg9[%run_scoped3A_60, %dma_start3A, %dma_start3A_87] : memref<2x128x64xf32, #tpu.memory_space<vmem>> -> memref<1x128x64xf32, #tpu.memory_space<vmem>>
      %dma_start3A_89 = tpu.memref_squeeze %dma_start3A_88 : memref<1x128x64xf32, #tpu.memory_space<vmem>> -> memref<128x64xf32, #tpu.memory_space<vmem>>
      %dma_start3A_90 = arith.constant 0 : i32
      %dma_start3A_91 = tpu.memref_slice %arg11[%add3A_59, %dma_start3A_90] : memref<10112x64xf32, #tpu.memory_space<vmem_shared>> -> memref<128x64xf32, #tpu.memory_space<vmem_shared>>
      %dma_start3A_92 = arith.constant 0 : i32
      %dma_start3A_93 = arith.constant 0 : i32
      %dma_start3A_94 = tpu.memref_slice %arg9[%run_scoped3A_60, %dma_start3A_92, %dma_start3A_93] : memref<2x128x64xf32, #tpu.memory_space<vmem>> -> memref<1x128x64xf32, #tpu.memory_space<vmem>>
      %dma_start3A_95 = tpu.memref_squeeze %dma_start3A_94 : memref<1x128x64xf32, #tpu.memory_space<vmem>> -> memref<128x64xf32, #tpu.memory_space<vmem>>
      %dma_start3A_96 = arith.constant 0 : i32
      %dma_start3A_97 = tpu.memref_slice %arg11[%add3A_59, %dma_start3A_96] : memref<10112x64xf32, #tpu.memory_space<vmem_shared>> -> memref<128x64xf32, #tpu.memory_space<vmem_shared>>
      tpu.enqueue_dma source(%dma_start3A_97 : memref<128x64xf32, #tpu.memory_space<vmem_shared>>) target(%dma_start3A_95 : memref<128x64xf32, #tpu.memory_space<vmem>>) target_semaphore(%run_scoped3A_86 : memref<!tpu.dma_semaphore, #tpu.memory_space<semaphore_mem>>)
      %dma_wait3A = arith.constant 0 : i32
      %dma_wait3A_98 = arith.constant 0 : i32
      %dma_wait3A_99 = tpu.memref_slice %arg9[%run_scoped3A_60, %dma_wait3A, %dma_wait3A_98] : memref<2x128x64xf32, #tpu.memory_space<vmem>> -> memref<1x128x64xf32, #tpu.memory_space<vmem>>
      %dma_wait3A_100 = tpu.memref_squeeze %dma_wait3A_99 : memref<1x128x64xf32, #tpu.memory_space<vmem>> -> memref<128x64xf32, #tpu.memory_space<vmem>>
      %dma_wait3A_101 = arith.constant 0 : i32
      %dma_wait3A_102 = tpu.memref_slice %arg11[%add3A_59, %dma_wait3A_101] : memref<10112x64xf32, #tpu.memory_space<vmem_shared>> -> memref<128x64xf32, #tpu.memory_space<vmem_shared>>
      %dma_wait3A_103 = arith.constant 0 : i32
      %dma_wait3A_104 = arith.constant 0 : i32
      %dma_wait3A_105 = tpu.memref_slice %arg9[%run_scoped3A_60, %dma_wait3A_103, %dma_wait3A_104] : memref<2x128x64xf32, #tpu.memory_space<vmem>> -> memref<1x128x64xf32, #tpu.memory_space<vmem>>
      %dma_wait3A_106 = tpu.memref_squeeze %dma_wait3A_105 : memref<1x128x64xf32, #tpu.memory_space<vmem>> -> memref<128x64xf32, #tpu.memory_space<vmem>>
      %dma_wait3A_107 = arith.constant 0 : i32
      %dma_wait3A_108 = tpu.memref_slice %arg11[%add3A_59, %dma_wait3A_107] : memref<10112x64xf32, #tpu.memory_space<vmem_shared>> -> memref<128x64xf32, #tpu.memory_space<vmem_shared>>
      tpu.wait_dma2 semaphore(%run_scoped3A_86 : memref<!tpu.dma_semaphore, #tpu.memory_space<semaphore_mem>>) src(%dma_wait3A_108 : memref<128x64xf32, #tpu.memory_space<vmem_shared>>) dst(%dma_wait3A_106 : memref<128x64xf32, #tpu.memory_space<vmem>>)
      tpu.yield
    }) : () -> ()
    %run_scoped3A_61 = arith.constant 0 : i32
    "tpu.region"() ({
      %run_scoped3A_86 = tpu.sem_alloc : memref<!tpu.dma_semaphore, #tpu.memory_space<semaphore_mem>>
      %dma_start3A = arith.constant 0 : i32
      %dma_start3A_87 = arith.constant 0 : i32
      %dma_start3A_88 = tpu.memref_slice %arg9[%run_scoped3A_61, %dma_start3A, %dma_start3A_87] : memref<2x128x64xf32, #tpu.memory_space<vmem>> -> memref<1x128x64xf32, #tpu.memory_space<vmem>>
      %dma_start3A_89 = tpu.memref_squeeze %dma_start3A_88 : memref<1x128x64xf32, #tpu.memory_space<vmem>> -> memref<128x64xf32, #tpu.memory_space<vmem>>
      %dma_start3A_90 = arith.constant 0 : i32
      %dma_start3A_91 = tpu.memref_slice %arg6[%arg0, %add3A_59, %dma_start3A_90] : memref<2x10112x64xf32, #tpu.memory_space<hbm>> -> memref<1x128x64xf32, #tpu.memory_space<hbm>>
      %dma_start3A_92 = tpu.memref_squeeze %dma_start3A_91 : memref<1x128x64xf32, #tpu.memory_space<hbm>> -> memref<128x64xf32, #tpu.memory_space<hbm>>
      %dma_start3A_93 = arith.constant 0 : i32
      %dma_start3A_94 = tpu.memref_slice %arg6[%arg0, %add3A_59, %dma_start3A_93] : memref<2x10112x64xf32, #tpu.memory_space<hbm>> -> memref<1x128x64xf32, #tpu.memory_space<hbm>>
      %dma_start3A_95 = tpu.memref_squeeze %dma_start3A_94 : memref<1x128x64xf32, #tpu.memory_space<hbm>> -> memref<128x64xf32, #tpu.memory_space<hbm>>
      %dma_start3A_96 = arith.constant 0 : i32
      %dma_start3A_97 = arith.constant 0 : i32
      %dma_start3A_98 = tpu.memref_slice %arg9[%run_scoped3A_61, %dma_start3A_96, %dma_start3A_97] : memref<2x128x64xf32, #tpu.memory_space<vmem>> -> memref<1x128x64xf32, #tpu.memory_space<vmem>>
      %dma_start3A_99 = tpu.memref_squeeze %dma_start3A_98 : memref<1x128x64xf32, #tpu.memory_space<vmem>> -> memref<128x64xf32, #tpu.memory_space<vmem>>
      tpu.enqueue_dma source(%dma_start3A_99 : memref<128x64xf32, #tpu.memory_space<vmem>>) target(%dma_start3A_95 : memref<128x64xf32, #tpu.memory_space<hbm>>) target_semaphore(%run_scoped3A_86 : memref<!tpu.dma_semaphore, #tpu.memory_space<semaphore_mem>>)
      %dma_wait3A = arith.constant 0 : i32
      %dma_wait3A_100 = arith.constant 0 : i32
      %dma_wait3A_101 = tpu.memref_slice %arg9[%run_scoped3A_61, %dma_wait3A, %dma_wait3A_100] : memref<2x128x64xf32, #tpu.memory_space<vmem>> -> memref<1x128x64xf32, #tpu.memory_space<vmem>>
      %dma_wait3A_102 = tpu.memref_squeeze %dma_wait3A_101 : memref<1x128x64xf32, #tpu.memory_space<vmem>> -> memref<128x64xf32, #tpu.memory_space<vmem>>
      %dma_wait3A_103 = arith.constant 0 : i32
      %dma_wait3A_104 = tpu.memref_slice %arg6[%arg0, %add3A_59, %dma_wait3A_103] : memref<2x10112x64xf32, #tpu.memory_space<hbm>> -> memref<1x128x64xf32, #tpu.memory_space<hbm>>
      %dma_wait3A_105 = tpu.memref_squeeze %dma_wait3A_104 : memref<1x128x64xf32, #tpu.memory_space<hbm>> -> memref<128x64xf32, #tpu.memory_space<hbm>>
      %dma_wait3A_106 = arith.constant 0 : i32
      %dma_wait3A_107 = tpu.memref_slice %arg6[%arg0, %add3A_59, %dma_wait3A_106] : memref<2x10112x64xf32, #tpu.memory_space<hbm>> -> memref<1x128x64xf32, #tpu.memory_space<hbm>>
      %dma_wait3A_108 = tpu.memref_squeeze %dma_wait3A_107 : memref<1x128x64xf32, #tpu.memory_space<hbm>> -> memref<128x64xf32, #tpu.memory_space<hbm>>
      %dma_wait3A_109 = arith.constant 0 : i32
      %dma_wait3A_110 = arith.constant 0 : i32
      %dma_wait3A_111 = tpu.memref_slice %arg9[%run_scoped3A_61, %dma_wait3A_109, %dma_wait3A_110] : memref<2x128x64xf32, #tpu.memory_space<vmem>> -> memref<1x128x64xf32, #tpu.memory_space<vmem>>
      %dma_wait3A_112 = tpu.memref_squeeze %dma_wait3A_111 : memref<1x128x64xf32, #tpu.memory_space<vmem>> -> memref<128x64xf32, #tpu.memory_space<vmem>>
      tpu.wait_dma2 semaphore(%run_scoped3A_86 : memref<!tpu.dma_semaphore, #tpu.memory_space<semaphore_mem>>) src(%dma_wait3A_112 : memref<128x64xf32, #tpu.memory_space<vmem>>) dst(%dma_wait3A_108 : memref<128x64xf32, #tpu.memory_space<hbm>>)
      tpu.yield
    }) : () -> ()
    %mul3A_62 = arith.constant 632 : i32
    %mul3A_63 = arith.muli %arg1, %mul3A_62 : i32
    %add3A_64 = arith.constant 128 : i32
    %add3A_65 = arith.addi %mul3A_63, %add3A_64 : i32
    %run_scoped3A_66 = arith.constant 1 : i32
    "tpu.region"() ({
      %run_scoped3A_86 = tpu.sem_alloc : memref<!tpu.dma_semaphore, #tpu.memory_space<semaphore_mem>>
      %dma_start3A = arith.constant 0 : i32
      %dma_start3A_87 = arith.constant 0 : i32
      %dma_start3A_88 = tpu.memref_slice %arg9[%run_scoped3A_66, %dma_start3A, %dma_start3A_87] : memref<2x128x64xf32, #tpu.memory_space<vmem>> -> memref<1x128x64xf32, #tpu.memory_space<vmem>>
      %dma_start3A_89 = tpu.memref_squeeze %dma_start3A_88 : memref<1x128x64xf32, #tpu.memory_space<vmem>> -> memref<128x64xf32, #tpu.memory_space<vmem>>
      %dma_start3A_90 = arith.constant 0 : i32
      %dma_start3A_91 = tpu.memref_slice %arg11[%add3A_65, %dma_start3A_90] : memref<10112x64xf32, #tpu.memory_space<vmem_shared>> -> memref<128x64xf32, #tpu.memory_space<vmem_shared>>
      %dma_start3A_92 = arith.constant 0 : i32
      %dma_start3A_93 = arith.constant 0 : i32
      %dma_start3A_94 = tpu.memref_slice %arg9[%run_scoped3A_66, %dma_start3A_92, %dma_start3A_93] : memref<2x128x64xf32, #tpu.memory_space<vmem>> -> memref<1x128x64xf32, #tpu.memory_space<vmem>>
      %dma_start3A_95 = tpu.memref_squeeze %dma_start3A_94 : memref<1x128x64xf32, #tpu.memory_space<vmem>> -> memref<128x64xf32, #tpu.memory_space<vmem>>
      %dma_start3A_96 = arith.constant 0 : i32
      %dma_start3A_97 = tpu.memref_slice %arg11[%add3A_65, %dma_start3A_96] : memref<10112x64xf32, #tpu.memory_space<vmem_shared>> -> memref<128x64xf32, #tpu.memory_space<vmem_shared>>
      tpu.enqueue_dma source(%dma_start3A_97 : memref<128x64xf32, #tpu.memory_space<vmem_shared>>) target(%dma_start3A_95 : memref<128x64xf32, #tpu.memory_space<vmem>>) target_semaphore(%run_scoped3A_86 : memref<!tpu.dma_semaphore, #tpu.memory_space<semaphore_mem>>)
      %dma_wait3A = arith.constant 0 : i32
      %dma_wait3A_98 = arith.constant 0 : i32
      %dma_wait3A_99 = tpu.memref_slice %arg9[%run_scoped3A_66, %dma_wait3A, %dma_wait3A_98] : memref<2x128x64xf32, #tpu.memory_space<vmem>> -> memref<1x128x64xf32, #tpu.memory_space<vmem>>
      %dma_wait3A_100 = tpu.memref_squeeze %dma_wait3A_99 : memref<1x128x64xf32, #tpu.memory_space<vmem>> -> memref<128x64xf32, #tpu.memory_space<vmem>>
      %dma_wait3A_101 = arith.constant 0 : i32
      %dma_wait3A_102 = tpu.memref_slice %arg11[%add3A_65, %dma_wait3A_101] : memref<10112x64xf32, #tpu.memory_space<vmem_shared>> -> memref<128x64xf32, #tpu.memory_space<vmem_shared>>
      %dma_wait3A_103 = arith.constant 0 : i32
      %dma_wait3A_104 = arith.constant 0 : i32
      %dma_wait3A_105 = tpu.memref_slice %arg9[%run_scoped3A_66, %dma_wait3A_103, %dma_wait3A_104] : memref<2x128x64xf32, #tpu.memory_space<vmem>> -> memref<1x128x64xf32, #tpu.memory_space<vmem>>
      %dma_wait3A_106 = tpu.memref_squeeze %dma_wait3A_105 : memref<1x128x64xf32, #tpu.memory_space<vmem>> -> memref<128x64xf32, #tpu.memory_space<vmem>>
      %dma_wait3A_107 = arith.constant 0 : i32
      %dma_wait3A_108 = tpu.memref_slice %arg11[%add3A_65, %dma_wait3A_107] : memref<10112x64xf32, #tpu.memory_space<vmem_shared>> -> memref<128x64xf32, #tpu.memory_space<vmem_shared>>
      tpu.wait_dma2 semaphore(%run_scoped3A_86 : memref<!tpu.dma_semaphore, #tpu.memory_space<semaphore_mem>>) src(%dma_wait3A_108 : memref<128x64xf32, #tpu.memory_space<vmem_shared>>) dst(%dma_wait3A_106 : memref<128x64xf32, #tpu.memory_space<vmem>>)
      tpu.yield
    }) : () -> ()
    %run_scoped3A_67 = arith.constant 1 : i32
    "tpu.region"() ({
      %run_scoped3A_86 = tpu.sem_alloc : memref<!tpu.dma_semaphore, #tpu.memory_space<semaphore_mem>>
      %dma_start3A = arith.constant 0 : i32
      %dma_start3A_87 = arith.constant 0 : i32
      %dma_start3A_88 = tpu.memref_slice %arg9[%run_scoped3A_67, %dma_start3A, %dma_start3A_87] : memref<2x128x64xf32, #tpu.memory_space<vmem>> -> memref<1x128x64xf32, #tpu.memory_space<vmem>>
      %dma_start3A_89 = tpu.memref_squeeze %dma_start3A_88 : memref<1x128x64xf32, #tpu.memory_space<vmem>> -> memref<128x64xf32, #tpu.memory_space<vmem>>
      %dma_start3A_90 = arith.constant 0 : i32
      %dma_start3A_91 = tpu.memref_slice %arg6[%arg0, %add3A_65, %dma_start3A_90] : memref<2x10112x64xf32, #tpu.memory_space<hbm>> -> memref<1x128x64xf32, #tpu.memory_space<hbm>>
      %dma_start3A_92 = tpu.memref_squeeze %dma_start3A_91 : memref<1x128x64xf32, #tpu.memory_space<hbm>> -> memref<128x64xf32, #tpu.memory_space<hbm>>
      %dma_start3A_93 = arith.constant 0 : i32
      %dma_start3A_94 = tpu.memref_slice %arg6[%arg0, %add3A_65, %dma_start3A_93] : memref<2x10112x64xf32, #tpu.memory_space<hbm>> -> memref<1x128x64xf32, #tpu.memory_space<hbm>>
      %dma_start3A_95 = tpu.memref_squeeze %dma_start3A_94 : memref<1x128x64xf32, #tpu.memory_space<hbm>> -> memref<128x64xf32, #tpu.memory_space<hbm>>
      %dma_start3A_96 = arith.constant 0 : i32
      %dma_start3A_97 = arith.constant 0 : i32
      %dma_start3A_98 = tpu.memref_slice %arg9[%run_scoped3A_67, %dma_start3A_96, %dma_start3A_97] : memref<2x128x64xf32, #tpu.memory_space<vmem>> -> memref<1x128x64xf32, #tpu.memory_space<vmem>>
      %dma_start3A_99 = tpu.memref_squeeze %dma_start3A_98 : memref<1x128x64xf32, #tpu.memory_space<vmem>> -> memref<128x64xf32, #tpu.memory_space<vmem>>
      tpu.enqueue_dma source(%dma_start3A_99 : memref<128x64xf32, #tpu.memory_space<vmem>>) target(%dma_start3A_95 : memref<128x64xf32, #tpu.memory_space<hbm>>) target_semaphore(%run_scoped3A_86 : memref<!tpu.dma_semaphore, #tpu.memory_space<semaphore_mem>>)
      %dma_wait3A = arith.constant 0 : i32
      %dma_wait3A_100 = arith.constant 0 : i32
      %dma_wait3A_101 = tpu.memref_slice %arg9[%run_scoped3A_67, %dma_wait3A, %dma_wait3A_100] : memref<2x128x64xf32, #tpu.memory_space<vmem>> -> memref<1x128x64xf32, #tpu.memory_space<vmem>>
      %dma_wait3A_102 = tpu.memref_squeeze %dma_wait3A_101 : memref<1x128x64xf32, #tpu.memory_space<vmem>> -> memref<128x64xf32, #tpu.memory_space<vmem>>
      %dma_wait3A_103 = arith.constant 0 : i32
      %dma_wait3A_104 = tpu.memref_slice %arg6[%arg0, %add3A_65, %dma_wait3A_103] : memref<2x10112x64xf32, #tpu.memory_space<hbm>> -> memref<1x128x64xf32, #tpu.memory_space<hbm>>
      %dma_wait3A_105 = tpu.memref_squeeze %dma_wait3A_104 : memref<1x128x64xf32, #tpu.memory_space<hbm>> -> memref<128x64xf32, #tpu.memory_space<hbm>>
      %dma_wait3A_106 = arith.constant 0 : i32
      %dma_wait3A_107 = tpu.memref_slice %arg6[%arg0, %add3A_65, %dma_wait3A_106] : memref<2x10112x64xf32, #tpu.memory_space<hbm>> -> memref<1x128x64xf32, #tpu.memory_space<hbm>>
      %dma_wait3A_108 = tpu.memref_squeeze %dma_wait3A_107 : memref<1x128x64xf32, #tpu.memory_space<hbm>> -> memref<128x64xf32, #tpu.memory_space<hbm>>
      %dma_wait3A_109 = arith.constant 0 : i32
      %dma_wait3A_110 = arith.constant 0 : i32
      %dma_wait3A_111 = tpu.memref_slice %arg9[%run_scoped3A_67, %dma_wait3A_109, %dma_wait3A_110] : memref<2x128x64xf32, #tpu.memory_space<vmem>> -> memref<1x128x64xf32, #tpu.memory_space<vmem>>
      %dma_wait3A_112 = tpu.memref_squeeze %dma_wait3A_111 : memref<1x128x64xf32, #tpu.memory_space<vmem>> -> memref<128x64xf32, #tpu.memory_space<vmem>>
      tpu.wait_dma2 semaphore(%run_scoped3A_86 : memref<!tpu.dma_semaphore, #tpu.memory_space<semaphore_mem>>) src(%dma_wait3A_112 : memref<128x64xf32, #tpu.memory_space<vmem>>) dst(%dma_wait3A_108 : memref<128x64xf32, #tpu.memory_space<hbm>>)
      tpu.yield
    }) : () -> ()
    %mul3A_68 = arith.constant 632 : i32
    %mul3A_69 = arith.muli %arg1, %mul3A_68 : i32
    %add3A_70 = arith.constant 256 : i32
    %add3A_71 = arith.addi %mul3A_69, %add3A_70 : i32
    %run_scoped3A_72 = arith.constant 0 : i32
    "tpu.region"() ({
      %run_scoped3A_86 = tpu.sem_alloc : memref<!tpu.dma_semaphore, #tpu.memory_space<semaphore_mem>>
      %dma_start3A = arith.constant 0 : i32
      %dma_start3A_87 = arith.constant 0 : i32
      %dma_start3A_88 = tpu.memref_slice %arg9[%run_scoped3A_72, %dma_start3A, %dma_start3A_87] : memref<2x128x64xf32, #tpu.memory_space<vmem>> -> memref<1x128x64xf32, #tpu.memory_space<vmem>>
      %dma_start3A_89 = tpu.memref_squeeze %dma_start3A_88 : memref<1x128x64xf32, #tpu.memory_space<vmem>> -> memref<128x64xf32, #tpu.memory_space<vmem>>
      %dma_start3A_90 = arith.constant 0 : i32
      %dma_start3A_91 = tpu.memref_slice %arg11[%add3A_71, %dma_start3A_90] : memref<10112x64xf32, #tpu.memory_space<vmem_shared>> -> memref<128x64xf32, #tpu.memory_space<vmem_shared>>
      %dma_start3A_92 = arith.constant 0 : i32
      %dma_start3A_93 = arith.constant 0 : i32
      %dma_start3A_94 = tpu.memref_slice %arg9[%run_scoped3A_72, %dma_start3A_92, %dma_start3A_93] : memref<2x128x64xf32, #tpu.memory_space<vmem>> -> memref<1x128x64xf32, #tpu.memory_space<vmem>>
      %dma_start3A_95 = tpu.memref_squeeze %dma_start3A_94 : memref<1x128x64xf32, #tpu.memory_space<vmem>> -> memref<128x64xf32, #tpu.memory_space<vmem>>
      %dma_start3A_96 = arith.constant 0 : i32
      %dma_start3A_97 = tpu.memref_slice %arg11[%add3A_71, %dma_start3A_96] : memref<10112x64xf32, #tpu.memory_space<vmem_shared>> -> memref<128x64xf32, #tpu.memory_space<vmem_shared>>
      tpu.enqueue_dma source(%dma_start3A_97 : memref<128x64xf32, #tpu.memory_space<vmem_shared>>) target(%dma_start3A_95 : memref<128x64xf32, #tpu.memory_space<vmem>>) target_semaphore(%run_scoped3A_86 : memref<!tpu.dma_semaphore, #tpu.memory_space<semaphore_mem>>)
      %dma_wait3A = arith.constant 0 : i32
      %dma_wait3A_98 = arith.constant 0 : i32
      %dma_wait3A_99 = tpu.memref_slice %arg9[%run_scoped3A_72, %dma_wait3A, %dma_wait3A_98] : memref<2x128x64xf32, #tpu.memory_space<vmem>> -> memref<1x128x64xf32, #tpu.memory_space<vmem>>
      %dma_wait3A_100 = tpu.memref_squeeze %dma_wait3A_99 : memref<1x128x64xf32, #tpu.memory_space<vmem>> -> memref<128x64xf32, #tpu.memory_space<vmem>>
      %dma_wait3A_101 = arith.constant 0 : i32
      %dma_wait3A_102 = tpu.memref_slice %arg11[%add3A_71, %dma_wait3A_101] : memref<10112x64xf32, #tpu.memory_space<vmem_shared>> -> memref<128x64xf32, #tpu.memory_space<vmem_shared>>
      %dma_wait3A_103 = arith.constant 0 : i32
      %dma_wait3A_104 = arith.constant 0 : i32
      %dma_wait3A_105 = tpu.memref_slice %arg9[%run_scoped3A_72, %dma_wait3A_103, %dma_wait3A_104] : memref<2x128x64xf32, #tpu.memory_space<vmem>> -> memref<1x128x64xf32, #tpu.memory_space<vmem>>
      %dma_wait3A_106 = tpu.memref_squeeze %dma_wait3A_105 : memref<1x128x64xf32, #tpu.memory_space<vmem>> -> memref<128x64xf32, #tpu.memory_space<vmem>>
      %dma_wait3A_107 = arith.constant 0 : i32
      %dma_wait3A_108 = tpu.memref_slice %arg11[%add3A_71, %dma_wait3A_107] : memref<10112x64xf32, #tpu.memory_space<vmem_shared>> -> memref<128x64xf32, #tpu.memory_space<vmem_shared>>
      tpu.wait_dma2 semaphore(%run_scoped3A_86 : memref<!tpu.dma_semaphore, #tpu.memory_space<semaphore_mem>>) src(%dma_wait3A_108 : memref<128x64xf32, #tpu.memory_space<vmem_shared>>) dst(%dma_wait3A_106 : memref<128x64xf32, #tpu.memory_space<vmem>>)
      tpu.yield
    }) : () -> ()
    %run_scoped3A_73 = arith.constant 0 : i32
    "tpu.region"() ({
      %run_scoped3A_86 = tpu.sem_alloc : memref<!tpu.dma_semaphore, #tpu.memory_space<semaphore_mem>>
      %dma_start3A = arith.constant 0 : i32
      %dma_start3A_87 = arith.constant 0 : i32
      %dma_start3A_88 = tpu.memref_slice %arg9[%run_scoped3A_73, %dma_start3A, %dma_start3A_87] : memref<2x128x64xf32, #tpu.memory_space<vmem>> -> memref<1x128x64xf32, #tpu.memory_space<vmem>>
      %dma_start3A_89 = tpu.memref_squeeze %dma_start3A_88 : memref<1x128x64xf32, #tpu.memory_space<vmem>> -> memref<128x64xf32, #tpu.memory_space<vmem>>
      %dma_start3A_90 = arith.constant 0 : i32
      %dma_start3A_91 = tpu.memref_slice %arg6[%arg0, %add3A_71, %dma_start3A_90] : memref<2x10112x64xf32, #tpu.memory_space<hbm>> -> memref<1x128x64xf32, #tpu.memory_space<hbm>>
      %dma_start3A_92 = tpu.memref_squeeze %dma_start3A_91 : memref<1x128x64xf32, #tpu.memory_space<hbm>> -> memref<128x64xf32, #tpu.memory_space<hbm>>
      %dma_start3A_93 = arith.constant 0 : i32
      %dma_start3A_94 = tpu.memref_slice %arg6[%arg0, %add3A_71, %dma_start3A_93] : memref<2x10112x64xf32, #tpu.memory_space<hbm>> -> memref<1x128x64xf32, #tpu.memory_space<hbm>>
      %dma_start3A_95 = tpu.memref_squeeze %dma_start3A_94 : memref<1x128x64xf32, #tpu.memory_space<hbm>> -> memref<128x64xf32, #tpu.memory_space<hbm>>
      %dma_start3A_96 = arith.constant 0 : i32
      %dma_start3A_97 = arith.constant 0 : i32
      %dma_start3A_98 = tpu.memref_slice %arg9[%run_scoped3A_73, %dma_start3A_96, %dma_start3A_97] : memref<2x128x64xf32, #tpu.memory_space<vmem>> -> memref<1x128x64xf32, #tpu.memory_space<vmem>>
      %dma_start3A_99 = tpu.memref_squeeze %dma_start3A_98 : memref<1x128x64xf32, #tpu.memory_space<vmem>> -> memref<128x64xf32, #tpu.memory_space<vmem>>
      tpu.enqueue_dma source(%dma_start3A_99 : memref<128x64xf32, #tpu.memory_space<vmem>>) target(%dma_start3A_95 : memref<128x64xf32, #tpu.memory_space<hbm>>) target_semaphore(%run_scoped3A_86 : memref<!tpu.dma_semaphore, #tpu.memory_space<semaphore_mem>>)
      %dma_wait3A = arith.constant 0 : i32
      %dma_wait3A_100 = arith.constant 0 : i32
      %dma_wait3A_101 = tpu.memref_slice %arg9[%run_scoped3A_73, %dma_wait3A, %dma_wait3A_100] : memref<2x128x64xf32, #tpu.memory_space<vmem>> -> memref<1x128x64xf32, #tpu.memory_space<vmem>>
      %dma_wait3A_102 = tpu.memref_squeeze %dma_wait3A_101 : memref<1x128x64xf32, #tpu.memory_space<vmem>> -> memref<128x64xf32, #tpu.memory_space<vmem>>
      %dma_wait3A_103 = arith.constant 0 : i32
      %dma_wait3A_104 = tpu.memref_slice %arg6[%arg0, %add3A_71, %dma_wait3A_103] : memref<2x10112x64xf32, #tpu.memory_space<hbm>> -> memref<1x128x64xf32, #tpu.memory_space<hbm>>
      %dma_wait3A_105 = tpu.memref_squeeze %dma_wait3A_104 : memref<1x128x64xf32, #tpu.memory_space<hbm>> -> memref<128x64xf32, #tpu.memory_space<hbm>>
      %dma_wait3A_106 = arith.constant 0 : i32
      %dma_wait3A_107 = tpu.memref_slice %arg6[%arg0, %add3A_71, %dma_wait3A_106] : memref<2x10112x64xf32, #tpu.memory_space<hbm>> -> memref<1x128x64xf32, #tpu.memory_space<hbm>>
      %dma_wait3A_108 = tpu.memref_squeeze %dma_wait3A_107 : memref<1x128x64xf32, #tpu.memory_space<hbm>> -> memref<128x64xf32, #tpu.memory_space<hbm>>
      %dma_wait3A_109 = arith.constant 0 : i32
      %dma_wait3A_110 = arith.constant 0 : i32
      %dma_wait3A_111 = tpu.memref_slice %arg9[%run_scoped3A_73, %dma_wait3A_109, %dma_wait3A_110] : memref<2x128x64xf32, #tpu.memory_space<vmem>> -> memref<1x128x64xf32, #tpu.memory_space<vmem>>
      %dma_wait3A_112 = tpu.memref_squeeze %dma_wait3A_111 : memref<1x128x64xf32, #tpu.memory_space<vmem>> -> memref<128x64xf32, #tpu.memory_space<vmem>>
      tpu.wait_dma2 semaphore(%run_scoped3A_86 : memref<!tpu.dma_semaphore, #tpu.memory_space<semaphore_mem>>) src(%dma_wait3A_112 : memref<128x64xf32, #tpu.memory_space<vmem>>) dst(%dma_wait3A_108 : memref<128x64xf32, #tpu.memory_space<hbm>>)
      tpu.yield
    }) : () -> ()
    %mul3A_74 = arith.constant 632 : i32
    %mul3A_75 = arith.muli %arg1, %mul3A_74 : i32
    %add3A_76 = arith.constant 384 : i32
    %add3A_77 = arith.addi %mul3A_75, %add3A_76 : i32
    %run_scoped3A_78 = arith.constant 1 : i32
    "tpu.region"() ({
      %run_scoped3A_86 = tpu.sem_alloc : memref<!tpu.dma_semaphore, #tpu.memory_space<semaphore_mem>>
      %dma_start3A = arith.constant 0 : i32
      %dma_start3A_87 = arith.constant 0 : i32
      %dma_start3A_88 = tpu.memref_slice %arg9[%run_scoped3A_78, %dma_start3A, %dma_start3A_87] : memref<2x128x64xf32, #tpu.memory_space<vmem>> -> memref<1x128x64xf32, #tpu.memory_space<vmem>>
      %dma_start3A_89 = tpu.memref_squeeze %dma_start3A_88 : memref<1x128x64xf32, #tpu.memory_space<vmem>> -> memref<128x64xf32, #tpu.memory_space<vmem>>
      %dma_start3A_90 = arith.constant 0 : i32
      %dma_start3A_91 = tpu.memref_slice %arg11[%add3A_77, %dma_start3A_90] : memref<10112x64xf32, #tpu.memory_space<vmem_shared>> -> memref<128x64xf32, #tpu.memory_space<vmem_shared>>
      %dma_start3A_92 = arith.constant 0 : i32
      %dma_start3A_93 = arith.constant 0 : i32
      %dma_start3A_94 = tpu.memref_slice %arg9[%run_scoped3A_78, %dma_start3A_92, %dma_start3A_93] : memref<2x128x64xf32, #tpu.memory_space<vmem>> -> memref<1x128x64xf32, #tpu.memory_space<vmem>>
      %dma_start3A_95 = tpu.memref_squeeze %dma_start3A_94 : memref<1x128x64xf32, #tpu.memory_space<vmem>> -> memref<128x64xf32, #tpu.memory_space<vmem>>
      %dma_start3A_96 = arith.constant 0 : i32
      %dma_start3A_97 = tpu.memref_slice %arg11[%add3A_77, %dma_start3A_96] : memref<10112x64xf32, #tpu.memory_space<vmem_shared>> -> memref<128x64xf32, #tpu.memory_space<vmem_shared>>
      tpu.enqueue_dma source(%dma_start3A_97 : memref<128x64xf32, #tpu.memory_space<vmem_shared>>) target(%dma_start3A_95 : memref<128x64xf32, #tpu.memory_space<vmem>>) target_semaphore(%run_scoped3A_86 : memref<!tpu.dma_semaphore, #tpu.memory_space<semaphore_mem>>)
      %dma_wait3A = arith.constant 0 : i32
      %dma_wait3A_98 = arith.constant 0 : i32
      %dma_wait3A_99 = tpu.memref_slice %arg9[%run_scoped3A_78, %dma_wait3A, %dma_wait3A_98] : memref<2x128x64xf32, #tpu.memory_space<vmem>> -> memref<1x128x64xf32, #tpu.memory_space<vmem>>
      %dma_wait3A_100 = tpu.memref_squeeze %dma_wait3A_99 : memref<1x128x64xf32, #tpu.memory_space<vmem>> -> memref<128x64xf32, #tpu.memory_space<vmem>>
      %dma_wait3A_101 = arith.constant 0 : i32
      %dma_wait3A_102 = tpu.memref_slice %arg11[%add3A_77, %dma_wait3A_101] : memref<10112x64xf32, #tpu.memory_space<vmem_shared>> -> memref<128x64xf32, #tpu.memory_space<vmem_shared>>
      %dma_wait3A_103 = arith.constant 0 : i32
      %dma_wait3A_104 = arith.constant 0 : i32
      %dma_wait3A_105 = tpu.memref_slice %arg9[%run_scoped3A_78, %dma_wait3A_103, %dma_wait3A_104] : memref<2x128x64xf32, #tpu.memory_space<vmem>> -> memref<1x128x64xf32, #tpu.memory_space<vmem>>
      %dma_wait3A_106 = tpu.memref_squeeze %dma_wait3A_105 : memref<1x128x64xf32, #tpu.memory_space<vmem>> -> memref<128x64xf32, #tpu.memory_space<vmem>>
      %dma_wait3A_107 = arith.constant 0 : i32
      %dma_wait3A_108 = tpu.memref_slice %arg11[%add3A_77, %dma_wait3A_107] : memref<10112x64xf32, #tpu.memory_space<vmem_shared>> -> memref<128x64xf32, #tpu.memory_space<vmem_shared>>
      tpu.wait_dma2 semaphore(%run_scoped3A_86 : memref<!tpu.dma_semaphore, #tpu.memory_space<semaphore_mem>>) src(%dma_wait3A_108 : memref<128x64xf32, #tpu.memory_space<vmem_shared>>) dst(%dma_wait3A_106 : memref<128x64xf32, #tpu.memory_space<vmem>>)
      tpu.yield
    }) : () -> ()
    %run_scoped3A_79 = arith.constant 1 : i32
    "tpu.region"() ({
      %run_scoped3A_86 = tpu.sem_alloc : memref<!tpu.dma_semaphore, #tpu.memory_space<semaphore_mem>>
      %dma_start3A = arith.constant 0 : i32
      %dma_start3A_87 = arith.constant 0 : i32
      %dma_start3A_88 = tpu.memref_slice %arg9[%run_scoped3A_79, %dma_start3A, %dma_start3A_87] : memref<2x128x64xf32, #tpu.memory_space<vmem>> -> memref<1x128x64xf32, #tpu.memory_space<vmem>>
      %dma_start3A_89 = tpu.memref_squeeze %dma_start3A_88 : memref<1x128x64xf32, #tpu.memory_space<vmem>> -> memref<128x64xf32, #tpu.memory_space<vmem>>
      %dma_start3A_90 = arith.constant 0 : i32
      %dma_start3A_91 = tpu.memref_slice %arg6[%arg0, %add3A_77, %dma_start3A_90] : memref<2x10112x64xf32, #tpu.memory_space<hbm>> -> memref<1x128x64xf32, #tpu.memory_space<hbm>>
      %dma_start3A_92 = tpu.memref_squeeze %dma_start3A_91 : memref<1x128x64xf32, #tpu.memory_space<hbm>> -> memref<128x64xf32, #tpu.memory_space<hbm>>
      %dma_start3A_93 = arith.constant 0 : i32
      %dma_start3A_94 = tpu.memref_slice %arg6[%arg0, %add3A_77, %dma_start3A_93] : memref<2x10112x64xf32, #tpu.memory_space<hbm>> -> memref<1x128x64xf32, #tpu.memory_space<hbm>>
      %dma_start3A_95 = tpu.memref_squeeze %dma_start3A_94 : memref<1x128x64xf32, #tpu.memory_space<hbm>> -> memref<128x64xf32, #tpu.memory_space<hbm>>
      %dma_start3A_96 = arith.constant 0 : i32
      %dma_start3A_97 = arith.constant 0 : i32
      %dma_start3A_98 = tpu.memref_slice %arg9[%run_scoped3A_79, %dma_start3A_96, %dma_start3A_97] : memref<2x128x64xf32, #tpu.memory_space<vmem>> -> memref<1x128x64xf32, #tpu.memory_space<vmem>>
      %dma_start3A_99 = tpu.memref_squeeze %dma_start3A_98 : memref<1x128x64xf32, #tpu.memory_space<vmem>> -> memref<128x64xf32, #tpu.memory_space<vmem>>
      tpu.enqueue_dma source(%dma_start3A_99 : memref<128x64xf32, #tpu.memory_space<vmem>>) target(%dma_start3A_95 : memref<128x64xf32, #tpu.memory_space<hbm>>) target_semaphore(%run_scoped3A_86 : memref<!tpu.dma_semaphore, #tpu.memory_space<semaphore_mem>>)
      %dma_wait3A = arith.constant 0 : i32
      %dma_wait3A_100 = arith.constant 0 : i32
      %dma_wait3A_101 = tpu.memref_slice %arg9[%run_scoped3A_79, %dma_wait3A, %dma_wait3A_100] : memref<2x128x64xf32, #tpu.memory_space<vmem>> -> memref<1x128x64xf32, #tpu.memory_space<vmem>>
      %dma_wait3A_102 = tpu.memref_squeeze %dma_wait3A_101 : memref<1x128x64xf32, #tpu.memory_space<vmem>> -> memref<128x64xf32, #tpu.memory_space<vmem>>
      %dma_wait3A_103 = arith.constant 0 : i32
      %dma_wait3A_104 = tpu.memref_slice %arg6[%arg0, %add3A_77, %dma_wait3A_103] : memref<2x10112x64xf32, #tpu.memory_space<hbm>> -> memref<1x128x64xf32, #tpu.memory_space<hbm>>
      %dma_wait3A_105 = tpu.memref_squeeze %dma_wait3A_104 : memref<1x128x64xf32, #tpu.memory_space<hbm>> -> memref<128x64xf32, #tpu.memory_space<hbm>>
      %dma_wait3A_106 = arith.constant 0 : i32
      %dma_wait3A_107 = tpu.memref_slice %arg6[%arg0, %add3A_77, %dma_wait3A_106] : memref<2x10112x64xf32, #tpu.memory_space<hbm>> -> memref<1x128x64xf32, #tpu.memory_space<hbm>>
      %dma_wait3A_108 = tpu.memref_squeeze %dma_wait3A_107 : memref<1x128x64xf32, #tpu.memory_space<hbm>> -> memref<128x64xf32, #tpu.memory_space<hbm>>
      %dma_wait3A_109 = arith.constant 0 : i32
      %dma_wait3A_110 = arith.constant 0 : i32
      %dma_wait3A_111 = tpu.memref_slice %arg9[%run_scoped3A_79, %dma_wait3A_109, %dma_wait3A_110] : memref<2x128x64xf32, #tpu.memory_space<vmem>> -> memref<1x128x64xf32, #tpu.memory_space<vmem>>
      %dma_wait3A_112 = tpu.memref_squeeze %dma_wait3A_111 : memref<1x128x64xf32, #tpu.memory_space<vmem>> -> memref<128x64xf32, #tpu.memory_space<vmem>>
      tpu.wait_dma2 semaphore(%run_scoped3A_86 : memref<!tpu.dma_semaphore, #tpu.memory_space<semaphore_mem>>) src(%dma_wait3A_112 : memref<128x64xf32, #tpu.memory_space<vmem>>) dst(%dma_wait3A_108 : memref<128x64xf32, #tpu.memory_space<hbm>>)
      tpu.yield
    }) : () -> ()
    %mul3A_80 = arith.constant 632 : i32
    %mul3A_81 = arith.muli %arg1, %mul3A_80 : i32
    %add3A_82 = arith.constant 512 : i32
    %add3A_83 = arith.addi %mul3A_81, %add3A_82 : i32
    %run_scoped3A_84 = arith.constant 0 : i32
    "tpu.region"() ({
      %run_scoped3A_86 = tpu.sem_alloc : memref<!tpu.dma_semaphore, #tpu.memory_space<semaphore_mem>>
      %dma_start3A = arith.constant 0 : i32
      %dma_start3A_87 = arith.constant 0 : i32
      %dma_start3A_88 = tpu.memref_slice %arg9[%run_scoped3A_84, %dma_start3A, %dma_start3A_87] : memref<2x128x64xf32, #tpu.memory_space<vmem>> -> memref<1x120x64xf32, #tpu.memory_space<vmem>>
      %dma_start3A_89 = tpu.memref_squeeze %dma_start3A_88 : memref<1x120x64xf32, #tpu.memory_space<vmem>> -> memref<120x64xf32, #tpu.memory_space<vmem>>
      %dma_start3A_90 = arith.constant 0 : i32
      %dma_start3A_91 = tpu.memref_slice %arg11[%add3A_83, %dma_start3A_90] : memref<10112x64xf32, #tpu.memory_space<vmem_shared>> -> memref<120x64xf32, #tpu.memory_space<vmem_shared>>
      %dma_start3A_92 = arith.constant 0 : i32
      %dma_start3A_93 = arith.constant 0 : i32
      %dma_start3A_94 = tpu.memref_slice %arg9[%run_scoped3A_84, %dma_start3A_92, %dma_start3A_93] : memref<2x128x64xf32, #tpu.memory_space<vmem>> -> memref<1x120x64xf32, #tpu.memory_space<vmem>>
      %dma_start3A_95 = tpu.memref_squeeze %dma_start3A_94 : memref<1x120x64xf32, #tpu.memory_space<vmem>> -> memref<120x64xf32, #tpu.memory_space<vmem>>
      %dma_start3A_96 = arith.constant 0 : i32
      %dma_start3A_97 = tpu.memref_slice %arg11[%add3A_83, %dma_start3A_96] : memref<10112x64xf32, #tpu.memory_space<vmem_shared>> -> memref<120x64xf32, #tpu.memory_space<vmem_shared>>
      tpu.enqueue_dma source(%dma_start3A_97 : memref<120x64xf32, #tpu.memory_space<vmem_shared>>) target(%dma_start3A_95 : memref<120x64xf32, #tpu.memory_space<vmem>>) target_semaphore(%run_scoped3A_86 : memref<!tpu.dma_semaphore, #tpu.memory_space<semaphore_mem>>)
      %dma_wait3A = arith.constant 0 : i32
      %dma_wait3A_98 = arith.constant 0 : i32
      %dma_wait3A_99 = tpu.memref_slice %arg9[%run_scoped3A_84, %dma_wait3A, %dma_wait3A_98] : memref<2x128x64xf32, #tpu.memory_space<vmem>> -> memref<1x120x64xf32, #tpu.memory_space<vmem>>
      %dma_wait3A_100 = tpu.memref_squeeze %dma_wait3A_99 : memref<1x120x64xf32, #tpu.memory_space<vmem>> -> memref<120x64xf32, #tpu.memory_space<vmem>>
      %dma_wait3A_101 = arith.constant 0 : i32
      %dma_wait3A_102 = tpu.memref_slice %arg11[%add3A_83, %dma_wait3A_101] : memref<10112x64xf32, #tpu.memory_space<vmem_shared>> -> memref<120x64xf32, #tpu.memory_space<vmem_shared>>
      %dma_wait3A_103 = arith.constant 0 : i32
      %dma_wait3A_104 = arith.constant 0 : i32
      %dma_wait3A_105 = tpu.memref_slice %arg9[%run_scoped3A_84, %dma_wait3A_103, %dma_wait3A_104] : memref<2x128x64xf32, #tpu.memory_space<vmem>> -> memref<1x120x64xf32, #tpu.memory_space<vmem>>
      %dma_wait3A_106 = tpu.memref_squeeze %dma_wait3A_105 : memref<1x120x64xf32, #tpu.memory_space<vmem>> -> memref<120x64xf32, #tpu.memory_space<vmem>>
      %dma_wait3A_107 = arith.constant 0 : i32
      %dma_wait3A_108 = tpu.memref_slice %arg11[%add3A_83, %dma_wait3A_107] : memref<10112x64xf32, #tpu.memory_space<vmem_shared>> -> memref<120x64xf32, #tpu.memory_space<vmem_shared>>
      tpu.wait_dma2 semaphore(%run_scoped3A_86 : memref<!tpu.dma_semaphore, #tpu.memory_space<semaphore_mem>>) src(%dma_wait3A_108 : memref<120x64xf32, #tpu.memory_space<vmem_shared>>) dst(%dma_wait3A_106 : memref<120x64xf32, #tpu.memory_space<vmem>>)
      tpu.yield
    }) : () -> ()
    %run_scoped3A_85 = arith.constant 0 : i32
    "tpu.region"() ({
      %run_scoped3A_86 = tpu.sem_alloc : memref<!tpu.dma_semaphore, #tpu.memory_space<semaphore_mem>>
      %dma_start3A = arith.constant 0 : i32
      %dma_start3A_87 = arith.constant 0 : i32
      %dma_start3A_88 = tpu.memref_slice %arg9[%run_scoped3A_85, %dma_start3A, %dma_start3A_87] : memref<2x128x64xf32, #tpu.memory_space<vmem>> -> memref<1x120x64xf32, #tpu.memory_space<vmem>>
      %dma_start3A_89 = tpu.memref_squeeze %dma_start3A_88 : memref<1x120x64xf32, #tpu.memory_space<vmem>> -> memref<120x64xf32, #tpu.memory_space<vmem>>
      %dma_start3A_90 = arith.constant 0 : i32
      %dma_start3A_91 = tpu.memref_slice %arg6[%arg0, %add3A_83, %dma_start3A_90] : memref<2x10112x64xf32, #tpu.memory_space<hbm>> -> memref<1x120x64xf32, #tpu.memory_space<hbm>>
      %dma_start3A_92 = tpu.memref_squeeze %dma_start3A_91 : memref<1x120x64xf32, #tpu.memory_space<hbm>> -> memref<120x64xf32, #tpu.memory_space<hbm>>
      %dma_start3A_93 = arith.constant 0 : i32
      %dma_start3A_94 = tpu.memref_slice %arg6[%arg0, %add3A_83, %dma_start3A_93] : memref<2x10112x64xf32, #tpu.memory_space<hbm>> -> memref<1x120x64xf32, #tpu.memory_space<hbm>>
      %dma_start3A_95 = tpu.memref_squeeze %dma_start3A_94 : memref<1x120x64xf32, #tpu.memory_space<hbm>> -> memref<120x64xf32, #tpu.memory_space<hbm>>
      %dma_start3A_96 = arith.constant 0 : i32
      %dma_start3A_97 = arith.constant 0 : i32
      %dma_start3A_98 = tpu.memref_slice %arg9[%run_scoped3A_85, %dma_start3A_96, %dma_start3A_97] : memref<2x128x64xf32, #tpu.memory_space<vmem>> -> memref<1x120x64xf32, #tpu.memory_space<vmem>>
      %dma_start3A_99 = tpu.memref_squeeze %dma_start3A_98 : memref<1x120x64xf32, #tpu.memory_space<vmem>> -> memref<120x64xf32, #tpu.memory_space<vmem>>
      tpu.enqueue_dma source(%dma_start3A_99 : memref<120x64xf32, #tpu.memory_space<vmem>>) target(%dma_start3A_95 : memref<120x64xf32, #tpu.memory_space<hbm>>) target_semaphore(%run_scoped3A_86 : memref<!tpu.dma_semaphore, #tpu.memory_space<semaphore_mem>>)
      %dma_wait3A = arith.constant 0 : i32
      %dma_wait3A_100 = arith.constant 0 : i32
      %dma_wait3A_101 = tpu.memref_slice %arg9[%run_scoped3A_85, %dma_wait3A, %dma_wait3A_100] : memref<2x128x64xf32, #tpu.memory_space<vmem>> -> memref<1x120x64xf32, #tpu.memory_space<vmem>>
      %dma_wait3A_102 = tpu.memref_squeeze %dma_wait3A_101 : memref<1x120x64xf32, #tpu.memory_space<vmem>> -> memref<120x64xf32, #tpu.memory_space<vmem>>
      %dma_wait3A_103 = arith.constant 0 : i32
      %dma_wait3A_104 = tpu.memref_slice %arg6[%arg0, %add3A_83, %dma_wait3A_103] : memref<2x10112x64xf32, #tpu.memory_space<hbm>> -> memref<1x120x64xf32, #tpu.memory_space<hbm>>
      %dma_wait3A_105 = tpu.memref_squeeze %dma_wait3A_104 : memref<1x120x64xf32, #tpu.memory_space<hbm>> -> memref<120x64xf32, #tpu.memory_space<hbm>>
      %dma_wait3A_106 = arith.constant 0 : i32
      %dma_wait3A_107 = tpu.memref_slice %arg6[%arg0, %add3A_83, %dma_wait3A_106] : memref<2x10112x64xf32, #tpu.memory_space<hbm>> -> memref<1x120x64xf32, #tpu.memory_space<hbm>>
      %dma_wait3A_108 = tpu.memref_squeeze %dma_wait3A_107 : memref<1x120x64xf32, #tpu.memory_space<hbm>> -> memref<120x64xf32, #tpu.memory_space<hbm>>
      %dma_wait3A_109 = arith.constant 0 : i32
      %dma_wait3A_110 = arith.constant 0 : i32
      %dma_wait3A_111 = tpu.memref_slice %arg9[%run_scoped3A_85, %dma_wait3A_109, %dma_wait3A_110] : memref<2x128x64xf32, #tpu.memory_space<vmem>> -> memref<1x120x64xf32, #tpu.memory_space<vmem>>
      %dma_wait3A_112 = tpu.memref_squeeze %dma_wait3A_111 : memref<1x120x64xf32, #tpu.memory_space<vmem>> -> memref<120x64xf32, #tpu.memory_space<vmem>>
      tpu.wait_dma2 semaphore(%run_scoped3A_86 : memref<!tpu.dma_semaphore, #tpu.memory_space<semaphore_mem>>) src(%dma_wait3A_112 : memref<120x64xf32, #tpu.memory_space<vmem>>) dst(%dma_wait3A_108 : memref<120x64xf32, #tpu.memory_space<hbm>>)
      tpu.yield
    }) : () -> ()
    return
  }
}

#map = affine_map<(d0, d1) -> (0, 0)>
#map1 = affine_map<(d0, d1) -> (0, 0, 0)>
module attributes {stable_mosaic.version = 14 : i64} {
  func.func @scatter_kernel(%arg0: i32, %arg1: i32, %arg2: memref<10112x64xf32, #tpu.memory_space<hbm>>, %arg3: memref<32x80x128xi32, #tpu.memory_space<hbm>>, %arg4: memref<32x80x128xi32, #tpu.memory_space<hbm>>, %arg5: memref<128x64xf32, #tpu.memory_space<hbm>>, %arg6: memref<2x10112x64xf32, #tpu.memory_space<hbm>>, %arg7: memref<80x128xi32, #tpu.memory_space<vmem>>, %arg8: memref<16x128xi32, #tpu.memory_space<vmem>>, %arg9: memref<2x128x64xf32, #tpu.memory_space<vmem>>, %arg10: memref<10112x64xf32, #tpu.memory_space<vmem_shared>>, %arg11: memref<10112x64xf32, #tpu.memory_space<vmem_shared>>, %arg12: memref<!tpu.dma_semaphore, #tpu.memory_space<semaphore_mem>>, %arg13: memref<!tpu.dma_semaphore, #tpu.memory_space<semaphore_mem>>, %arg14: memref<!tpu.dma_semaphore, #tpu.memory_space<semaphore_mem>>, %arg15: memref<!tpu.dma_semaphore, #tpu.memory_space<semaphore_mem>>, %arg16: memref<!tpu.dma_semaphore, #tpu.memory_space<semaphore_mem>>, %arg17: memref<!tpu.dma_semaphore, #tpu.memory_space<semaphore_mem>>) attributes {dimension_semantics = [#tpu.dimension_semantics<core_parallel>, #tpu.dimension_semantics<subcore_parallel>], iteration_bounds = array<i64: 2, 16>, scalar_prefetch = 0 : i64, scratch_operands = 11 : i64, tpu.core_type = #tpu.core_type<sc_vector_subcore>, window_params = [{transform_indices = #map}, {transform_indices = #map1}, {transform_indices = #map1}, {transform_indices = #map}, {transform_indices = #map1}]} {
    %mul3A = arith.constant 16 : i32
    %mul3A_0 = arith.muli %arg0, %mul3A : i32
    %add3A = arith.addi %mul3A_0, %arg1 : i32
    "tpu.region"() ({
      %run_scoped3A_92 = tpu.sem_alloc : memref<!tpu.dma_semaphore, #tpu.memory_space<semaphore_mem>>
      %dma_start3A = arith.constant 0 : i32
      %dma_start3A_93 = arith.constant 0 : i32
      %dma_start3A_94 = tpu.memref_slice %arg3[%add3A, %dma_start3A, %dma_start3A_93] : memref<32x80x128xi32, #tpu.memory_space<hbm>> -> memref<1x80x128xi32, #tpu.memory_space<hbm>>
      %dma_start3A_95 = tpu.memref_squeeze %dma_start3A_94 : memref<1x80x128xi32, #tpu.memory_space<hbm>> -> memref<80x128xi32, #tpu.memory_space<hbm>>
      %dma_start3A_96 = arith.constant 0 : i32
      %dma_start3A_97 = arith.constant 0 : i32
      %dma_start3A_98 = tpu.memref_slice %arg3[%add3A, %dma_start3A_96, %dma_start3A_97] : memref<32x80x128xi32, #tpu.memory_space<hbm>> -> memref<1x80x128xi32, #tpu.memory_space<hbm>>
      %dma_start3A_99 = tpu.memref_squeeze %dma_start3A_98 : memref<1x80x128xi32, #tpu.memory_space<hbm>> -> memref<80x128xi32, #tpu.memory_space<hbm>>
      tpu.enqueue_dma source(%dma_start3A_99 : memref<80x128xi32, #tpu.memory_space<hbm>>) target(%arg7 : memref<80x128xi32, #tpu.memory_space<vmem>>) target_semaphore(%run_scoped3A_92 : memref<!tpu.dma_semaphore, #tpu.memory_space<semaphore_mem>>)
      %dma_wait3A = arith.constant 0 : i32
      %dma_wait3A_100 = arith.constant 0 : i32
      %dma_wait3A_101 = tpu.memref_slice %arg3[%add3A, %dma_wait3A, %dma_wait3A_100] : memref<32x80x128xi32, #tpu.memory_space<hbm>> -> memref<1x80x128xi32, #tpu.memory_space<hbm>>
      %dma_wait3A_102 = tpu.memref_squeeze %dma_wait3A_101 : memref<1x80x128xi32, #tpu.memory_space<hbm>> -> memref<80x128xi32, #tpu.memory_space<hbm>>
      %dma_wait3A_103 = arith.constant 0 : i32
      %dma_wait3A_104 = arith.constant 0 : i32
      %dma_wait3A_105 = tpu.memref_slice %arg3[%add3A, %dma_wait3A_103, %dma_wait3A_104] : memref<32x80x128xi32, #tpu.memory_space<hbm>> -> memref<1x80x128xi32, #tpu.memory_space<hbm>>
      %dma_wait3A_106 = tpu.memref_squeeze %dma_wait3A_105 : memref<1x80x128xi32, #tpu.memory_space<hbm>> -> memref<80x128xi32, #tpu.memory_space<hbm>>
      tpu.wait_dma2 semaphore(%run_scoped3A_92 : memref<!tpu.dma_semaphore, #tpu.memory_space<semaphore_mem>>) src(%dma_wait3A_106 : memref<80x128xi32, #tpu.memory_space<hbm>>) dst(%arg7 : memref<80x128xi32, #tpu.memory_space<vmem>>)
      tpu.yield
    }) : () -> ()
    %mul3A_1 = arith.constant 632 : i32
    %mul3A_2 = arith.muli %arg1, %mul3A_1 : i32
    %add3A_3 = arith.constant 0 : i32
    %add3A_4 = arith.addi %mul3A_2, %add3A_3 : i32
    %add3A_5 = arith.constant 0 : i32
    %add3A_6 = arith.addi %add3A_5, %add3A_4 : i32
    "tpu.region"() ({
      %run_scoped3A_92 = tpu.sem_alloc : memref<!tpu.dma_semaphore, #tpu.memory_space<semaphore_mem>>
      %dma_start3A = arith.constant 0 : i32
      %dma_start3A_93 = tpu.memref_slice %arg10[%add3A_4, %dma_start3A] : memref<10112x64xf32, #tpu.memory_space<vmem_shared>> -> memref<128x64xf32, #tpu.memory_space<vmem_shared>>
      %dma_start3A_94 = arith.constant 0 : i32
      %dma_start3A_95 = tpu.memref_slice %arg2[%add3A_6, %dma_start3A_94] : memref<10112x64xf32, #tpu.memory_space<hbm>> -> memref<128x64xf32, #tpu.memory_space<hbm>>
      tpu.enqueue_dma source(%dma_start3A_95 : memref<128x64xf32, #tpu.memory_space<hbm>>) target(%dma_start3A_93 : memref<128x64xf32, #tpu.memory_space<vmem_shared>>) target_semaphore(%run_scoped3A_92 : memref<!tpu.dma_semaphore, #tpu.memory_space<semaphore_mem>>)
      %dma_wait3A = arith.constant 0 : i32
      %dma_wait3A_96 = tpu.memref_slice %arg10[%add3A_4, %dma_wait3A] : memref<10112x64xf32, #tpu.memory_space<vmem_shared>> -> memref<128x64xf32, #tpu.memory_space<vmem_shared>>
      %dma_wait3A_97 = arith.constant 0 : i32
      %dma_wait3A_98 = tpu.memref_slice %arg2[%add3A_6, %dma_wait3A_97] : memref<10112x64xf32, #tpu.memory_space<hbm>> -> memref<128x64xf32, #tpu.memory_space<hbm>>
      tpu.wait_dma2 semaphore(%run_scoped3A_92 : memref<!tpu.dma_semaphore, #tpu.memory_space<semaphore_mem>>) src(%dma_wait3A_98 : memref<128x64xf32, #tpu.memory_space<hbm>>) dst(%dma_wait3A_96 : memref<128x64xf32, #tpu.memory_space<vmem_shared>>)
      tpu.yield
    }) : () -> ()
    %mul3A_7 = arith.constant 632 : i32
    %mul3A_8 = arith.muli %arg1, %mul3A_7 : i32
    %add3A_9 = arith.constant 128 : i32
    %add3A_10 = arith.addi %mul3A_8, %add3A_9 : i32
    %add3A_11 = arith.constant 0 : i32
    %add3A_12 = arith.addi %add3A_11, %add3A_10 : i32
    "tpu.region"() ({
      %run_scoped3A_92 = tpu.sem_alloc : memref<!tpu.dma_semaphore, #tpu.memory_space<semaphore_mem>>
      %dma_start3A = arith.constant 0 : i32
      %dma_start3A_93 = tpu.memref_slice %arg10[%add3A_10, %dma_start3A] : memref<10112x64xf32, #tpu.memory_space<vmem_shared>> -> memref<128x64xf32, #tpu.memory_space<vmem_shared>>
      %dma_start3A_94 = arith.constant 0 : i32
      %dma_start3A_95 = tpu.memref_slice %arg2[%add3A_12, %dma_start3A_94] : memref<10112x64xf32, #tpu.memory_space<hbm>> -> memref<128x64xf32, #tpu.memory_space<hbm>>
      tpu.enqueue_dma source(%dma_start3A_95 : memref<128x64xf32, #tpu.memory_space<hbm>>) target(%dma_start3A_93 : memref<128x64xf32, #tpu.memory_space<vmem_shared>>) target_semaphore(%run_scoped3A_92 : memref<!tpu.dma_semaphore, #tpu.memory_space<semaphore_mem>>)
      %dma_wait3A = arith.constant 0 : i32
      %dma_wait3A_96 = tpu.memref_slice %arg10[%add3A_10, %dma_wait3A] : memref<10112x64xf32, #tpu.memory_space<vmem_shared>> -> memref<128x64xf32, #tpu.memory_space<vmem_shared>>
      %dma_wait3A_97 = arith.constant 0 : i32
      %dma_wait3A_98 = tpu.memref_slice %arg2[%add3A_12, %dma_wait3A_97] : memref<10112x64xf32, #tpu.memory_space<hbm>> -> memref<128x64xf32, #tpu.memory_space<hbm>>
      tpu.wait_dma2 semaphore(%run_scoped3A_92 : memref<!tpu.dma_semaphore, #tpu.memory_space<semaphore_mem>>) src(%dma_wait3A_98 : memref<128x64xf32, #tpu.memory_space<hbm>>) dst(%dma_wait3A_96 : memref<128x64xf32, #tpu.memory_space<vmem_shared>>)
      tpu.yield
    }) : () -> ()
    %mul3A_13 = arith.constant 632 : i32
    %mul3A_14 = arith.muli %arg1, %mul3A_13 : i32
    %add3A_15 = arith.constant 256 : i32
    %add3A_16 = arith.addi %mul3A_14, %add3A_15 : i32
    %add3A_17 = arith.constant 0 : i32
    %add3A_18 = arith.addi %add3A_17, %add3A_16 : i32
    "tpu.region"() ({
      %run_scoped3A_92 = tpu.sem_alloc : memref<!tpu.dma_semaphore, #tpu.memory_space<semaphore_mem>>
      %dma_start3A = arith.constant 0 : i32
      %dma_start3A_93 = tpu.memref_slice %arg10[%add3A_16, %dma_start3A] : memref<10112x64xf32, #tpu.memory_space<vmem_shared>> -> memref<128x64xf32, #tpu.memory_space<vmem_shared>>
      %dma_start3A_94 = arith.constant 0 : i32
      %dma_start3A_95 = tpu.memref_slice %arg2[%add3A_18, %dma_start3A_94] : memref<10112x64xf32, #tpu.memory_space<hbm>> -> memref<128x64xf32, #tpu.memory_space<hbm>>
      tpu.enqueue_dma source(%dma_start3A_95 : memref<128x64xf32, #tpu.memory_space<hbm>>) target(%dma_start3A_93 : memref<128x64xf32, #tpu.memory_space<vmem_shared>>) target_semaphore(%run_scoped3A_92 : memref<!tpu.dma_semaphore, #tpu.memory_space<semaphore_mem>>)
      %dma_wait3A = arith.constant 0 : i32
      %dma_wait3A_96 = tpu.memref_slice %arg10[%add3A_16, %dma_wait3A] : memref<10112x64xf32, #tpu.memory_space<vmem_shared>> -> memref<128x64xf32, #tpu.memory_space<vmem_shared>>
      %dma_wait3A_97 = arith.constant 0 : i32
      %dma_wait3A_98 = tpu.memref_slice %arg2[%add3A_18, %dma_wait3A_97] : memref<10112x64xf32, #tpu.memory_space<hbm>> -> memref<128x64xf32, #tpu.memory_space<hbm>>
      tpu.wait_dma2 semaphore(%run_scoped3A_92 : memref<!tpu.dma_semaphore, #tpu.memory_space<semaphore_mem>>) src(%dma_wait3A_98 : memref<128x64xf32, #tpu.memory_space<hbm>>) dst(%dma_wait3A_96 : memref<128x64xf32, #tpu.memory_space<vmem_shared>>)
      tpu.yield
    }) : () -> ()
    %mul3A_19 = arith.constant 632 : i32
    %mul3A_20 = arith.muli %arg1, %mul3A_19 : i32
    %add3A_21 = arith.constant 384 : i32
    %add3A_22 = arith.addi %mul3A_20, %add3A_21 : i32
    %add3A_23 = arith.constant 0 : i32
    %add3A_24 = arith.addi %add3A_23, %add3A_22 : i32
    "tpu.region"() ({
      %run_scoped3A_92 = tpu.sem_alloc : memref<!tpu.dma_semaphore, #tpu.memory_space<semaphore_mem>>
      %dma_start3A = arith.constant 0 : i32
      %dma_start3A_93 = tpu.memref_slice %arg10[%add3A_22, %dma_start3A] : memref<10112x64xf32, #tpu.memory_space<vmem_shared>> -> memref<128x64xf32, #tpu.memory_space<vmem_shared>>
      %dma_start3A_94 = arith.constant 0 : i32
      %dma_start3A_95 = tpu.memref_slice %arg2[%add3A_24, %dma_start3A_94] : memref<10112x64xf32, #tpu.memory_space<hbm>> -> memref<128x64xf32, #tpu.memory_space<hbm>>
      tpu.enqueue_dma source(%dma_start3A_95 : memref<128x64xf32, #tpu.memory_space<hbm>>) target(%dma_start3A_93 : memref<128x64xf32, #tpu.memory_space<vmem_shared>>) target_semaphore(%run_scoped3A_92 : memref<!tpu.dma_semaphore, #tpu.memory_space<semaphore_mem>>)
      %dma_wait3A = arith.constant 0 : i32
      %dma_wait3A_96 = tpu.memref_slice %arg10[%add3A_22, %dma_wait3A] : memref<10112x64xf32, #tpu.memory_space<vmem_shared>> -> memref<128x64xf32, #tpu.memory_space<vmem_shared>>
      %dma_wait3A_97 = arith.constant 0 : i32
      %dma_wait3A_98 = tpu.memref_slice %arg2[%add3A_24, %dma_wait3A_97] : memref<10112x64xf32, #tpu.memory_space<hbm>> -> memref<128x64xf32, #tpu.memory_space<hbm>>
      tpu.wait_dma2 semaphore(%run_scoped3A_92 : memref<!tpu.dma_semaphore, #tpu.memory_space<semaphore_mem>>) src(%dma_wait3A_98 : memref<128x64xf32, #tpu.memory_space<hbm>>) dst(%dma_wait3A_96 : memref<128x64xf32, #tpu.memory_space<vmem_shared>>)
      tpu.yield
    }) : () -> ()
    %mul3A_25 = arith.constant 632 : i32
    %mul3A_26 = arith.muli %arg1, %mul3A_25 : i32
    %add3A_27 = arith.constant 512 : i32
    %add3A_28 = arith.addi %mul3A_26, %add3A_27 : i32
    %add3A_29 = arith.constant 0 : i32
    %add3A_30 = arith.addi %add3A_29, %add3A_28 : i32
    "tpu.region"() ({
      %run_scoped3A_92 = tpu.sem_alloc : memref<!tpu.dma_semaphore, #tpu.memory_space<semaphore_mem>>
      %dma_start3A = arith.constant 0 : i32
      %dma_start3A_93 = tpu.memref_slice %arg10[%add3A_28, %dma_start3A] : memref<10112x64xf32, #tpu.memory_space<vmem_shared>> -> memref<120x64xf32, #tpu.memory_space<vmem_shared>>
      %dma_start3A_94 = arith.constant 0 : i32
      %dma_start3A_95 = tpu.memref_slice %arg2[%add3A_30, %dma_start3A_94] : memref<10112x64xf32, #tpu.memory_space<hbm>> -> memref<120x64xf32, #tpu.memory_space<hbm>>
      tpu.enqueue_dma source(%dma_start3A_95 : memref<120x64xf32, #tpu.memory_space<hbm>>) target(%dma_start3A_93 : memref<120x64xf32, #tpu.memory_space<vmem_shared>>) target_semaphore(%run_scoped3A_92 : memref<!tpu.dma_semaphore, #tpu.memory_space<semaphore_mem>>)
      %dma_wait3A = arith.constant 0 : i32
      %dma_wait3A_96 = tpu.memref_slice %arg10[%add3A_28, %dma_wait3A] : memref<10112x64xf32, #tpu.memory_space<vmem_shared>> -> memref<120x64xf32, #tpu.memory_space<vmem_shared>>
      %dma_wait3A_97 = arith.constant 0 : i32
      %dma_wait3A_98 = tpu.memref_slice %arg2[%add3A_30, %dma_wait3A_97] : memref<10112x64xf32, #tpu.memory_space<hbm>> -> memref<120x64xf32, #tpu.memory_space<hbm>>
      tpu.wait_dma2 semaphore(%run_scoped3A_92 : memref<!tpu.dma_semaphore, #tpu.memory_space<semaphore_mem>>) src(%dma_wait3A_98 : memref<120x64xf32, #tpu.memory_space<hbm>>) dst(%dma_wait3A_96 : memref<120x64xf32, #tpu.memory_space<vmem_shared>>)
      tpu.yield
    }) : () -> ()
    %run_scoped3A = arith.constant 0 : i32
    "tpu.region"() ({
      %run_scoped3A_92 = tpu.sem_alloc : memref<!tpu.dma_semaphore, #tpu.memory_space<semaphore_mem>>
      %dma_start3A = arith.constant 0 : i32
      %dma_start3A_93 = arith.constant 0 : i32
      %dma_start3A_94 = tpu.memref_slice %arg9[%run_scoped3A, %dma_start3A, %dma_start3A_93] : memref<2x128x64xf32, #tpu.memory_space<vmem>> -> memref<1x128x64xf32, #tpu.memory_space<vmem>>
      %dma_start3A_95 = tpu.memref_squeeze %dma_start3A_94 : memref<1x128x64xf32, #tpu.memory_space<vmem>> -> memref<128x64xf32, #tpu.memory_space<vmem>>
      %dma_start3A_96 = arith.constant 0 : i32
      %dma_start3A_97 = arith.constant 0 : i32
      %dma_start3A_98 = tpu.memref_slice %arg9[%run_scoped3A, %dma_start3A_96, %dma_start3A_97] : memref<2x128x64xf32, #tpu.memory_space<vmem>> -> memref<1x128x64xf32, #tpu.memory_space<vmem>>
      %dma_start3A_99 = tpu.memref_squeeze %dma_start3A_98 : memref<1x128x64xf32, #tpu.memory_space<vmem>> -> memref<128x64xf32, #tpu.memory_space<vmem>>
      tpu.enqueue_dma source(%arg5 : memref<128x64xf32, #tpu.memory_space<hbm>>) target(%dma_start3A_99 : memref<128x64xf32, #tpu.memory_space<vmem>>) target_semaphore(%run_scoped3A_92 : memref<!tpu.dma_semaphore, #tpu.memory_space<semaphore_mem>>)
      %dma_wait3A = arith.constant 0 : i32
      %dma_wait3A_100 = arith.constant 0 : i32
      %dma_wait3A_101 = tpu.memref_slice %arg9[%run_scoped3A, %dma_wait3A, %dma_wait3A_100] : memref<2x128x64xf32, #tpu.memory_space<vmem>> -> memref<1x128x64xf32, #tpu.memory_space<vmem>>
      %dma_wait3A_102 = tpu.memref_squeeze %dma_wait3A_101 : memref<1x128x64xf32, #tpu.memory_space<vmem>> -> memref<128x64xf32, #tpu.memory_space<vmem>>
      %dma_wait3A_103 = arith.constant 0 : i32
      %dma_wait3A_104 = arith.constant 0 : i32
      %dma_wait3A_105 = tpu.memref_slice %arg9[%run_scoped3A, %dma_wait3A_103, %dma_wait3A_104] : memref<2x128x64xf32, #tpu.memory_space<vmem>> -> memref<1x128x64xf32, #tpu.memory_space<vmem>>
      %dma_wait3A_106 = tpu.memref_squeeze %dma_wait3A_105 : memref<1x128x64xf32, #tpu.memory_space<vmem>> -> memref<128x64xf32, #tpu.memory_space<vmem>>
      tpu.wait_dma2 semaphore(%run_scoped3A_92 : memref<!tpu.dma_semaphore, #tpu.memory_space<semaphore_mem>>) src(%arg5 : memref<128x64xf32, #tpu.memory_space<hbm>>) dst(%dma_wait3A_106 : memref<128x64xf32, #tpu.memory_space<vmem>>)
      tpu.yield
    }) : () -> ()
    %mul3A_31 = arith.constant 632 : i32
    %mul3A_32 = arith.muli %arg1, %mul3A_31 : i32
    %add3A_33 = arith.constant 0 : i32
    %add3A_34 = arith.addi %mul3A_32, %add3A_33 : i32
    %run_scoped3A_35 = arith.constant 0 : i32
    "tpu.region"() ({
      %run_scoped3A_92 = tpu.sem_alloc : memref<!tpu.dma_semaphore, #tpu.memory_space<semaphore_mem>>
      %dma_start3A = arith.constant 0 : i32
      %dma_start3A_93 = arith.constant 0 : i32
      %dma_start3A_94 = tpu.memref_slice %arg9[%run_scoped3A_35, %dma_start3A, %dma_start3A_93] : memref<2x128x64xf32, #tpu.memory_space<vmem>> -> memref<1x128x64xf32, #tpu.memory_space<vmem>>
      %dma_start3A_95 = tpu.memref_squeeze %dma_start3A_94 : memref<1x128x64xf32, #tpu.memory_space<vmem>> -> memref<128x64xf32, #tpu.memory_space<vmem>>
      %dma_start3A_96 = arith.constant 0 : i32
      %dma_start3A_97 = tpu.memref_slice %arg11[%add3A_34, %dma_start3A_96] : memref<10112x64xf32, #tpu.memory_space<vmem_shared>> -> memref<128x64xf32, #tpu.memory_space<vmem_shared>>
      %dma_start3A_98 = arith.constant 0 : i32
      %dma_start3A_99 = tpu.memref_slice %arg11[%add3A_34, %dma_start3A_98] : memref<10112x64xf32, #tpu.memory_space<vmem_shared>> -> memref<128x64xf32, #tpu.memory_space<vmem_shared>>
      %dma_start3A_100 = arith.constant 0 : i32
      %dma_start3A_101 = arith.constant 0 : i32
      %dma_start3A_102 = tpu.memref_slice %arg9[%run_scoped3A_35, %dma_start3A_100, %dma_start3A_101] : memref<2x128x64xf32, #tpu.memory_space<vmem>> -> memref<1x128x64xf32, #tpu.memory_space<vmem>>
      %dma_start3A_103 = tpu.memref_squeeze %dma_start3A_102 : memref<1x128x64xf32, #tpu.memory_space<vmem>> -> memref<128x64xf32, #tpu.memory_space<vmem>>
      tpu.enqueue_dma source(%dma_start3A_103 : memref<128x64xf32, #tpu.memory_space<vmem>>) target(%dma_start3A_99 : memref<128x64xf32, #tpu.memory_space<vmem_shared>>) target_semaphore(%run_scoped3A_92 : memref<!tpu.dma_semaphore, #tpu.memory_space<semaphore_mem>>)
      %dma_wait3A = arith.constant 0 : i32
      %dma_wait3A_104 = arith.constant 0 : i32
      %dma_wait3A_105 = tpu.memref_slice %arg9[%run_scoped3A_35, %dma_wait3A, %dma_wait3A_104] : memref<2x128x64xf32, #tpu.memory_space<vmem>> -> memref<1x128x64xf32, #tpu.memory_space<vmem>>
      %dma_wait3A_106 = tpu.memref_squeeze %dma_wait3A_105 : memref<1x128x64xf32, #tpu.memory_space<vmem>> -> memref<128x64xf32, #tpu.memory_space<vmem>>
      %dma_wait3A_107 = arith.constant 0 : i32
      %dma_wait3A_108 = tpu.memref_slice %arg11[%add3A_34, %dma_wait3A_107] : memref<10112x64xf32, #tpu.memory_space<vmem_shared>> -> memref<128x64xf32, #tpu.memory_space<vmem_shared>>
      %dma_wait3A_109 = arith.constant 0 : i32
      %dma_wait3A_110 = tpu.memref_slice %arg11[%add3A_34, %dma_wait3A_109] : memref<10112x64xf32, #tpu.memory_space<vmem_shared>> -> memref<128x64xf32, #tpu.memory_space<vmem_shared>>
      %dma_wait3A_111 = arith.constant 0 : i32
      %dma_wait3A_112 = arith.constant 0 : i32
      %dma_wait3A_113 = tpu.memref_slice %arg9[%run_scoped3A_35, %dma_wait3A_111, %dma_wait3A_112] : memref<2x128x64xf32, #tpu.memory_space<vmem>> -> memref<1x128x64xf32, #tpu.memory_space<vmem>>
      %dma_wait3A_114 = tpu.memref_squeeze %dma_wait3A_113 : memref<1x128x64xf32, #tpu.memory_space<vmem>> -> memref<128x64xf32, #tpu.memory_space<vmem>>
      tpu.wait_dma2 semaphore(%run_scoped3A_92 : memref<!tpu.dma_semaphore, #tpu.memory_space<semaphore_mem>>) src(%dma_wait3A_114 : memref<128x64xf32, #tpu.memory_space<vmem>>) dst(%dma_wait3A_110 : memref<128x64xf32, #tpu.memory_space<vmem_shared>>)
      tpu.yield
    }) : () -> ()
    %mul3A_36 = arith.constant 632 : i32
    %mul3A_37 = arith.muli %arg1, %mul3A_36 : i32
    %add3A_38 = arith.constant 128 : i32
    %add3A_39 = arith.addi %mul3A_37, %add3A_38 : i32
    %run_scoped3A_40 = arith.constant 0 : i32
    "tpu.region"() ({
      %run_scoped3A_92 = tpu.sem_alloc : memref<!tpu.dma_semaphore, #tpu.memory_space<semaphore_mem>>
      %dma_start3A = arith.constant 0 : i32
      %dma_start3A_93 = arith.constant 0 : i32
      %dma_start3A_94 = tpu.memref_slice %arg9[%run_scoped3A_40, %dma_start3A, %dma_start3A_93] : memref<2x128x64xf32, #tpu.memory_space<vmem>> -> memref<1x128x64xf32, #tpu.memory_space<vmem>>
      %dma_start3A_95 = tpu.memref_squeeze %dma_start3A_94 : memref<1x128x64xf32, #tpu.memory_space<vmem>> -> memref<128x64xf32, #tpu.memory_space<vmem>>
      %dma_start3A_96 = arith.constant 0 : i32
      %dma_start3A_97 = tpu.memref_slice %arg11[%add3A_39, %dma_start3A_96] : memref<10112x64xf32, #tpu.memory_space<vmem_shared>> -> memref<128x64xf32, #tpu.memory_space<vmem_shared>>
      %dma_start3A_98 = arith.constant 0 : i32
      %dma_start3A_99 = tpu.memref_slice %arg11[%add3A_39, %dma_start3A_98] : memref<10112x64xf32, #tpu.memory_space<vmem_shared>> -> memref<128x64xf32, #tpu.memory_space<vmem_shared>>
      %dma_start3A_100 = arith.constant 0 : i32
      %dma_start3A_101 = arith.constant 0 : i32
      %dma_start3A_102 = tpu.memref_slice %arg9[%run_scoped3A_40, %dma_start3A_100, %dma_start3A_101] : memref<2x128x64xf32, #tpu.memory_space<vmem>> -> memref<1x128x64xf32, #tpu.memory_space<vmem>>
      %dma_start3A_103 = tpu.memref_squeeze %dma_start3A_102 : memref<1x128x64xf32, #tpu.memory_space<vmem>> -> memref<128x64xf32, #tpu.memory_space<vmem>>
      tpu.enqueue_dma source(%dma_start3A_103 : memref<128x64xf32, #tpu.memory_space<vmem>>) target(%dma_start3A_99 : memref<128x64xf32, #tpu.memory_space<vmem_shared>>) target_semaphore(%run_scoped3A_92 : memref<!tpu.dma_semaphore, #tpu.memory_space<semaphore_mem>>)
      %dma_wait3A = arith.constant 0 : i32
      %dma_wait3A_104 = arith.constant 0 : i32
      %dma_wait3A_105 = tpu.memref_slice %arg9[%run_scoped3A_40, %dma_wait3A, %dma_wait3A_104] : memref<2x128x64xf32, #tpu.memory_space<vmem>> -> memref<1x128x64xf32, #tpu.memory_space<vmem>>
      %dma_wait3A_106 = tpu.memref_squeeze %dma_wait3A_105 : memref<1x128x64xf32, #tpu.memory_space<vmem>> -> memref<128x64xf32, #tpu.memory_space<vmem>>
      %dma_wait3A_107 = arith.constant 0 : i32
      %dma_wait3A_108 = tpu.memref_slice %arg11[%add3A_39, %dma_wait3A_107] : memref<10112x64xf32, #tpu.memory_space<vmem_shared>> -> memref<128x64xf32, #tpu.memory_space<vmem_shared>>
      %dma_wait3A_109 = arith.constant 0 : i32
      %dma_wait3A_110 = tpu.memref_slice %arg11[%add3A_39, %dma_wait3A_109] : memref<10112x64xf32, #tpu.memory_space<vmem_shared>> -> memref<128x64xf32, #tpu.memory_space<vmem_shared>>
      %dma_wait3A_111 = arith.constant 0 : i32
      %dma_wait3A_112 = arith.constant 0 : i32
      %dma_wait3A_113 = tpu.memref_slice %arg9[%run_scoped3A_40, %dma_wait3A_111, %dma_wait3A_112] : memref<2x128x64xf32, #tpu.memory_space<vmem>> -> memref<1x128x64xf32, #tpu.memory_space<vmem>>
      %dma_wait3A_114 = tpu.memref_squeeze %dma_wait3A_113 : memref<1x128x64xf32, #tpu.memory_space<vmem>> -> memref<128x64xf32, #tpu.memory_space<vmem>>
      tpu.wait_dma2 semaphore(%run_scoped3A_92 : memref<!tpu.dma_semaphore, #tpu.memory_space<semaphore_mem>>) src(%dma_wait3A_114 : memref<128x64xf32, #tpu.memory_space<vmem>>) dst(%dma_wait3A_110 : memref<128x64xf32, #tpu.memory_space<vmem_shared>>)
      tpu.yield
    }) : () -> ()
    %mul3A_41 = arith.constant 632 : i32
    %mul3A_42 = arith.muli %arg1, %mul3A_41 : i32
    %add3A_43 = arith.constant 256 : i32
    %add3A_44 = arith.addi %mul3A_42, %add3A_43 : i32
    %run_scoped3A_45 = arith.constant 0 : i32
    "tpu.region"() ({
      %run_scoped3A_92 = tpu.sem_alloc : memref<!tpu.dma_semaphore, #tpu.memory_space<semaphore_mem>>
      %dma_start3A = arith.constant 0 : i32
      %dma_start3A_93 = arith.constant 0 : i32
      %dma_start3A_94 = tpu.memref_slice %arg9[%run_scoped3A_45, %dma_start3A, %dma_start3A_93] : memref<2x128x64xf32, #tpu.memory_space<vmem>> -> memref<1x128x64xf32, #tpu.memory_space<vmem>>
      %dma_start3A_95 = tpu.memref_squeeze %dma_start3A_94 : memref<1x128x64xf32, #tpu.memory_space<vmem>> -> memref<128x64xf32, #tpu.memory_space<vmem>>
      %dma_start3A_96 = arith.constant 0 : i32
      %dma_start3A_97 = tpu.memref_slice %arg11[%add3A_44, %dma_start3A_96] : memref<10112x64xf32, #tpu.memory_space<vmem_shared>> -> memref<128x64xf32, #tpu.memory_space<vmem_shared>>
      %dma_start3A_98 = arith.constant 0 : i32
      %dma_start3A_99 = tpu.memref_slice %arg11[%add3A_44, %dma_start3A_98] : memref<10112x64xf32, #tpu.memory_space<vmem_shared>> -> memref<128x64xf32, #tpu.memory_space<vmem_shared>>
      %dma_start3A_100 = arith.constant 0 : i32
      %dma_start3A_101 = arith.constant 0 : i32
      %dma_start3A_102 = tpu.memref_slice %arg9[%run_scoped3A_45, %dma_start3A_100, %dma_start3A_101] : memref<2x128x64xf32, #tpu.memory_space<vmem>> -> memref<1x128x64xf32, #tpu.memory_space<vmem>>
      %dma_start3A_103 = tpu.memref_squeeze %dma_start3A_102 : memref<1x128x64xf32, #tpu.memory_space<vmem>> -> memref<128x64xf32, #tpu.memory_space<vmem>>
      tpu.enqueue_dma source(%dma_start3A_103 : memref<128x64xf32, #tpu.memory_space<vmem>>) target(%dma_start3A_99 : memref<128x64xf32, #tpu.memory_space<vmem_shared>>) target_semaphore(%run_scoped3A_92 : memref<!tpu.dma_semaphore, #tpu.memory_space<semaphore_mem>>)
      %dma_wait3A = arith.constant 0 : i32
      %dma_wait3A_104 = arith.constant 0 : i32
      %dma_wait3A_105 = tpu.memref_slice %arg9[%run_scoped3A_45, %dma_wait3A, %dma_wait3A_104] : memref<2x128x64xf32, #tpu.memory_space<vmem>> -> memref<1x128x64xf32, #tpu.memory_space<vmem>>
      %dma_wait3A_106 = tpu.memref_squeeze %dma_wait3A_105 : memref<1x128x64xf32, #tpu.memory_space<vmem>> -> memref<128x64xf32, #tpu.memory_space<vmem>>
      %dma_wait3A_107 = arith.constant 0 : i32
      %dma_wait3A_108 = tpu.memref_slice %arg11[%add3A_44, %dma_wait3A_107] : memref<10112x64xf32, #tpu.memory_space<vmem_shared>> -> memref<128x64xf32, #tpu.memory_space<vmem_shared>>
      %dma_wait3A_109 = arith.constant 0 : i32
      %dma_wait3A_110 = tpu.memref_slice %arg11[%add3A_44, %dma_wait3A_109] : memref<10112x64xf32, #tpu.memory_space<vmem_shared>> -> memref<128x64xf32, #tpu.memory_space<vmem_shared>>
      %dma_wait3A_111 = arith.constant 0 : i32
      %dma_wait3A_112 = arith.constant 0 : i32
      %dma_wait3A_113 = tpu.memref_slice %arg9[%run_scoped3A_45, %dma_wait3A_111, %dma_wait3A_112] : memref<2x128x64xf32, #tpu.memory_space<vmem>> -> memref<1x128x64xf32, #tpu.memory_space<vmem>>
      %dma_wait3A_114 = tpu.memref_squeeze %dma_wait3A_113 : memref<1x128x64xf32, #tpu.memory_space<vmem>> -> memref<128x64xf32, #tpu.memory_space<vmem>>
      tpu.wait_dma2 semaphore(%run_scoped3A_92 : memref<!tpu.dma_semaphore, #tpu.memory_space<semaphore_mem>>) src(%dma_wait3A_114 : memref<128x64xf32, #tpu.memory_space<vmem>>) dst(%dma_wait3A_110 : memref<128x64xf32, #tpu.memory_space<vmem_shared>>)
      tpu.yield
    }) : () -> ()
    %mul3A_46 = arith.constant 632 : i32
    %mul3A_47 = arith.muli %arg1, %mul3A_46 : i32
    %add3A_48 = arith.constant 384 : i32
    %add3A_49 = arith.addi %mul3A_47, %add3A_48 : i32
    %run_scoped3A_50 = arith.constant 0 : i32
    "tpu.region"() ({
      %run_scoped3A_92 = tpu.sem_alloc : memref<!tpu.dma_semaphore, #tpu.memory_space<semaphore_mem>>
      %dma_start3A = arith.constant 0 : i32
      %dma_start3A_93 = arith.constant 0 : i32
      %dma_start3A_94 = tpu.memref_slice %arg9[%run_scoped3A_50, %dma_start3A, %dma_start3A_93] : memref<2x128x64xf32, #tpu.memory_space<vmem>> -> memref<1x128x64xf32, #tpu.memory_space<vmem>>
      %dma_start3A_95 = tpu.memref_squeeze %dma_start3A_94 : memref<1x128x64xf32, #tpu.memory_space<vmem>> -> memref<128x64xf32, #tpu.memory_space<vmem>>
      %dma_start3A_96 = arith.constant 0 : i32
      %dma_start3A_97 = tpu.memref_slice %arg11[%add3A_49, %dma_start3A_96] : memref<10112x64xf32, #tpu.memory_space<vmem_shared>> -> memref<128x64xf32, #tpu.memory_space<vmem_shared>>
      %dma_start3A_98 = arith.constant 0 : i32
      %dma_start3A_99 = tpu.memref_slice %arg11[%add3A_49, %dma_start3A_98] : memref<10112x64xf32, #tpu.memory_space<vmem_shared>> -> memref<128x64xf32, #tpu.memory_space<vmem_shared>>
      %dma_start3A_100 = arith.constant 0 : i32
      %dma_start3A_101 = arith.constant 0 : i32
      %dma_start3A_102 = tpu.memref_slice %arg9[%run_scoped3A_50, %dma_start3A_100, %dma_start3A_101] : memref<2x128x64xf32, #tpu.memory_space<vmem>> -> memref<1x128x64xf32, #tpu.memory_space<vmem>>
      %dma_start3A_103 = tpu.memref_squeeze %dma_start3A_102 : memref<1x128x64xf32, #tpu.memory_space<vmem>> -> memref<128x64xf32, #tpu.memory_space<vmem>>
      tpu.enqueue_dma source(%dma_start3A_103 : memref<128x64xf32, #tpu.memory_space<vmem>>) target(%dma_start3A_99 : memref<128x64xf32, #tpu.memory_space<vmem_shared>>) target_semaphore(%run_scoped3A_92 : memref<!tpu.dma_semaphore, #tpu.memory_space<semaphore_mem>>)
      %dma_wait3A = arith.constant 0 : i32
      %dma_wait3A_104 = arith.constant 0 : i32
      %dma_wait3A_105 = tpu.memref_slice %arg9[%run_scoped3A_50, %dma_wait3A, %dma_wait3A_104] : memref<2x128x64xf32, #tpu.memory_space<vmem>> -> memref<1x128x64xf32, #tpu.memory_space<vmem>>
      %dma_wait3A_106 = tpu.memref_squeeze %dma_wait3A_105 : memref<1x128x64xf32, #tpu.memory_space<vmem>> -> memref<128x64xf32, #tpu.memory_space<vmem>>
      %dma_wait3A_107 = arith.constant 0 : i32
      %dma_wait3A_108 = tpu.memref_slice %arg11[%add3A_49, %dma_wait3A_107] : memref<10112x64xf32, #tpu.memory_space<vmem_shared>> -> memref<128x64xf32, #tpu.memory_space<vmem_shared>>
      %dma_wait3A_109 = arith.constant 0 : i32
      %dma_wait3A_110 = tpu.memref_slice %arg11[%add3A_49, %dma_wait3A_109] : memref<10112x64xf32, #tpu.memory_space<vmem_shared>> -> memref<128x64xf32, #tpu.memory_space<vmem_shared>>
      %dma_wait3A_111 = arith.constant 0 : i32
      %dma_wait3A_112 = arith.constant 0 : i32
      %dma_wait3A_113 = tpu.memref_slice %arg9[%run_scoped3A_50, %dma_wait3A_111, %dma_wait3A_112] : memref<2x128x64xf32, #tpu.memory_space<vmem>> -> memref<1x128x64xf32, #tpu.memory_space<vmem>>
      %dma_wait3A_114 = tpu.memref_squeeze %dma_wait3A_113 : memref<1x128x64xf32, #tpu.memory_space<vmem>> -> memref<128x64xf32, #tpu.memory_space<vmem>>
      tpu.wait_dma2 semaphore(%run_scoped3A_92 : memref<!tpu.dma_semaphore, #tpu.memory_space<semaphore_mem>>) src(%dma_wait3A_114 : memref<128x64xf32, #tpu.memory_space<vmem>>) dst(%dma_wait3A_110 : memref<128x64xf32, #tpu.memory_space<vmem_shared>>)
      tpu.yield
    }) : () -> ()
    %mul3A_51 = arith.constant 632 : i32
    %mul3A_52 = arith.muli %arg1, %mul3A_51 : i32
    %add3A_53 = arith.constant 512 : i32
    %add3A_54 = arith.addi %mul3A_52, %add3A_53 : i32
    %run_scoped3A_55 = arith.constant 0 : i32
    "tpu.region"() ({
      %run_scoped3A_92 = tpu.sem_alloc : memref<!tpu.dma_semaphore, #tpu.memory_space<semaphore_mem>>
      %dma_start3A = arith.constant 0 : i32
      %dma_start3A_93 = arith.constant 0 : i32
      %dma_start3A_94 = tpu.memref_slice %arg9[%run_scoped3A_55, %dma_start3A, %dma_start3A_93] : memref<2x128x64xf32, #tpu.memory_space<vmem>> -> memref<1x120x64xf32, #tpu.memory_space<vmem>>
      %dma_start3A_95 = tpu.memref_squeeze %dma_start3A_94 : memref<1x120x64xf32, #tpu.memory_space<vmem>> -> memref<120x64xf32, #tpu.memory_space<vmem>>
      %dma_start3A_96 = arith.constant 0 : i32
      %dma_start3A_97 = tpu.memref_slice %arg11[%add3A_54, %dma_start3A_96] : memref<10112x64xf32, #tpu.memory_space<vmem_shared>> -> memref<120x64xf32, #tpu.memory_space<vmem_shared>>
      %dma_start3A_98 = arith.constant 0 : i32
      %dma_start3A_99 = tpu.memref_slice %arg11[%add3A_54, %dma_start3A_98] : memref<10112x64xf32, #tpu.memory_space<vmem_shared>> -> memref<120x64xf32, #tpu.memory_space<vmem_shared>>
      %dma_start3A_100 = arith.constant 0 : i32
      %dma_start3A_101 = arith.constant 0 : i32
      %dma_start3A_102 = tpu.memref_slice %arg9[%run_scoped3A_55, %dma_start3A_100, %dma_start3A_101] : memref<2x128x64xf32, #tpu.memory_space<vmem>> -> memref<1x120x64xf32, #tpu.memory_space<vmem>>
      %dma_start3A_103 = tpu.memref_squeeze %dma_start3A_102 : memref<1x120x64xf32, #tpu.memory_space<vmem>> -> memref<120x64xf32, #tpu.memory_space<vmem>>
      tpu.enqueue_dma source(%dma_start3A_103 : memref<120x64xf32, #tpu.memory_space<vmem>>) target(%dma_start3A_99 : memref<120x64xf32, #tpu.memory_space<vmem_shared>>) target_semaphore(%run_scoped3A_92 : memref<!tpu.dma_semaphore, #tpu.memory_space<semaphore_mem>>)
      %dma_wait3A = arith.constant 0 : i32
      %dma_wait3A_104 = arith.constant 0 : i32
      %dma_wait3A_105 = tpu.memref_slice %arg9[%run_scoped3A_55, %dma_wait3A, %dma_wait3A_104] : memref<2x128x64xf32, #tpu.memory_space<vmem>> -> memref<1x120x64xf32, #tpu.memory_space<vmem>>
      %dma_wait3A_106 = tpu.memref_squeeze %dma_wait3A_105 : memref<1x120x64xf32, #tpu.memory_space<vmem>> -> memref<120x64xf32, #tpu.memory_space<vmem>>
      %dma_wait3A_107 = arith.constant 0 : i32
      %dma_wait3A_108 = tpu.memref_slice %arg11[%add3A_54, %dma_wait3A_107] : memref<10112x64xf32, #tpu.memory_space<vmem_shared>> -> memref<120x64xf32, #tpu.memory_space<vmem_shared>>
      %dma_wait3A_109 = arith.constant 0 : i32
      %dma_wait3A_110 = tpu.memref_slice %arg11[%add3A_54, %dma_wait3A_109] : memref<10112x64xf32, #tpu.memory_space<vmem_shared>> -> memref<120x64xf32, #tpu.memory_space<vmem_shared>>
      %dma_wait3A_111 = arith.constant 0 : i32
      %dma_wait3A_112 = arith.constant 0 : i32
      %dma_wait3A_113 = tpu.memref_slice %arg9[%run_scoped3A_55, %dma_wait3A_111, %dma_wait3A_112] : memref<2x128x64xf32, #tpu.memory_space<vmem>> -> memref<1x120x64xf32, #tpu.memory_space<vmem>>
      %dma_wait3A_114 = tpu.memref_squeeze %dma_wait3A_113 : memref<1x120x64xf32, #tpu.memory_space<vmem>> -> memref<120x64xf32, #tpu.memory_space<vmem>>
      tpu.wait_dma2 semaphore(%run_scoped3A_92 : memref<!tpu.dma_semaphore, #tpu.memory_space<semaphore_mem>>) src(%dma_wait3A_114 : memref<120x64xf32, #tpu.memory_space<vmem>>) dst(%dma_wait3A_110 : memref<120x64xf32, #tpu.memory_space<vmem_shared>>)
      tpu.yield
    }) : () -> ()
    %barrier3A = arith.constant 0 : index
    tpu.barrier barrier_id(%barrier3A)
    %scan3A = arith.constant 0 : i32
    %scan3A_56 = arith.constant 0 : i32
    %scan3A_57 = arith.constant 5 : i32
    %scan3A_58 = arith.addi %scan3A_56, %scan3A_57 : i32
    %scan3A_59 = arith.constant 1 : i32
    scf.for %scan3A_92 = %scan3A_56 to %scan3A_58 step %scan3A_59  : i32 {
      %mul3A_93 = arith.constant 16 : i32
      %mul3A_94 = arith.muli %scan3A_92, %mul3A_93 : i32
      %dma_start3A = arith.constant 0 : i32
      %dma_start3A_95 = tpu.memref_slice %arg4[%add3A, %mul3A_94, %dma_start3A] : memref<32x80x128xi32, #tpu.memory_space<hbm>> -> memref<1x16x128xi32, #tpu.memory_space<hbm>>
      %dma_start3A_96 = tpu.memref_squeeze %dma_start3A_95 : memref<1x16x128xi32, #tpu.memory_space<hbm>> -> memref<16x128xi32, #tpu.memory_space<hbm>>
      %dma_start3A_97 = arith.constant 0 : i32
      %dma_start3A_98 = tpu.memref_slice %arg4[%add3A, %mul3A_94, %dma_start3A_97] : memref<32x80x128xi32, #tpu.memory_space<hbm>> -> memref<1x16x128xi32, #tpu.memory_space<hbm>>
      %dma_start3A_99 = tpu.memref_squeeze %dma_start3A_98 : memref<1x16x128xi32, #tpu.memory_space<hbm>> -> memref<16x128xi32, #tpu.memory_space<hbm>>
      tpu.enqueue_dma source(%dma_start3A_99 : memref<16x128xi32, #tpu.memory_space<hbm>>) target(%arg8 : memref<16x128xi32, #tpu.memory_space<vmem>>) target_semaphore(%arg16 : memref<!tpu.dma_semaphore, #tpu.memory_space<semaphore_mem>>)
      %dma_wait3A = arith.constant 0 : i32
      %dma_wait3A_100 = tpu.memref_slice %arg4[%add3A, %mul3A_94, %dma_wait3A] : memref<32x80x128xi32, #tpu.memory_space<hbm>> -> memref<1x16x128xi32, #tpu.memory_space<hbm>>
      %dma_wait3A_101 = tpu.memref_squeeze %dma_wait3A_100 : memref<1x16x128xi32, #tpu.memory_space<hbm>> -> memref<16x128xi32, #tpu.memory_space<hbm>>
      %dma_wait3A_102 = arith.constant 0 : i32
      %dma_wait3A_103 = tpu.memref_slice %arg4[%add3A, %mul3A_94, %dma_wait3A_102] : memref<32x80x128xi32, #tpu.memory_space<hbm>> -> memref<1x16x128xi32, #tpu.memory_space<hbm>>
      %dma_wait3A_104 = tpu.memref_squeeze %dma_wait3A_103 : memref<1x16x128xi32, #tpu.memory_space<hbm>> -> memref<16x128xi32, #tpu.memory_space<hbm>>
      tpu.wait_dma2 semaphore(%arg16 : memref<!tpu.dma_semaphore, #tpu.memory_space<semaphore_mem>>) src(%dma_wait3A_104 : memref<16x128xi32, #tpu.memory_space<hbm>>) dst(%arg8 : memref<16x128xi32, #tpu.memory_space<vmem>>)
      %mul3A_105 = arith.constant 16 : i32
      %mul3A_106 = arith.muli %scan3A_92, %mul3A_105 : i32
      %add3A_107 = arith.constant 0 : i32
      %add3A_108 = arith.addi %mul3A_106, %add3A_107 : i32
      %dma_start3A_109 = arith.constant 0 : i32
      %dma_start3A_110 = arith.constant 0 : i32
      %dma_start3A_111 = arith.constant 0 : i32
      %dma_start3A_112 = tpu.memref_slice %arg9[%dma_start3A_109, %dma_start3A_110, %dma_start3A_111] : memref<2x128x64xf32, #tpu.memory_space<vmem>> -> memref<1x128x64xf32, #tpu.memory_space<vmem>>
      %dma_start3A_113 = tpu.memref_squeeze %dma_start3A_112 : memref<1x128x64xf32, #tpu.memory_space<vmem>> -> memref<128x64xf32, #tpu.memory_space<vmem>>
      %dma_start3A_114 = arith.constant 0 : i32
      %dma_start3A_115 = tpu.memref_slice %arg7[%add3A_108, %dma_start3A_114] : memref<80x128xi32, #tpu.memory_space<vmem>> -> memref<1x128xi32, #tpu.memory_space<vmem>>
      %dma_start3A_116 = tpu.memref_squeeze %dma_start3A_115 : memref<1x128xi32, #tpu.memory_space<vmem>> -> memref<128xi32, #tpu.memory_space<vmem>>
      %dma_start3A_117 = arith.constant 0 : i32
      %dma_start3A_118 = arith.constant 0 : i32
      %dma_start3A_119 = tpu.memref_slice %arg10[%dma_start3A_117, %dma_start3A_118] : memref<10112x64xf32, #tpu.memory_space<vmem_shared>> -> memref<10112x64xf32, #tpu.memory_space<vmem_shared>>
      tpu.enqueue_indirect_dma source(%dma_start3A_119 : memref<10112x64xf32, #tpu.memory_space<vmem_shared>>) target(%dma_start3A_113 : memref<128x64xf32, #tpu.memory_space<vmem>>) offsets(%dma_start3A_116 : memref<128xi32, #tpu.memory_space<vmem>>) semaphore(%arg12 : memref<!tpu.dma_semaphore, #tpu.memory_space<semaphore_mem>>)
      %dma_wait3A_120 = arith.constant 0 : i32
      %dma_wait3A_121 = arith.constant 0 : i32
      %dma_wait3A_122 = arith.constant 0 : i32
      %dma_wait3A_123 = tpu.memref_slice %arg9[%dma_wait3A_120, %dma_wait3A_121, %dma_wait3A_122] : memref<2x128x64xf32, #tpu.memory_space<vmem>> -> memref<1x128x64xf32, #tpu.memory_space<vmem>>
      %dma_wait3A_124 = tpu.memref_squeeze %dma_wait3A_123 : memref<1x128x64xf32, #tpu.memory_space<vmem>> -> memref<128x64xf32, #tpu.memory_space<vmem>>
      %dma_wait3A_125 = arith.constant 0 : i32
      %dma_wait3A_126 = tpu.memref_slice %arg7[%add3A_108, %dma_wait3A_125] : memref<80x128xi32, #tpu.memory_space<vmem>> -> memref<1x128xi32, #tpu.memory_space<vmem>>
      %dma_wait3A_127 = tpu.memref_squeeze %dma_wait3A_126 : memref<1x128xi32, #tpu.memory_space<vmem>> -> memref<128xi32, #tpu.memory_space<vmem>>
      %dma_wait3A_128 = arith.constant 0 : i32
      %dma_wait3A_129 = arith.constant 0 : i32
      %dma_wait3A_130 = tpu.memref_slice %arg10[%dma_wait3A_128, %dma_wait3A_129] : memref<10112x64xf32, #tpu.memory_space<vmem_shared>> -> memref<10112x64xf32, #tpu.memory_space<vmem_shared>>
      tpu.wait_indirect_dma semaphore(%arg12 : memref<!tpu.dma_semaphore, #tpu.memory_space<semaphore_mem>>) src(%dma_wait3A_130 : memref<10112x64xf32, #tpu.memory_space<vmem_shared>>) dst(%dma_wait3A_124 : memref<128x64xf32, #tpu.memory_space<vmem>>)
      %dma_start3A_131 = arith.constant 0 : i32
      %dma_start3A_132 = arith.constant 0 : i32
      %dma_start3A_133 = arith.constant 0 : i32
      %dma_start3A_134 = arith.constant 0 : i32
      %dma_start3A_135 = tpu.memref_slice %arg9[%dma_start3A_131, %dma_start3A_133, %dma_start3A_134] : memref<2x128x64xf32, #tpu.memory_space<vmem>> -> memref<1x128x64xf32, #tpu.memory_space<vmem>>
      %dma_start3A_136 = tpu.memref_squeeze %dma_start3A_135 : memref<1x128x64xf32, #tpu.memory_space<vmem>> -> memref<128x64xf32, #tpu.memory_space<vmem>>
      %dma_start3A_137 = arith.constant 0 : i32
      %dma_start3A_138 = tpu.memref_slice %arg8[%dma_start3A_132, %dma_start3A_137] : memref<16x128xi32, #tpu.memory_space<vmem>> -> memref<1x128xi32, #tpu.memory_space<vmem>>
      %dma_start3A_139 = tpu.memref_squeeze %dma_start3A_138 : memref<1x128xi32, #tpu.memory_space<vmem>> -> memref<128xi32, #tpu.memory_space<vmem>>
      %dma_start3A_140 = arith.constant 0 : i32
      %dma_start3A_141 = arith.constant 0 : i32
      %dma_start3A_142 = tpu.memref_slice %arg11[%dma_start3A_140, %dma_start3A_141] : memref<10112x64xf32, #tpu.memory_space<vmem_shared>> -> memref<10112x64xf32, #tpu.memory_space<vmem_shared>>
      tpu.enqueue_indirect_dma source(%dma_start3A_136 : memref<128x64xf32, #tpu.memory_space<vmem>>) target(%dma_start3A_142 : memref<10112x64xf32, #tpu.memory_space<vmem_shared>>) offsets(%dma_start3A_139 : memref<128xi32, #tpu.memory_space<vmem>>) semaphore(%arg14 : memref<!tpu.dma_semaphore, #tpu.memory_space<semaphore_mem>>) {add = true}
      %dma_wait3A_143 = arith.constant 0 : i32
      %dma_wait3A_144 = arith.constant 0 : i32
      %dma_wait3A_145 = arith.constant 0 : i32
      %dma_wait3A_146 = arith.constant 0 : i32
      %dma_wait3A_147 = tpu.memref_slice %arg9[%dma_wait3A_143, %dma_wait3A_145, %dma_wait3A_146] : memref<2x128x64xf32, #tpu.memory_space<vmem>> -> memref<1x128x64xf32, #tpu.memory_space<vmem>>
      %dma_wait3A_148 = tpu.memref_squeeze %dma_wait3A_147 : memref<1x128x64xf32, #tpu.memory_space<vmem>> -> memref<128x64xf32, #tpu.memory_space<vmem>>
      %dma_wait3A_149 = arith.constant 0 : i32
      %dma_wait3A_150 = tpu.memref_slice %arg8[%dma_wait3A_144, %dma_wait3A_149] : memref<16x128xi32, #tpu.memory_space<vmem>> -> memref<1x128xi32, #tpu.memory_space<vmem>>
      %dma_wait3A_151 = tpu.memref_squeeze %dma_wait3A_150 : memref<1x128xi32, #tpu.memory_space<vmem>> -> memref<128xi32, #tpu.memory_space<vmem>>
      %dma_wait3A_152 = arith.constant 0 : i32
      %dma_wait3A_153 = arith.constant 0 : i32
      %dma_wait3A_154 = tpu.memref_slice %arg11[%dma_wait3A_152, %dma_wait3A_153] : memref<10112x64xf32, #tpu.memory_space<vmem_shared>> -> memref<10112x64xf32, #tpu.memory_space<vmem_shared>>
      tpu.wait_indirect_dma semaphore(%arg14 : memref<!tpu.dma_semaphore, #tpu.memory_space<semaphore_mem>>) src(%dma_wait3A_148 : memref<128x64xf32, #tpu.memory_space<vmem>>) dst(%dma_wait3A_154 : memref<10112x64xf32, #tpu.memory_space<vmem_shared>>)
      %mul3A_155 = arith.constant 16 : i32
      %mul3A_156 = arith.muli %scan3A_92, %mul3A_155 : i32
      %add3A_157 = arith.constant 1 : i32
      %add3A_158 = arith.addi %mul3A_156, %add3A_157 : i32
      %dma_start3A_159 = arith.constant 0 : i32
      %dma_start3A_160 = arith.constant 0 : i32
      %dma_start3A_161 = arith.constant 0 : i32
      %dma_start3A_162 = tpu.memref_slice %arg9[%dma_start3A_159, %dma_start3A_160, %dma_start3A_161] : memref<2x128x64xf32, #tpu.memory_space<vmem>> -> memref<1x128x64xf32, #tpu.memory_space<vmem>>
      %dma_start3A_163 = tpu.memref_squeeze %dma_start3A_162 : memref<1x128x64xf32, #tpu.memory_space<vmem>> -> memref<128x64xf32, #tpu.memory_space<vmem>>
      %dma_start3A_164 = arith.constant 0 : i32
      %dma_start3A_165 = tpu.memref_slice %arg7[%add3A_158, %dma_start3A_164] : memref<80x128xi32, #tpu.memory_space<vmem>> -> memref<1x128xi32, #tpu.memory_space<vmem>>
      %dma_start3A_166 = tpu.memref_squeeze %dma_start3A_165 : memref<1x128xi32, #tpu.memory_space<vmem>> -> memref<128xi32, #tpu.memory_space<vmem>>
      %dma_start3A_167 = arith.constant 0 : i32
      %dma_start3A_168 = arith.constant 0 : i32
      %dma_start3A_169 = tpu.memref_slice %arg10[%dma_start3A_167, %dma_start3A_168] : memref<10112x64xf32, #tpu.memory_space<vmem_shared>> -> memref<10112x64xf32, #tpu.memory_space<vmem_shared>>
      tpu.enqueue_indirect_dma source(%dma_start3A_169 : memref<10112x64xf32, #tpu.memory_space<vmem_shared>>) target(%dma_start3A_163 : memref<128x64xf32, #tpu.memory_space<vmem>>) offsets(%dma_start3A_166 : memref<128xi32, #tpu.memory_space<vmem>>) semaphore(%arg12 : memref<!tpu.dma_semaphore, #tpu.memory_space<semaphore_mem>>)
      %dma_wait3A_170 = arith.constant 0 : i32
      %dma_wait3A_171 = arith.constant 0 : i32
      %dma_wait3A_172 = arith.constant 0 : i32
      %dma_wait3A_173 = tpu.memref_slice %arg9[%dma_wait3A_170, %dma_wait3A_171, %dma_wait3A_172] : memref<2x128x64xf32, #tpu.memory_space<vmem>> -> memref<1x128x64xf32, #tpu.memory_space<vmem>>
      %dma_wait3A_174 = tpu.memref_squeeze %dma_wait3A_173 : memref<1x128x64xf32, #tpu.memory_space<vmem>> -> memref<128x64xf32, #tpu.memory_space<vmem>>
      %dma_wait3A_175 = arith.constant 0 : i32
      %dma_wait3A_176 = tpu.memref_slice %arg7[%add3A_158, %dma_wait3A_175] : memref<80x128xi32, #tpu.memory_space<vmem>> -> memref<1x128xi32, #tpu.memory_space<vmem>>
      %dma_wait3A_177 = tpu.memref_squeeze %dma_wait3A_176 : memref<1x128xi32, #tpu.memory_space<vmem>> -> memref<128xi32, #tpu.memory_space<vmem>>
      %dma_wait3A_178 = arith.constant 0 : i32
      %dma_wait3A_179 = arith.constant 0 : i32
      %dma_wait3A_180 = tpu.memref_slice %arg10[%dma_wait3A_178, %dma_wait3A_179] : memref<10112x64xf32, #tpu.memory_space<vmem_shared>> -> memref<10112x64xf32, #tpu.memory_space<vmem_shared>>
      tpu.wait_indirect_dma semaphore(%arg12 : memref<!tpu.dma_semaphore, #tpu.memory_space<semaphore_mem>>) src(%dma_wait3A_180 : memref<10112x64xf32, #tpu.memory_space<vmem_shared>>) dst(%dma_wait3A_174 : memref<128x64xf32, #tpu.memory_space<vmem>>)
      %dma_start3A_181 = arith.constant 0 : i32
      %dma_start3A_182 = arith.constant 1 : i32
      %dma_start3A_183 = arith.constant 0 : i32
      %dma_start3A_184 = arith.constant 0 : i32
      %dma_start3A_185 = tpu.memref_slice %arg9[%dma_start3A_181, %dma_start3A_183, %dma_start3A_184] : memref<2x128x64xf32, #tpu.memory_space<vmem>> -> memref<1x128x64xf32, #tpu.memory_space<vmem>>
      %dma_start3A_186 = tpu.memref_squeeze %dma_start3A_185 : memref<1x128x64xf32, #tpu.memory_space<vmem>> -> memref<128x64xf32, #tpu.memory_space<vmem>>
      %dma_start3A_187 = arith.constant 0 : i32
      %dma_start3A_188 = tpu.memref_slice %arg8[%dma_start3A_182, %dma_start3A_187] : memref<16x128xi32, #tpu.memory_space<vmem>> -> memref<1x128xi32, #tpu.memory_space<vmem>>
      %dma_start3A_189 = tpu.memref_squeeze %dma_start3A_188 : memref<1x128xi32, #tpu.memory_space<vmem>> -> memref<128xi32, #tpu.memory_space<vmem>>
      %dma_start3A_190 = arith.constant 0 : i32
      %dma_start3A_191 = arith.constant 0 : i32
      %dma_start3A_192 = tpu.memref_slice %arg11[%dma_start3A_190, %dma_start3A_191] : memref<10112x64xf32, #tpu.memory_space<vmem_shared>> -> memref<10112x64xf32, #tpu.memory_space<vmem_shared>>
      tpu.enqueue_indirect_dma source(%dma_start3A_186 : memref<128x64xf32, #tpu.memory_space<vmem>>) target(%dma_start3A_192 : memref<10112x64xf32, #tpu.memory_space<vmem_shared>>) offsets(%dma_start3A_189 : memref<128xi32, #tpu.memory_space<vmem>>) semaphore(%arg14 : memref<!tpu.dma_semaphore, #tpu.memory_space<semaphore_mem>>) {add = true}
      %dma_wait3A_193 = arith.constant 0 : i32
      %dma_wait3A_194 = arith.constant 1 : i32
      %dma_wait3A_195 = arith.constant 0 : i32
      %dma_wait3A_196 = arith.constant 0 : i32
      %dma_wait3A_197 = tpu.memref_slice %arg9[%dma_wait3A_193, %dma_wait3A_195, %dma_wait3A_196] : memref<2x128x64xf32, #tpu.memory_space<vmem>> -> memref<1x128x64xf32, #tpu.memory_space<vmem>>
      %dma_wait3A_198 = tpu.memref_squeeze %dma_wait3A_197 : memref<1x128x64xf32, #tpu.memory_space<vmem>> -> memref<128x64xf32, #tpu.memory_space<vmem>>
      %dma_wait3A_199 = arith.constant 0 : i32
      %dma_wait3A_200 = tpu.memref_slice %arg8[%dma_wait3A_194, %dma_wait3A_199] : memref<16x128xi32, #tpu.memory_space<vmem>> -> memref<1x128xi32, #tpu.memory_space<vmem>>
      %dma_wait3A_201 = tpu.memref_squeeze %dma_wait3A_200 : memref<1x128xi32, #tpu.memory_space<vmem>> -> memref<128xi32, #tpu.memory_space<vmem>>
      %dma_wait3A_202 = arith.constant 0 : i32
      %dma_wait3A_203 = arith.constant 0 : i32
      %dma_wait3A_204 = tpu.memref_slice %arg11[%dma_wait3A_202, %dma_wait3A_203] : memref<10112x64xf32, #tpu.memory_space<vmem_shared>> -> memref<10112x64xf32, #tpu.memory_space<vmem_shared>>
      tpu.wait_indirect_dma semaphore(%arg14 : memref<!tpu.dma_semaphore, #tpu.memory_space<semaphore_mem>>) src(%dma_wait3A_198 : memref<128x64xf32, #tpu.memory_space<vmem>>) dst(%dma_wait3A_204 : memref<10112x64xf32, #tpu.memory_space<vmem_shared>>)
      %mul3A_205 = arith.constant 16 : i32
      %mul3A_206 = arith.muli %scan3A_92, %mul3A_205 : i32
      %add3A_207 = arith.constant 2 : i32
      %add3A_208 = arith.addi %mul3A_206, %add3A_207 : i32
      %dma_start3A_209 = arith.constant 0 : i32
      %dma_start3A_210 = arith.constant 0 : i32
      %dma_start3A_211 = arith.constant 0 : i32
      %dma_start3A_212 = tpu.memref_slice %arg9[%dma_start3A_209, %dma_start3A_210, %dma_start3A_211] : memref<2x128x64xf32, #tpu.memory_space<vmem>> -> memref<1x128x64xf32, #tpu.memory_space<vmem>>
      %dma_start3A_213 = tpu.memref_squeeze %dma_start3A_212 : memref<1x128x64xf32, #tpu.memory_space<vmem>> -> memref<128x64xf32, #tpu.memory_space<vmem>>
      %dma_start3A_214 = arith.constant 0 : i32
      %dma_start3A_215 = tpu.memref_slice %arg7[%add3A_208, %dma_start3A_214] : memref<80x128xi32, #tpu.memory_space<vmem>> -> memref<1x128xi32, #tpu.memory_space<vmem>>
      %dma_start3A_216 = tpu.memref_squeeze %dma_start3A_215 : memref<1x128xi32, #tpu.memory_space<vmem>> -> memref<128xi32, #tpu.memory_space<vmem>>
      %dma_start3A_217 = arith.constant 0 : i32
      %dma_start3A_218 = arith.constant 0 : i32
      %dma_start3A_219 = tpu.memref_slice %arg10[%dma_start3A_217, %dma_start3A_218] : memref<10112x64xf32, #tpu.memory_space<vmem_shared>> -> memref<10112x64xf32, #tpu.memory_space<vmem_shared>>
      tpu.enqueue_indirect_dma source(%dma_start3A_219 : memref<10112x64xf32, #tpu.memory_space<vmem_shared>>) target(%dma_start3A_213 : memref<128x64xf32, #tpu.memory_space<vmem>>) offsets(%dma_start3A_216 : memref<128xi32, #tpu.memory_space<vmem>>) semaphore(%arg12 : memref<!tpu.dma_semaphore, #tpu.memory_space<semaphore_mem>>)
      %dma_wait3A_220 = arith.constant 0 : i32
      %dma_wait3A_221 = arith.constant 0 : i32
      %dma_wait3A_222 = arith.constant 0 : i32
      %dma_wait3A_223 = tpu.memref_slice %arg9[%dma_wait3A_220, %dma_wait3A_221, %dma_wait3A_222] : memref<2x128x64xf32, #tpu.memory_space<vmem>> -> memref<1x128x64xf32, #tpu.memory_space<vmem>>
      %dma_wait3A_224 = tpu.memref_squeeze %dma_wait3A_223 : memref<1x128x64xf32, #tpu.memory_space<vmem>> -> memref<128x64xf32, #tpu.memory_space<vmem>>
      %dma_wait3A_225 = arith.constant 0 : i32
      %dma_wait3A_226 = tpu.memref_slice %arg7[%add3A_208, %dma_wait3A_225] : memref<80x128xi32, #tpu.memory_space<vmem>> -> memref<1x128xi32, #tpu.memory_space<vmem>>
      %dma_wait3A_227 = tpu.memref_squeeze %dma_wait3A_226 : memref<1x128xi32, #tpu.memory_space<vmem>> -> memref<128xi32, #tpu.memory_space<vmem>>
      %dma_wait3A_228 = arith.constant 0 : i32
      %dma_wait3A_229 = arith.constant 0 : i32
      %dma_wait3A_230 = tpu.memref_slice %arg10[%dma_wait3A_228, %dma_wait3A_229] : memref<10112x64xf32, #tpu.memory_space<vmem_shared>> -> memref<10112x64xf32, #tpu.memory_space<vmem_shared>>
      tpu.wait_indirect_dma semaphore(%arg12 : memref<!tpu.dma_semaphore, #tpu.memory_space<semaphore_mem>>) src(%dma_wait3A_230 : memref<10112x64xf32, #tpu.memory_space<vmem_shared>>) dst(%dma_wait3A_224 : memref<128x64xf32, #tpu.memory_space<vmem>>)
      %dma_start3A_231 = arith.constant 0 : i32
      %dma_start3A_232 = arith.constant 2 : i32
      %dma_start3A_233 = arith.constant 0 : i32
      %dma_start3A_234 = arith.constant 0 : i32
      %dma_start3A_235 = tpu.memref_slice %arg9[%dma_start3A_231, %dma_start3A_233, %dma_start3A_234] : memref<2x128x64xf32, #tpu.memory_space<vmem>> -> memref<1x128x64xf32, #tpu.memory_space<vmem>>
      %dma_start3A_236 = tpu.memref_squeeze %dma_start3A_235 : memref<1x128x64xf32, #tpu.memory_space<vmem>> -> memref<128x64xf32, #tpu.memory_space<vmem>>
      %dma_start3A_237 = arith.constant 0 : i32
      %dma_start3A_238 = tpu.memref_slice %arg8[%dma_start3A_232, %dma_start3A_237] : memref<16x128xi32, #tpu.memory_space<vmem>> -> memref<1x128xi32, #tpu.memory_space<vmem>>
      %dma_start3A_239 = tpu.memref_squeeze %dma_start3A_238 : memref<1x128xi32, #tpu.memory_space<vmem>> -> memref<128xi32, #tpu.memory_space<vmem>>
      %dma_start3A_240 = arith.constant 0 : i32
      %dma_start3A_241 = arith.constant 0 : i32
      %dma_start3A_242 = tpu.memref_slice %arg11[%dma_start3A_240, %dma_start3A_241] : memref<10112x64xf32, #tpu.memory_space<vmem_shared>> -> memref<10112x64xf32, #tpu.memory_space<vmem_shared>>
      tpu.enqueue_indirect_dma source(%dma_start3A_236 : memref<128x64xf32, #tpu.memory_space<vmem>>) target(%dma_start3A_242 : memref<10112x64xf32, #tpu.memory_space<vmem_shared>>) offsets(%dma_start3A_239 : memref<128xi32, #tpu.memory_space<vmem>>) semaphore(%arg14 : memref<!tpu.dma_semaphore, #tpu.memory_space<semaphore_mem>>) {add = true}
      %dma_wait3A_243 = arith.constant 0 : i32
      %dma_wait3A_244 = arith.constant 2 : i32
      %dma_wait3A_245 = arith.constant 0 : i32
      %dma_wait3A_246 = arith.constant 0 : i32
      %dma_wait3A_247 = tpu.memref_slice %arg9[%dma_wait3A_243, %dma_wait3A_245, %dma_wait3A_246] : memref<2x128x64xf32, #tpu.memory_space<vmem>> -> memref<1x128x64xf32, #tpu.memory_space<vmem>>
      %dma_wait3A_248 = tpu.memref_squeeze %dma_wait3A_247 : memref<1x128x64xf32, #tpu.memory_space<vmem>> -> memref<128x64xf32, #tpu.memory_space<vmem>>
      %dma_wait3A_249 = arith.constant 0 : i32
      %dma_wait3A_250 = tpu.memref_slice %arg8[%dma_wait3A_244, %dma_wait3A_249] : memref<16x128xi32, #tpu.memory_space<vmem>> -> memref<1x128xi32, #tpu.memory_space<vmem>>
      %dma_wait3A_251 = tpu.memref_squeeze %dma_wait3A_250 : memref<1x128xi32, #tpu.memory_space<vmem>> -> memref<128xi32, #tpu.memory_space<vmem>>
      %dma_wait3A_252 = arith.constant 0 : i32
      %dma_wait3A_253 = arith.constant 0 : i32
      %dma_wait3A_254 = tpu.memref_slice %arg11[%dma_wait3A_252, %dma_wait3A_253] : memref<10112x64xf32, #tpu.memory_space<vmem_shared>> -> memref<10112x64xf32, #tpu.memory_space<vmem_shared>>
      tpu.wait_indirect_dma semaphore(%arg14 : memref<!tpu.dma_semaphore, #tpu.memory_space<semaphore_mem>>) src(%dma_wait3A_248 : memref<128x64xf32, #tpu.memory_space<vmem>>) dst(%dma_wait3A_254 : memref<10112x64xf32, #tpu.memory_space<vmem_shared>>)
      %mul3A_255 = arith.constant 16 : i32
      %mul3A_256 = arith.muli %scan3A_92, %mul3A_255 : i32
      %add3A_257 = arith.constant 3 : i32
      %add3A_258 = arith.addi %mul3A_256, %add3A_257 : i32
      %dma_start3A_259 = arith.constant 0 : i32
      %dma_start3A_260 = arith.constant 0 : i32
      %dma_start3A_261 = arith.constant 0 : i32
      %dma_start3A_262 = tpu.memref_slice %arg9[%dma_start3A_259, %dma_start3A_260, %dma_start3A_261] : memref<2x128x64xf32, #tpu.memory_space<vmem>> -> memref<1x128x64xf32, #tpu.memory_space<vmem>>
      %dma_start3A_263 = tpu.memref_squeeze %dma_start3A_262 : memref<1x128x64xf32, #tpu.memory_space<vmem>> -> memref<128x64xf32, #tpu.memory_space<vmem>>
      %dma_start3A_264 = arith.constant 0 : i32
      %dma_start3A_265 = tpu.memref_slice %arg7[%add3A_258, %dma_start3A_264] : memref<80x128xi32, #tpu.memory_space<vmem>> -> memref<1x128xi32, #tpu.memory_space<vmem>>
      %dma_start3A_266 = tpu.memref_squeeze %dma_start3A_265 : memref<1x128xi32, #tpu.memory_space<vmem>> -> memref<128xi32, #tpu.memory_space<vmem>>
      %dma_start3A_267 = arith.constant 0 : i32
      %dma_start3A_268 = arith.constant 0 : i32
      %dma_start3A_269 = tpu.memref_slice %arg10[%dma_start3A_267, %dma_start3A_268] : memref<10112x64xf32, #tpu.memory_space<vmem_shared>> -> memref<10112x64xf32, #tpu.memory_space<vmem_shared>>
      tpu.enqueue_indirect_dma source(%dma_start3A_269 : memref<10112x64xf32, #tpu.memory_space<vmem_shared>>) target(%dma_start3A_263 : memref<128x64xf32, #tpu.memory_space<vmem>>) offsets(%dma_start3A_266 : memref<128xi32, #tpu.memory_space<vmem>>) semaphore(%arg12 : memref<!tpu.dma_semaphore, #tpu.memory_space<semaphore_mem>>)
      %dma_wait3A_270 = arith.constant 0 : i32
      %dma_wait3A_271 = arith.constant 0 : i32
      %dma_wait3A_272 = arith.constant 0 : i32
      %dma_wait3A_273 = tpu.memref_slice %arg9[%dma_wait3A_270, %dma_wait3A_271, %dma_wait3A_272] : memref<2x128x64xf32, #tpu.memory_space<vmem>> -> memref<1x128x64xf32, #tpu.memory_space<vmem>>
      %dma_wait3A_274 = tpu.memref_squeeze %dma_wait3A_273 : memref<1x128x64xf32, #tpu.memory_space<vmem>> -> memref<128x64xf32, #tpu.memory_space<vmem>>
      %dma_wait3A_275 = arith.constant 0 : i32
      %dma_wait3A_276 = tpu.memref_slice %arg7[%add3A_258, %dma_wait3A_275] : memref<80x128xi32, #tpu.memory_space<vmem>> -> memref<1x128xi32, #tpu.memory_space<vmem>>
      %dma_wait3A_277 = tpu.memref_squeeze %dma_wait3A_276 : memref<1x128xi32, #tpu.memory_space<vmem>> -> memref<128xi32, #tpu.memory_space<vmem>>
      %dma_wait3A_278 = arith.constant 0 : i32
      %dma_wait3A_279 = arith.constant 0 : i32
      %dma_wait3A_280 = tpu.memref_slice %arg10[%dma_wait3A_278, %dma_wait3A_279] : memref<10112x64xf32, #tpu.memory_space<vmem_shared>> -> memref<10112x64xf32, #tpu.memory_space<vmem_shared>>
      tpu.wait_indirect_dma semaphore(%arg12 : memref<!tpu.dma_semaphore, #tpu.memory_space<semaphore_mem>>) src(%dma_wait3A_280 : memref<10112x64xf32, #tpu.memory_space<vmem_shared>>) dst(%dma_wait3A_274 : memref<128x64xf32, #tpu.memory_space<vmem>>)
      %dma_start3A_281 = arith.constant 0 : i32
      %dma_start3A_282 = arith.constant 3 : i32
      %dma_start3A_283 = arith.constant 0 : i32
      %dma_start3A_284 = arith.constant 0 : i32
      %dma_start3A_285 = tpu.memref_slice %arg9[%dma_start3A_281, %dma_start3A_283, %dma_start3A_284] : memref<2x128x64xf32, #tpu.memory_space<vmem>> -> memref<1x128x64xf32, #tpu.memory_space<vmem>>
      %dma_start3A_286 = tpu.memref_squeeze %dma_start3A_285 : memref<1x128x64xf32, #tpu.memory_space<vmem>> -> memref<128x64xf32, #tpu.memory_space<vmem>>
      %dma_start3A_287 = arith.constant 0 : i32
      %dma_start3A_288 = tpu.memref_slice %arg8[%dma_start3A_282, %dma_start3A_287] : memref<16x128xi32, #tpu.memory_space<vmem>> -> memref<1x128xi32, #tpu.memory_space<vmem>>
      %dma_start3A_289 = tpu.memref_squeeze %dma_start3A_288 : memref<1x128xi32, #tpu.memory_space<vmem>> -> memref<128xi32, #tpu.memory_space<vmem>>
      %dma_start3A_290 = arith.constant 0 : i32
      %dma_start3A_291 = arith.constant 0 : i32
      %dma_start3A_292 = tpu.memref_slice %arg11[%dma_start3A_290, %dma_start3A_291] : memref<10112x64xf32, #tpu.memory_space<vmem_shared>> -> memref<10112x64xf32, #tpu.memory_space<vmem_shared>>
      tpu.enqueue_indirect_dma source(%dma_start3A_286 : memref<128x64xf32, #tpu.memory_space<vmem>>) target(%dma_start3A_292 : memref<10112x64xf32, #tpu.memory_space<vmem_shared>>) offsets(%dma_start3A_289 : memref<128xi32, #tpu.memory_space<vmem>>) semaphore(%arg14 : memref<!tpu.dma_semaphore, #tpu.memory_space<semaphore_mem>>) {add = true}
      %dma_wait3A_293 = arith.constant 0 : i32
      %dma_wait3A_294 = arith.constant 3 : i32
      %dma_wait3A_295 = arith.constant 0 : i32
      %dma_wait3A_296 = arith.constant 0 : i32
      %dma_wait3A_297 = tpu.memref_slice %arg9[%dma_wait3A_293, %dma_wait3A_295, %dma_wait3A_296] : memref<2x128x64xf32, #tpu.memory_space<vmem>> -> memref<1x128x64xf32, #tpu.memory_space<vmem>>
      %dma_wait3A_298 = tpu.memref_squeeze %dma_wait3A_297 : memref<1x128x64xf32, #tpu.memory_space<vmem>> -> memref<128x64xf32, #tpu.memory_space<vmem>>
      %dma_wait3A_299 = arith.constant 0 : i32
      %dma_wait3A_300 = tpu.memref_slice %arg8[%dma_wait3A_294, %dma_wait3A_299] : memref<16x128xi32, #tpu.memory_space<vmem>> -> memref<1x128xi32, #tpu.memory_space<vmem>>
      %dma_wait3A_301 = tpu.memref_squeeze %dma_wait3A_300 : memref<1x128xi32, #tpu.memory_space<vmem>> -> memref<128xi32, #tpu.memory_space<vmem>>
      %dma_wait3A_302 = arith.constant 0 : i32
      %dma_wait3A_303 = arith.constant 0 : i32
      %dma_wait3A_304 = tpu.memref_slice %arg11[%dma_wait3A_302, %dma_wait3A_303] : memref<10112x64xf32, #tpu.memory_space<vmem_shared>> -> memref<10112x64xf32, #tpu.memory_space<vmem_shared>>
      tpu.wait_indirect_dma semaphore(%arg14 : memref<!tpu.dma_semaphore, #tpu.memory_space<semaphore_mem>>) src(%dma_wait3A_298 : memref<128x64xf32, #tpu.memory_space<vmem>>) dst(%dma_wait3A_304 : memref<10112x64xf32, #tpu.memory_space<vmem_shared>>)
      %mul3A_305 = arith.constant 16 : i32
      %mul3A_306 = arith.muli %scan3A_92, %mul3A_305 : i32
      %add3A_307 = arith.constant 4 : i32
      %add3A_308 = arith.addi %mul3A_306, %add3A_307 : i32
      %dma_start3A_309 = arith.constant 0 : i32
      %dma_start3A_310 = arith.constant 0 : i32
      %dma_start3A_311 = arith.constant 0 : i32
      %dma_start3A_312 = tpu.memref_slice %arg9[%dma_start3A_309, %dma_start3A_310, %dma_start3A_311] : memref<2x128x64xf32, #tpu.memory_space<vmem>> -> memref<1x128x64xf32, #tpu.memory_space<vmem>>
      %dma_start3A_313 = tpu.memref_squeeze %dma_start3A_312 : memref<1x128x64xf32, #tpu.memory_space<vmem>> -> memref<128x64xf32, #tpu.memory_space<vmem>>
      %dma_start3A_314 = arith.constant 0 : i32
      %dma_start3A_315 = tpu.memref_slice %arg7[%add3A_308, %dma_start3A_314] : memref<80x128xi32, #tpu.memory_space<vmem>> -> memref<1x128xi32, #tpu.memory_space<vmem>>
      %dma_start3A_316 = tpu.memref_squeeze %dma_start3A_315 : memref<1x128xi32, #tpu.memory_space<vmem>> -> memref<128xi32, #tpu.memory_space<vmem>>
      %dma_start3A_317 = arith.constant 0 : i32
      %dma_start3A_318 = arith.constant 0 : i32
      %dma_start3A_319 = tpu.memref_slice %arg10[%dma_start3A_317, %dma_start3A_318] : memref<10112x64xf32, #tpu.memory_space<vmem_shared>> -> memref<10112x64xf32, #tpu.memory_space<vmem_shared>>
      tpu.enqueue_indirect_dma source(%dma_start3A_319 : memref<10112x64xf32, #tpu.memory_space<vmem_shared>>) target(%dma_start3A_313 : memref<128x64xf32, #tpu.memory_space<vmem>>) offsets(%dma_start3A_316 : memref<128xi32, #tpu.memory_space<vmem>>) semaphore(%arg12 : memref<!tpu.dma_semaphore, #tpu.memory_space<semaphore_mem>>)
      %dma_wait3A_320 = arith.constant 0 : i32
      %dma_wait3A_321 = arith.constant 0 : i32
      %dma_wait3A_322 = arith.constant 0 : i32
      %dma_wait3A_323 = tpu.memref_slice %arg9[%dma_wait3A_320, %dma_wait3A_321, %dma_wait3A_322] : memref<2x128x64xf32, #tpu.memory_space<vmem>> -> memref<1x128x64xf32, #tpu.memory_space<vmem>>
      %dma_wait3A_324 = tpu.memref_squeeze %dma_wait3A_323 : memref<1x128x64xf32, #tpu.memory_space<vmem>> -> memref<128x64xf32, #tpu.memory_space<vmem>>
      %dma_wait3A_325 = arith.constant 0 : i32
      %dma_wait3A_326 = tpu.memref_slice %arg7[%add3A_308, %dma_wait3A_325] : memref<80x128xi32, #tpu.memory_space<vmem>> -> memref<1x128xi32, #tpu.memory_space<vmem>>
      %dma_wait3A_327 = tpu.memref_squeeze %dma_wait3A_326 : memref<1x128xi32, #tpu.memory_space<vmem>> -> memref<128xi32, #tpu.memory_space<vmem>>
      %dma_wait3A_328 = arith.constant 0 : i32
      %dma_wait3A_329 = arith.constant 0 : i32
      %dma_wait3A_330 = tpu.memref_slice %arg10[%dma_wait3A_328, %dma_wait3A_329] : memref<10112x64xf32, #tpu.memory_space<vmem_shared>> -> memref<10112x64xf32, #tpu.memory_space<vmem_shared>>
      tpu.wait_indirect_dma semaphore(%arg12 : memref<!tpu.dma_semaphore, #tpu.memory_space<semaphore_mem>>) src(%dma_wait3A_330 : memref<10112x64xf32, #tpu.memory_space<vmem_shared>>) dst(%dma_wait3A_324 : memref<128x64xf32, #tpu.memory_space<vmem>>)
      %dma_start3A_331 = arith.constant 0 : i32
      %dma_start3A_332 = arith.constant 4 : i32
      %dma_start3A_333 = arith.constant 0 : i32
      %dma_start3A_334 = arith.constant 0 : i32
      %dma_start3A_335 = tpu.memref_slice %arg9[%dma_start3A_331, %dma_start3A_333, %dma_start3A_334] : memref<2x128x64xf32, #tpu.memory_space<vmem>> -> memref<1x128x64xf32, #tpu.memory_space<vmem>>
      %dma_start3A_336 = tpu.memref_squeeze %dma_start3A_335 : memref<1x128x64xf32, #tpu.memory_space<vmem>> -> memref<128x64xf32, #tpu.memory_space<vmem>>
      %dma_start3A_337 = arith.constant 0 : i32
      %dma_start3A_338 = tpu.memref_slice %arg8[%dma_start3A_332, %dma_start3A_337] : memref<16x128xi32, #tpu.memory_space<vmem>> -> memref<1x128xi32, #tpu.memory_space<vmem>>
      %dma_start3A_339 = tpu.memref_squeeze %dma_start3A_338 : memref<1x128xi32, #tpu.memory_space<vmem>> -> memref<128xi32, #tpu.memory_space<vmem>>
      %dma_start3A_340 = arith.constant 0 : i32
      %dma_start3A_341 = arith.constant 0 : i32
      %dma_start3A_342 = tpu.memref_slice %arg11[%dma_start3A_340, %dma_start3A_341] : memref<10112x64xf32, #tpu.memory_space<vmem_shared>> -> memref<10112x64xf32, #tpu.memory_space<vmem_shared>>
      tpu.enqueue_indirect_dma source(%dma_start3A_336 : memref<128x64xf32, #tpu.memory_space<vmem>>) target(%dma_start3A_342 : memref<10112x64xf32, #tpu.memory_space<vmem_shared>>) offsets(%dma_start3A_339 : memref<128xi32, #tpu.memory_space<vmem>>) semaphore(%arg14 : memref<!tpu.dma_semaphore, #tpu.memory_space<semaphore_mem>>) {add = true}
      %dma_wait3A_343 = arith.constant 0 : i32
      %dma_wait3A_344 = arith.constant 4 : i32
      %dma_wait3A_345 = arith.constant 0 : i32
      %dma_wait3A_346 = arith.constant 0 : i32
      %dma_wait3A_347 = tpu.memref_slice %arg9[%dma_wait3A_343, %dma_wait3A_345, %dma_wait3A_346] : memref<2x128x64xf32, #tpu.memory_space<vmem>> -> memref<1x128x64xf32, #tpu.memory_space<vmem>>
      %dma_wait3A_348 = tpu.memref_squeeze %dma_wait3A_347 : memref<1x128x64xf32, #tpu.memory_space<vmem>> -> memref<128x64xf32, #tpu.memory_space<vmem>>
      %dma_wait3A_349 = arith.constant 0 : i32
      %dma_wait3A_350 = tpu.memref_slice %arg8[%dma_wait3A_344, %dma_wait3A_349] : memref<16x128xi32, #tpu.memory_space<vmem>> -> memref<1x128xi32, #tpu.memory_space<vmem>>
      %dma_wait3A_351 = tpu.memref_squeeze %dma_wait3A_350 : memref<1x128xi32, #tpu.memory_space<vmem>> -> memref<128xi32, #tpu.memory_space<vmem>>
      %dma_wait3A_352 = arith.constant 0 : i32
      %dma_wait3A_353 = arith.constant 0 : i32
      %dma_wait3A_354 = tpu.memref_slice %arg11[%dma_wait3A_352, %dma_wait3A_353] : memref<10112x64xf32, #tpu.memory_space<vmem_shared>> -> memref<10112x64xf32, #tpu.memory_space<vmem_shared>>
      tpu.wait_indirect_dma semaphore(%arg14 : memref<!tpu.dma_semaphore, #tpu.memory_space<semaphore_mem>>) src(%dma_wait3A_348 : memref<128x64xf32, #tpu.memory_space<vmem>>) dst(%dma_wait3A_354 : memref<10112x64xf32, #tpu.memory_space<vmem_shared>>)
      %mul3A_355 = arith.constant 16 : i32
      %mul3A_356 = arith.muli %scan3A_92, %mul3A_355 : i32
      %add3A_357 = arith.constant 5 : i32
      %add3A_358 = arith.addi %mul3A_356, %add3A_357 : i32
      %dma_start3A_359 = arith.constant 0 : i32
      %dma_start3A_360 = arith.constant 0 : i32
      %dma_start3A_361 = arith.constant 0 : i32
      %dma_start3A_362 = tpu.memref_slice %arg9[%dma_start3A_359, %dma_start3A_360, %dma_start3A_361] : memref<2x128x64xf32, #tpu.memory_space<vmem>> -> memref<1x128x64xf32, #tpu.memory_space<vmem>>
      %dma_start3A_363 = tpu.memref_squeeze %dma_start3A_362 : memref<1x128x64xf32, #tpu.memory_space<vmem>> -> memref<128x64xf32, #tpu.memory_space<vmem>>
      %dma_start3A_364 = arith.constant 0 : i32
      %dma_start3A_365 = tpu.memref_slice %arg7[%add3A_358, %dma_start3A_364] : memref<80x128xi32, #tpu.memory_space<vmem>> -> memref<1x128xi32, #tpu.memory_space<vmem>>
      %dma_start3A_366 = tpu.memref_squeeze %dma_start3A_365 : memref<1x128xi32, #tpu.memory_space<vmem>> -> memref<128xi32, #tpu.memory_space<vmem>>
      %dma_start3A_367 = arith.constant 0 : i32
      %dma_start3A_368 = arith.constant 0 : i32
      %dma_start3A_369 = tpu.memref_slice %arg10[%dma_start3A_367, %dma_start3A_368] : memref<10112x64xf32, #tpu.memory_space<vmem_shared>> -> memref<10112x64xf32, #tpu.memory_space<vmem_shared>>
      tpu.enqueue_indirect_dma source(%dma_start3A_369 : memref<10112x64xf32, #tpu.memory_space<vmem_shared>>) target(%dma_start3A_363 : memref<128x64xf32, #tpu.memory_space<vmem>>) offsets(%dma_start3A_366 : memref<128xi32, #tpu.memory_space<vmem>>) semaphore(%arg12 : memref<!tpu.dma_semaphore, #tpu.memory_space<semaphore_mem>>)
      %dma_wait3A_370 = arith.constant 0 : i32
      %dma_wait3A_371 = arith.constant 0 : i32
      %dma_wait3A_372 = arith.constant 0 : i32
      %dma_wait3A_373 = tpu.memref_slice %arg9[%dma_wait3A_370, %dma_wait3A_371, %dma_wait3A_372] : memref<2x128x64xf32, #tpu.memory_space<vmem>> -> memref<1x128x64xf32, #tpu.memory_space<vmem>>
      %dma_wait3A_374 = tpu.memref_squeeze %dma_wait3A_373 : memref<1x128x64xf32, #tpu.memory_space<vmem>> -> memref<128x64xf32, #tpu.memory_space<vmem>>
      %dma_wait3A_375 = arith.constant 0 : i32
      %dma_wait3A_376 = tpu.memref_slice %arg7[%add3A_358, %dma_wait3A_375] : memref<80x128xi32, #tpu.memory_space<vmem>> -> memref<1x128xi32, #tpu.memory_space<vmem>>
      %dma_wait3A_377 = tpu.memref_squeeze %dma_wait3A_376 : memref<1x128xi32, #tpu.memory_space<vmem>> -> memref<128xi32, #tpu.memory_space<vmem>>
      %dma_wait3A_378 = arith.constant 0 : i32
      %dma_wait3A_379 = arith.constant 0 : i32
      %dma_wait3A_380 = tpu.memref_slice %arg10[%dma_wait3A_378, %dma_wait3A_379] : memref<10112x64xf32, #tpu.memory_space<vmem_shared>> -> memref<10112x64xf32, #tpu.memory_space<vmem_shared>>
      tpu.wait_indirect_dma semaphore(%arg12 : memref<!tpu.dma_semaphore, #tpu.memory_space<semaphore_mem>>) src(%dma_wait3A_380 : memref<10112x64xf32, #tpu.memory_space<vmem_shared>>) dst(%dma_wait3A_374 : memref<128x64xf32, #tpu.memory_space<vmem>>)
      %dma_start3A_381 = arith.constant 0 : i32
      %dma_start3A_382 = arith.constant 5 : i32
      %dma_start3A_383 = arith.constant 0 : i32
      %dma_start3A_384 = arith.constant 0 : i32
      %dma_start3A_385 = tpu.memref_slice %arg9[%dma_start3A_381, %dma_start3A_383, %dma_start3A_384] : memref<2x128x64xf32, #tpu.memory_space<vmem>> -> memref<1x128x64xf32, #tpu.memory_space<vmem>>
      %dma_start3A_386 = tpu.memref_squeeze %dma_start3A_385 : memref<1x128x64xf32, #tpu.memory_space<vmem>> -> memref<128x64xf32, #tpu.memory_space<vmem>>
      %dma_start3A_387 = arith.constant 0 : i32
      %dma_start3A_388 = tpu.memref_slice %arg8[%dma_start3A_382, %dma_start3A_387] : memref<16x128xi32, #tpu.memory_space<vmem>> -> memref<1x128xi32, #tpu.memory_space<vmem>>
      %dma_start3A_389 = tpu.memref_squeeze %dma_start3A_388 : memref<1x128xi32, #tpu.memory_space<vmem>> -> memref<128xi32, #tpu.memory_space<vmem>>
      %dma_start3A_390 = arith.constant 0 : i32
      %dma_start3A_391 = arith.constant 0 : i32
      %dma_start3A_392 = tpu.memref_slice %arg11[%dma_start3A_390, %dma_start3A_391] : memref<10112x64xf32, #tpu.memory_space<vmem_shared>> -> memref<10112x64xf32, #tpu.memory_space<vmem_shared>>
      tpu.enqueue_indirect_dma source(%dma_start3A_386 : memref<128x64xf32, #tpu.memory_space<vmem>>) target(%dma_start3A_392 : memref<10112x64xf32, #tpu.memory_space<vmem_shared>>) offsets(%dma_start3A_389 : memref<128xi32, #tpu.memory_space<vmem>>) semaphore(%arg14 : memref<!tpu.dma_semaphore, #tpu.memory_space<semaphore_mem>>) {add = true}
      %dma_wait3A_393 = arith.constant 0 : i32
      %dma_wait3A_394 = arith.constant 5 : i32
      %dma_wait3A_395 = arith.constant 0 : i32
      %dma_wait3A_396 = arith.constant 0 : i32
      %dma_wait3A_397 = tpu.memref_slice %arg9[%dma_wait3A_393, %dma_wait3A_395, %dma_wait3A_396] : memref<2x128x64xf32, #tpu.memory_space<vmem>> -> memref<1x128x64xf32, #tpu.memory_space<vmem>>
      %dma_wait3A_398 = tpu.memref_squeeze %dma_wait3A_397 : memref<1x128x64xf32, #tpu.memory_space<vmem>> -> memref<128x64xf32, #tpu.memory_space<vmem>>
      %dma_wait3A_399 = arith.constant 0 : i32
      %dma_wait3A_400 = tpu.memref_slice %arg8[%dma_wait3A_394, %dma_wait3A_399] : memref<16x128xi32, #tpu.memory_space<vmem>> -> memref<1x128xi32, #tpu.memory_space<vmem>>
      %dma_wait3A_401 = tpu.memref_squeeze %dma_wait3A_400 : memref<1x128xi32, #tpu.memory_space<vmem>> -> memref<128xi32, #tpu.memory_space<vmem>>
      %dma_wait3A_402 = arith.constant 0 : i32
      %dma_wait3A_403 = arith.constant 0 : i32
      %dma_wait3A_404 = tpu.memref_slice %arg11[%dma_wait3A_402, %dma_wait3A_403] : memref<10112x64xf32, #tpu.memory_space<vmem_shared>> -> memref<10112x64xf32, #tpu.memory_space<vmem_shared>>
      tpu.wait_indirect_dma semaphore(%arg14 : memref<!tpu.dma_semaphore, #tpu.memory_space<semaphore_mem>>) src(%dma_wait3A_398 : memref<128x64xf32, #tpu.memory_space<vmem>>) dst(%dma_wait3A_404 : memref<10112x64xf32, #tpu.memory_space<vmem_shared>>)
      %mul3A_405 = arith.constant 16 : i32
      %mul3A_406 = arith.muli %scan3A_92, %mul3A_405 : i32
      %add3A_407 = arith.constant 6 : i32
      %add3A_408 = arith.addi %mul3A_406, %add3A_407 : i32
      %dma_start3A_409 = arith.constant 0 : i32
      %dma_start3A_410 = arith.constant 0 : i32
      %dma_start3A_411 = arith.constant 0 : i32
      %dma_start3A_412 = tpu.memref_slice %arg9[%dma_start3A_409, %dma_start3A_410, %dma_start3A_411] : memref<2x128x64xf32, #tpu.memory_space<vmem>> -> memref<1x128x64xf32, #tpu.memory_space<vmem>>
      %dma_start3A_413 = tpu.memref_squeeze %dma_start3A_412 : memref<1x128x64xf32, #tpu.memory_space<vmem>> -> memref<128x64xf32, #tpu.memory_space<vmem>>
      %dma_start3A_414 = arith.constant 0 : i32
      %dma_start3A_415 = tpu.memref_slice %arg7[%add3A_408, %dma_start3A_414] : memref<80x128xi32, #tpu.memory_space<vmem>> -> memref<1x128xi32, #tpu.memory_space<vmem>>
      %dma_start3A_416 = tpu.memref_squeeze %dma_start3A_415 : memref<1x128xi32, #tpu.memory_space<vmem>> -> memref<128xi32, #tpu.memory_space<vmem>>
      %dma_start3A_417 = arith.constant 0 : i32
      %dma_start3A_418 = arith.constant 0 : i32
      %dma_start3A_419 = tpu.memref_slice %arg10[%dma_start3A_417, %dma_start3A_418] : memref<10112x64xf32, #tpu.memory_space<vmem_shared>> -> memref<10112x64xf32, #tpu.memory_space<vmem_shared>>
      tpu.enqueue_indirect_dma source(%dma_start3A_419 : memref<10112x64xf32, #tpu.memory_space<vmem_shared>>) target(%dma_start3A_413 : memref<128x64xf32, #tpu.memory_space<vmem>>) offsets(%dma_start3A_416 : memref<128xi32, #tpu.memory_space<vmem>>) semaphore(%arg12 : memref<!tpu.dma_semaphore, #tpu.memory_space<semaphore_mem>>)
      %dma_wait3A_420 = arith.constant 0 : i32
      %dma_wait3A_421 = arith.constant 0 : i32
      %dma_wait3A_422 = arith.constant 0 : i32
      %dma_wait3A_423 = tpu.memref_slice %arg9[%dma_wait3A_420, %dma_wait3A_421, %dma_wait3A_422] : memref<2x128x64xf32, #tpu.memory_space<vmem>> -> memref<1x128x64xf32, #tpu.memory_space<vmem>>
      %dma_wait3A_424 = tpu.memref_squeeze %dma_wait3A_423 : memref<1x128x64xf32, #tpu.memory_space<vmem>> -> memref<128x64xf32, #tpu.memory_space<vmem>>
      %dma_wait3A_425 = arith.constant 0 : i32
      %dma_wait3A_426 = tpu.memref_slice %arg7[%add3A_408, %dma_wait3A_425] : memref<80x128xi32, #tpu.memory_space<vmem>> -> memref<1x128xi32, #tpu.memory_space<vmem>>
      %dma_wait3A_427 = tpu.memref_squeeze %dma_wait3A_426 : memref<1x128xi32, #tpu.memory_space<vmem>> -> memref<128xi32, #tpu.memory_space<vmem>>
      %dma_wait3A_428 = arith.constant 0 : i32
      %dma_wait3A_429 = arith.constant 0 : i32
      %dma_wait3A_430 = tpu.memref_slice %arg10[%dma_wait3A_428, %dma_wait3A_429] : memref<10112x64xf32, #tpu.memory_space<vmem_shared>> -> memref<10112x64xf32, #tpu.memory_space<vmem_shared>>
      tpu.wait_indirect_dma semaphore(%arg12 : memref<!tpu.dma_semaphore, #tpu.memory_space<semaphore_mem>>) src(%dma_wait3A_430 : memref<10112x64xf32, #tpu.memory_space<vmem_shared>>) dst(%dma_wait3A_424 : memref<128x64xf32, #tpu.memory_space<vmem>>)
      %dma_start3A_431 = arith.constant 0 : i32
      %dma_start3A_432 = arith.constant 6 : i32
      %dma_start3A_433 = arith.constant 0 : i32
      %dma_start3A_434 = arith.constant 0 : i32
      %dma_start3A_435 = tpu.memref_slice %arg9[%dma_start3A_431, %dma_start3A_433, %dma_start3A_434] : memref<2x128x64xf32, #tpu.memory_space<vmem>> -> memref<1x128x64xf32, #tpu.memory_space<vmem>>
      %dma_start3A_436 = tpu.memref_squeeze %dma_start3A_435 : memref<1x128x64xf32, #tpu.memory_space<vmem>> -> memref<128x64xf32, #tpu.memory_space<vmem>>
      %dma_start3A_437 = arith.constant 0 : i32
      %dma_start3A_438 = tpu.memref_slice %arg8[%dma_start3A_432, %dma_start3A_437] : memref<16x128xi32, #tpu.memory_space<vmem>> -> memref<1x128xi32, #tpu.memory_space<vmem>>
      %dma_start3A_439 = tpu.memref_squeeze %dma_start3A_438 : memref<1x128xi32, #tpu.memory_space<vmem>> -> memref<128xi32, #tpu.memory_space<vmem>>
      %dma_start3A_440 = arith.constant 0 : i32
      %dma_start3A_441 = arith.constant 0 : i32
      %dma_start3A_442 = tpu.memref_slice %arg11[%dma_start3A_440, %dma_start3A_441] : memref<10112x64xf32, #tpu.memory_space<vmem_shared>> -> memref<10112x64xf32, #tpu.memory_space<vmem_shared>>
      tpu.enqueue_indirect_dma source(%dma_start3A_436 : memref<128x64xf32, #tpu.memory_space<vmem>>) target(%dma_start3A_442 : memref<10112x64xf32, #tpu.memory_space<vmem_shared>>) offsets(%dma_start3A_439 : memref<128xi32, #tpu.memory_space<vmem>>) semaphore(%arg14 : memref<!tpu.dma_semaphore, #tpu.memory_space<semaphore_mem>>) {add = true}
      %dma_wait3A_443 = arith.constant 0 : i32
      %dma_wait3A_444 = arith.constant 6 : i32
      %dma_wait3A_445 = arith.constant 0 : i32
      %dma_wait3A_446 = arith.constant 0 : i32
      %dma_wait3A_447 = tpu.memref_slice %arg9[%dma_wait3A_443, %dma_wait3A_445, %dma_wait3A_446] : memref<2x128x64xf32, #tpu.memory_space<vmem>> -> memref<1x128x64xf32, #tpu.memory_space<vmem>>
      %dma_wait3A_448 = tpu.memref_squeeze %dma_wait3A_447 : memref<1x128x64xf32, #tpu.memory_space<vmem>> -> memref<128x64xf32, #tpu.memory_space<vmem>>
      %dma_wait3A_449 = arith.constant 0 : i32
      %dma_wait3A_450 = tpu.memref_slice %arg8[%dma_wait3A_444, %dma_wait3A_449] : memref<16x128xi32, #tpu.memory_space<vmem>> -> memref<1x128xi32, #tpu.memory_space<vmem>>
      %dma_wait3A_451 = tpu.memref_squeeze %dma_wait3A_450 : memref<1x128xi32, #tpu.memory_space<vmem>> -> memref<128xi32, #tpu.memory_space<vmem>>
      %dma_wait3A_452 = arith.constant 0 : i32
      %dma_wait3A_453 = arith.constant 0 : i32
      %dma_wait3A_454 = tpu.memref_slice %arg11[%dma_wait3A_452, %dma_wait3A_453] : memref<10112x64xf32, #tpu.memory_space<vmem_shared>> -> memref<10112x64xf32, #tpu.memory_space<vmem_shared>>
      tpu.wait_indirect_dma semaphore(%arg14 : memref<!tpu.dma_semaphore, #tpu.memory_space<semaphore_mem>>) src(%dma_wait3A_448 : memref<128x64xf32, #tpu.memory_space<vmem>>) dst(%dma_wait3A_454 : memref<10112x64xf32, #tpu.memory_space<vmem_shared>>)
      %mul3A_455 = arith.constant 16 : i32
      %mul3A_456 = arith.muli %scan3A_92, %mul3A_455 : i32
      %add3A_457 = arith.constant 7 : i32
      %add3A_458 = arith.addi %mul3A_456, %add3A_457 : i32
      %dma_start3A_459 = arith.constant 0 : i32
      %dma_start3A_460 = arith.constant 0 : i32
      %dma_start3A_461 = arith.constant 0 : i32
      %dma_start3A_462 = tpu.memref_slice %arg9[%dma_start3A_459, %dma_start3A_460, %dma_start3A_461] : memref<2x128x64xf32, #tpu.memory_space<vmem>> -> memref<1x128x64xf32, #tpu.memory_space<vmem>>
      %dma_start3A_463 = tpu.memref_squeeze %dma_start3A_462 : memref<1x128x64xf32, #tpu.memory_space<vmem>> -> memref<128x64xf32, #tpu.memory_space<vmem>>
      %dma_start3A_464 = arith.constant 0 : i32
      %dma_start3A_465 = tpu.memref_slice %arg7[%add3A_458, %dma_start3A_464] : memref<80x128xi32, #tpu.memory_space<vmem>> -> memref<1x128xi32, #tpu.memory_space<vmem>>
      %dma_start3A_466 = tpu.memref_squeeze %dma_start3A_465 : memref<1x128xi32, #tpu.memory_space<vmem>> -> memref<128xi32, #tpu.memory_space<vmem>>
      %dma_start3A_467 = arith.constant 0 : i32
      %dma_start3A_468 = arith.constant 0 : i32
      %dma_start3A_469 = tpu.memref_slice %arg10[%dma_start3A_467, %dma_start3A_468] : memref<10112x64xf32, #tpu.memory_space<vmem_shared>> -> memref<10112x64xf32, #tpu.memory_space<vmem_shared>>
      tpu.enqueue_indirect_dma source(%dma_start3A_469 : memref<10112x64xf32, #tpu.memory_space<vmem_shared>>) target(%dma_start3A_463 : memref<128x64xf32, #tpu.memory_space<vmem>>) offsets(%dma_start3A_466 : memref<128xi32, #tpu.memory_space<vmem>>) semaphore(%arg12 : memref<!tpu.dma_semaphore, #tpu.memory_space<semaphore_mem>>)
      %dma_wait3A_470 = arith.constant 0 : i32
      %dma_wait3A_471 = arith.constant 0 : i32
      %dma_wait3A_472 = arith.constant 0 : i32
      %dma_wait3A_473 = tpu.memref_slice %arg9[%dma_wait3A_470, %dma_wait3A_471, %dma_wait3A_472] : memref<2x128x64xf32, #tpu.memory_space<vmem>> -> memref<1x128x64xf32, #tpu.memory_space<vmem>>
      %dma_wait3A_474 = tpu.memref_squeeze %dma_wait3A_473 : memref<1x128x64xf32, #tpu.memory_space<vmem>> -> memref<128x64xf32, #tpu.memory_space<vmem>>
      %dma_wait3A_475 = arith.constant 0 : i32
      %dma_wait3A_476 = tpu.memref_slice %arg7[%add3A_458, %dma_wait3A_475] : memref<80x128xi32, #tpu.memory_space<vmem>> -> memref<1x128xi32, #tpu.memory_space<vmem>>
      %dma_wait3A_477 = tpu.memref_squeeze %dma_wait3A_476 : memref<1x128xi32, #tpu.memory_space<vmem>> -> memref<128xi32, #tpu.memory_space<vmem>>
      %dma_wait3A_478 = arith.constant 0 : i32
      %dma_wait3A_479 = arith.constant 0 : i32
      %dma_wait3A_480 = tpu.memref_slice %arg10[%dma_wait3A_478, %dma_wait3A_479] : memref<10112x64xf32, #tpu.memory_space<vmem_shared>> -> memref<10112x64xf32, #tpu.memory_space<vmem_shared>>
      tpu.wait_indirect_dma semaphore(%arg12 : memref<!tpu.dma_semaphore, #tpu.memory_space<semaphore_mem>>) src(%dma_wait3A_480 : memref<10112x64xf32, #tpu.memory_space<vmem_shared>>) dst(%dma_wait3A_474 : memref<128x64xf32, #tpu.memory_space<vmem>>)
      %dma_start3A_481 = arith.constant 0 : i32
      %dma_start3A_482 = arith.constant 7 : i32
      %dma_start3A_483 = arith.constant 0 : i32
      %dma_start3A_484 = arith.constant 0 : i32
      %dma_start3A_485 = tpu.memref_slice %arg9[%dma_start3A_481, %dma_start3A_483, %dma_start3A_484] : memref<2x128x64xf32, #tpu.memory_space<vmem>> -> memref<1x128x64xf32, #tpu.memory_space<vmem>>
      %dma_start3A_486 = tpu.memref_squeeze %dma_start3A_485 : memref<1x128x64xf32, #tpu.memory_space<vmem>> -> memref<128x64xf32, #tpu.memory_space<vmem>>
      %dma_start3A_487 = arith.constant 0 : i32
      %dma_start3A_488 = tpu.memref_slice %arg8[%dma_start3A_482, %dma_start3A_487] : memref<16x128xi32, #tpu.memory_space<vmem>> -> memref<1x128xi32, #tpu.memory_space<vmem>>
      %dma_start3A_489 = tpu.memref_squeeze %dma_start3A_488 : memref<1x128xi32, #tpu.memory_space<vmem>> -> memref<128xi32, #tpu.memory_space<vmem>>
      %dma_start3A_490 = arith.constant 0 : i32
      %dma_start3A_491 = arith.constant 0 : i32
      %dma_start3A_492 = tpu.memref_slice %arg11[%dma_start3A_490, %dma_start3A_491] : memref<10112x64xf32, #tpu.memory_space<vmem_shared>> -> memref<10112x64xf32, #tpu.memory_space<vmem_shared>>
      tpu.enqueue_indirect_dma source(%dma_start3A_486 : memref<128x64xf32, #tpu.memory_space<vmem>>) target(%dma_start3A_492 : memref<10112x64xf32, #tpu.memory_space<vmem_shared>>) offsets(%dma_start3A_489 : memref<128xi32, #tpu.memory_space<vmem>>) semaphore(%arg14 : memref<!tpu.dma_semaphore, #tpu.memory_space<semaphore_mem>>) {add = true}
      %dma_wait3A_493 = arith.constant 0 : i32
      %dma_wait3A_494 = arith.constant 7 : i32
      %dma_wait3A_495 = arith.constant 0 : i32
      %dma_wait3A_496 = arith.constant 0 : i32
      %dma_wait3A_497 = tpu.memref_slice %arg9[%dma_wait3A_493, %dma_wait3A_495, %dma_wait3A_496] : memref<2x128x64xf32, #tpu.memory_space<vmem>> -> memref<1x128x64xf32, #tpu.memory_space<vmem>>
      %dma_wait3A_498 = tpu.memref_squeeze %dma_wait3A_497 : memref<1x128x64xf32, #tpu.memory_space<vmem>> -> memref<128x64xf32, #tpu.memory_space<vmem>>
      %dma_wait3A_499 = arith.constant 0 : i32
      %dma_wait3A_500 = tpu.memref_slice %arg8[%dma_wait3A_494, %dma_wait3A_499] : memref<16x128xi32, #tpu.memory_space<vmem>> -> memref<1x128xi32, #tpu.memory_space<vmem>>
      %dma_wait3A_501 = tpu.memref_squeeze %dma_wait3A_500 : memref<1x128xi32, #tpu.memory_space<vmem>> -> memref<128xi32, #tpu.memory_space<vmem>>
      %dma_wait3A_502 = arith.constant 0 : i32
      %dma_wait3A_503 = arith.constant 0 : i32
      %dma_wait3A_504 = tpu.memref_slice %arg11[%dma_wait3A_502, %dma_wait3A_503] : memref<10112x64xf32, #tpu.memory_space<vmem_shared>> -> memref<10112x64xf32, #tpu.memory_space<vmem_shared>>
      tpu.wait_indirect_dma semaphore(%arg14 : memref<!tpu.dma_semaphore, #tpu.memory_space<semaphore_mem>>) src(%dma_wait3A_498 : memref<128x64xf32, #tpu.memory_space<vmem>>) dst(%dma_wait3A_504 : memref<10112x64xf32, #tpu.memory_space<vmem_shared>>)
      %mul3A_505 = arith.constant 16 : i32
      %mul3A_506 = arith.muli %scan3A_92, %mul3A_505 : i32
      %add3A_507 = arith.constant 8 : i32
      %add3A_508 = arith.addi %mul3A_506, %add3A_507 : i32
      %dma_start3A_509 = arith.constant 0 : i32
      %dma_start3A_510 = arith.constant 0 : i32
      %dma_start3A_511 = arith.constant 0 : i32
      %dma_start3A_512 = tpu.memref_slice %arg9[%dma_start3A_509, %dma_start3A_510, %dma_start3A_511] : memref<2x128x64xf32, #tpu.memory_space<vmem>> -> memref<1x128x64xf32, #tpu.memory_space<vmem>>
      %dma_start3A_513 = tpu.memref_squeeze %dma_start3A_512 : memref<1x128x64xf32, #tpu.memory_space<vmem>> -> memref<128x64xf32, #tpu.memory_space<vmem>>
      %dma_start3A_514 = arith.constant 0 : i32
      %dma_start3A_515 = tpu.memref_slice %arg7[%add3A_508, %dma_start3A_514] : memref<80x128xi32, #tpu.memory_space<vmem>> -> memref<1x128xi32, #tpu.memory_space<vmem>>
      %dma_start3A_516 = tpu.memref_squeeze %dma_start3A_515 : memref<1x128xi32, #tpu.memory_space<vmem>> -> memref<128xi32, #tpu.memory_space<vmem>>
      %dma_start3A_517 = arith.constant 0 : i32
      %dma_start3A_518 = arith.constant 0 : i32
      %dma_start3A_519 = tpu.memref_slice %arg10[%dma_start3A_517, %dma_start3A_518] : memref<10112x64xf32, #tpu.memory_space<vmem_shared>> -> memref<10112x64xf32, #tpu.memory_space<vmem_shared>>
      tpu.enqueue_indirect_dma source(%dma_start3A_519 : memref<10112x64xf32, #tpu.memory_space<vmem_shared>>) target(%dma_start3A_513 : memref<128x64xf32, #tpu.memory_space<vmem>>) offsets(%dma_start3A_516 : memref<128xi32, #tpu.memory_space<vmem>>) semaphore(%arg12 : memref<!tpu.dma_semaphore, #tpu.memory_space<semaphore_mem>>)
      %dma_wait3A_520 = arith.constant 0 : i32
      %dma_wait3A_521 = arith.constant 0 : i32
      %dma_wait3A_522 = arith.constant 0 : i32
      %dma_wait3A_523 = tpu.memref_slice %arg9[%dma_wait3A_520, %dma_wait3A_521, %dma_wait3A_522] : memref<2x128x64xf32, #tpu.memory_space<vmem>> -> memref<1x128x64xf32, #tpu.memory_space<vmem>>
      %dma_wait3A_524 = tpu.memref_squeeze %dma_wait3A_523 : memref<1x128x64xf32, #tpu.memory_space<vmem>> -> memref<128x64xf32, #tpu.memory_space<vmem>>
      %dma_wait3A_525 = arith.constant 0 : i32
      %dma_wait3A_526 = tpu.memref_slice %arg7[%add3A_508, %dma_wait3A_525] : memref<80x128xi32, #tpu.memory_space<vmem>> -> memref<1x128xi32, #tpu.memory_space<vmem>>
      %dma_wait3A_527 = tpu.memref_squeeze %dma_wait3A_526 : memref<1x128xi32, #tpu.memory_space<vmem>> -> memref<128xi32, #tpu.memory_space<vmem>>
      %dma_wait3A_528 = arith.constant 0 : i32
      %dma_wait3A_529 = arith.constant 0 : i32
      %dma_wait3A_530 = tpu.memref_slice %arg10[%dma_wait3A_528, %dma_wait3A_529] : memref<10112x64xf32, #tpu.memory_space<vmem_shared>> -> memref<10112x64xf32, #tpu.memory_space<vmem_shared>>
      tpu.wait_indirect_dma semaphore(%arg12 : memref<!tpu.dma_semaphore, #tpu.memory_space<semaphore_mem>>) src(%dma_wait3A_530 : memref<10112x64xf32, #tpu.memory_space<vmem_shared>>) dst(%dma_wait3A_524 : memref<128x64xf32, #tpu.memory_space<vmem>>)
      %dma_start3A_531 = arith.constant 0 : i32
      %dma_start3A_532 = arith.constant 8 : i32
      %dma_start3A_533 = arith.constant 0 : i32
      %dma_start3A_534 = arith.constant 0 : i32
      %dma_start3A_535 = tpu.memref_slice %arg9[%dma_start3A_531, %dma_start3A_533, %dma_start3A_534] : memref<2x128x64xf32, #tpu.memory_space<vmem>> -> memref<1x128x64xf32, #tpu.memory_space<vmem>>
      %dma_start3A_536 = tpu.memref_squeeze %dma_start3A_535 : memref<1x128x64xf32, #tpu.memory_space<vmem>> -> memref<128x64xf32, #tpu.memory_space<vmem>>
      %dma_start3A_537 = arith.constant 0 : i32
      %dma_start3A_538 = tpu.memref_slice %arg8[%dma_start3A_532, %dma_start3A_537] : memref<16x128xi32, #tpu.memory_space<vmem>> -> memref<1x128xi32, #tpu.memory_space<vmem>>
      %dma_start3A_539 = tpu.memref_squeeze %dma_start3A_538 : memref<1x128xi32, #tpu.memory_space<vmem>> -> memref<128xi32, #tpu.memory_space<vmem>>
      %dma_start3A_540 = arith.constant 0 : i32
      %dma_start3A_541 = arith.constant 0 : i32
      %dma_start3A_542 = tpu.memref_slice %arg11[%dma_start3A_540, %dma_start3A_541] : memref<10112x64xf32, #tpu.memory_space<vmem_shared>> -> memref<10112x64xf32, #tpu.memory_space<vmem_shared>>
      tpu.enqueue_indirect_dma source(%dma_start3A_536 : memref<128x64xf32, #tpu.memory_space<vmem>>) target(%dma_start3A_542 : memref<10112x64xf32, #tpu.memory_space<vmem_shared>>) offsets(%dma_start3A_539 : memref<128xi32, #tpu.memory_space<vmem>>) semaphore(%arg14 : memref<!tpu.dma_semaphore, #tpu.memory_space<semaphore_mem>>) {add = true}
      %dma_wait3A_543 = arith.constant 0 : i32
      %dma_wait3A_544 = arith.constant 8 : i32
      %dma_wait3A_545 = arith.constant 0 : i32
      %dma_wait3A_546 = arith.constant 0 : i32
      %dma_wait3A_547 = tpu.memref_slice %arg9[%dma_wait3A_543, %dma_wait3A_545, %dma_wait3A_546] : memref<2x128x64xf32, #tpu.memory_space<vmem>> -> memref<1x128x64xf32, #tpu.memory_space<vmem>>
      %dma_wait3A_548 = tpu.memref_squeeze %dma_wait3A_547 : memref<1x128x64xf32, #tpu.memory_space<vmem>> -> memref<128x64xf32, #tpu.memory_space<vmem>>
      %dma_wait3A_549 = arith.constant 0 : i32
      %dma_wait3A_550 = tpu.memref_slice %arg8[%dma_wait3A_544, %dma_wait3A_549] : memref<16x128xi32, #tpu.memory_space<vmem>> -> memref<1x128xi32, #tpu.memory_space<vmem>>
      %dma_wait3A_551 = tpu.memref_squeeze %dma_wait3A_550 : memref<1x128xi32, #tpu.memory_space<vmem>> -> memref<128xi32, #tpu.memory_space<vmem>>
      %dma_wait3A_552 = arith.constant 0 : i32
      %dma_wait3A_553 = arith.constant 0 : i32
      %dma_wait3A_554 = tpu.memref_slice %arg11[%dma_wait3A_552, %dma_wait3A_553] : memref<10112x64xf32, #tpu.memory_space<vmem_shared>> -> memref<10112x64xf32, #tpu.memory_space<vmem_shared>>
      tpu.wait_indirect_dma semaphore(%arg14 : memref<!tpu.dma_semaphore, #tpu.memory_space<semaphore_mem>>) src(%dma_wait3A_548 : memref<128x64xf32, #tpu.memory_space<vmem>>) dst(%dma_wait3A_554 : memref<10112x64xf32, #tpu.memory_space<vmem_shared>>)
      %mul3A_555 = arith.constant 16 : i32
      %mul3A_556 = arith.muli %scan3A_92, %mul3A_555 : i32
      %add3A_557 = arith.constant 9 : i32
      %add3A_558 = arith.addi %mul3A_556, %add3A_557 : i32
      %dma_start3A_559 = arith.constant 0 : i32
      %dma_start3A_560 = arith.constant 0 : i32
      %dma_start3A_561 = arith.constant 0 : i32
      %dma_start3A_562 = tpu.memref_slice %arg9[%dma_start3A_559, %dma_start3A_560, %dma_start3A_561] : memref<2x128x64xf32, #tpu.memory_space<vmem>> -> memref<1x128x64xf32, #tpu.memory_space<vmem>>
      %dma_start3A_563 = tpu.memref_squeeze %dma_start3A_562 : memref<1x128x64xf32, #tpu.memory_space<vmem>> -> memref<128x64xf32, #tpu.memory_space<vmem>>
      %dma_start3A_564 = arith.constant 0 : i32
      %dma_start3A_565 = tpu.memref_slice %arg7[%add3A_558, %dma_start3A_564] : memref<80x128xi32, #tpu.memory_space<vmem>> -> memref<1x128xi32, #tpu.memory_space<vmem>>
      %dma_start3A_566 = tpu.memref_squeeze %dma_start3A_565 : memref<1x128xi32, #tpu.memory_space<vmem>> -> memref<128xi32, #tpu.memory_space<vmem>>
      %dma_start3A_567 = arith.constant 0 : i32
      %dma_start3A_568 = arith.constant 0 : i32
      %dma_start3A_569 = tpu.memref_slice %arg10[%dma_start3A_567, %dma_start3A_568] : memref<10112x64xf32, #tpu.memory_space<vmem_shared>> -> memref<10112x64xf32, #tpu.memory_space<vmem_shared>>
      tpu.enqueue_indirect_dma source(%dma_start3A_569 : memref<10112x64xf32, #tpu.memory_space<vmem_shared>>) target(%dma_start3A_563 : memref<128x64xf32, #tpu.memory_space<vmem>>) offsets(%dma_start3A_566 : memref<128xi32, #tpu.memory_space<vmem>>) semaphore(%arg12 : memref<!tpu.dma_semaphore, #tpu.memory_space<semaphore_mem>>)
      %dma_wait3A_570 = arith.constant 0 : i32
      %dma_wait3A_571 = arith.constant 0 : i32
      %dma_wait3A_572 = arith.constant 0 : i32
      %dma_wait3A_573 = tpu.memref_slice %arg9[%dma_wait3A_570, %dma_wait3A_571, %dma_wait3A_572] : memref<2x128x64xf32, #tpu.memory_space<vmem>> -> memref<1x128x64xf32, #tpu.memory_space<vmem>>
      %dma_wait3A_574 = tpu.memref_squeeze %dma_wait3A_573 : memref<1x128x64xf32, #tpu.memory_space<vmem>> -> memref<128x64xf32, #tpu.memory_space<vmem>>
      %dma_wait3A_575 = arith.constant 0 : i32
      %dma_wait3A_576 = tpu.memref_slice %arg7[%add3A_558, %dma_wait3A_575] : memref<80x128xi32, #tpu.memory_space<vmem>> -> memref<1x128xi32, #tpu.memory_space<vmem>>
      %dma_wait3A_577 = tpu.memref_squeeze %dma_wait3A_576 : memref<1x128xi32, #tpu.memory_space<vmem>> -> memref<128xi32, #tpu.memory_space<vmem>>
      %dma_wait3A_578 = arith.constant 0 : i32
      %dma_wait3A_579 = arith.constant 0 : i32
      %dma_wait3A_580 = tpu.memref_slice %arg10[%dma_wait3A_578, %dma_wait3A_579] : memref<10112x64xf32, #tpu.memory_space<vmem_shared>> -> memref<10112x64xf32, #tpu.memory_space<vmem_shared>>
      tpu.wait_indirect_dma semaphore(%arg12 : memref<!tpu.dma_semaphore, #tpu.memory_space<semaphore_mem>>) src(%dma_wait3A_580 : memref<10112x64xf32, #tpu.memory_space<vmem_shared>>) dst(%dma_wait3A_574 : memref<128x64xf32, #tpu.memory_space<vmem>>)
      %dma_start3A_581 = arith.constant 0 : i32
      %dma_start3A_582 = arith.constant 9 : i32
      %dma_start3A_583 = arith.constant 0 : i32
      %dma_start3A_584 = arith.constant 0 : i32
      %dma_start3A_585 = tpu.memref_slice %arg9[%dma_start3A_581, %dma_start3A_583, %dma_start3A_584] : memref<2x128x64xf32, #tpu.memory_space<vmem>> -> memref<1x128x64xf32, #tpu.memory_space<vmem>>
      %dma_start3A_586 = tpu.memref_squeeze %dma_start3A_585 : memref<1x128x64xf32, #tpu.memory_space<vmem>> -> memref<128x64xf32, #tpu.memory_space<vmem>>
      %dma_start3A_587 = arith.constant 0 : i32
      %dma_start3A_588 = tpu.memref_slice %arg8[%dma_start3A_582, %dma_start3A_587] : memref<16x128xi32, #tpu.memory_space<vmem>> -> memref<1x128xi32, #tpu.memory_space<vmem>>
      %dma_start3A_589 = tpu.memref_squeeze %dma_start3A_588 : memref<1x128xi32, #tpu.memory_space<vmem>> -> memref<128xi32, #tpu.memory_space<vmem>>
      %dma_start3A_590 = arith.constant 0 : i32
      %dma_start3A_591 = arith.constant 0 : i32
      %dma_start3A_592 = tpu.memref_slice %arg11[%dma_start3A_590, %dma_start3A_591] : memref<10112x64xf32, #tpu.memory_space<vmem_shared>> -> memref<10112x64xf32, #tpu.memory_space<vmem_shared>>
      tpu.enqueue_indirect_dma source(%dma_start3A_586 : memref<128x64xf32, #tpu.memory_space<vmem>>) target(%dma_start3A_592 : memref<10112x64xf32, #tpu.memory_space<vmem_shared>>) offsets(%dma_start3A_589 : memref<128xi32, #tpu.memory_space<vmem>>) semaphore(%arg14 : memref<!tpu.dma_semaphore, #tpu.memory_space<semaphore_mem>>) {add = true}
      %dma_wait3A_593 = arith.constant 0 : i32
      %dma_wait3A_594 = arith.constant 9 : i32
      %dma_wait3A_595 = arith.constant 0 : i32
      %dma_wait3A_596 = arith.constant 0 : i32
      %dma_wait3A_597 = tpu.memref_slice %arg9[%dma_wait3A_593, %dma_wait3A_595, %dma_wait3A_596] : memref<2x128x64xf32, #tpu.memory_space<vmem>> -> memref<1x128x64xf32, #tpu.memory_space<vmem>>
      %dma_wait3A_598 = tpu.memref_squeeze %dma_wait3A_597 : memref<1x128x64xf32, #tpu.memory_space<vmem>> -> memref<128x64xf32, #tpu.memory_space<vmem>>
      %dma_wait3A_599 = arith.constant 0 : i32
      %dma_wait3A_600 = tpu.memref_slice %arg8[%dma_wait3A_594, %dma_wait3A_599] : memref<16x128xi32, #tpu.memory_space<vmem>> -> memref<1x128xi32, #tpu.memory_space<vmem>>
      %dma_wait3A_601 = tpu.memref_squeeze %dma_wait3A_600 : memref<1x128xi32, #tpu.memory_space<vmem>> -> memref<128xi32, #tpu.memory_space<vmem>>
      %dma_wait3A_602 = arith.constant 0 : i32
      %dma_wait3A_603 = arith.constant 0 : i32
      %dma_wait3A_604 = tpu.memref_slice %arg11[%dma_wait3A_602, %dma_wait3A_603] : memref<10112x64xf32, #tpu.memory_space<vmem_shared>> -> memref<10112x64xf32, #tpu.memory_space<vmem_shared>>
      tpu.wait_indirect_dma semaphore(%arg14 : memref<!tpu.dma_semaphore, #tpu.memory_space<semaphore_mem>>) src(%dma_wait3A_598 : memref<128x64xf32, #tpu.memory_space<vmem>>) dst(%dma_wait3A_604 : memref<10112x64xf32, #tpu.memory_space<vmem_shared>>)
      %mul3A_605 = arith.constant 16 : i32
      %mul3A_606 = arith.muli %scan3A_92, %mul3A_605 : i32
      %add3A_607 = arith.constant 10 : i32
      %add3A_608 = arith.addi %mul3A_606, %add3A_607 : i32
      %dma_start3A_609 = arith.constant 0 : i32
      %dma_start3A_610 = arith.constant 0 : i32
      %dma_start3A_611 = arith.constant 0 : i32
      %dma_start3A_612 = tpu.memref_slice %arg9[%dma_start3A_609, %dma_start3A_610, %dma_start3A_611] : memref<2x128x64xf32, #tpu.memory_space<vmem>> -> memref<1x128x64xf32, #tpu.memory_space<vmem>>
      %dma_start3A_613 = tpu.memref_squeeze %dma_start3A_612 : memref<1x128x64xf32, #tpu.memory_space<vmem>> -> memref<128x64xf32, #tpu.memory_space<vmem>>
      %dma_start3A_614 = arith.constant 0 : i32
      %dma_start3A_615 = tpu.memref_slice %arg7[%add3A_608, %dma_start3A_614] : memref<80x128xi32, #tpu.memory_space<vmem>> -> memref<1x128xi32, #tpu.memory_space<vmem>>
      %dma_start3A_616 = tpu.memref_squeeze %dma_start3A_615 : memref<1x128xi32, #tpu.memory_space<vmem>> -> memref<128xi32, #tpu.memory_space<vmem>>
      %dma_start3A_617 = arith.constant 0 : i32
      %dma_start3A_618 = arith.constant 0 : i32
      %dma_start3A_619 = tpu.memref_slice %arg10[%dma_start3A_617, %dma_start3A_618] : memref<10112x64xf32, #tpu.memory_space<vmem_shared>> -> memref<10112x64xf32, #tpu.memory_space<vmem_shared>>
      tpu.enqueue_indirect_dma source(%dma_start3A_619 : memref<10112x64xf32, #tpu.memory_space<vmem_shared>>) target(%dma_start3A_613 : memref<128x64xf32, #tpu.memory_space<vmem>>) offsets(%dma_start3A_616 : memref<128xi32, #tpu.memory_space<vmem>>) semaphore(%arg12 : memref<!tpu.dma_semaphore, #tpu.memory_space<semaphore_mem>>)
      %dma_wait3A_620 = arith.constant 0 : i32
      %dma_wait3A_621 = arith.constant 0 : i32
      %dma_wait3A_622 = arith.constant 0 : i32
      %dma_wait3A_623 = tpu.memref_slice %arg9[%dma_wait3A_620, %dma_wait3A_621, %dma_wait3A_622] : memref<2x128x64xf32, #tpu.memory_space<vmem>> -> memref<1x128x64xf32, #tpu.memory_space<vmem>>
      %dma_wait3A_624 = tpu.memref_squeeze %dma_wait3A_623 : memref<1x128x64xf32, #tpu.memory_space<vmem>> -> memref<128x64xf32, #tpu.memory_space<vmem>>
      %dma_wait3A_625 = arith.constant 0 : i32
      %dma_wait3A_626 = tpu.memref_slice %arg7[%add3A_608, %dma_wait3A_625] : memref<80x128xi32, #tpu.memory_space<vmem>> -> memref<1x128xi32, #tpu.memory_space<vmem>>
      %dma_wait3A_627 = tpu.memref_squeeze %dma_wait3A_626 : memref<1x128xi32, #tpu.memory_space<vmem>> -> memref<128xi32, #tpu.memory_space<vmem>>
      %dma_wait3A_628 = arith.constant 0 : i32
      %dma_wait3A_629 = arith.constant 0 : i32
      %dma_wait3A_630 = tpu.memref_slice %arg10[%dma_wait3A_628, %dma_wait3A_629] : memref<10112x64xf32, #tpu.memory_space<vmem_shared>> -> memref<10112x64xf32, #tpu.memory_space<vmem_shared>>
      tpu.wait_indirect_dma semaphore(%arg12 : memref<!tpu.dma_semaphore, #tpu.memory_space<semaphore_mem>>) src(%dma_wait3A_630 : memref<10112x64xf32, #tpu.memory_space<vmem_shared>>) dst(%dma_wait3A_624 : memref<128x64xf32, #tpu.memory_space<vmem>>)
      %dma_start3A_631 = arith.constant 0 : i32
      %dma_start3A_632 = arith.constant 10 : i32
      %dma_start3A_633 = arith.constant 0 : i32
      %dma_start3A_634 = arith.constant 0 : i32
      %dma_start3A_635 = tpu.memref_slice %arg9[%dma_start3A_631, %dma_start3A_633, %dma_start3A_634] : memref<2x128x64xf32, #tpu.memory_space<vmem>> -> memref<1x128x64xf32, #tpu.memory_space<vmem>>
      %dma_start3A_636 = tpu.memref_squeeze %dma_start3A_635 : memref<1x128x64xf32, #tpu.memory_space<vmem>> -> memref<128x64xf32, #tpu.memory_space<vmem>>
      %dma_start3A_637 = arith.constant 0 : i32
      %dma_start3A_638 = tpu.memref_slice %arg8[%dma_start3A_632, %dma_start3A_637] : memref<16x128xi32, #tpu.memory_space<vmem>> -> memref<1x128xi32, #tpu.memory_space<vmem>>
      %dma_start3A_639 = tpu.memref_squeeze %dma_start3A_638 : memref<1x128xi32, #tpu.memory_space<vmem>> -> memref<128xi32, #tpu.memory_space<vmem>>
      %dma_start3A_640 = arith.constant 0 : i32
      %dma_start3A_641 = arith.constant 0 : i32
      %dma_start3A_642 = tpu.memref_slice %arg11[%dma_start3A_640, %dma_start3A_641] : memref<10112x64xf32, #tpu.memory_space<vmem_shared>> -> memref<10112x64xf32, #tpu.memory_space<vmem_shared>>
      tpu.enqueue_indirect_dma source(%dma_start3A_636 : memref<128x64xf32, #tpu.memory_space<vmem>>) target(%dma_start3A_642 : memref<10112x64xf32, #tpu.memory_space<vmem_shared>>) offsets(%dma_start3A_639 : memref<128xi32, #tpu.memory_space<vmem>>) semaphore(%arg14 : memref<!tpu.dma_semaphore, #tpu.memory_space<semaphore_mem>>) {add = true}
      %dma_wait3A_643 = arith.constant 0 : i32
      %dma_wait3A_644 = arith.constant 10 : i32
      %dma_wait3A_645 = arith.constant 0 : i32
      %dma_wait3A_646 = arith.constant 0 : i32
      %dma_wait3A_647 = tpu.memref_slice %arg9[%dma_wait3A_643, %dma_wait3A_645, %dma_wait3A_646] : memref<2x128x64xf32, #tpu.memory_space<vmem>> -> memref<1x128x64xf32, #tpu.memory_space<vmem>>
      %dma_wait3A_648 = tpu.memref_squeeze %dma_wait3A_647 : memref<1x128x64xf32, #tpu.memory_space<vmem>> -> memref<128x64xf32, #tpu.memory_space<vmem>>
      %dma_wait3A_649 = arith.constant 0 : i32
      %dma_wait3A_650 = tpu.memref_slice %arg8[%dma_wait3A_644, %dma_wait3A_649] : memref<16x128xi32, #tpu.memory_space<vmem>> -> memref<1x128xi32, #tpu.memory_space<vmem>>
      %dma_wait3A_651 = tpu.memref_squeeze %dma_wait3A_650 : memref<1x128xi32, #tpu.memory_space<vmem>> -> memref<128xi32, #tpu.memory_space<vmem>>
      %dma_wait3A_652 = arith.constant 0 : i32
      %dma_wait3A_653 = arith.constant 0 : i32
      %dma_wait3A_654 = tpu.memref_slice %arg11[%dma_wait3A_652, %dma_wait3A_653] : memref<10112x64xf32, #tpu.memory_space<vmem_shared>> -> memref<10112x64xf32, #tpu.memory_space<vmem_shared>>
      tpu.wait_indirect_dma semaphore(%arg14 : memref<!tpu.dma_semaphore, #tpu.memory_space<semaphore_mem>>) src(%dma_wait3A_648 : memref<128x64xf32, #tpu.memory_space<vmem>>) dst(%dma_wait3A_654 : memref<10112x64xf32, #tpu.memory_space<vmem_shared>>)
      %mul3A_655 = arith.constant 16 : i32
      %mul3A_656 = arith.muli %scan3A_92, %mul3A_655 : i32
      %add3A_657 = arith.constant 11 : i32
      %add3A_658 = arith.addi %mul3A_656, %add3A_657 : i32
      %dma_start3A_659 = arith.constant 0 : i32
      %dma_start3A_660 = arith.constant 0 : i32
      %dma_start3A_661 = arith.constant 0 : i32
      %dma_start3A_662 = tpu.memref_slice %arg9[%dma_start3A_659, %dma_start3A_660, %dma_start3A_661] : memref<2x128x64xf32, #tpu.memory_space<vmem>> -> memref<1x128x64xf32, #tpu.memory_space<vmem>>
      %dma_start3A_663 = tpu.memref_squeeze %dma_start3A_662 : memref<1x128x64xf32, #tpu.memory_space<vmem>> -> memref<128x64xf32, #tpu.memory_space<vmem>>
      %dma_start3A_664 = arith.constant 0 : i32
      %dma_start3A_665 = tpu.memref_slice %arg7[%add3A_658, %dma_start3A_664] : memref<80x128xi32, #tpu.memory_space<vmem>> -> memref<1x128xi32, #tpu.memory_space<vmem>>
      %dma_start3A_666 = tpu.memref_squeeze %dma_start3A_665 : memref<1x128xi32, #tpu.memory_space<vmem>> -> memref<128xi32, #tpu.memory_space<vmem>>
      %dma_start3A_667 = arith.constant 0 : i32
      %dma_start3A_668 = arith.constant 0 : i32
      %dma_start3A_669 = tpu.memref_slice %arg10[%dma_start3A_667, %dma_start3A_668] : memref<10112x64xf32, #tpu.memory_space<vmem_shared>> -> memref<10112x64xf32, #tpu.memory_space<vmem_shared>>
      tpu.enqueue_indirect_dma source(%dma_start3A_669 : memref<10112x64xf32, #tpu.memory_space<vmem_shared>>) target(%dma_start3A_663 : memref<128x64xf32, #tpu.memory_space<vmem>>) offsets(%dma_start3A_666 : memref<128xi32, #tpu.memory_space<vmem>>) semaphore(%arg12 : memref<!tpu.dma_semaphore, #tpu.memory_space<semaphore_mem>>)
      %dma_wait3A_670 = arith.constant 0 : i32
      %dma_wait3A_671 = arith.constant 0 : i32
      %dma_wait3A_672 = arith.constant 0 : i32
      %dma_wait3A_673 = tpu.memref_slice %arg9[%dma_wait3A_670, %dma_wait3A_671, %dma_wait3A_672] : memref<2x128x64xf32, #tpu.memory_space<vmem>> -> memref<1x128x64xf32, #tpu.memory_space<vmem>>
      %dma_wait3A_674 = tpu.memref_squeeze %dma_wait3A_673 : memref<1x128x64xf32, #tpu.memory_space<vmem>> -> memref<128x64xf32, #tpu.memory_space<vmem>>
      %dma_wait3A_675 = arith.constant 0 : i32
      %dma_wait3A_676 = tpu.memref_slice %arg7[%add3A_658, %dma_wait3A_675] : memref<80x128xi32, #tpu.memory_space<vmem>> -> memref<1x128xi32, #tpu.memory_space<vmem>>
      %dma_wait3A_677 = tpu.memref_squeeze %dma_wait3A_676 : memref<1x128xi32, #tpu.memory_space<vmem>> -> memref<128xi32, #tpu.memory_space<vmem>>
      %dma_wait3A_678 = arith.constant 0 : i32
      %dma_wait3A_679 = arith.constant 0 : i32
      %dma_wait3A_680 = tpu.memref_slice %arg10[%dma_wait3A_678, %dma_wait3A_679] : memref<10112x64xf32, #tpu.memory_space<vmem_shared>> -> memref<10112x64xf32, #tpu.memory_space<vmem_shared>>
      tpu.wait_indirect_dma semaphore(%arg12 : memref<!tpu.dma_semaphore, #tpu.memory_space<semaphore_mem>>) src(%dma_wait3A_680 : memref<10112x64xf32, #tpu.memory_space<vmem_shared>>) dst(%dma_wait3A_674 : memref<128x64xf32, #tpu.memory_space<vmem>>)
      %dma_start3A_681 = arith.constant 0 : i32
      %dma_start3A_682 = arith.constant 11 : i32
      %dma_start3A_683 = arith.constant 0 : i32
      %dma_start3A_684 = arith.constant 0 : i32
      %dma_start3A_685 = tpu.memref_slice %arg9[%dma_start3A_681, %dma_start3A_683, %dma_start3A_684] : memref<2x128x64xf32, #tpu.memory_space<vmem>> -> memref<1x128x64xf32, #tpu.memory_space<vmem>>
      %dma_start3A_686 = tpu.memref_squeeze %dma_start3A_685 : memref<1x128x64xf32, #tpu.memory_space<vmem>> -> memref<128x64xf32, #tpu.memory_space<vmem>>
      %dma_start3A_687 = arith.constant 0 : i32
      %dma_start3A_688 = tpu.memref_slice %arg8[%dma_start3A_682, %dma_start3A_687] : memref<16x128xi32, #tpu.memory_space<vmem>> -> memref<1x128xi32, #tpu.memory_space<vmem>>
      %dma_start3A_689 = tpu.memref_squeeze %dma_start3A_688 : memref<1x128xi32, #tpu.memory_space<vmem>> -> memref<128xi32, #tpu.memory_space<vmem>>
      %dma_start3A_690 = arith.constant 0 : i32
      %dma_start3A_691 = arith.constant 0 : i32
      %dma_start3A_692 = tpu.memref_slice %arg11[%dma_start3A_690, %dma_start3A_691] : memref<10112x64xf32, #tpu.memory_space<vmem_shared>> -> memref<10112x64xf32, #tpu.memory_space<vmem_shared>>
      tpu.enqueue_indirect_dma source(%dma_start3A_686 : memref<128x64xf32, #tpu.memory_space<vmem>>) target(%dma_start3A_692 : memref<10112x64xf32, #tpu.memory_space<vmem_shared>>) offsets(%dma_start3A_689 : memref<128xi32, #tpu.memory_space<vmem>>) semaphore(%arg14 : memref<!tpu.dma_semaphore, #tpu.memory_space<semaphore_mem>>) {add = true}
      %dma_wait3A_693 = arith.constant 0 : i32
      %dma_wait3A_694 = arith.constant 11 : i32
      %dma_wait3A_695 = arith.constant 0 : i32
      %dma_wait3A_696 = arith.constant 0 : i32
      %dma_wait3A_697 = tpu.memref_slice %arg9[%dma_wait3A_693, %dma_wait3A_695, %dma_wait3A_696] : memref<2x128x64xf32, #tpu.memory_space<vmem>> -> memref<1x128x64xf32, #tpu.memory_space<vmem>>
      %dma_wait3A_698 = tpu.memref_squeeze %dma_wait3A_697 : memref<1x128x64xf32, #tpu.memory_space<vmem>> -> memref<128x64xf32, #tpu.memory_space<vmem>>
      %dma_wait3A_699 = arith.constant 0 : i32
      %dma_wait3A_700 = tpu.memref_slice %arg8[%dma_wait3A_694, %dma_wait3A_699] : memref<16x128xi32, #tpu.memory_space<vmem>> -> memref<1x128xi32, #tpu.memory_space<vmem>>
      %dma_wait3A_701 = tpu.memref_squeeze %dma_wait3A_700 : memref<1x128xi32, #tpu.memory_space<vmem>> -> memref<128xi32, #tpu.memory_space<vmem>>
      %dma_wait3A_702 = arith.constant 0 : i32
      %dma_wait3A_703 = arith.constant 0 : i32
      %dma_wait3A_704 = tpu.memref_slice %arg11[%dma_wait3A_702, %dma_wait3A_703] : memref<10112x64xf32, #tpu.memory_space<vmem_shared>> -> memref<10112x64xf32, #tpu.memory_space<vmem_shared>>
      tpu.wait_indirect_dma semaphore(%arg14 : memref<!tpu.dma_semaphore, #tpu.memory_space<semaphore_mem>>) src(%dma_wait3A_698 : memref<128x64xf32, #tpu.memory_space<vmem>>) dst(%dma_wait3A_704 : memref<10112x64xf32, #tpu.memory_space<vmem_shared>>)
      %mul3A_705 = arith.constant 16 : i32
      %mul3A_706 = arith.muli %scan3A_92, %mul3A_705 : i32
      %add3A_707 = arith.constant 12 : i32
      %add3A_708 = arith.addi %mul3A_706, %add3A_707 : i32
      %dma_start3A_709 = arith.constant 0 : i32
      %dma_start3A_710 = arith.constant 0 : i32
      %dma_start3A_711 = arith.constant 0 : i32
      %dma_start3A_712 = tpu.memref_slice %arg9[%dma_start3A_709, %dma_start3A_710, %dma_start3A_711] : memref<2x128x64xf32, #tpu.memory_space<vmem>> -> memref<1x128x64xf32, #tpu.memory_space<vmem>>
      %dma_start3A_713 = tpu.memref_squeeze %dma_start3A_712 : memref<1x128x64xf32, #tpu.memory_space<vmem>> -> memref<128x64xf32, #tpu.memory_space<vmem>>
      %dma_start3A_714 = arith.constant 0 : i32
      %dma_start3A_715 = tpu.memref_slice %arg7[%add3A_708, %dma_start3A_714] : memref<80x128xi32, #tpu.memory_space<vmem>> -> memref<1x128xi32, #tpu.memory_space<vmem>>
      %dma_start3A_716 = tpu.memref_squeeze %dma_start3A_715 : memref<1x128xi32, #tpu.memory_space<vmem>> -> memref<128xi32, #tpu.memory_space<vmem>>
      %dma_start3A_717 = arith.constant 0 : i32
      %dma_start3A_718 = arith.constant 0 : i32
      %dma_start3A_719 = tpu.memref_slice %arg10[%dma_start3A_717, %dma_start3A_718] : memref<10112x64xf32, #tpu.memory_space<vmem_shared>> -> memref<10112x64xf32, #tpu.memory_space<vmem_shared>>
      tpu.enqueue_indirect_dma source(%dma_start3A_719 : memref<10112x64xf32, #tpu.memory_space<vmem_shared>>) target(%dma_start3A_713 : memref<128x64xf32, #tpu.memory_space<vmem>>) offsets(%dma_start3A_716 : memref<128xi32, #tpu.memory_space<vmem>>) semaphore(%arg12 : memref<!tpu.dma_semaphore, #tpu.memory_space<semaphore_mem>>)
      %dma_wait3A_720 = arith.constant 0 : i32
      %dma_wait3A_721 = arith.constant 0 : i32
      %dma_wait3A_722 = arith.constant 0 : i32
      %dma_wait3A_723 = tpu.memref_slice %arg9[%dma_wait3A_720, %dma_wait3A_721, %dma_wait3A_722] : memref<2x128x64xf32, #tpu.memory_space<vmem>> -> memref<1x128x64xf32, #tpu.memory_space<vmem>>
      %dma_wait3A_724 = tpu.memref_squeeze %dma_wait3A_723 : memref<1x128x64xf32, #tpu.memory_space<vmem>> -> memref<128x64xf32, #tpu.memory_space<vmem>>
      %dma_wait3A_725 = arith.constant 0 : i32
      %dma_wait3A_726 = tpu.memref_slice %arg7[%add3A_708, %dma_wait3A_725] : memref<80x128xi32, #tpu.memory_space<vmem>> -> memref<1x128xi32, #tpu.memory_space<vmem>>
      %dma_wait3A_727 = tpu.memref_squeeze %dma_wait3A_726 : memref<1x128xi32, #tpu.memory_space<vmem>> -> memref<128xi32, #tpu.memory_space<vmem>>
      %dma_wait3A_728 = arith.constant 0 : i32
      %dma_wait3A_729 = arith.constant 0 : i32
      %dma_wait3A_730 = tpu.memref_slice %arg10[%dma_wait3A_728, %dma_wait3A_729] : memref<10112x64xf32, #tpu.memory_space<vmem_shared>> -> memref<10112x64xf32, #tpu.memory_space<vmem_shared>>
      tpu.wait_indirect_dma semaphore(%arg12 : memref<!tpu.dma_semaphore, #tpu.memory_space<semaphore_mem>>) src(%dma_wait3A_730 : memref<10112x64xf32, #tpu.memory_space<vmem_shared>>) dst(%dma_wait3A_724 : memref<128x64xf32, #tpu.memory_space<vmem>>)
      %dma_start3A_731 = arith.constant 0 : i32
      %dma_start3A_732 = arith.constant 12 : i32
      %dma_start3A_733 = arith.constant 0 : i32
      %dma_start3A_734 = arith.constant 0 : i32
      %dma_start3A_735 = tpu.memref_slice %arg9[%dma_start3A_731, %dma_start3A_733, %dma_start3A_734] : memref<2x128x64xf32, #tpu.memory_space<vmem>> -> memref<1x128x64xf32, #tpu.memory_space<vmem>>
      %dma_start3A_736 = tpu.memref_squeeze %dma_start3A_735 : memref<1x128x64xf32, #tpu.memory_space<vmem>> -> memref<128x64xf32, #tpu.memory_space<vmem>>
      %dma_start3A_737 = arith.constant 0 : i32
      %dma_start3A_738 = tpu.memref_slice %arg8[%dma_start3A_732, %dma_start3A_737] : memref<16x128xi32, #tpu.memory_space<vmem>> -> memref<1x128xi32, #tpu.memory_space<vmem>>
      %dma_start3A_739 = tpu.memref_squeeze %dma_start3A_738 : memref<1x128xi32, #tpu.memory_space<vmem>> -> memref<128xi32, #tpu.memory_space<vmem>>
      %dma_start3A_740 = arith.constant 0 : i32
      %dma_start3A_741 = arith.constant 0 : i32
      %dma_start3A_742 = tpu.memref_slice %arg11[%dma_start3A_740, %dma_start3A_741] : memref<10112x64xf32, #tpu.memory_space<vmem_shared>> -> memref<10112x64xf32, #tpu.memory_space<vmem_shared>>
      tpu.enqueue_indirect_dma source(%dma_start3A_736 : memref<128x64xf32, #tpu.memory_space<vmem>>) target(%dma_start3A_742 : memref<10112x64xf32, #tpu.memory_space<vmem_shared>>) offsets(%dma_start3A_739 : memref<128xi32, #tpu.memory_space<vmem>>) semaphore(%arg14 : memref<!tpu.dma_semaphore, #tpu.memory_space<semaphore_mem>>) {add = true}
      %dma_wait3A_743 = arith.constant 0 : i32
      %dma_wait3A_744 = arith.constant 12 : i32
      %dma_wait3A_745 = arith.constant 0 : i32
      %dma_wait3A_746 = arith.constant 0 : i32
      %dma_wait3A_747 = tpu.memref_slice %arg9[%dma_wait3A_743, %dma_wait3A_745, %dma_wait3A_746] : memref<2x128x64xf32, #tpu.memory_space<vmem>> -> memref<1x128x64xf32, #tpu.memory_space<vmem>>
      %dma_wait3A_748 = tpu.memref_squeeze %dma_wait3A_747 : memref<1x128x64xf32, #tpu.memory_space<vmem>> -> memref<128x64xf32, #tpu.memory_space<vmem>>
      %dma_wait3A_749 = arith.constant 0 : i32
      %dma_wait3A_750 = tpu.memref_slice %arg8[%dma_wait3A_744, %dma_wait3A_749] : memref<16x128xi32, #tpu.memory_space<vmem>> -> memref<1x128xi32, #tpu.memory_space<vmem>>
      %dma_wait3A_751 = tpu.memref_squeeze %dma_wait3A_750 : memref<1x128xi32, #tpu.memory_space<vmem>> -> memref<128xi32, #tpu.memory_space<vmem>>
      %dma_wait3A_752 = arith.constant 0 : i32
      %dma_wait3A_753 = arith.constant 0 : i32
      %dma_wait3A_754 = tpu.memref_slice %arg11[%dma_wait3A_752, %dma_wait3A_753] : memref<10112x64xf32, #tpu.memory_space<vmem_shared>> -> memref<10112x64xf32, #tpu.memory_space<vmem_shared>>
      tpu.wait_indirect_dma semaphore(%arg14 : memref<!tpu.dma_semaphore, #tpu.memory_space<semaphore_mem>>) src(%dma_wait3A_748 : memref<128x64xf32, #tpu.memory_space<vmem>>) dst(%dma_wait3A_754 : memref<10112x64xf32, #tpu.memory_space<vmem_shared>>)
      %mul3A_755 = arith.constant 16 : i32
      %mul3A_756 = arith.muli %scan3A_92, %mul3A_755 : i32
      %add3A_757 = arith.constant 13 : i32
      %add3A_758 = arith.addi %mul3A_756, %add3A_757 : i32
      %dma_start3A_759 = arith.constant 0 : i32
      %dma_start3A_760 = arith.constant 0 : i32
      %dma_start3A_761 = arith.constant 0 : i32
      %dma_start3A_762 = tpu.memref_slice %arg9[%dma_start3A_759, %dma_start3A_760, %dma_start3A_761] : memref<2x128x64xf32, #tpu.memory_space<vmem>> -> memref<1x128x64xf32, #tpu.memory_space<vmem>>
      %dma_start3A_763 = tpu.memref_squeeze %dma_start3A_762 : memref<1x128x64xf32, #tpu.memory_space<vmem>> -> memref<128x64xf32, #tpu.memory_space<vmem>>
      %dma_start3A_764 = arith.constant 0 : i32
      %dma_start3A_765 = tpu.memref_slice %arg7[%add3A_758, %dma_start3A_764] : memref<80x128xi32, #tpu.memory_space<vmem>> -> memref<1x128xi32, #tpu.memory_space<vmem>>
      %dma_start3A_766 = tpu.memref_squeeze %dma_start3A_765 : memref<1x128xi32, #tpu.memory_space<vmem>> -> memref<128xi32, #tpu.memory_space<vmem>>
      %dma_start3A_767 = arith.constant 0 : i32
      %dma_start3A_768 = arith.constant 0 : i32
      %dma_start3A_769 = tpu.memref_slice %arg10[%dma_start3A_767, %dma_start3A_768] : memref<10112x64xf32, #tpu.memory_space<vmem_shared>> -> memref<10112x64xf32, #tpu.memory_space<vmem_shared>>
      tpu.enqueue_indirect_dma source(%dma_start3A_769 : memref<10112x64xf32, #tpu.memory_space<vmem_shared>>) target(%dma_start3A_763 : memref<128x64xf32, #tpu.memory_space<vmem>>) offsets(%dma_start3A_766 : memref<128xi32, #tpu.memory_space<vmem>>) semaphore(%arg12 : memref<!tpu.dma_semaphore, #tpu.memory_space<semaphore_mem>>)
      %dma_wait3A_770 = arith.constant 0 : i32
      %dma_wait3A_771 = arith.constant 0 : i32
      %dma_wait3A_772 = arith.constant 0 : i32
      %dma_wait3A_773 = tpu.memref_slice %arg9[%dma_wait3A_770, %dma_wait3A_771, %dma_wait3A_772] : memref<2x128x64xf32, #tpu.memory_space<vmem>> -> memref<1x128x64xf32, #tpu.memory_space<vmem>>
      %dma_wait3A_774 = tpu.memref_squeeze %dma_wait3A_773 : memref<1x128x64xf32, #tpu.memory_space<vmem>> -> memref<128x64xf32, #tpu.memory_space<vmem>>
      %dma_wait3A_775 = arith.constant 0 : i32
      %dma_wait3A_776 = tpu.memref_slice %arg7[%add3A_758, %dma_wait3A_775] : memref<80x128xi32, #tpu.memory_space<vmem>> -> memref<1x128xi32, #tpu.memory_space<vmem>>
      %dma_wait3A_777 = tpu.memref_squeeze %dma_wait3A_776 : memref<1x128xi32, #tpu.memory_space<vmem>> -> memref<128xi32, #tpu.memory_space<vmem>>
      %dma_wait3A_778 = arith.constant 0 : i32
      %dma_wait3A_779 = arith.constant 0 : i32
      %dma_wait3A_780 = tpu.memref_slice %arg10[%dma_wait3A_778, %dma_wait3A_779] : memref<10112x64xf32, #tpu.memory_space<vmem_shared>> -> memref<10112x64xf32, #tpu.memory_space<vmem_shared>>
      tpu.wait_indirect_dma semaphore(%arg12 : memref<!tpu.dma_semaphore, #tpu.memory_space<semaphore_mem>>) src(%dma_wait3A_780 : memref<10112x64xf32, #tpu.memory_space<vmem_shared>>) dst(%dma_wait3A_774 : memref<128x64xf32, #tpu.memory_space<vmem>>)
      %dma_start3A_781 = arith.constant 0 : i32
      %dma_start3A_782 = arith.constant 13 : i32
      %dma_start3A_783 = arith.constant 0 : i32
      %dma_start3A_784 = arith.constant 0 : i32
      %dma_start3A_785 = tpu.memref_slice %arg9[%dma_start3A_781, %dma_start3A_783, %dma_start3A_784] : memref<2x128x64xf32, #tpu.memory_space<vmem>> -> memref<1x128x64xf32, #tpu.memory_space<vmem>>
      %dma_start3A_786 = tpu.memref_squeeze %dma_start3A_785 : memref<1x128x64xf32, #tpu.memory_space<vmem>> -> memref<128x64xf32, #tpu.memory_space<vmem>>
      %dma_start3A_787 = arith.constant 0 : i32
      %dma_start3A_788 = tpu.memref_slice %arg8[%dma_start3A_782, %dma_start3A_787] : memref<16x128xi32, #tpu.memory_space<vmem>> -> memref<1x128xi32, #tpu.memory_space<vmem>>
      %dma_start3A_789 = tpu.memref_squeeze %dma_start3A_788 : memref<1x128xi32, #tpu.memory_space<vmem>> -> memref<128xi32, #tpu.memory_space<vmem>>
      %dma_start3A_790 = arith.constant 0 : i32
      %dma_start3A_791 = arith.constant 0 : i32
      %dma_start3A_792 = tpu.memref_slice %arg11[%dma_start3A_790, %dma_start3A_791] : memref<10112x64xf32, #tpu.memory_space<vmem_shared>> -> memref<10112x64xf32, #tpu.memory_space<vmem_shared>>
      tpu.enqueue_indirect_dma source(%dma_start3A_786 : memref<128x64xf32, #tpu.memory_space<vmem>>) target(%dma_start3A_792 : memref<10112x64xf32, #tpu.memory_space<vmem_shared>>) offsets(%dma_start3A_789 : memref<128xi32, #tpu.memory_space<vmem>>) semaphore(%arg14 : memref<!tpu.dma_semaphore, #tpu.memory_space<semaphore_mem>>) {add = true}
      %dma_wait3A_793 = arith.constant 0 : i32
      %dma_wait3A_794 = arith.constant 13 : i32
      %dma_wait3A_795 = arith.constant 0 : i32
      %dma_wait3A_796 = arith.constant 0 : i32
      %dma_wait3A_797 = tpu.memref_slice %arg9[%dma_wait3A_793, %dma_wait3A_795, %dma_wait3A_796] : memref<2x128x64xf32, #tpu.memory_space<vmem>> -> memref<1x128x64xf32, #tpu.memory_space<vmem>>
      %dma_wait3A_798 = tpu.memref_squeeze %dma_wait3A_797 : memref<1x128x64xf32, #tpu.memory_space<vmem>> -> memref<128x64xf32, #tpu.memory_space<vmem>>
      %dma_wait3A_799 = arith.constant 0 : i32
      %dma_wait3A_800 = tpu.memref_slice %arg8[%dma_wait3A_794, %dma_wait3A_799] : memref<16x128xi32, #tpu.memory_space<vmem>> -> memref<1x128xi32, #tpu.memory_space<vmem>>
      %dma_wait3A_801 = tpu.memref_squeeze %dma_wait3A_800 : memref<1x128xi32, #tpu.memory_space<vmem>> -> memref<128xi32, #tpu.memory_space<vmem>>
      %dma_wait3A_802 = arith.constant 0 : i32
      %dma_wait3A_803 = arith.constant 0 : i32
      %dma_wait3A_804 = tpu.memref_slice %arg11[%dma_wait3A_802, %dma_wait3A_803] : memref<10112x64xf32, #tpu.memory_space<vmem_shared>> -> memref<10112x64xf32, #tpu.memory_space<vmem_shared>>
      tpu.wait_indirect_dma semaphore(%arg14 : memref<!tpu.dma_semaphore, #tpu.memory_space<semaphore_mem>>) src(%dma_wait3A_798 : memref<128x64xf32, #tpu.memory_space<vmem>>) dst(%dma_wait3A_804 : memref<10112x64xf32, #tpu.memory_space<vmem_shared>>)
      %mul3A_805 = arith.constant 16 : i32
      %mul3A_806 = arith.muli %scan3A_92, %mul3A_805 : i32
      %add3A_807 = arith.constant 14 : i32
      %add3A_808 = arith.addi %mul3A_806, %add3A_807 : i32
      %dma_start3A_809 = arith.constant 0 : i32
      %dma_start3A_810 = arith.constant 0 : i32
      %dma_start3A_811 = arith.constant 0 : i32
      %dma_start3A_812 = tpu.memref_slice %arg9[%dma_start3A_809, %dma_start3A_810, %dma_start3A_811] : memref<2x128x64xf32, #tpu.memory_space<vmem>> -> memref<1x128x64xf32, #tpu.memory_space<vmem>>
      %dma_start3A_813 = tpu.memref_squeeze %dma_start3A_812 : memref<1x128x64xf32, #tpu.memory_space<vmem>> -> memref<128x64xf32, #tpu.memory_space<vmem>>
      %dma_start3A_814 = arith.constant 0 : i32
      %dma_start3A_815 = tpu.memref_slice %arg7[%add3A_808, %dma_start3A_814] : memref<80x128xi32, #tpu.memory_space<vmem>> -> memref<1x128xi32, #tpu.memory_space<vmem>>
      %dma_start3A_816 = tpu.memref_squeeze %dma_start3A_815 : memref<1x128xi32, #tpu.memory_space<vmem>> -> memref<128xi32, #tpu.memory_space<vmem>>
      %dma_start3A_817 = arith.constant 0 : i32
      %dma_start3A_818 = arith.constant 0 : i32
      %dma_start3A_819 = tpu.memref_slice %arg10[%dma_start3A_817, %dma_start3A_818] : memref<10112x64xf32, #tpu.memory_space<vmem_shared>> -> memref<10112x64xf32, #tpu.memory_space<vmem_shared>>
      tpu.enqueue_indirect_dma source(%dma_start3A_819 : memref<10112x64xf32, #tpu.memory_space<vmem_shared>>) target(%dma_start3A_813 : memref<128x64xf32, #tpu.memory_space<vmem>>) offsets(%dma_start3A_816 : memref<128xi32, #tpu.memory_space<vmem>>) semaphore(%arg12 : memref<!tpu.dma_semaphore, #tpu.memory_space<semaphore_mem>>)
      %dma_wait3A_820 = arith.constant 0 : i32
      %dma_wait3A_821 = arith.constant 0 : i32
      %dma_wait3A_822 = arith.constant 0 : i32
      %dma_wait3A_823 = tpu.memref_slice %arg9[%dma_wait3A_820, %dma_wait3A_821, %dma_wait3A_822] : memref<2x128x64xf32, #tpu.memory_space<vmem>> -> memref<1x128x64xf32, #tpu.memory_space<vmem>>
      %dma_wait3A_824 = tpu.memref_squeeze %dma_wait3A_823 : memref<1x128x64xf32, #tpu.memory_space<vmem>> -> memref<128x64xf32, #tpu.memory_space<vmem>>
      %dma_wait3A_825 = arith.constant 0 : i32
      %dma_wait3A_826 = tpu.memref_slice %arg7[%add3A_808, %dma_wait3A_825] : memref<80x128xi32, #tpu.memory_space<vmem>> -> memref<1x128xi32, #tpu.memory_space<vmem>>
      %dma_wait3A_827 = tpu.memref_squeeze %dma_wait3A_826 : memref<1x128xi32, #tpu.memory_space<vmem>> -> memref<128xi32, #tpu.memory_space<vmem>>
      %dma_wait3A_828 = arith.constant 0 : i32
      %dma_wait3A_829 = arith.constant 0 : i32
      %dma_wait3A_830 = tpu.memref_slice %arg10[%dma_wait3A_828, %dma_wait3A_829] : memref<10112x64xf32, #tpu.memory_space<vmem_shared>> -> memref<10112x64xf32, #tpu.memory_space<vmem_shared>>
      tpu.wait_indirect_dma semaphore(%arg12 : memref<!tpu.dma_semaphore, #tpu.memory_space<semaphore_mem>>) src(%dma_wait3A_830 : memref<10112x64xf32, #tpu.memory_space<vmem_shared>>) dst(%dma_wait3A_824 : memref<128x64xf32, #tpu.memory_space<vmem>>)
      %dma_start3A_831 = arith.constant 0 : i32
      %dma_start3A_832 = arith.constant 14 : i32
      %dma_start3A_833 = arith.constant 0 : i32
      %dma_start3A_834 = arith.constant 0 : i32
      %dma_start3A_835 = tpu.memref_slice %arg9[%dma_start3A_831, %dma_start3A_833, %dma_start3A_834] : memref<2x128x64xf32, #tpu.memory_space<vmem>> -> memref<1x128x64xf32, #tpu.memory_space<vmem>>
      %dma_start3A_836 = tpu.memref_squeeze %dma_start3A_835 : memref<1x128x64xf32, #tpu.memory_space<vmem>> -> memref<128x64xf32, #tpu.memory_space<vmem>>
      %dma_start3A_837 = arith.constant 0 : i32
      %dma_start3A_838 = tpu.memref_slice %arg8[%dma_start3A_832, %dma_start3A_837] : memref<16x128xi32, #tpu.memory_space<vmem>> -> memref<1x128xi32, #tpu.memory_space<vmem>>
      %dma_start3A_839 = tpu.memref_squeeze %dma_start3A_838 : memref<1x128xi32, #tpu.memory_space<vmem>> -> memref<128xi32, #tpu.memory_space<vmem>>
      %dma_start3A_840 = arith.constant 0 : i32
      %dma_start3A_841 = arith.constant 0 : i32
      %dma_start3A_842 = tpu.memref_slice %arg11[%dma_start3A_840, %dma_start3A_841] : memref<10112x64xf32, #tpu.memory_space<vmem_shared>> -> memref<10112x64xf32, #tpu.memory_space<vmem_shared>>
      tpu.enqueue_indirect_dma source(%dma_start3A_836 : memref<128x64xf32, #tpu.memory_space<vmem>>) target(%dma_start3A_842 : memref<10112x64xf32, #tpu.memory_space<vmem_shared>>) offsets(%dma_start3A_839 : memref<128xi32, #tpu.memory_space<vmem>>) semaphore(%arg14 : memref<!tpu.dma_semaphore, #tpu.memory_space<semaphore_mem>>) {add = true}
      %dma_wait3A_843 = arith.constant 0 : i32
      %dma_wait3A_844 = arith.constant 14 : i32
      %dma_wait3A_845 = arith.constant 0 : i32
      %dma_wait3A_846 = arith.constant 0 : i32
      %dma_wait3A_847 = tpu.memref_slice %arg9[%dma_wait3A_843, %dma_wait3A_845, %dma_wait3A_846] : memref<2x128x64xf32, #tpu.memory_space<vmem>> -> memref<1x128x64xf32, #tpu.memory_space<vmem>>
      %dma_wait3A_848 = tpu.memref_squeeze %dma_wait3A_847 : memref<1x128x64xf32, #tpu.memory_space<vmem>> -> memref<128x64xf32, #tpu.memory_space<vmem>>
      %dma_wait3A_849 = arith.constant 0 : i32
      %dma_wait3A_850 = tpu.memref_slice %arg8[%dma_wait3A_844, %dma_wait3A_849] : memref<16x128xi32, #tpu.memory_space<vmem>> -> memref<1x128xi32, #tpu.memory_space<vmem>>
      %dma_wait3A_851 = tpu.memref_squeeze %dma_wait3A_850 : memref<1x128xi32, #tpu.memory_space<vmem>> -> memref<128xi32, #tpu.memory_space<vmem>>
      %dma_wait3A_852 = arith.constant 0 : i32
      %dma_wait3A_853 = arith.constant 0 : i32
      %dma_wait3A_854 = tpu.memref_slice %arg11[%dma_wait3A_852, %dma_wait3A_853] : memref<10112x64xf32, #tpu.memory_space<vmem_shared>> -> memref<10112x64xf32, #tpu.memory_space<vmem_shared>>
      tpu.wait_indirect_dma semaphore(%arg14 : memref<!tpu.dma_semaphore, #tpu.memory_space<semaphore_mem>>) src(%dma_wait3A_848 : memref<128x64xf32, #tpu.memory_space<vmem>>) dst(%dma_wait3A_854 : memref<10112x64xf32, #tpu.memory_space<vmem_shared>>)
      %mul3A_855 = arith.constant 16 : i32
      %mul3A_856 = arith.muli %scan3A_92, %mul3A_855 : i32
      %add3A_857 = arith.constant 15 : i32
      %add3A_858 = arith.addi %mul3A_856, %add3A_857 : i32
      %dma_start3A_859 = arith.constant 0 : i32
      %dma_start3A_860 = arith.constant 0 : i32
      %dma_start3A_861 = arith.constant 0 : i32
      %dma_start3A_862 = tpu.memref_slice %arg9[%dma_start3A_859, %dma_start3A_860, %dma_start3A_861] : memref<2x128x64xf32, #tpu.memory_space<vmem>> -> memref<1x128x64xf32, #tpu.memory_space<vmem>>
      %dma_start3A_863 = tpu.memref_squeeze %dma_start3A_862 : memref<1x128x64xf32, #tpu.memory_space<vmem>> -> memref<128x64xf32, #tpu.memory_space<vmem>>
      %dma_start3A_864 = arith.constant 0 : i32
      %dma_start3A_865 = tpu.memref_slice %arg7[%add3A_858, %dma_start3A_864] : memref<80x128xi32, #tpu.memory_space<vmem>> -> memref<1x128xi32, #tpu.memory_space<vmem>>
      %dma_start3A_866 = tpu.memref_squeeze %dma_start3A_865 : memref<1x128xi32, #tpu.memory_space<vmem>> -> memref<128xi32, #tpu.memory_space<vmem>>
      %dma_start3A_867 = arith.constant 0 : i32
      %dma_start3A_868 = arith.constant 0 : i32
      %dma_start3A_869 = tpu.memref_slice %arg10[%dma_start3A_867, %dma_start3A_868] : memref<10112x64xf32, #tpu.memory_space<vmem_shared>> -> memref<10112x64xf32, #tpu.memory_space<vmem_shared>>
      tpu.enqueue_indirect_dma source(%dma_start3A_869 : memref<10112x64xf32, #tpu.memory_space<vmem_shared>>) target(%dma_start3A_863 : memref<128x64xf32, #tpu.memory_space<vmem>>) offsets(%dma_start3A_866 : memref<128xi32, #tpu.memory_space<vmem>>) semaphore(%arg12 : memref<!tpu.dma_semaphore, #tpu.memory_space<semaphore_mem>>)
      %dma_wait3A_870 = arith.constant 0 : i32
      %dma_wait3A_871 = arith.constant 0 : i32
      %dma_wait3A_872 = arith.constant 0 : i32
      %dma_wait3A_873 = tpu.memref_slice %arg9[%dma_wait3A_870, %dma_wait3A_871, %dma_wait3A_872] : memref<2x128x64xf32, #tpu.memory_space<vmem>> -> memref<1x128x64xf32, #tpu.memory_space<vmem>>
      %dma_wait3A_874 = tpu.memref_squeeze %dma_wait3A_873 : memref<1x128x64xf32, #tpu.memory_space<vmem>> -> memref<128x64xf32, #tpu.memory_space<vmem>>
      %dma_wait3A_875 = arith.constant 0 : i32
      %dma_wait3A_876 = tpu.memref_slice %arg7[%add3A_858, %dma_wait3A_875] : memref<80x128xi32, #tpu.memory_space<vmem>> -> memref<1x128xi32, #tpu.memory_space<vmem>>
      %dma_wait3A_877 = tpu.memref_squeeze %dma_wait3A_876 : memref<1x128xi32, #tpu.memory_space<vmem>> -> memref<128xi32, #tpu.memory_space<vmem>>
      %dma_wait3A_878 = arith.constant 0 : i32
      %dma_wait3A_879 = arith.constant 0 : i32
      %dma_wait3A_880 = tpu.memref_slice %arg10[%dma_wait3A_878, %dma_wait3A_879] : memref<10112x64xf32, #tpu.memory_space<vmem_shared>> -> memref<10112x64xf32, #tpu.memory_space<vmem_shared>>
      tpu.wait_indirect_dma semaphore(%arg12 : memref<!tpu.dma_semaphore, #tpu.memory_space<semaphore_mem>>) src(%dma_wait3A_880 : memref<10112x64xf32, #tpu.memory_space<vmem_shared>>) dst(%dma_wait3A_874 : memref<128x64xf32, #tpu.memory_space<vmem>>)
      %dma_start3A_881 = arith.constant 0 : i32
      %dma_start3A_882 = arith.constant 15 : i32
      %dma_start3A_883 = arith.constant 0 : i32
      %dma_start3A_884 = arith.constant 0 : i32
      %dma_start3A_885 = tpu.memref_slice %arg9[%dma_start3A_881, %dma_start3A_883, %dma_start3A_884] : memref<2x128x64xf32, #tpu.memory_space<vmem>> -> memref<1x128x64xf32, #tpu.memory_space<vmem>>
      %dma_start3A_886 = tpu.memref_squeeze %dma_start3A_885 : memref<1x128x64xf32, #tpu.memory_space<vmem>> -> memref<128x64xf32, #tpu.memory_space<vmem>>
      %dma_start3A_887 = arith.constant 0 : i32
      %dma_start3A_888 = tpu.memref_slice %arg8[%dma_start3A_882, %dma_start3A_887] : memref<16x128xi32, #tpu.memory_space<vmem>> -> memref<1x128xi32, #tpu.memory_space<vmem>>
      %dma_start3A_889 = tpu.memref_squeeze %dma_start3A_888 : memref<1x128xi32, #tpu.memory_space<vmem>> -> memref<128xi32, #tpu.memory_space<vmem>>
      %dma_start3A_890 = arith.constant 0 : i32
      %dma_start3A_891 = arith.constant 0 : i32
      %dma_start3A_892 = tpu.memref_slice %arg11[%dma_start3A_890, %dma_start3A_891] : memref<10112x64xf32, #tpu.memory_space<vmem_shared>> -> memref<10112x64xf32, #tpu.memory_space<vmem_shared>>
      tpu.enqueue_indirect_dma source(%dma_start3A_886 : memref<128x64xf32, #tpu.memory_space<vmem>>) target(%dma_start3A_892 : memref<10112x64xf32, #tpu.memory_space<vmem_shared>>) offsets(%dma_start3A_889 : memref<128xi32, #tpu.memory_space<vmem>>) semaphore(%arg14 : memref<!tpu.dma_semaphore, #tpu.memory_space<semaphore_mem>>) {add = true}
      %dma_wait3A_893 = arith.constant 0 : i32
      %dma_wait3A_894 = arith.constant 15 : i32
      %dma_wait3A_895 = arith.constant 0 : i32
      %dma_wait3A_896 = arith.constant 0 : i32
      %dma_wait3A_897 = tpu.memref_slice %arg9[%dma_wait3A_893, %dma_wait3A_895, %dma_wait3A_896] : memref<2x128x64xf32, #tpu.memory_space<vmem>> -> memref<1x128x64xf32, #tpu.memory_space<vmem>>
      %dma_wait3A_898 = tpu.memref_squeeze %dma_wait3A_897 : memref<1x128x64xf32, #tpu.memory_space<vmem>> -> memref<128x64xf32, #tpu.memory_space<vmem>>
      %dma_wait3A_899 = arith.constant 0 : i32
      %dma_wait3A_900 = tpu.memref_slice %arg8[%dma_wait3A_894, %dma_wait3A_899] : memref<16x128xi32, #tpu.memory_space<vmem>> -> memref<1x128xi32, #tpu.memory_space<vmem>>
      %dma_wait3A_901 = tpu.memref_squeeze %dma_wait3A_900 : memref<1x128xi32, #tpu.memory_space<vmem>> -> memref<128xi32, #tpu.memory_space<vmem>>
      %dma_wait3A_902 = arith.constant 0 : i32
      %dma_wait3A_903 = arith.constant 0 : i32
      %dma_wait3A_904 = tpu.memref_slice %arg11[%dma_wait3A_902, %dma_wait3A_903] : memref<10112x64xf32, #tpu.memory_space<vmem_shared>> -> memref<10112x64xf32, #tpu.memory_space<vmem_shared>>
      tpu.wait_indirect_dma semaphore(%arg14 : memref<!tpu.dma_semaphore, #tpu.memory_space<semaphore_mem>>) src(%dma_wait3A_898 : memref<128x64xf32, #tpu.memory_space<vmem>>) dst(%dma_wait3A_904 : memref<10112x64xf32, #tpu.memory_space<vmem_shared>>)
    }
    %scan3A_60 = arith.constant 5 : i32
    %barrier3A_61 = arith.constant 0 : index
    tpu.barrier barrier_id(%barrier3A_61)
    %mul3A_62 = arith.constant 632 : i32
    %mul3A_63 = arith.muli %arg1, %mul3A_62 : i32
    %add3A_64 = arith.constant 0 : i32
    %add3A_65 = arith.addi %mul3A_63, %add3A_64 : i32
    %run_scoped3A_66 = arith.constant 0 : i32
    "tpu.region"() ({
      %run_scoped3A_92 = tpu.sem_alloc : memref<!tpu.dma_semaphore, #tpu.memory_space<semaphore_mem>>
      %dma_start3A = arith.constant 0 : i32
      %dma_start3A_93 = arith.constant 0 : i32
      %dma_start3A_94 = tpu.memref_slice %arg9[%run_scoped3A_66, %dma_start3A, %dma_start3A_93] : memref<2x128x64xf32, #tpu.memory_space<vmem>> -> memref<1x128x64xf32, #tpu.memory_space<vmem>>
      %dma_start3A_95 = tpu.memref_squeeze %dma_start3A_94 : memref<1x128x64xf32, #tpu.memory_space<vmem>> -> memref<128x64xf32, #tpu.memory_space<vmem>>
      %dma_start3A_96 = arith.constant 0 : i32
      %dma_start3A_97 = tpu.memref_slice %arg11[%add3A_65, %dma_start3A_96] : memref<10112x64xf32, #tpu.memory_space<vmem_shared>> -> memref<128x64xf32, #tpu.memory_space<vmem_shared>>
      %dma_start3A_98 = arith.constant 0 : i32
      %dma_start3A_99 = arith.constant 0 : i32
      %dma_start3A_100 = tpu.memref_slice %arg9[%run_scoped3A_66, %dma_start3A_98, %dma_start3A_99] : memref<2x128x64xf32, #tpu.memory_space<vmem>> -> memref<1x128x64xf32, #tpu.memory_space<vmem>>
      %dma_start3A_101 = tpu.memref_squeeze %dma_start3A_100 : memref<1x128x64xf32, #tpu.memory_space<vmem>> -> memref<128x64xf32, #tpu.memory_space<vmem>>
      %dma_start3A_102 = arith.constant 0 : i32
      %dma_start3A_103 = tpu.memref_slice %arg11[%add3A_65, %dma_start3A_102] : memref<10112x64xf32, #tpu.memory_space<vmem_shared>> -> memref<128x64xf32, #tpu.memory_space<vmem_shared>>
      tpu.enqueue_dma source(%dma_start3A_103 : memref<128x64xf32, #tpu.memory_space<vmem_shared>>) target(%dma_start3A_101 : memref<128x64xf32, #tpu.memory_space<vmem>>) target_semaphore(%run_scoped3A_92 : memref<!tpu.dma_semaphore, #tpu.memory_space<semaphore_mem>>)
      %dma_wait3A = arith.constant 0 : i32
      %dma_wait3A_104 = arith.constant 0 : i32
      %dma_wait3A_105 = tpu.memref_slice %arg9[%run_scoped3A_66, %dma_wait3A, %dma_wait3A_104] : memref<2x128x64xf32, #tpu.memory_space<vmem>> -> memref<1x128x64xf32, #tpu.memory_space<vmem>>
      %dma_wait3A_106 = tpu.memref_squeeze %dma_wait3A_105 : memref<1x128x64xf32, #tpu.memory_space<vmem>> -> memref<128x64xf32, #tpu.memory_space<vmem>>
      %dma_wait3A_107 = arith.constant 0 : i32
      %dma_wait3A_108 = tpu.memref_slice %arg11[%add3A_65, %dma_wait3A_107] : memref<10112x64xf32, #tpu.memory_space<vmem_shared>> -> memref<128x64xf32, #tpu.memory_space<vmem_shared>>
      %dma_wait3A_109 = arith.constant 0 : i32
      %dma_wait3A_110 = arith.constant 0 : i32
      %dma_wait3A_111 = tpu.memref_slice %arg9[%run_scoped3A_66, %dma_wait3A_109, %dma_wait3A_110] : memref<2x128x64xf32, #tpu.memory_space<vmem>> -> memref<1x128x64xf32, #tpu.memory_space<vmem>>
      %dma_wait3A_112 = tpu.memref_squeeze %dma_wait3A_111 : memref<1x128x64xf32, #tpu.memory_space<vmem>> -> memref<128x64xf32, #tpu.memory_space<vmem>>
      %dma_wait3A_113 = arith.constant 0 : i32
      %dma_wait3A_114 = tpu.memref_slice %arg11[%add3A_65, %dma_wait3A_113] : memref<10112x64xf32, #tpu.memory_space<vmem_shared>> -> memref<128x64xf32, #tpu.memory_space<vmem_shared>>
      tpu.wait_dma2 semaphore(%run_scoped3A_92 : memref<!tpu.dma_semaphore, #tpu.memory_space<semaphore_mem>>) src(%dma_wait3A_114 : memref<128x64xf32, #tpu.memory_space<vmem_shared>>) dst(%dma_wait3A_112 : memref<128x64xf32, #tpu.memory_space<vmem>>)
      tpu.yield
    }) : () -> ()
    %run_scoped3A_67 = arith.constant 0 : i32
    "tpu.region"() ({
      %run_scoped3A_92 = tpu.sem_alloc : memref<!tpu.dma_semaphore, #tpu.memory_space<semaphore_mem>>
      %dma_start3A = arith.constant 0 : i32
      %dma_start3A_93 = arith.constant 0 : i32
      %dma_start3A_94 = tpu.memref_slice %arg9[%run_scoped3A_67, %dma_start3A, %dma_start3A_93] : memref<2x128x64xf32, #tpu.memory_space<vmem>> -> memref<1x128x64xf32, #tpu.memory_space<vmem>>
      %dma_start3A_95 = tpu.memref_squeeze %dma_start3A_94 : memref<1x128x64xf32, #tpu.memory_space<vmem>> -> memref<128x64xf32, #tpu.memory_space<vmem>>
      %dma_start3A_96 = arith.constant 0 : i32
      %dma_start3A_97 = tpu.memref_slice %arg6[%arg0, %add3A_65, %dma_start3A_96] : memref<2x10112x64xf32, #tpu.memory_space<hbm>> -> memref<1x128x64xf32, #tpu.memory_space<hbm>>
      %dma_start3A_98 = tpu.memref_squeeze %dma_start3A_97 : memref<1x128x64xf32, #tpu.memory_space<hbm>> -> memref<128x64xf32, #tpu.memory_space<hbm>>
      %dma_start3A_99 = arith.constant 0 : i32
      %dma_start3A_100 = tpu.memref_slice %arg6[%arg0, %add3A_65, %dma_start3A_99] : memref<2x10112x64xf32, #tpu.memory_space<hbm>> -> memref<1x128x64xf32, #tpu.memory_space<hbm>>
      %dma_start3A_101 = tpu.memref_squeeze %dma_start3A_100 : memref<1x128x64xf32, #tpu.memory_space<hbm>> -> memref<128x64xf32, #tpu.memory_space<hbm>>
      %dma_start3A_102 = arith.constant 0 : i32
      %dma_start3A_103 = arith.constant 0 : i32
      %dma_start3A_104 = tpu.memref_slice %arg9[%run_scoped3A_67, %dma_start3A_102, %dma_start3A_103] : memref<2x128x64xf32, #tpu.memory_space<vmem>> -> memref<1x128x64xf32, #tpu.memory_space<vmem>>
      %dma_start3A_105 = tpu.memref_squeeze %dma_start3A_104 : memref<1x128x64xf32, #tpu.memory_space<vmem>> -> memref<128x64xf32, #tpu.memory_space<vmem>>
      tpu.enqueue_dma source(%dma_start3A_105 : memref<128x64xf32, #tpu.memory_space<vmem>>) target(%dma_start3A_101 : memref<128x64xf32, #tpu.memory_space<hbm>>) target_semaphore(%run_scoped3A_92 : memref<!tpu.dma_semaphore, #tpu.memory_space<semaphore_mem>>)
      %dma_wait3A = arith.constant 0 : i32
      %dma_wait3A_106 = arith.constant 0 : i32
      %dma_wait3A_107 = tpu.memref_slice %arg9[%run_scoped3A_67, %dma_wait3A, %dma_wait3A_106] : memref<2x128x64xf32, #tpu.memory_space<vmem>> -> memref<1x128x64xf32, #tpu.memory_space<vmem>>
      %dma_wait3A_108 = tpu.memref_squeeze %dma_wait3A_107 : memref<1x128x64xf32, #tpu.memory_space<vmem>> -> memref<128x64xf32, #tpu.memory_space<vmem>>
      %dma_wait3A_109 = arith.constant 0 : i32
      %dma_wait3A_110 = tpu.memref_slice %arg6[%arg0, %add3A_65, %dma_wait3A_109] : memref<2x10112x64xf32, #tpu.memory_space<hbm>> -> memref<1x128x64xf32, #tpu.memory_space<hbm>>
      %dma_wait3A_111 = tpu.memref_squeeze %dma_wait3A_110 : memref<1x128x64xf32, #tpu.memory_space<hbm>> -> memref<128x64xf32, #tpu.memory_space<hbm>>
      %dma_wait3A_112 = arith.constant 0 : i32
      %dma_wait3A_113 = tpu.memref_slice %arg6[%arg0, %add3A_65, %dma_wait3A_112] : memref<2x10112x64xf32, #tpu.memory_space<hbm>> -> memref<1x128x64xf32, #tpu.memory_space<hbm>>
      %dma_wait3A_114 = tpu.memref_squeeze %dma_wait3A_113 : memref<1x128x64xf32, #tpu.memory_space<hbm>> -> memref<128x64xf32, #tpu.memory_space<hbm>>
      %dma_wait3A_115 = arith.constant 0 : i32
      %dma_wait3A_116 = arith.constant 0 : i32
      %dma_wait3A_117 = tpu.memref_slice %arg9[%run_scoped3A_67, %dma_wait3A_115, %dma_wait3A_116] : memref<2x128x64xf32, #tpu.memory_space<vmem>> -> memref<1x128x64xf32, #tpu.memory_space<vmem>>
      %dma_wait3A_118 = tpu.memref_squeeze %dma_wait3A_117 : memref<1x128x64xf32, #tpu.memory_space<vmem>> -> memref<128x64xf32, #tpu.memory_space<vmem>>
      tpu.wait_dma2 semaphore(%run_scoped3A_92 : memref<!tpu.dma_semaphore, #tpu.memory_space<semaphore_mem>>) src(%dma_wait3A_118 : memref<128x64xf32, #tpu.memory_space<vmem>>) dst(%dma_wait3A_114 : memref<128x64xf32, #tpu.memory_space<hbm>>)
      tpu.yield
    }) : () -> ()
    %mul3A_68 = arith.constant 632 : i32
    %mul3A_69 = arith.muli %arg1, %mul3A_68 : i32
    %add3A_70 = arith.constant 128 : i32
    %add3A_71 = arith.addi %mul3A_69, %add3A_70 : i32
    %run_scoped3A_72 = arith.constant 1 : i32
    "tpu.region"() ({
      %run_scoped3A_92 = tpu.sem_alloc : memref<!tpu.dma_semaphore, #tpu.memory_space<semaphore_mem>>
      %dma_start3A = arith.constant 0 : i32
      %dma_start3A_93 = arith.constant 0 : i32
      %dma_start3A_94 = tpu.memref_slice %arg9[%run_scoped3A_72, %dma_start3A, %dma_start3A_93] : memref<2x128x64xf32, #tpu.memory_space<vmem>> -> memref<1x128x64xf32, #tpu.memory_space<vmem>>
      %dma_start3A_95 = tpu.memref_squeeze %dma_start3A_94 : memref<1x128x64xf32, #tpu.memory_space<vmem>> -> memref<128x64xf32, #tpu.memory_space<vmem>>
      %dma_start3A_96 = arith.constant 0 : i32
      %dma_start3A_97 = tpu.memref_slice %arg11[%add3A_71, %dma_start3A_96] : memref<10112x64xf32, #tpu.memory_space<vmem_shared>> -> memref<128x64xf32, #tpu.memory_space<vmem_shared>>
      %dma_start3A_98 = arith.constant 0 : i32
      %dma_start3A_99 = arith.constant 0 : i32
      %dma_start3A_100 = tpu.memref_slice %arg9[%run_scoped3A_72, %dma_start3A_98, %dma_start3A_99] : memref<2x128x64xf32, #tpu.memory_space<vmem>> -> memref<1x128x64xf32, #tpu.memory_space<vmem>>
      %dma_start3A_101 = tpu.memref_squeeze %dma_start3A_100 : memref<1x128x64xf32, #tpu.memory_space<vmem>> -> memref<128x64xf32, #tpu.memory_space<vmem>>
      %dma_start3A_102 = arith.constant 0 : i32
      %dma_start3A_103 = tpu.memref_slice %arg11[%add3A_71, %dma_start3A_102] : memref<10112x64xf32, #tpu.memory_space<vmem_shared>> -> memref<128x64xf32, #tpu.memory_space<vmem_shared>>
      tpu.enqueue_dma source(%dma_start3A_103 : memref<128x64xf32, #tpu.memory_space<vmem_shared>>) target(%dma_start3A_101 : memref<128x64xf32, #tpu.memory_space<vmem>>) target_semaphore(%run_scoped3A_92 : memref<!tpu.dma_semaphore, #tpu.memory_space<semaphore_mem>>)
      %dma_wait3A = arith.constant 0 : i32
      %dma_wait3A_104 = arith.constant 0 : i32
      %dma_wait3A_105 = tpu.memref_slice %arg9[%run_scoped3A_72, %dma_wait3A, %dma_wait3A_104] : memref<2x128x64xf32, #tpu.memory_space<vmem>> -> memref<1x128x64xf32, #tpu.memory_space<vmem>>
      %dma_wait3A_106 = tpu.memref_squeeze %dma_wait3A_105 : memref<1x128x64xf32, #tpu.memory_space<vmem>> -> memref<128x64xf32, #tpu.memory_space<vmem>>
      %dma_wait3A_107 = arith.constant 0 : i32
      %dma_wait3A_108 = tpu.memref_slice %arg11[%add3A_71, %dma_wait3A_107] : memref<10112x64xf32, #tpu.memory_space<vmem_shared>> -> memref<128x64xf32, #tpu.memory_space<vmem_shared>>
      %dma_wait3A_109 = arith.constant 0 : i32
      %dma_wait3A_110 = arith.constant 0 : i32
      %dma_wait3A_111 = tpu.memref_slice %arg9[%run_scoped3A_72, %dma_wait3A_109, %dma_wait3A_110] : memref<2x128x64xf32, #tpu.memory_space<vmem>> -> memref<1x128x64xf32, #tpu.memory_space<vmem>>
      %dma_wait3A_112 = tpu.memref_squeeze %dma_wait3A_111 : memref<1x128x64xf32, #tpu.memory_space<vmem>> -> memref<128x64xf32, #tpu.memory_space<vmem>>
      %dma_wait3A_113 = arith.constant 0 : i32
      %dma_wait3A_114 = tpu.memref_slice %arg11[%add3A_71, %dma_wait3A_113] : memref<10112x64xf32, #tpu.memory_space<vmem_shared>> -> memref<128x64xf32, #tpu.memory_space<vmem_shared>>
      tpu.wait_dma2 semaphore(%run_scoped3A_92 : memref<!tpu.dma_semaphore, #tpu.memory_space<semaphore_mem>>) src(%dma_wait3A_114 : memref<128x64xf32, #tpu.memory_space<vmem_shared>>) dst(%dma_wait3A_112 : memref<128x64xf32, #tpu.memory_space<vmem>>)
      tpu.yield
    }) : () -> ()
    %run_scoped3A_73 = arith.constant 1 : i32
    "tpu.region"() ({
      %run_scoped3A_92 = tpu.sem_alloc : memref<!tpu.dma_semaphore, #tpu.memory_space<semaphore_mem>>
      %dma_start3A = arith.constant 0 : i32
      %dma_start3A_93 = arith.constant 0 : i32
      %dma_start3A_94 = tpu.memref_slice %arg9[%run_scoped3A_73, %dma_start3A, %dma_start3A_93] : memref<2x128x64xf32, #tpu.memory_space<vmem>> -> memref<1x128x64xf32, #tpu.memory_space<vmem>>
      %dma_start3A_95 = tpu.memref_squeeze %dma_start3A_94 : memref<1x128x64xf32, #tpu.memory_space<vmem>> -> memref<128x64xf32, #tpu.memory_space<vmem>>
      %dma_start3A_96 = arith.constant 0 : i32
      %dma_start3A_97 = tpu.memref_slice %arg6[%arg0, %add3A_71, %dma_start3A_96] : memref<2x10112x64xf32, #tpu.memory_space<hbm>> -> memref<1x128x64xf32, #tpu.memory_space<hbm>>
      %dma_start3A_98 = tpu.memref_squeeze %dma_start3A_97 : memref<1x128x64xf32, #tpu.memory_space<hbm>> -> memref<128x64xf32, #tpu.memory_space<hbm>>
      %dma_start3A_99 = arith.constant 0 : i32
      %dma_start3A_100 = tpu.memref_slice %arg6[%arg0, %add3A_71, %dma_start3A_99] : memref<2x10112x64xf32, #tpu.memory_space<hbm>> -> memref<1x128x64xf32, #tpu.memory_space<hbm>>
      %dma_start3A_101 = tpu.memref_squeeze %dma_start3A_100 : memref<1x128x64xf32, #tpu.memory_space<hbm>> -> memref<128x64xf32, #tpu.memory_space<hbm>>
      %dma_start3A_102 = arith.constant 0 : i32
      %dma_start3A_103 = arith.constant 0 : i32
      %dma_start3A_104 = tpu.memref_slice %arg9[%run_scoped3A_73, %dma_start3A_102, %dma_start3A_103] : memref<2x128x64xf32, #tpu.memory_space<vmem>> -> memref<1x128x64xf32, #tpu.memory_space<vmem>>
      %dma_start3A_105 = tpu.memref_squeeze %dma_start3A_104 : memref<1x128x64xf32, #tpu.memory_space<vmem>> -> memref<128x64xf32, #tpu.memory_space<vmem>>
      tpu.enqueue_dma source(%dma_start3A_105 : memref<128x64xf32, #tpu.memory_space<vmem>>) target(%dma_start3A_101 : memref<128x64xf32, #tpu.memory_space<hbm>>) target_semaphore(%run_scoped3A_92 : memref<!tpu.dma_semaphore, #tpu.memory_space<semaphore_mem>>)
      %dma_wait3A = arith.constant 0 : i32
      %dma_wait3A_106 = arith.constant 0 : i32
      %dma_wait3A_107 = tpu.memref_slice %arg9[%run_scoped3A_73, %dma_wait3A, %dma_wait3A_106] : memref<2x128x64xf32, #tpu.memory_space<vmem>> -> memref<1x128x64xf32, #tpu.memory_space<vmem>>
      %dma_wait3A_108 = tpu.memref_squeeze %dma_wait3A_107 : memref<1x128x64xf32, #tpu.memory_space<vmem>> -> memref<128x64xf32, #tpu.memory_space<vmem>>
      %dma_wait3A_109 = arith.constant 0 : i32
      %dma_wait3A_110 = tpu.memref_slice %arg6[%arg0, %add3A_71, %dma_wait3A_109] : memref<2x10112x64xf32, #tpu.memory_space<hbm>> -> memref<1x128x64xf32, #tpu.memory_space<hbm>>
      %dma_wait3A_111 = tpu.memref_squeeze %dma_wait3A_110 : memref<1x128x64xf32, #tpu.memory_space<hbm>> -> memref<128x64xf32, #tpu.memory_space<hbm>>
      %dma_wait3A_112 = arith.constant 0 : i32
      %dma_wait3A_113 = tpu.memref_slice %arg6[%arg0, %add3A_71, %dma_wait3A_112] : memref<2x10112x64xf32, #tpu.memory_space<hbm>> -> memref<1x128x64xf32, #tpu.memory_space<hbm>>
      %dma_wait3A_114 = tpu.memref_squeeze %dma_wait3A_113 : memref<1x128x64xf32, #tpu.memory_space<hbm>> -> memref<128x64xf32, #tpu.memory_space<hbm>>
      %dma_wait3A_115 = arith.constant 0 : i32
      %dma_wait3A_116 = arith.constant 0 : i32
      %dma_wait3A_117 = tpu.memref_slice %arg9[%run_scoped3A_73, %dma_wait3A_115, %dma_wait3A_116] : memref<2x128x64xf32, #tpu.memory_space<vmem>> -> memref<1x128x64xf32, #tpu.memory_space<vmem>>
      %dma_wait3A_118 = tpu.memref_squeeze %dma_wait3A_117 : memref<1x128x64xf32, #tpu.memory_space<vmem>> -> memref<128x64xf32, #tpu.memory_space<vmem>>
      tpu.wait_dma2 semaphore(%run_scoped3A_92 : memref<!tpu.dma_semaphore, #tpu.memory_space<semaphore_mem>>) src(%dma_wait3A_118 : memref<128x64xf32, #tpu.memory_space<vmem>>) dst(%dma_wait3A_114 : memref<128x64xf32, #tpu.memory_space<hbm>>)
      tpu.yield
    }) : () -> ()
    %mul3A_74 = arith.constant 632 : i32
    %mul3A_75 = arith.muli %arg1, %mul3A_74 : i32
    %add3A_76 = arith.constant 256 : i32
    %add3A_77 = arith.addi %mul3A_75, %add3A_76 : i32
    %run_scoped3A_78 = arith.constant 0 : i32
    "tpu.region"() ({
      %run_scoped3A_92 = tpu.sem_alloc : memref<!tpu.dma_semaphore, #tpu.memory_space<semaphore_mem>>
      %dma_start3A = arith.constant 0 : i32
      %dma_start3A_93 = arith.constant 0 : i32
      %dma_start3A_94 = tpu.memref_slice %arg9[%run_scoped3A_78, %dma_start3A, %dma_start3A_93] : memref<2x128x64xf32, #tpu.memory_space<vmem>> -> memref<1x128x64xf32, #tpu.memory_space<vmem>>
      %dma_start3A_95 = tpu.memref_squeeze %dma_start3A_94 : memref<1x128x64xf32, #tpu.memory_space<vmem>> -> memref<128x64xf32, #tpu.memory_space<vmem>>
      %dma_start3A_96 = arith.constant 0 : i32
      %dma_start3A_97 = tpu.memref_slice %arg11[%add3A_77, %dma_start3A_96] : memref<10112x64xf32, #tpu.memory_space<vmem_shared>> -> memref<128x64xf32, #tpu.memory_space<vmem_shared>>
      %dma_start3A_98 = arith.constant 0 : i32
      %dma_start3A_99 = arith.constant 0 : i32
      %dma_start3A_100 = tpu.memref_slice %arg9[%run_scoped3A_78, %dma_start3A_98, %dma_start3A_99] : memref<2x128x64xf32, #tpu.memory_space<vmem>> -> memref<1x128x64xf32, #tpu.memory_space<vmem>>
      %dma_start3A_101 = tpu.memref_squeeze %dma_start3A_100 : memref<1x128x64xf32, #tpu.memory_space<vmem>> -> memref<128x64xf32, #tpu.memory_space<vmem>>
      %dma_start3A_102 = arith.constant 0 : i32
      %dma_start3A_103 = tpu.memref_slice %arg11[%add3A_77, %dma_start3A_102] : memref<10112x64xf32, #tpu.memory_space<vmem_shared>> -> memref<128x64xf32, #tpu.memory_space<vmem_shared>>
      tpu.enqueue_dma source(%dma_start3A_103 : memref<128x64xf32, #tpu.memory_space<vmem_shared>>) target(%dma_start3A_101 : memref<128x64xf32, #tpu.memory_space<vmem>>) target_semaphore(%run_scoped3A_92 : memref<!tpu.dma_semaphore, #tpu.memory_space<semaphore_mem>>)
      %dma_wait3A = arith.constant 0 : i32
      %dma_wait3A_104 = arith.constant 0 : i32
      %dma_wait3A_105 = tpu.memref_slice %arg9[%run_scoped3A_78, %dma_wait3A, %dma_wait3A_104] : memref<2x128x64xf32, #tpu.memory_space<vmem>> -> memref<1x128x64xf32, #tpu.memory_space<vmem>>
      %dma_wait3A_106 = tpu.memref_squeeze %dma_wait3A_105 : memref<1x128x64xf32, #tpu.memory_space<vmem>> -> memref<128x64xf32, #tpu.memory_space<vmem>>
      %dma_wait3A_107 = arith.constant 0 : i32
      %dma_wait3A_108 = tpu.memref_slice %arg11[%add3A_77, %dma_wait3A_107] : memref<10112x64xf32, #tpu.memory_space<vmem_shared>> -> memref<128x64xf32, #tpu.memory_space<vmem_shared>>
      %dma_wait3A_109 = arith.constant 0 : i32
      %dma_wait3A_110 = arith.constant 0 : i32
      %dma_wait3A_111 = tpu.memref_slice %arg9[%run_scoped3A_78, %dma_wait3A_109, %dma_wait3A_110] : memref<2x128x64xf32, #tpu.memory_space<vmem>> -> memref<1x128x64xf32, #tpu.memory_space<vmem>>
      %dma_wait3A_112 = tpu.memref_squeeze %dma_wait3A_111 : memref<1x128x64xf32, #tpu.memory_space<vmem>> -> memref<128x64xf32, #tpu.memory_space<vmem>>
      %dma_wait3A_113 = arith.constant 0 : i32
      %dma_wait3A_114 = tpu.memref_slice %arg11[%add3A_77, %dma_wait3A_113] : memref<10112x64xf32, #tpu.memory_space<vmem_shared>> -> memref<128x64xf32, #tpu.memory_space<vmem_shared>>
      tpu.wait_dma2 semaphore(%run_scoped3A_92 : memref<!tpu.dma_semaphore, #tpu.memory_space<semaphore_mem>>) src(%dma_wait3A_114 : memref<128x64xf32, #tpu.memory_space<vmem_shared>>) dst(%dma_wait3A_112 : memref<128x64xf32, #tpu.memory_space<vmem>>)
      tpu.yield
    }) : () -> ()
    %run_scoped3A_79 = arith.constant 0 : i32
    "tpu.region"() ({
      %run_scoped3A_92 = tpu.sem_alloc : memref<!tpu.dma_semaphore, #tpu.memory_space<semaphore_mem>>
      %dma_start3A = arith.constant 0 : i32
      %dma_start3A_93 = arith.constant 0 : i32
      %dma_start3A_94 = tpu.memref_slice %arg9[%run_scoped3A_79, %dma_start3A, %dma_start3A_93] : memref<2x128x64xf32, #tpu.memory_space<vmem>> -> memref<1x128x64xf32, #tpu.memory_space<vmem>>
      %dma_start3A_95 = tpu.memref_squeeze %dma_start3A_94 : memref<1x128x64xf32, #tpu.memory_space<vmem>> -> memref<128x64xf32, #tpu.memory_space<vmem>>
      %dma_start3A_96 = arith.constant 0 : i32
      %dma_start3A_97 = tpu.memref_slice %arg6[%arg0, %add3A_77, %dma_start3A_96] : memref<2x10112x64xf32, #tpu.memory_space<hbm>> -> memref<1x128x64xf32, #tpu.memory_space<hbm>>
      %dma_start3A_98 = tpu.memref_squeeze %dma_start3A_97 : memref<1x128x64xf32, #tpu.memory_space<hbm>> -> memref<128x64xf32, #tpu.memory_space<hbm>>
      %dma_start3A_99 = arith.constant 0 : i32
      %dma_start3A_100 = tpu.memref_slice %arg6[%arg0, %add3A_77, %dma_start3A_99] : memref<2x10112x64xf32, #tpu.memory_space<hbm>> -> memref<1x128x64xf32, #tpu.memory_space<hbm>>
      %dma_start3A_101 = tpu.memref_squeeze %dma_start3A_100 : memref<1x128x64xf32, #tpu.memory_space<hbm>> -> memref<128x64xf32, #tpu.memory_space<hbm>>
      %dma_start3A_102 = arith.constant 0 : i32
      %dma_start3A_103 = arith.constant 0 : i32
      %dma_start3A_104 = tpu.memref_slice %arg9[%run_scoped3A_79, %dma_start3A_102, %dma_start3A_103] : memref<2x128x64xf32, #tpu.memory_space<vmem>> -> memref<1x128x64xf32, #tpu.memory_space<vmem>>
      %dma_start3A_105 = tpu.memref_squeeze %dma_start3A_104 : memref<1x128x64xf32, #tpu.memory_space<vmem>> -> memref<128x64xf32, #tpu.memory_space<vmem>>
      tpu.enqueue_dma source(%dma_start3A_105 : memref<128x64xf32, #tpu.memory_space<vmem>>) target(%dma_start3A_101 : memref<128x64xf32, #tpu.memory_space<hbm>>) target_semaphore(%run_scoped3A_92 : memref<!tpu.dma_semaphore, #tpu.memory_space<semaphore_mem>>)
      %dma_wait3A = arith.constant 0 : i32
      %dma_wait3A_106 = arith.constant 0 : i32
      %dma_wait3A_107 = tpu.memref_slice %arg9[%run_scoped3A_79, %dma_wait3A, %dma_wait3A_106] : memref<2x128x64xf32, #tpu.memory_space<vmem>> -> memref<1x128x64xf32, #tpu.memory_space<vmem>>
      %dma_wait3A_108 = tpu.memref_squeeze %dma_wait3A_107 : memref<1x128x64xf32, #tpu.memory_space<vmem>> -> memref<128x64xf32, #tpu.memory_space<vmem>>
      %dma_wait3A_109 = arith.constant 0 : i32
      %dma_wait3A_110 = tpu.memref_slice %arg6[%arg0, %add3A_77, %dma_wait3A_109] : memref<2x10112x64xf32, #tpu.memory_space<hbm>> -> memref<1x128x64xf32, #tpu.memory_space<hbm>>
      %dma_wait3A_111 = tpu.memref_squeeze %dma_wait3A_110 : memref<1x128x64xf32, #tpu.memory_space<hbm>> -> memref<128x64xf32, #tpu.memory_space<hbm>>
      %dma_wait3A_112 = arith.constant 0 : i32
      %dma_wait3A_113 = tpu.memref_slice %arg6[%arg0, %add3A_77, %dma_wait3A_112] : memref<2x10112x64xf32, #tpu.memory_space<hbm>> -> memref<1x128x64xf32, #tpu.memory_space<hbm>>
      %dma_wait3A_114 = tpu.memref_squeeze %dma_wait3A_113 : memref<1x128x64xf32, #tpu.memory_space<hbm>> -> memref<128x64xf32, #tpu.memory_space<hbm>>
      %dma_wait3A_115 = arith.constant 0 : i32
      %dma_wait3A_116 = arith.constant 0 : i32
      %dma_wait3A_117 = tpu.memref_slice %arg9[%run_scoped3A_79, %dma_wait3A_115, %dma_wait3A_116] : memref<2x128x64xf32, #tpu.memory_space<vmem>> -> memref<1x128x64xf32, #tpu.memory_space<vmem>>
      %dma_wait3A_118 = tpu.memref_squeeze %dma_wait3A_117 : memref<1x128x64xf32, #tpu.memory_space<vmem>> -> memref<128x64xf32, #tpu.memory_space<vmem>>
      tpu.wait_dma2 semaphore(%run_scoped3A_92 : memref<!tpu.dma_semaphore, #tpu.memory_space<semaphore_mem>>) src(%dma_wait3A_118 : memref<128x64xf32, #tpu.memory_space<vmem>>) dst(%dma_wait3A_114 : memref<128x64xf32, #tpu.memory_space<hbm>>)
      tpu.yield
    }) : () -> ()
    %mul3A_80 = arith.constant 632 : i32
    %mul3A_81 = arith.muli %arg1, %mul3A_80 : i32
    %add3A_82 = arith.constant 384 : i32
    %add3A_83 = arith.addi %mul3A_81, %add3A_82 : i32
    %run_scoped3A_84 = arith.constant 1 : i32
    "tpu.region"() ({
      %run_scoped3A_92 = tpu.sem_alloc : memref<!tpu.dma_semaphore, #tpu.memory_space<semaphore_mem>>
      %dma_start3A = arith.constant 0 : i32
      %dma_start3A_93 = arith.constant 0 : i32
      %dma_start3A_94 = tpu.memref_slice %arg9[%run_scoped3A_84, %dma_start3A, %dma_start3A_93] : memref<2x128x64xf32, #tpu.memory_space<vmem>> -> memref<1x128x64xf32, #tpu.memory_space<vmem>>
      %dma_start3A_95 = tpu.memref_squeeze %dma_start3A_94 : memref<1x128x64xf32, #tpu.memory_space<vmem>> -> memref<128x64xf32, #tpu.memory_space<vmem>>
      %dma_start3A_96 = arith.constant 0 : i32
      %dma_start3A_97 = tpu.memref_slice %arg11[%add3A_83, %dma_start3A_96] : memref<10112x64xf32, #tpu.memory_space<vmem_shared>> -> memref<128x64xf32, #tpu.memory_space<vmem_shared>>
      %dma_start3A_98 = arith.constant 0 : i32
      %dma_start3A_99 = arith.constant 0 : i32
      %dma_start3A_100 = tpu.memref_slice %arg9[%run_scoped3A_84, %dma_start3A_98, %dma_start3A_99] : memref<2x128x64xf32, #tpu.memory_space<vmem>> -> memref<1x128x64xf32, #tpu.memory_space<vmem>>
      %dma_start3A_101 = tpu.memref_squeeze %dma_start3A_100 : memref<1x128x64xf32, #tpu.memory_space<vmem>> -> memref<128x64xf32, #tpu.memory_space<vmem>>
      %dma_start3A_102 = arith.constant 0 : i32
      %dma_start3A_103 = tpu.memref_slice %arg11[%add3A_83, %dma_start3A_102] : memref<10112x64xf32, #tpu.memory_space<vmem_shared>> -> memref<128x64xf32, #tpu.memory_space<vmem_shared>>
      tpu.enqueue_dma source(%dma_start3A_103 : memref<128x64xf32, #tpu.memory_space<vmem_shared>>) target(%dma_start3A_101 : memref<128x64xf32, #tpu.memory_space<vmem>>) target_semaphore(%run_scoped3A_92 : memref<!tpu.dma_semaphore, #tpu.memory_space<semaphore_mem>>)
      %dma_wait3A = arith.constant 0 : i32
      %dma_wait3A_104 = arith.constant 0 : i32
      %dma_wait3A_105 = tpu.memref_slice %arg9[%run_scoped3A_84, %dma_wait3A, %dma_wait3A_104] : memref<2x128x64xf32, #tpu.memory_space<vmem>> -> memref<1x128x64xf32, #tpu.memory_space<vmem>>
      %dma_wait3A_106 = tpu.memref_squeeze %dma_wait3A_105 : memref<1x128x64xf32, #tpu.memory_space<vmem>> -> memref<128x64xf32, #tpu.memory_space<vmem>>
      %dma_wait3A_107 = arith.constant 0 : i32
      %dma_wait3A_108 = tpu.memref_slice %arg11[%add3A_83, %dma_wait3A_107] : memref<10112x64xf32, #tpu.memory_space<vmem_shared>> -> memref<128x64xf32, #tpu.memory_space<vmem_shared>>
      %dma_wait3A_109 = arith.constant 0 : i32
      %dma_wait3A_110 = arith.constant 0 : i32
      %dma_wait3A_111 = tpu.memref_slice %arg9[%run_scoped3A_84, %dma_wait3A_109, %dma_wait3A_110] : memref<2x128x64xf32, #tpu.memory_space<vmem>> -> memref<1x128x64xf32, #tpu.memory_space<vmem>>
      %dma_wait3A_112 = tpu.memref_squeeze %dma_wait3A_111 : memref<1x128x64xf32, #tpu.memory_space<vmem>> -> memref<128x64xf32, #tpu.memory_space<vmem>>
      %dma_wait3A_113 = arith.constant 0 : i32
      %dma_wait3A_114 = tpu.memref_slice %arg11[%add3A_83, %dma_wait3A_113] : memref<10112x64xf32, #tpu.memory_space<vmem_shared>> -> memref<128x64xf32, #tpu.memory_space<vmem_shared>>
      tpu.wait_dma2 semaphore(%run_scoped3A_92 : memref<!tpu.dma_semaphore, #tpu.memory_space<semaphore_mem>>) src(%dma_wait3A_114 : memref<128x64xf32, #tpu.memory_space<vmem_shared>>) dst(%dma_wait3A_112 : memref<128x64xf32, #tpu.memory_space<vmem>>)
      tpu.yield
    }) : () -> ()
    %run_scoped3A_85 = arith.constant 1 : i32
    "tpu.region"() ({
      %run_scoped3A_92 = tpu.sem_alloc : memref<!tpu.dma_semaphore, #tpu.memory_space<semaphore_mem>>
      %dma_start3A = arith.constant 0 : i32
      %dma_start3A_93 = arith.constant 0 : i32
      %dma_start3A_94 = tpu.memref_slice %arg9[%run_scoped3A_85, %dma_start3A, %dma_start3A_93] : memref<2x128x64xf32, #tpu.memory_space<vmem>> -> memref<1x128x64xf32, #tpu.memory_space<vmem>>
      %dma_start3A_95 = tpu.memref_squeeze %dma_start3A_94 : memref<1x128x64xf32, #tpu.memory_space<vmem>> -> memref<128x64xf32, #tpu.memory_space<vmem>>
      %dma_start3A_96 = arith.constant 0 : i32
      %dma_start3A_97 = tpu.memref_slice %arg6[%arg0, %add3A_83, %dma_start3A_96] : memref<2x10112x64xf32, #tpu.memory_space<hbm>> -> memref<1x128x64xf32, #tpu.memory_space<hbm>>
      %dma_start3A_98 = tpu.memref_squeeze %dma_start3A_97 : memref<1x128x64xf32, #tpu.memory_space<hbm>> -> memref<128x64xf32, #tpu.memory_space<hbm>>
      %dma_start3A_99 = arith.constant 0 : i32
      %dma_start3A_100 = tpu.memref_slice %arg6[%arg0, %add3A_83, %dma_start3A_99] : memref<2x10112x64xf32, #tpu.memory_space<hbm>> -> memref<1x128x64xf32, #tpu.memory_space<hbm>>
      %dma_start3A_101 = tpu.memref_squeeze %dma_start3A_100 : memref<1x128x64xf32, #tpu.memory_space<hbm>> -> memref<128x64xf32, #tpu.memory_space<hbm>>
      %dma_start3A_102 = arith.constant 0 : i32
      %dma_start3A_103 = arith.constant 0 : i32
      %dma_start3A_104 = tpu.memref_slice %arg9[%run_scoped3A_85, %dma_start3A_102, %dma_start3A_103] : memref<2x128x64xf32, #tpu.memory_space<vmem>> -> memref<1x128x64xf32, #tpu.memory_space<vmem>>
      %dma_start3A_105 = tpu.memref_squeeze %dma_start3A_104 : memref<1x128x64xf32, #tpu.memory_space<vmem>> -> memref<128x64xf32, #tpu.memory_space<vmem>>
      tpu.enqueue_dma source(%dma_start3A_105 : memref<128x64xf32, #tpu.memory_space<vmem>>) target(%dma_start3A_101 : memref<128x64xf32, #tpu.memory_space<hbm>>) target_semaphore(%run_scoped3A_92 : memref<!tpu.dma_semaphore, #tpu.memory_space<semaphore_mem>>)
      %dma_wait3A = arith.constant 0 : i32
      %dma_wait3A_106 = arith.constant 0 : i32
      %dma_wait3A_107 = tpu.memref_slice %arg9[%run_scoped3A_85, %dma_wait3A, %dma_wait3A_106] : memref<2x128x64xf32, #tpu.memory_space<vmem>> -> memref<1x128x64xf32, #tpu.memory_space<vmem>>
      %dma_wait3A_108 = tpu.memref_squeeze %dma_wait3A_107 : memref<1x128x64xf32, #tpu.memory_space<vmem>> -> memref<128x64xf32, #tpu.memory_space<vmem>>
      %dma_wait3A_109 = arith.constant 0 : i32
      %dma_wait3A_110 = tpu.memref_slice %arg6[%arg0, %add3A_83, %dma_wait3A_109] : memref<2x10112x64xf32, #tpu.memory_space<hbm>> -> memref<1x128x64xf32, #tpu.memory_space<hbm>>
      %dma_wait3A_111 = tpu.memref_squeeze %dma_wait3A_110 : memref<1x128x64xf32, #tpu.memory_space<hbm>> -> memref<128x64xf32, #tpu.memory_space<hbm>>
      %dma_wait3A_112 = arith.constant 0 : i32
      %dma_wait3A_113 = tpu.memref_slice %arg6[%arg0, %add3A_83, %dma_wait3A_112] : memref<2x10112x64xf32, #tpu.memory_space<hbm>> -> memref<1x128x64xf32, #tpu.memory_space<hbm>>
      %dma_wait3A_114 = tpu.memref_squeeze %dma_wait3A_113 : memref<1x128x64xf32, #tpu.memory_space<hbm>> -> memref<128x64xf32, #tpu.memory_space<hbm>>
      %dma_wait3A_115 = arith.constant 0 : i32
      %dma_wait3A_116 = arith.constant 0 : i32
      %dma_wait3A_117 = tpu.memref_slice %arg9[%run_scoped3A_85, %dma_wait3A_115, %dma_wait3A_116] : memref<2x128x64xf32, #tpu.memory_space<vmem>> -> memref<1x128x64xf32, #tpu.memory_space<vmem>>
      %dma_wait3A_118 = tpu.memref_squeeze %dma_wait3A_117 : memref<1x128x64xf32, #tpu.memory_space<vmem>> -> memref<128x64xf32, #tpu.memory_space<vmem>>
      tpu.wait_dma2 semaphore(%run_scoped3A_92 : memref<!tpu.dma_semaphore, #tpu.memory_space<semaphore_mem>>) src(%dma_wait3A_118 : memref<128x64xf32, #tpu.memory_space<vmem>>) dst(%dma_wait3A_114 : memref<128x64xf32, #tpu.memory_space<hbm>>)
      tpu.yield
    }) : () -> ()
    %mul3A_86 = arith.constant 632 : i32
    %mul3A_87 = arith.muli %arg1, %mul3A_86 : i32
    %add3A_88 = arith.constant 512 : i32
    %add3A_89 = arith.addi %mul3A_87, %add3A_88 : i32
    %run_scoped3A_90 = arith.constant 0 : i32
    "tpu.region"() ({
      %run_scoped3A_92 = tpu.sem_alloc : memref<!tpu.dma_semaphore, #tpu.memory_space<semaphore_mem>>
      %dma_start3A = arith.constant 0 : i32
      %dma_start3A_93 = arith.constant 0 : i32
      %dma_start3A_94 = tpu.memref_slice %arg9[%run_scoped3A_90, %dma_start3A, %dma_start3A_93] : memref<2x128x64xf32, #tpu.memory_space<vmem>> -> memref<1x120x64xf32, #tpu.memory_space<vmem>>
      %dma_start3A_95 = tpu.memref_squeeze %dma_start3A_94 : memref<1x120x64xf32, #tpu.memory_space<vmem>> -> memref<120x64xf32, #tpu.memory_space<vmem>>
      %dma_start3A_96 = arith.constant 0 : i32
      %dma_start3A_97 = tpu.memref_slice %arg11[%add3A_89, %dma_start3A_96] : memref<10112x64xf32, #tpu.memory_space<vmem_shared>> -> memref<120x64xf32, #tpu.memory_space<vmem_shared>>
      %dma_start3A_98 = arith.constant 0 : i32
      %dma_start3A_99 = arith.constant 0 : i32
      %dma_start3A_100 = tpu.memref_slice %arg9[%run_scoped3A_90, %dma_start3A_98, %dma_start3A_99] : memref<2x128x64xf32, #tpu.memory_space<vmem>> -> memref<1x120x64xf32, #tpu.memory_space<vmem>>
      %dma_start3A_101 = tpu.memref_squeeze %dma_start3A_100 : memref<1x120x64xf32, #tpu.memory_space<vmem>> -> memref<120x64xf32, #tpu.memory_space<vmem>>
      %dma_start3A_102 = arith.constant 0 : i32
      %dma_start3A_103 = tpu.memref_slice %arg11[%add3A_89, %dma_start3A_102] : memref<10112x64xf32, #tpu.memory_space<vmem_shared>> -> memref<120x64xf32, #tpu.memory_space<vmem_shared>>
      tpu.enqueue_dma source(%dma_start3A_103 : memref<120x64xf32, #tpu.memory_space<vmem_shared>>) target(%dma_start3A_101 : memref<120x64xf32, #tpu.memory_space<vmem>>) target_semaphore(%run_scoped3A_92 : memref<!tpu.dma_semaphore, #tpu.memory_space<semaphore_mem>>)
      %dma_wait3A = arith.constant 0 : i32
      %dma_wait3A_104 = arith.constant 0 : i32
      %dma_wait3A_105 = tpu.memref_slice %arg9[%run_scoped3A_90, %dma_wait3A, %dma_wait3A_104] : memref<2x128x64xf32, #tpu.memory_space<vmem>> -> memref<1x120x64xf32, #tpu.memory_space<vmem>>
      %dma_wait3A_106 = tpu.memref_squeeze %dma_wait3A_105 : memref<1x120x64xf32, #tpu.memory_space<vmem>> -> memref<120x64xf32, #tpu.memory_space<vmem>>
      %dma_wait3A_107 = arith.constant 0 : i32
      %dma_wait3A_108 = tpu.memref_slice %arg11[%add3A_89, %dma_wait3A_107] : memref<10112x64xf32, #tpu.memory_space<vmem_shared>> -> memref<120x64xf32, #tpu.memory_space<vmem_shared>>
      %dma_wait3A_109 = arith.constant 0 : i32
      %dma_wait3A_110 = arith.constant 0 : i32
      %dma_wait3A_111 = tpu.memref_slice %arg9[%run_scoped3A_90, %dma_wait3A_109, %dma_wait3A_110] : memref<2x128x64xf32, #tpu.memory_space<vmem>> -> memref<1x120x64xf32, #tpu.memory_space<vmem>>
      %dma_wait3A_112 = tpu.memref_squeeze %dma_wait3A_111 : memref<1x120x64xf32, #tpu.memory_space<vmem>> -> memref<120x64xf32, #tpu.memory_space<vmem>>
      %dma_wait3A_113 = arith.constant 0 : i32
      %dma_wait3A_114 = tpu.memref_slice %arg11[%add3A_89, %dma_wait3A_113] : memref<10112x64xf32, #tpu.memory_space<vmem_shared>> -> memref<120x64xf32, #tpu.memory_space<vmem_shared>>
      tpu.wait_dma2 semaphore(%run_scoped3A_92 : memref<!tpu.dma_semaphore, #tpu.memory_space<semaphore_mem>>) src(%dma_wait3A_114 : memref<120x64xf32, #tpu.memory_space<vmem_shared>>) dst(%dma_wait3A_112 : memref<120x64xf32, #tpu.memory_space<vmem>>)
      tpu.yield
    }) : () -> ()
    %run_scoped3A_91 = arith.constant 0 : i32
    "tpu.region"() ({
      %run_scoped3A_92 = tpu.sem_alloc : memref<!tpu.dma_semaphore, #tpu.memory_space<semaphore_mem>>
      %dma_start3A = arith.constant 0 : i32
      %dma_start3A_93 = arith.constant 0 : i32
      %dma_start3A_94 = tpu.memref_slice %arg9[%run_scoped3A_91, %dma_start3A, %dma_start3A_93] : memref<2x128x64xf32, #tpu.memory_space<vmem>> -> memref<1x120x64xf32, #tpu.memory_space<vmem>>
      %dma_start3A_95 = tpu.memref_squeeze %dma_start3A_94 : memref<1x120x64xf32, #tpu.memory_space<vmem>> -> memref<120x64xf32, #tpu.memory_space<vmem>>
      %dma_start3A_96 = arith.constant 0 : i32
      %dma_start3A_97 = tpu.memref_slice %arg6[%arg0, %add3A_89, %dma_start3A_96] : memref<2x10112x64xf32, #tpu.memory_space<hbm>> -> memref<1x120x64xf32, #tpu.memory_space<hbm>>
      %dma_start3A_98 = tpu.memref_squeeze %dma_start3A_97 : memref<1x120x64xf32, #tpu.memory_space<hbm>> -> memref<120x64xf32, #tpu.memory_space<hbm>>
      %dma_start3A_99 = arith.constant 0 : i32
      %dma_start3A_100 = tpu.memref_slice %arg6[%arg0, %add3A_89, %dma_start3A_99] : memref<2x10112x64xf32, #tpu.memory_space<hbm>> -> memref<1x120x64xf32, #tpu.memory_space<hbm>>
      %dma_start3A_101 = tpu.memref_squeeze %dma_start3A_100 : memref<1x120x64xf32, #tpu.memory_space<hbm>> -> memref<120x64xf32, #tpu.memory_space<hbm>>
      %dma_start3A_102 = arith.constant 0 : i32
      %dma_start3A_103 = arith.constant 0 : i32
      %dma_start3A_104 = tpu.memref_slice %arg9[%run_scoped3A_91, %dma_start3A_102, %dma_start3A_103] : memref<2x128x64xf32, #tpu.memory_space<vmem>> -> memref<1x120x64xf32, #tpu.memory_space<vmem>>
      %dma_start3A_105 = tpu.memref_squeeze %dma_start3A_104 : memref<1x120x64xf32, #tpu.memory_space<vmem>> -> memref<120x64xf32, #tpu.memory_space<vmem>>
      tpu.enqueue_dma source(%dma_start3A_105 : memref<120x64xf32, #tpu.memory_space<vmem>>) target(%dma_start3A_101 : memref<120x64xf32, #tpu.memory_space<hbm>>) target_semaphore(%run_scoped3A_92 : memref<!tpu.dma_semaphore, #tpu.memory_space<semaphore_mem>>)
      %dma_wait3A = arith.constant 0 : i32
      %dma_wait3A_106 = arith.constant 0 : i32
      %dma_wait3A_107 = tpu.memref_slice %arg9[%run_scoped3A_91, %dma_wait3A, %dma_wait3A_106] : memref<2x128x64xf32, #tpu.memory_space<vmem>> -> memref<1x120x64xf32, #tpu.memory_space<vmem>>
      %dma_wait3A_108 = tpu.memref_squeeze %dma_wait3A_107 : memref<1x120x64xf32, #tpu.memory_space<vmem>> -> memref<120x64xf32, #tpu.memory_space<vmem>>
      %dma_wait3A_109 = arith.constant 0 : i32
      %dma_wait3A_110 = tpu.memref_slice %arg6[%arg0, %add3A_89, %dma_wait3A_109] : memref<2x10112x64xf32, #tpu.memory_space<hbm>> -> memref<1x120x64xf32, #tpu.memory_space<hbm>>
      %dma_wait3A_111 = tpu.memref_squeeze %dma_wait3A_110 : memref<1x120x64xf32, #tpu.memory_space<hbm>> -> memref<120x64xf32, #tpu.memory_space<hbm>>
      %dma_wait3A_112 = arith.constant 0 : i32
      %dma_wait3A_113 = tpu.memref_slice %arg6[%arg0, %add3A_89, %dma_wait3A_112] : memref<2x10112x64xf32, #tpu.memory_space<hbm>> -> memref<1x120x64xf32, #tpu.memory_space<hbm>>
      %dma_wait3A_114 = tpu.memref_squeeze %dma_wait3A_113 : memref<1x120x64xf32, #tpu.memory_space<hbm>> -> memref<120x64xf32, #tpu.memory_space<hbm>>
      %dma_wait3A_115 = arith.constant 0 : i32
      %dma_wait3A_116 = arith.constant 0 : i32
      %dma_wait3A_117 = tpu.memref_slice %arg9[%run_scoped3A_91, %dma_wait3A_115, %dma_wait3A_116] : memref<2x128x64xf32, #tpu.memory_space<vmem>> -> memref<1x120x64xf32, #tpu.memory_space<vmem>>
      %dma_wait3A_118 = tpu.memref_squeeze %dma_wait3A_117 : memref<1x120x64xf32, #tpu.memory_space<vmem>> -> memref<120x64xf32, #tpu.memory_space<vmem>>
      tpu.wait_dma2 semaphore(%run_scoped3A_92 : memref<!tpu.dma_semaphore, #tpu.memory_space<semaphore_mem>>) src(%dma_wait3A_118 : memref<120x64xf32, #tpu.memory_space<vmem>>) dst(%dma_wait3A_114 : memref<120x64xf32, #tpu.memory_space<hbm>>)
      tpu.yield
    }) : () -> ()
    return
  }
}

module attributes {stable_mosaic.version = 14 : i64} {
  func.func @_l1_body(%arg0: i32, %arg1: memref<1000x128xf32, #tpu.memory_space<vmem>>, %arg2: memref<128x128xf32, #tpu.memory_space<vmem>>, %arg3: memref<128x128xf32, #tpu.memory_space<vmem>>, %arg4: memref<1x128xf32, #tpu.memory_space<vmem>>, %arg5: memref<2x1000x64xf32, #tpu.memory_space<vmem>>, %arg6: memref<1000x128xf32, #tpu.memory_space<vmem>>) attributes {dimension_semantics = [#tpu.dimension_semantics<arbitrary>], iteration_bounds = array<i64: 10>, scalar_prefetch = 0 : i64, scratch_operands = 0 : i64, tpu.core_type = #tpu.core_type<tc>, window_params = [{transform_indices = @transform_0, window_bounds = array<i64: 1000, 128>}, {pipeline_mode = #tpu.pipeline_mode<synchronous>, transform_indices = @transform_1, window_bounds = array<i64: 128, 128>}, {pipeline_mode = #tpu.pipeline_mode<synchronous>, transform_indices = @transform_2, window_bounds = array<i64: 128, 128>}, {pipeline_mode = #tpu.pipeline_mode<synchronous>, transform_indices = @transform_3, window_bounds = array<i64: 1, 128>}, {transform_indices = @transform_4, window_bounds = array<i64: 2, 1000, 64>}, {transform_indices = @transform_5, window_bounds = array<i64: 1000, 128>}]} {
    %get3A = arith.constant 0 : index
    %get3A_0 = arith.constant 0 : index
    %get3A_1 = vector.load %arg1[%get3A, %get3A_0] : memref<1000x128xf32, #tpu.memory_space<vmem>>, vector<1000x128xf32>
    %get3A_2 = arith.constant 0 : index
    %get3A_3 = arith.constant 0 : index
    %get3A_4 = vector.load %arg2[%get3A_2, %get3A_3] : memref<128x128xf32, #tpu.memory_space<vmem>>, vector<128x128xf32>
    %dot_general3A = arith.constant dense<0.000000e+00> : vector<1000x128xf32>
    %dot_general3A_5 = tpu.matmul %get3A_1, %get3A_4, %dot_general3A {dimension_numbers = #tpu.dot_dimension_numbers<[1], [0], [0], [1], [0, 0, 1, 1], [], []>, transpose_lhs_hint = false} : vector<1000x128xf32>, vector<128x128xf32>, vector<1000x128xf32> -> vector<1000x128xf32>
    %slice3A = vector.extract_strided_slice %dot_general3A_5 {offsets = [0, 0], sizes = [1000, 64], strides = [1, 1]} : vector<1000x128xf32> to vector<1000x64xf32>
    %swap3A = arith.constant 0 : index
    %swap3A_6 = arith.constant 0 : index
    %swap3A_7 = arith.constant 0 : index
    %swap3A_8 = vector.load %arg5[%swap3A, %swap3A_6, %swap3A_7] : memref<2x1000x64xf32, #tpu.memory_space<vmem>>, vector<1x1000x64xf32>
    %swap3A_9 = vector.shape_cast %swap3A_8 : vector<1x1000x64xf32> to vector<1000x64xf32>
    %swap3A_10 = vector.shape_cast %slice3A : vector<1000x64xf32> to vector<1x1000x64xf32>
    tpu.vector_store %arg5[%swap3A, %swap3A_6, %swap3A_7], %swap3A_10 {strides = array<i32>} : memref<2x1000x64xf32, #tpu.memory_space<vmem>>, vector<1x1000x64xf32>,
    %slice3A_11 = vector.extract_strided_slice %dot_general3A_5 {offsets = [0, 64], sizes = [1000, 64], strides = [1, 1]} : vector<1000x128xf32> to vector<1000x64xf32>
    %swap3A_12 = arith.constant 1 : index
    %swap3A_13 = arith.constant 0 : index
    %swap3A_14 = arith.constant 0 : index
    %swap3A_15 = vector.load %arg5[%swap3A_12, %swap3A_13, %swap3A_14] : memref<2x1000x64xf32, #tpu.memory_space<vmem>>, vector<1x1000x64xf32>
    %swap3A_16 = vector.shape_cast %swap3A_15 : vector<1x1000x64xf32> to vector<1000x64xf32>
    %swap3A_17 = vector.shape_cast %slice3A_11 : vector<1000x64xf32> to vector<1x1000x64xf32>
    tpu.vector_store %arg5[%swap3A_12, %swap3A_13, %swap3A_14], %swap3A_17 {strides = array<i32>} : memref<2x1000x64xf32, #tpu.memory_space<vmem>>, vector<1x1000x64xf32>,
    %get3A_18 = arith.constant 0 : index
    %get3A_19 = arith.constant 0 : index
    %get3A_20 = vector.load %arg3[%get3A_18, %get3A_19] : memref<128x128xf32, #tpu.memory_space<vmem>>, vector<128x128xf32>
    %dot_general3A_21 = arith.constant dense<0.000000e+00> : vector<1000x128xf32>
    %dot_general3A_22 = tpu.matmul %get3A_1, %get3A_20, %dot_general3A_21 {dimension_numbers = #tpu.dot_dimension_numbers<[1], [0], [0], [1], [0, 0, 1, 1], [], []>, transpose_lhs_hint = false} : vector<1000x128xf32>, vector<128x128xf32>, vector<1000x128xf32> -> vector<1000x128xf32>
    %get3A_23 = arith.constant 0 : index
    %get3A_24 = arith.constant 0 : index
    %get3A_25 = vector.load %arg4[%get3A_23, %get3A_24] : memref<1x128xf32, #tpu.memory_space<vmem>>, vector<1x128xf32>
    %add3A = vector.broadcast %get3A_25 : vector<1x128xf32> to vector<1000x128xf32>
    %add3A_26 = arith.addf %dot_general3A_22, %add3A : vector<1000x128xf32>
    %swap3A_27 = arith.constant 0 : index
    %swap3A_28 = arith.constant 0 : index
    %swap3A_29 = vector.load %arg6[%swap3A_27, %swap3A_28] : memref<1000x128xf32, #tpu.memory_space<vmem>>, vector<1000x128xf32>
    tpu.vector_store %arg6[%swap3A_27, %swap3A_28], %add3A_26 {strides = array<i32>} : memref<1000x128xf32, #tpu.memory_space<vmem>>, vector<1000x128xf32>,
    return
  }
  func.func @transform_0(%arg0: i32) -> (i32, i32) {
    %c0_i32 = arith.constant 0 : i32
    %c0_i32_0 = arith.constant 0 : i32
    return %arg0, %c0_i32 : i32, i32
  }
  func.func @transform_1(%arg0: i32) -> (i32, i32) {
    %c0_i32 = arith.constant 0 : i32
    %c0_i32_0 = arith.constant 0 : i32
    %c0_i32_1 = arith.constant 0 : i32
    return %c0_i32, %c0_i32_0 : i32, i32
  }
  func.func @transform_2(%arg0: i32) -> (i32, i32) {
    %c0_i32 = arith.constant 0 : i32
    %c0_i32_0 = arith.constant 0 : i32
    %c0_i32_1 = arith.constant 0 : i32
    return %c0_i32, %c0_i32_0 : i32, i32
  }
  func.func @transform_3(%arg0: i32) -> (i32, i32) {
    %c0_i32 = arith.constant 0 : i32
    %c0_i32_0 = arith.constant 0 : i32
    %c0_i32_1 = arith.constant 0 : i32
    return %c0_i32, %c0_i32_0 : i32, i32
  }
  func.func @transform_4(%arg0: i32) -> (i32, i32, i32) {
    %c0_i32 = arith.constant 0 : i32
    %c0_i32_0 = arith.constant 0 : i32
    %c0_i32_1 = arith.constant 0 : i32
    return %c0_i32, %arg0, %c0_i32_0 : i32, i32, i32
  }
  func.func @transform_5(%arg0: i32) -> (i32, i32) {
    %c0_i32 = arith.constant 0 : i32
    %c0_i32_0 = arith.constant 0 : i32
    return %arg0, %c0_i32 : i32, i32
  }
}

module attributes {stable_mosaic.version = 14 : i64} {
  func.func @_l2_body(%arg0: i32, %arg1: memref<2x1000x64xf32, #tpu.memory_space<vmem>>, %arg2: memref<1000x128xf32, #tpu.memory_space<vmem>>, %arg3: memref<128x64xf32, #tpu.memory_space<vmem>>, %arg4: memref<128x64xf32, #tpu.memory_space<vmem>>, %arg5: memref<1x64xf32, #tpu.memory_space<vmem>>, %arg6: memref<1000x64xf32, #tpu.memory_space<vmem>>, %arg7: memref<1000x64xf32, #tpu.memory_space<vmem>>) attributes {dimension_semantics = [#tpu.dimension_semantics<arbitrary>], iteration_bounds = array<i64: 10>, scalar_prefetch = 0 : i64, scratch_operands = 0 : i64, tpu.core_type = #tpu.core_type<tc>, window_params = [{transform_indices = @transform_0, window_bounds = array<i64: 2, 1000, 64>}, {transform_indices = @transform_1, window_bounds = array<i64: 1000, 128>}, {pipeline_mode = #tpu.pipeline_mode<synchronous>, transform_indices = @transform_2, window_bounds = array<i64: 128, 64>}, {pipeline_mode = #tpu.pipeline_mode<synchronous>, transform_indices = @transform_3, window_bounds = array<i64: 128, 64>}, {pipeline_mode = #tpu.pipeline_mode<synchronous>, transform_indices = @transform_4, window_bounds = array<i64: 1, 64>}, {transform_indices = @transform_5, window_bounds = array<i64: 1000, 64>}, {transform_indices = @transform_6, window_bounds = array<i64: 1000, 64>}]} {
    %get3A = arith.constant 0 : index
    %get3A_0 = arith.constant 0 : index
    %get3A_1 = arith.constant 0 : index
    %get3A_2 = vector.load %arg1[%get3A, %get3A_0, %get3A_1] : memref<2x1000x64xf32, #tpu.memory_space<vmem>>, vector<1x1000x64xf32>
    %get3A_3 = vector.shape_cast %get3A_2 : vector<1x1000x64xf32> to vector<1000x64xf32>
    %get3A_4 = arith.constant 1 : index
    %get3A_5 = arith.constant 0 : index
    %get3A_6 = arith.constant 0 : index
    %get3A_7 = vector.load %arg1[%get3A_4, %get3A_5, %get3A_6] : memref<2x1000x64xf32, #tpu.memory_space<vmem>>, vector<1x1000x64xf32>
    %get3A_8 = vector.shape_cast %get3A_7 : vector<1x1000x64xf32> to vector<1000x64xf32>
    %concatenate3A = tpu.concatenate %get3A_3, %get3A_8 in 1 : vector<1000x64xf32>, vector<1000x64xf32> -> vector<1000x128xf32>
    %get3A_9 = arith.constant 0 : index
    %get3A_10 = arith.constant 0 : index
    %get3A_11 = vector.load %arg2[%get3A_9, %get3A_10] : memref<1000x128xf32, #tpu.memory_space<vmem>>, vector<1000x128xf32>
    %add3A = arith.addf %concatenate3A, %get3A_11 : vector<1000x128xf32>
    %get3A_12 = arith.constant 0 : index
    %get3A_13 = arith.constant 0 : index
    %get3A_14 = vector.load %arg3[%get3A_12, %get3A_13] : memref<128x64xf32, #tpu.memory_space<vmem>>, vector<128x64xf32>
    %dot_general3A = arith.constant dense<0.000000e+00> : vector<1000x64xf32>
    %dot_general3A_15 = tpu.matmul %add3A, %get3A_14, %dot_general3A {dimension_numbers = #tpu.dot_dimension_numbers<[1], [0], [0], [1], [0, 0, 1, 1], [], []>, transpose_lhs_hint = false} : vector<1000x128xf32>, vector<128x64xf32>, vector<1000x64xf32> -> vector<1000x64xf32>
    %swap3A = arith.constant 0 : index
    %swap3A_16 = arith.constant 0 : index
    %swap3A_17 = vector.load %arg6[%swap3A, %swap3A_16] : memref<1000x64xf32, #tpu.memory_space<vmem>>, vector<1000x64xf32>
    tpu.vector_store %arg6[%swap3A, %swap3A_16], %dot_general3A_15 {strides = array<i32>} : memref<1000x64xf32, #tpu.memory_space<vmem>>, vector<1000x64xf32>,
    %get3A_18 = arith.constant 0 : index
    %get3A_19 = arith.constant 0 : index
    %get3A_20 = vector.load %arg4[%get3A_18, %get3A_19] : memref<128x64xf32, #tpu.memory_space<vmem>>, vector<128x64xf32>
    %dot_general3A_21 = arith.constant dense<0.000000e+00> : vector<1000x64xf32>
    %dot_general3A_22 = tpu.matmul %add3A, %get3A_20, %dot_general3A_21 {dimension_numbers = #tpu.dot_dimension_numbers<[1], [0], [0], [1], [0, 0, 1, 1], [], []>, transpose_lhs_hint = false} : vector<1000x128xf32>, vector<128x64xf32>, vector<1000x64xf32> -> vector<1000x64xf32>
    %get3A_23 = arith.constant 0 : index
    %get3A_24 = arith.constant 0 : index
    %get3A_25 = vector.load %arg5[%get3A_23, %get3A_24] : memref<1x64xf32, #tpu.memory_space<vmem>>, vector<1x64xf32>
    %add3A_26 = vector.broadcast %get3A_25 : vector<1x64xf32> to vector<1000x64xf32>
    %add3A_27 = arith.addf %dot_general3A_22, %add3A_26 : vector<1000x64xf32>
    %swap3A_28 = arith.constant 0 : index
    %swap3A_29 = arith.constant 0 : index
    %swap3A_30 = vector.load %arg7[%swap3A_28, %swap3A_29] : memref<1000x64xf32, #tpu.memory_space<vmem>>, vector<1000x64xf32>
    tpu.vector_store %arg7[%swap3A_28, %swap3A_29], %add3A_27 {strides = array<i32>} : memref<1000x64xf32, #tpu.memory_space<vmem>>, vector<1000x64xf32>,
    return
  }
  func.func @transform_0(%arg0: i32) -> (i32, i32, i32) {
    %c0_i32 = arith.constant 0 : i32
    %c0_i32_0 = arith.constant 0 : i32
    %c0_i32_1 = arith.constant 0 : i32
    return %c0_i32, %arg0, %c0_i32_0 : i32, i32, i32
  }
  func.func @transform_1(%arg0: i32) -> (i32, i32) {
    %c0_i32 = arith.constant 0 : i32
    %c0_i32_0 = arith.constant 0 : i32
    return %arg0, %c0_i32 : i32, i32
  }
  func.func @transform_2(%arg0: i32) -> (i32, i32) {
    %c0_i32 = arith.constant 0 : i32
    %c0_i32_0 = arith.constant 0 : i32
    %c0_i32_1 = arith.constant 0 : i32
    return %c0_i32, %c0_i32_0 : i32, i32
  }
  func.func @transform_3(%arg0: i32) -> (i32, i32) {
    %c0_i32 = arith.constant 0 : i32
    %c0_i32_0 = arith.constant 0 : i32
    %c0_i32_1 = arith.constant 0 : i32
    return %c0_i32, %c0_i32_0 : i32, i32
  }
  func.func @transform_4(%arg0: i32) -> (i32, i32) {
    %c0_i32 = arith.constant 0 : i32
    %c0_i32_0 = arith.constant 0 : i32
    %c0_i32_1 = arith.constant 0 : i32
    return %c0_i32, %c0_i32_0 : i32, i32
  }
  func.func @transform_5(%arg0: i32) -> (i32, i32) {
    %c0_i32 = arith.constant 0 : i32
    %c0_i32_0 = arith.constant 0 : i32
    return %arg0, %c0_i32 : i32, i32
  }
  func.func @transform_6(%arg0: i32) -> (i32, i32) {
    %c0_i32 = arith.constant 0 : i32
    %c0_i32_0 = arith.constant 0 : i32
    return %arg0, %c0_i32 : i32, i32
  }
}

module attributes {stable_mosaic.version = 14 : i64} {
  func.func @_l3_body(%arg0: i32, %arg1: memref<2x1000x64xf32, #tpu.memory_space<vmem>>, %arg2: memref<1000x64xf32, #tpu.memory_space<vmem>>, %arg3: memref<1000x64xf32, #tpu.memory_space<vmem>>) attributes {dimension_semantics = [#tpu.dimension_semantics<arbitrary>], iteration_bounds = array<i64: 10>, scalar_prefetch = 0 : i64, scratch_operands = 0 : i64, tpu.core_type = #tpu.core_type<tc>, window_params = [{transform_indices = @transform_0, window_bounds = array<i64: 2, 1000, 64>}, {transform_indices = @transform_1, window_bounds = array<i64: 1000, 64>}, {transform_indices = @transform_2, window_bounds = array<i64: 1000, 64>}]} {
    %get3A = arith.constant 0 : index
    %get3A_0 = arith.constant 0 : index
    %get3A_1 = arith.constant 0 : index
    %get3A_2 = vector.load %arg1[%get3A, %get3A_0, %get3A_1] : memref<2x1000x64xf32, #tpu.memory_space<vmem>>, vector<1x1000x64xf32>
    %get3A_3 = vector.shape_cast %get3A_2 : vector<1x1000x64xf32> to vector<1000x64xf32>
    %get3A_4 = arith.constant 1 : index
    %get3A_5 = arith.constant 0 : index
    %get3A_6 = arith.constant 0 : index
    %get3A_7 = vector.load %arg1[%get3A_4, %get3A_5, %get3A_6] : memref<2x1000x64xf32, #tpu.memory_space<vmem>>, vector<1x1000x64xf32>
    %get3A_8 = vector.shape_cast %get3A_7 : vector<1x1000x64xf32> to vector<1000x64xf32>
    %add3A = arith.addf %get3A_3, %get3A_8 : vector<1000x64xf32>
    %get3A_9 = arith.constant 0 : index
    %get3A_10 = arith.constant 0 : index
    %get3A_11 = vector.load %arg2[%get3A_9, %get3A_10] : memref<1000x64xf32, #tpu.memory_space<vmem>>, vector<1000x64xf32>
    %add3A_12 = arith.addf %add3A, %get3A_11 : vector<1000x64xf32>
    %reduce_max3A = arith.constant dense<0xFF800000> : vector<1000xf32>
    %reduce_max3A_13 = vector.multi_reduction <maximumf>, %add3A_12, %reduce_max3A [1] : vector<1000x64xf32> to vector<1000xf32>
    %broadcast_in_dim3A = vector.shape_cast %reduce_max3A_13 : vector<1000xf32> to vector<1000x1xf32>
    %sub3A = vector.broadcast %broadcast_in_dim3A : vector<1000x1xf32> to vector<1000x64xf32>
    %sub3A_14 = arith.subf %add3A_12, %sub3A : vector<1000x64xf32>
    %exp3A = math.exp %sub3A_14 : vector<1000x64xf32>
    %reduce_sum3A = arith.constant dense<0.000000e+00> : vector<1000xf32>
    %reduce_sum3A_15 = vector.multi_reduction <add>, %exp3A, %reduce_sum3A [1] : vector<1000x64xf32> to vector<1000xf32>
    %broadcast_in_dim3A_16 = vector.shape_cast %reduce_sum3A_15 : vector<1000xf32> to vector<1000x1xf32>
    %log3A = math.log %broadcast_in_dim3A_16 : vector<1000x1xf32>
    %sub3A_17 = vector.broadcast %broadcast_in_dim3A : vector<1000x1xf32> to vector<1000x64xf32>
    %sub3A_18 = arith.subf %add3A_12, %sub3A_17 : vector<1000x64xf32>
    %sub3A_19 = vector.broadcast %log3A : vector<1000x1xf32> to vector<1000x64xf32>
    %sub3A_20 = arith.subf %sub3A_18, %sub3A_19 : vector<1000x64xf32>
    %swap3A = arith.constant 0 : index
    %swap3A_21 = arith.constant 0 : index
    %swap3A_22 = vector.load %arg3[%swap3A, %swap3A_21] : memref<1000x64xf32, #tpu.memory_space<vmem>>, vector<1000x64xf32>
    tpu.vector_store %arg3[%swap3A, %swap3A_21], %sub3A_20 {strides = array<i32>} : memref<1000x64xf32, #tpu.memory_space<vmem>>, vector<1000x64xf32>,
    return
  }
  func.func @transform_0(%arg0: i32) -> (i32, i32, i32) {
    %c0_i32 = arith.constant 0 : i32
    %c0_i32_0 = arith.constant 0 : i32
    %c0_i32_1 = arith.constant 0 : i32
    return %c0_i32, %arg0, %c0_i32_0 : i32, i32, i32
  }
  func.func @transform_1(%arg0: i32) -> (i32, i32) {
    %c0_i32 = arith.constant 0 : i32
    %c0_i32_0 = arith.constant 0 : i32
    return %arg0, %c0_i32 : i32, i32
  }
  func.func @transform_2(%arg0: i32) -> (i32, i32) {
    %c0_i32 = arith.constant 0 : i32
    %c0_i32_0 = arith.constant 0 : i32
    return %arg0, %c0_i32 : i32, i32
  }
}

</mosaic_0001>

<sc_bundles>
// kernel: kernel.10.cloned.1.call-start
scs
__scs_entry_jumppad:
0x0: {  	(pc) =	sbr.rel $0x88, $3  }
0x1: {  	(tag) =	ssettag $0x0;
	lr =	simm.s32 $0x1  }
0x2: {  	[smem:$0x3F99] =	sst lr;
	_ =	strace $0xD0000000  }
0x3: {  	_ = 	snop  }
0x4: {  	_ = 	snop  }
0x5: {  	_ = 	snop  }
0x6: {  	_ = 	snop  }
0x7: {  	_ = 	snop  }
__scs_overlays_trampoline_lowered:
0x8: {  	[smem:$0x3FA8] =	sst s0  }
0x9: {  	[smem:$0x3FA9] =	sst s1  }
0xa: {  	[smem:$0x3FAA] =	sst s2  }
0xb: {  	[smem:$0x3FAB] =	sst s3  }
0xc: {  	[smem:$0x3FAC] =	sst s4  }
0xd: {  	[smem:$0x3FAD] =	sst s5  }
0xe: {  	[smem:$0x3FAE] =	sst s6  }
0xf: {  	[smem:$0x3FAF] =	sst s7  }
0x10: {  	[smem:$0x3FB0] =	sst s8  }
0x11: {  	[smem:$0x3FB1] =	sst s9;
	s0 =	simm.s32 @!p0 $0x0  }
0x12: {  	s1 =	sld [smem:$0x3F97];
	s0 =	simm.s32 @p0 $0x1  }
0x13: {  	[smem:$0x3FB2] =	sst s0;
	s0 =	simm.s32 @!p1 $0x0  }
0x14: {  	s2 =	sld [smem:$0x3F96];
	s0 =	simm.s32 @p1 $0x1  }
0x15: {  	[smem:$0x3FB3] =	sst s0;
	s0 =	simm.s32 @!p2 $0x0  }
0x16: {  	s3 =	sld [smem:$0x3FDB];
	s0 =	simm.s32 @p2 $0x1  }
0x17: {  	s4 =	simm.s32 $0x1BF5;
	[smem:$0x3FB5] =	sst s0  }
0x18: {  	s0 =	sld [smem:$0x3F98];
	_ =	swait.ge [sflag:s4], $0x0  }
0x19: {  	s7 =	sld [smem:$0x3F99]  }
0x1a: {  	s8 =	sadd.s32 $0xFFFFE003, lr  }
0x1b: {  	s9 =	sadd.s32 $0xFFFFFEF7, lr;
	s5 =	simm.s32 $0xFFFFFFFF;
	p2 =	slt.u32 s8, $0xFFFFF086  }
0x1c: {  	p1 =	slt.u32 s9, $0xF7A;
	s5 =	simm.s32 @!p2 $0x0  }
0x1d: {  	s5 =	simm.s32 @p1 $0x1;
	p0 =	seq.s32 s7, s2  }
0x1e: {  	s7 =	smul.u32 @!p0 $0xF7A, s2;
	p2 =	seq.s32 @!p0 s5, $0x0  }
0x1f: {  	s9 =	smul.u32 $0xF7A, s1;
	s8 =	simm.s32 @!p0 $0x1BF5;
	p2 =	por !p2, p0  }
0x20: {  	[sflag:s8] =	ssyncset.s32 @!p0 $0xFFFFF086;
	s6 =	sadd.s32 @!p0 s3, s7;
	s7 =	simm.s32 @!p0 $0x108  }
0x21: {  	s3 =	sadd.s32 s3, s9;
	s6 =	sadd.s32 @!p0 $0x88, s6;
	s7 =	simm.s32 @p2 $0x1082  }
0x22: {  	[simem:s7], [sflag:s8] =	dma.local @!p0 [hbm:s6], $0xF7A  }
0x23: {  	s9 =	sor.u32 $0xD0000000, s2;
	s6 =	simm.s32 $0x108;
	_ =	swait.ge @!p0 [sflag:s8], $0x0  }
0x24: {  	s3 =	sadd.s32 $0x88, s3;
	s6 =	simm.s32 @!p1 $0x1082;
	[sflag:s4] =	ssyncset.s32 $0xFFFFF086  }
0x25: {  	[simem:s6], [sflag:s4] =	dma.local [hbm:s3], $0xF7A  }
0x26: {  	[smem:$0x3F99] =	sst s1;
	(tag) =	ssettag s2;
	_ =	strace s9  }
0x27: {  	s1 =	sld [smem:$0x3FA9]  }
0x28: {  	s2 =	sld [smem:$0x3FAA]  }
0x29: {  	s4 =	sld [smem:$0x3FAC]  }
0x2a: {  	p0 =	seq.s32 s5, $0x0;
	s5 =	sld [smem:$0x3FAD]  }
0x2b: {  	s6 =	sld [smem:$0x3FAE]  }
0x2c: {  	s7 =	sld [smem:$0x3FAF]  }
0x2d: {  	s3 =	simm.s32 $0x108;
	s8 =	sld [smem:$0x3FB0]  }
0x2e: {  	s3 =	simm.s32 @!p0 $0x1082;
	s9 =	sld [smem:$0x3FB1]  }
0x2f: {  	lr =	sadd.s32 s0, s3;
	s0 =	sld [smem:$0x3FA8]  }
0x30: {  	s3 =	sld [smem:$0x3FAB]  }
0x31: {  	[smem:$0x3FB4] =	sst s10  }
0x32: {  	s10 =	sld [smem:$0x3FB2];
	_ =	sdelay $0x3  }
0x33: {  	p0 =	seq.s32 s10, $0x1;
	s10 =	sld [smem:$0x3FB4];
	_ =	sdelay $0x3  }
0x34: {  	[smem:$0x3FB4] =	sst s10  }
0x35: {  	s10 =	sld [smem:$0x3FB3];
	_ =	sdelay $0x3  }
0x36: {  	p1 =	seq.s32 s10, $0x1;
	s10 =	sld [smem:$0x3FB4];
	_ =	sdelay $0x3  }
0x37: {  	[smem:$0x3FB4] =	sst s10  }
0x38: {  	s10 =	sld [smem:$0x3FB5]  }
0x39: {  	_ = 	snop;
	(pc) =	sbr.ind lr, $3  }
0x3a: {  	_ = 	snop  }
0x3b: {  	_ = 	snop  }
0x3c: {  	p2 =	seq.s32 s10, $0x1;
	s10 =	sld [smem:$0x3FB4]  }
0x3d: {  	_ =	shalt  }
0x3e: {  	_ =	shalt  }
0x3f: {  	_ =	shalt  }
0x40: {  	_ =	shalt  }
0x41: {  	_ =	shalt  }
0x42: {  	_ =	shalt  }
0x43: {  	_ =	shalt  }
0x44: {  	_ =	shalt  }
0x45: {  	_ =	shalt  }
0x46: {  	_ =	shalt  }
0x47: {  	_ =	shalt  }
0x48: {  	_ =	shalt  }
0x49: {  	_ =	shalt  }
0x4a: {  	_ =	shalt  }
0x4b: {  	_ =	shalt  }
0x4c: {  	_ =	shalt  }
0x4d: {  	_ =	shalt  }
0x4e: {  	_ =	shalt  }
0x4f: {  	_ =	shalt  }
0x50: {  	_ =	shalt  }
0x51: {  	_ =	shalt  }
0x52: {  	_ =	shalt  }
0x53: {  	_ =	shalt  }
0x54: {  	_ =	shalt  }
0x55: {  	_ =	shalt  }
0x56: {  	_ =	shalt  }
0x57: {  	_ =	shalt  }
0x58: {  	_ =	shalt  }
0x59: {  	_ =	shalt  }
0x5a: {  	_ =	shalt  }
0x5b: {  	_ =	shalt  }
0x5c: {  	_ =	shalt  }
0x5d: {  	_ =	shalt  }
0x5e: {  	_ =	shalt  }
0x5f: {  	_ =	shalt  }
0x60: {  	_ =	shalt  }
0x61: {  	_ =	shalt  }
0x62: {  	_ =	shalt  }
0x63: {  	_ =	shalt  }
0x64: {  	_ =	shalt  }
0x65: {  	_ =	shalt  }
0x66: {  	_ =	shalt  }
0x67: {  	_ =	shalt  }
0x68: {  	_ =	shalt  }
0x69: {  	_ =	shalt  }
0x6a: {  	_ =	shalt  }
0x6b: {  	_ =	shalt  }
0x6c: {  	_ =	shalt  }
0x6d: {  	_ =	shalt  }
0x6e: {  	_ =	shalt  }
0x6f: {  	_ =	shalt  }
0x70: {  	_ =	shalt  }
0x71: {  	_ =	shalt  }
0x72: {  	_ =	shalt  }
0x73: {  	_ =	shalt  }
0x74: {  	_ =	shalt  }
0x75: {  	_ =	shalt  }
0x76: {  	_ =	shalt  }
0x77: {  	_ =	shalt  }
0x78: {  	_ =	shalt  }
0x79: {  	_ =	shalt  }
0x7a: {  	_ =	shalt  }
0x7b: {  	_ =	shalt  }
0x7c: {  	_ =	shalt  }
0x7d: {  	_ =	shalt  }
0x7e: {  	_ =	shalt  }
0x7f: {  	_ =	shalt  }
0x80: {  	_ =	shalt  }
0x81: {  	_ =	shalt  }
0x82: {  	_ =	shalt  }
0x83: {  	_ =	shalt  }
0x84: {  	_ =	shalt  }
0x85: {  	_ =	shalt  }
0x86: {  	_ =	shalt  }
0x87: {  	_ =	shalt  }
.Lfunc_end0:
.L_simem_size_0:
called_computation.1_lowered:
.L_overlay_start_0:
0x88: {  	s2 =	sld [smem:$0x3FD9]  }
0x89: {  	s3 =	sld [smem:$0x3FFE];
	_ =	sdelay $0x1  }
0x8a: {  	s1 =	srdreg.scid  }
0x8b: {  	s0 =	sand.u32 $0x1, s1  }
0x8c: {  	s17 =	sshll.u32 s0, $0xA;
	s2 =	sadd.s32 s3, s2  }
0x8d: {  	s2 =	sadd.s32 s2, s17  }
0x8e: {  	[smem:$0x3FC0] =	sst s2  }
0x8f: {  	_ = 	snop  }
0x90: {  	s2 =	sld [smem:$0x3FD0];
	(tm) =	ssettm $0x1  }
0x91: {  	s18 =	sld [smem:$0x3FFB];
	_ =	sdelay $0x3  }
0x92: {  	_ =	strace s18  }
0x93: {  	s3 =	sld [smem:$0x3FFC];
	_ =	sdelay $0x3  }
0x94: {  	_ =	strace s3  }
0x95: {  	s3 =	sld [smem:$0x3FFD];
	_ =	sdelay $0x3  }
0x96: {  	_ =	strace s3  }
0x97: {  	_ =	strace $0x8FFFFFFF  }
0x98: {  	s19 =	sld [smem:$0x3FDB];
	_ =	sdelay $0x1  }
0x99: {  	s4 =	simm.s32 $_scs_section_size  }
0x9a: {  	s5 =	simm.s32 $_size__tile_overlayer_lowered;
	s6 =	simm.s32 $_tile_overlayer_lowered  }
0x9b: {  	s22 =	simm.s32 $0x1BFF;
	s21 =	sshll.u32 s6, $0x1;
	s3 =	sadd.s32 s4, s19  }
0x9c: {  	s7 =	simm.s32 $0x0;
	s20 =	sshll.u32 s5, $0x1;
	s5 =	sadd.s32 s21, s3  }
0x9d: {  	[timem:s7], [sflag:s22] =	dma.local [hbm:s5], s20  }
0x9e: {  	_ =	swait.ge [sflag:s22], s20  }
0x9f: {  	s4 =	ssub.s32 $0x0, s20;
	[sflag:s22] =	ssyncset.done $0x0  }
0xa0: {  	[sflag:s22] =	ssyncadd.s32 s4;
	_ =	sdelay $0x1  }
0xa1: {  	s23 =	simm.s32 $0x1B8B  }
0xa2: {  	_ =	swait.ge [sflag:s23], $0x1  }
0xa3: {  	[sflag:s23] =	ssyncset.done $0x0  }
0xa4: {  	s25 =	simm.s32 $0x1B8E;
	s24 =	sld [smem:$0x3FFE];
	[sflag:s23] =	ssyncadd.s32 $0xFFFFFFFF  }
0xa5: {  	s26 =	simm.s32 $execute0_lowered;
	[smem:$0x3FD2] =	sst s25  }
0xa6: {  	s5 =	sshll.u32 s26, $0x1;
	_ =	strace $0x80000049;
	[dreg:$0x1] =	wrdreg $0xFFFFFFFF  }
0xa7: {  	s28 =	simm.s32 $_size_execute0_lowered;
	s3 =	sadd.s32 s3, s5;
	[dreg:$0x0] =	wrdreg $0x0  }
0xa8: {  	s5 =	sshll.u32 s28, $0x1;
	[dreg:$0x2] =	wrdreg s3  }
0xa9: {  	[dreg:$0x3] =	wrdreg s5  }
0xaa: {  	[dreg:$0x4] =	wrdreg $0xC0  }
0xab: {  	_ =	task [dreg:s7], $0x5FFFF  }
0xac: {  	[dreg:$0x1] =	wrdreg $0xFFFFFFFF  }
0xad: {  	[dreg:$0x0] =	wrdreg $0x60  }
0xae: {  	[dreg:$0x2] =	wrdreg s2  }
0xaf: {  	[dreg:$0x3] =	wrdreg s24  }
0xb0: {  	[dreg:$0x4] =	wrdreg $0x70000  }
0xb1: {  	[dreg:$0x5] =	wrdreg $0x10E000  }
0xb2: {  	[dreg:$0x6] =	wrdreg $0x9  }
0xb3: {  	_ =	task.clear_ibuf [dreg:s7], $0x7FFFF;
	_ =	strace $0x90000049  }
0xb4: {  	s29 =	simm.s32 $0x9;
	_ =	strace $0x8000004B  }
0xb5: {  	_ =	swait.ge [sflag:s29], $0x1  }
0xb6: {  	[sflag:s29] =	ssyncadd.s32 $0xFFFFFFFF  }
0xb7: {  	_ =	strace $0x9000004B  }
0xb8: {  	_ =	sfence  }
0xb9: {  	s30 =	sld [smem:$0x0];
	_ =	sdelay $0x2  }
0xba: {  	s31 =	sshll.u32 s1, $0xD;
	s1 =	sshrl.u32 s1, $0x2  }
0xbb: {  	s3 =	sand.u32 $0x4000, s31;
	s1 =	sadd.s32 s1, s30  }
0xbc: {  	s0 =	sor.u32 s3, s0;
	s1 =	sshll.u32 s1, $0x11  }
0xbd: {  	s0 =	sor.u32 s1, s0  }
0xbe: {  	s0 =	sadd.s32 $0x8F2B, s0  }
0xbf: {  	[sflag:s0] =	ssyncadd.remote.s32 $0x1  }
0xc0: {  	_ =	sfence.sel $0xFFFF  }
0xc1: {  	[dreg:$0x0] =	wrdreg $0xFFFFFFFF;
	(pc) =	sbr.abs _section_cstart, $3  }
0xc2: {  	[dreg:$0x1] =	wrdreg $0xFFFFFFFF  }
0xc3: {  	_ =	task.clear_ibuf [dreg:s7], $0x2FFFF;
	_ =	strace $0x9FFFFFFF  }
0xc4: {  	(tm) =	ssettm $0x7FFFFFFF  }
0xc5: {  	_ =	shalt  }
tec
execute0_lowered:
.L_overlay_start_1:
0x0: {  	(tag) =	ssettag $0x1  }
0x1: {  	s5 =	rddreg [dreg:$0x0]  }
0x2: {  	s0 =	srdreg.scid;
	s6 =	rddreg [dreg:$0x1]  }
0x3: {  	s10 =	stileid.u32;
	s2 =	rddreg [dreg:$0x2]  }
0x4: {  	s3 =	rddreg [dreg:$0x3];
	s4 =	simm.s32 $0x0;
	s16 =	simm.s32 $0x2880  }
0x5: {  	s17 =	simm.s32 $0x2900;
	s30 =	simm.s32 $0x4;
	s1 =	sand.u32 $0x1, s0  }
0x6: {  	s8 =	smul.u32 $0x2800, s10;
	[smem:$0x7FF] =	sst s4;
	s20 =	sadd.s32 $0x33000, s6  }
0x7: {  	s0 =	sshll.u32 s1, $0x4;
	_ =	strace $0x8000004A;
	[dreg:$0xf] =	wrdreg s20  }
0x8: {  	s7 =	smul.u32 $0x28000, s1;
	s19 =	ssub.s32 $0x2, s1;
	[dreg:$0x5] =	wrdreg s16  }
0x9: {  	[dreg:$0x6] =	wrdreg s17;
	s20 =	simm.s32 $0x2A00;
	s0 =	sor.u32 s10, s0  }
0xa: {  	s21 =	sshrl.u32 s19, $0x1;
	[dreg:$0x8] =	wrdreg s20;
	s0 =	smul.u32 $0x2800, s0  }
0xb: {  	s18 =	sadd.s32 s8, s7;
	s7 =	ssub.s32 s19, s21;
	s19 =	simm.s32 $0x2980  }
0xc: {  	s8 =	smul.u32 $0x9E00, s10;
	s21 =	simm.s32 $0x2A80;
	[dreg:$0x7] =	wrdreg s19  }
0xd: {  	s31 =	simm.s32 $0x3000;
	s1 =	smul.u32 $0x9E000, s1;
	[dreg:$0x9] =	wrdreg s21  }
0xe: {  	s7 =	smax.u32 s7, $0x1;
	s0 =	sshrl.u32 s0, $0x3;
	s10 =	sadd.s32 $0x2000, s8  }
0xf: {  	s22 =	sshrl.u32 s8, $0x3;
	s12 =	sadd.s32 $0x6000, s8;
	s13 =	sadd.s32 $0x8000, s8  }
0x10: {  	s14 =	sadd.s32 s8, s1;
	s17 =	sadd.s32 s8, s3;
	[dreg:$0x1b] =	wrdreg s7  }
0x11: {  	s7 =	simm.s32 $0x2;
	s9 =	sadd.s32 s0, s6;
	s0 =	sshrl.u32 s18, $0x3  }
0x12: {  	s11 =	sshrl.u32 s10, $0x3;
	s25 =	sshrl.u32 s12, $0x3;
	s26 =	sshrl.u32 s13, $0x3  }
0x13: {  	s20 =	sadd.s32 s12, s3;
	s21 =	sadd.s32 s13, s3;
	s9 =	sadd.s32 $0x64C00, s9  }
0x14: {  	s0 =	sadd.s32 s0, s6;
	s23 =	sadd.s32 s5, s11;
	[dreg:$0x10] =	wrdreg s9  }
0x15: {  	s6 =	sadd.s32 $0x33400, s6;
	s9 =	sadd.s32 s5, s22;
	[dreg:$0x12] =	wrdreg s23  }
0x16: {  	s22 =	sadd.s32 s1, s12;
	s23 =	simm.s32 $0x2B00;
	s16 =	sadd.s32 $0x5AC00, s0  }
0x17: {  	s0 =	simm.s32 $0x3;
	[dreg:$0x11] =	wrdreg s9;
	s9 =	sadd.s32 $0x4000, s8  }
0x18: {  	[dreg:$0xa] =	wrdreg s23;
	s23 =	sadd.s32 s12, s2;
	s24 =	sshrl.u32 s9, $0x3  }
0x19: {  	s12 =	simm.s32 $0x2F80;
	s18 =	sadd.s32 s1, s9;
	s11 =	sadd.s32 s5, s24  }
0x1a: {  	s19 =	sadd.s32 s9, s3;
	s24 =	simm.s32 $0x2B80;
	[dreg:$0x13] =	wrdreg s11  }
0x1b: {  	s28 =	sshrl.u32 s23, $0x3;
	s11 =	sadd.s32 s5, s25;
	[dreg:$0xb] =	wrdreg s24  }
0x1c: {  	s5 =	sadd.s32 s5, s26;
	s25 =	simm.s32 $0x2C00;
	[dreg:$0x14] =	wrdreg s11  }
0x1d: {  	s26 =	simm.s32 $0x2C80;
	s24 =	sadd.s32 s13, s2;
	[dreg:$0x15] =	wrdreg s5  }
0x1e: {  	s11 =	sshrl.u32 s14, $0x3;
	s14 =	sadd.s32 s1, s10;
	[dreg:$0xc] =	wrdreg s25  }
0x1f: {  	s1 =	sadd.s32 s1, s13;
	[dreg:$0xd] =	wrdreg s26;
	s29 =	sshrl.u32 s24, $0x3  }
0x20: {  	s13 =	simm.s32 $0x5000;
	s5 =	sadd.s32 s6, s11;
	s15 =	sshrl.u32 s14, $0x3  }
0x21: {  	s11 =	sshrl.u32 s18, $0x3;
	s1 =	sshrl.u32 s1, $0x3;
	s14 =	sadd.s32 s8, s2  }
0x22: {  	s18 =	sadd.s32 s10, s3;
	s8 =	simm.s32 $0x2D80;
	[dreg:$0x16] =	wrdreg s5  }
0x23: {  	s5 =	sadd.s32 s6, s15;
	s11 =	sadd.s32 s6, s11;
	s1 =	sadd.s32 s6, s1  }
0x24: {  	s15 =	sadd.s32 s10, s2;
	s26 =	sshrl.u32 s14, $0x3;
	[dreg:$0x17] =	wrdreg s5  }
0x25: {  	s10 =	simm.s32 $0x2E80;
	s14 =	simm.s32 $0x0;
	[dreg:$0x18] =	wrdreg s11  }
0x26: {  	s11 =	sshrl.u32 s22, $0x3;
	[dreg:$0x1a] =	wrdreg s1;
	s22 =	sadd.s32 s9, s2  }
0x27: {  	[dreg:$0x1c] =	wrdreg s26;
	s25 =	sshrl.u32 s15, $0x3;
	s1 =	simm.s32 $0x2800  }
0x28: {  	s5 =	simm.s32 $0x80;
	s9 =	simm.s32 $0x2E00;
	s11 =	sadd.s32 s6, s11  }
0x29: {  	s26 =	sshrl.u32 s22, $0x3;
	[dreg:$0x19] =	wrdreg s11;
	s11 =	simm.s32 $0x2D00  }
0x2a: {  	s6 =	simm.s32 $0x1;
	[dreg:$0xe] =	wrdreg s11;
	s11 =	simm.s32 $0x2F00  }
.LBB2_1:
0x2b: {  	s15 =	rddreg [dreg:$0x10]  }
0x2c: {  	[tilespmem:s4], [sflag:$0x4] =	stream.linear.gather [hbm4b:s15+s4], $0x2800, $0x38;
	[tilespmem:$0x1AC00] =	vst v63  }
0x2d: {  	s22 =	stileid.u32;
	_ =	swait.ge [sflag:s30], $0x2800  }
0x2e: {  	s15 =	sshll.u32 s22, $0x6;
	[sflag:s30] =	ssyncset.done $0x0;
	s22 =	rddreg [dreg:$0x11]  }
0x2f: {  	s15 =	sor.u32 $0x1C04, s15;
	s23 =	rddreg [dreg:$0x1c];
	[sflag:s30] =	ssyncadd.s32 $0xFFFFD800  }
0x30: {  	[spmem:s23], [sflag:s15] =	dma.local [hbm:s22], $0x400  }
0x31: {  	_ =	swait.ge [sflag:s30], $0x400  }
0x32: {  	[sflag:s30] =	ssyncset.done $0x0  }
0x33: {  	s23 =	rddreg [dreg:$0x12];
	[sflag:s30] =	ssyncadd.s32 $0xFFFFFC00  }
0x34: {  	[spmem:s25], [sflag:s15] =	dma.local [hbm:s23], $0x400  }
0x35: {  	_ =	swait.ge [sflag:s30], $0x400  }
0x36: {  	[sflag:s30] =	ssyncset.done $0x0  }
0x37: {  	s24 =	rddreg [dreg:$0x13];
	[sflag:s30] =	ssyncadd.s32 $0xFFFFFC00  }
0x38: {  	[spmem:s26], [sflag:s15] =	dma.local [hbm:s24], $0x400  }
0x39: {  	_ =	swait.ge [sflag:s30], $0x400  }
0x3a: {  	[sflag:s30] =	ssyncset.done $0x0  }
0x3b: {  	s23 =	rddreg [dreg:$0x14];
	[sflag:s30] =	ssyncadd.s32 $0xFFFFFC00  }
0x3c: {  	[spmem:s28], [sflag:s15] =	dma.local [hbm:s23], $0x400  }
0x3d: {  	_ =	swait.ge [sflag:s30], $0x400  }
0x3e: {  	[sflag:s30] =	ssyncset.done $0x0  }
0x3f: {  	s24 =	rddreg [dreg:$0x15];
	[sflag:s30] =	ssyncadd.s32 $0xFFFFFC00  }
0x40: {  	[spmem:s29], [sflag:s15] =	dma.local [hbm:s24], $0x3C0  }
0x41: {  	_ =	swait.ge [sflag:s30], $0x3C0  }
0x42: {  	[sflag:s30] =	ssyncset.done $0x0  }
0x43: {  	s22 =	rddreg [dreg:$0xf];
	[sflag:s30] =	ssyncadd.s32 $0xFFFFFC40  }
0x44: {  	[tilespmem:s31], [sflag:$0x4] =	stream.linear.gather [hbm4b:s22+s4], $0x2000, $0x38;
	[tilespmem:$0x1AC00] =	vst v63  }
0x45: {  	_ =	swait.ge [sflag:s30], $0x2000  }
0x46: {  	[sflag:s30] =	ssyncset.done $0x0  }
0x47: {  	[sflag:s30] =	ssyncadd.s32 $0xFFFFE000  }
0x48: {  	[spmem:s17] =	stream.linear.scatter [tilespmem:s31], [sflag:$0x4], $0x2000, $0x38;
	[tilespmem:$0x1AC00] =	vst v63  }
0x49: {  	_ =	swait.ge [sflag:s30], $0x2000  }
0x4a: {  	[sflag:s30] =	ssyncset.done $0x0  }
0x4b: {  	[sflag:s30] =	ssyncadd.s32 $0xFFFFE000  }
0x4c: {  	[spmem:s18] =	stream.linear.scatter [tilespmem:s31], [sflag:$0x4], $0x2000, $0x38;
	[tilespmem:$0x1AC00] =	vst v63  }
0x4d: {  	_ =	swait.ge [sflag:s30], $0x2000  }
0x4e: {  	[sflag:s30] =	ssyncset.done $0x0  }
0x4f: {  	[sflag:s30] =	ssyncadd.s32 $0xFFFFE000  }
0x50: {  	[spmem:s19] =	stream.linear.scatter [tilespmem:s31], [sflag:$0x4], $0x2000, $0x38;
	[tilespmem:$0x1AC00] =	vst v63  }
0x51: {  	_ =	swait.ge [sflag:s30], $0x2000  }
0x52: {  	[sflag:s30] =	ssyncset.done $0x0  }
0x53: {  	[sflag:s30] =	ssyncadd.s32 $0xFFFFE000  }
0x54: {  	[spmem:s20] =	stream.linear.scatter [tilespmem:s31], [sflag:$0x4], $0x2000, $0x38;
	[tilespmem:$0x1AC00] =	vst v63  }
0x55: {  	_ =	swait.ge [sflag:s30], $0x2000  }
0x56: {  	[sflag:s30] =	ssyncset.done $0x0  }
0x57: {  	[sflag:s30] =	ssyncadd.s32 $0xFFFFE000  }
0x58: {  	[spmem:s21] =	stream.linear.scatter [tilespmem:s31], [sflag:$0x4], $0x1E00, $0x38;
	[tilespmem:$0x1AC00] =	vst v63  }
0x59: {  	_ =	swait.ge [sflag:s30], $0x1E00  }
0x5a: {  	[sflag:s30] =	ssyncset.done $0x0  }
0x5b: {  	[sflag:s30] =	ssyncadd.s32 $0xFFFFE200  }
0x5c: {  	[bflag:$0x0] =	sbarrier.arrive $0xFFFF  }
0x5d: {  	[tilespmem:s1], [sflag:$0x3] =	stream.linear.gather [hbm4b:s16+s4], $0x800, $0x38;
	[tilespmem:$0x1AC00] =	vst v63  }
0x5e: {  	_ =	swait.ge [sflag:s0], $0x800  }
0x5f: {  	[sflag:s0] =	ssyncset.done $0x0  }
0x60: {  	s23 =	simm.s32 $0x0;
	[sflag:s0] =	ssyncadd.s32 $0xFFFFF800  }
0x61: {  	[tilespmem:s31], [sflag:$0x1] =	stream.indirect.gather [spmem:s2], $0x40, s23, s5, $0xb8;
	[tilespmem:$0x1AC00] =	vst v63  }
0x62: {  	_ =	swait.ge [sflag:s6], $0x2000  }
0x63: {  	[sflag:s6] =	ssyncset.done $0x0  }
0x64: {  	[sflag:s6] =	ssyncadd.s32 $0xFFFFE000  }
0x65: {  	[spmem:s3] =	stream.indirect.scatter.add.f32 [tilespmem:s31], [sflag:$0x2], $0x40, s1, s5, $0xb8;
	[tilespmem:$0x1AC00] =	vst v63  }
0x66: {  	_ =	swait.ge [sflag:s7], $0x2000  }
0x67: {  	[sflag:s7] =	ssyncset.done $0x0  }
0x68: {  	s24 =	simm.s32 $0x80;
	[sflag:s7] =	ssyncadd.s32 $0xFFFFE000  }
0x69: {  	[tilespmem:s31], [sflag:$0x1] =	stream.indirect.gather [spmem:s2], $0x40, s24, s5, $0xb8;
	[tilespmem:$0x1AC00] =	vst v63  }
0x6a: {  	_ =	swait.ge [sflag:s6], $0x2000  }
0x6b: {  	[sflag:s6] =	ssyncset.done $0x0  }
0x6c: {  	s22 =	rddreg [dreg:$0x5];
	[sflag:s6] =	ssyncadd.s32 $0xFFFFE000  }
0x6d: {  	[spmem:s3] =	stream.indirect.scatter.add.f32 [tilespmem:s31], [sflag:$0x2], $0x40, s22, s5, $0xb8;
	[tilespmem:$0x1AC00] =	vst v63  }
0x6e: {  	_ =	swait.ge [sflag:s7], $0x2000  }
0x6f: {  	[sflag:s7] =	ssyncset.done $0x0  }
0x70: {  	s23 =	simm.s32 $0x100;
	[sflag:s7] =	ssyncadd.s32 $0xFFFFE000  }
0x71: {  	[tilespmem:s31], [sflag:$0x1] =	stream.indirect.gather [spmem:s2], $0x40, s23, s5, $0xb8;
	[tilespmem:$0x1AC00] =	vst v63  }
0x72: {  	_ =	swait.ge [sflag:s6], $0x2000  }
0x73: {  	[sflag:s6] =	ssyncset.done $0x0  }
0x74: {  	s24 =	rddreg [dreg:$0x6];
	[sflag:s6] =	ssyncadd.s32 $0xFFFFE000  }
0x75: {  	[spmem:s3] =	stream.indirect.scatter.add.f32 [tilespmem:s31], [sflag:$0x2], $0x40, s24, s5, $0xb8;
	[tilespmem:$0x1AC00] =	vst v63  }
0x76: {  	_ =	swait.ge [sflag:s7], $0x2000  }
0x77: {  	[sflag:s7] =	ssyncset.done $0x0  }
0x78: {  	s22 =	simm.s32 $0x180;
	[sflag:s7] =	ssyncadd.s32 $0xFFFFE000  }
0x79: {  	[tilespmem:s31], [sflag:$0x1] =	stream.indirect.gather [spmem:s2], $0x40, s22, s5, $0xb8;
	[tilespmem:$0x1AC00] =	vst v63  }
0x7a: {  	_ =	swait.ge [sflag:s6], $0x2000  }
0x7b: {  	[sflag:s6] =	ssyncset.done $0x0  }
0x7c: {  	s23 =	rddreg [dreg:$0x7];
	[sflag:s6] =	ssyncadd.s32 $0xFFFFE000  }
0x7d: {  	[spmem:s3] =	stream.indirect.scatter.add.f32 [tilespmem:s31], [sflag:$0x2], $0x40, s23, s5, $0xb8;
	[tilespmem:$0x1AC00] =	vst v63  }
0x7e: {  	_ =	swait.ge [sflag:s7], $0x2000  }
0x7f: {  	[sflag:s7] =	ssyncset.done $0x0  }
0x80: {  	s24 =	simm.s32 $0x200;
	[sflag:s7] =	ssyncadd.s32 $0xFFFFE000  }
0x81: {  	[tilespmem:s31], [sflag:$0x1] =	stream.indirect.gather [spmem:s2], $0x40, s24, s5, $0xb8;
	[tilespmem:$0x1AC00] =	vst v63  }
0x82: {  	_ =	swait.ge [sflag:s6], $0x2000  }
0x83: {  	[sflag:s6] =	ssyncset.done $0x0  }
0x84: {  	s22 =	rddreg [dreg:$0x8];
	[sflag:s6] =	ssyncadd.s32 $0xFFFFE000  }
0x85: {  	[spmem:s3] =	stream.indirect.scatter.add.f32 [tilespmem:s31], [sflag:$0x2], $0x40, s22, s5, $0xb8;
	[tilespmem:$0x1AC00] =	vst v63  }
0x86: {  	_ =	swait.ge [sflag:s7], $0x2000  }
0x87: {  	[sflag:s7] =	ssyncset.done $0x0  }
0x88: {  	s23 =	simm.s32 $0x280;
	[sflag:s7] =	ssyncadd.s32 $0xFFFFE000  }
0x89: {  	[tilespmem:s31], [sflag:$0x1] =	stream.indirect.gather [spmem:s2], $0x40, s23, s5, $0xb8;
	[tilespmem:$0x1AC00] =	vst v63  }
0x8a: {  	_ =	swait.ge [sflag:s6], $0x2000  }
0x8b: {  	[sflag:s6] =	ssyncset.done $0x0  }
0x8c: {  	s24 =	rddreg [dreg:$0x9];
	[sflag:s6] =	ssyncadd.s32 $0xFFFFE000  }
0x8d: {  	[spmem:s3] =	stream.indirect.scatter.add.f32 [tilespmem:s31], [sflag:$0x2], $0x40, s24, s5, $0xb8;
	[tilespmem:$0x1AC00] =	vst v63  }
0x8e: {  	_ =	swait.ge [sflag:s7], $0x2000  }
0x8f: {  	[sflag:s7] =	ssyncset.done $0x0  }
0x90: {  	s22 =	simm.s32 $0x300;
	[sflag:s7] =	ssyncadd.s32 $0xFFFFE000  }
0x91: {  	[tilespmem:s31], [sflag:$0x1] =	stream.indirect.gather [spmem:s2], $0x40, s22, s5, $0xb8;
	[tilespmem:$0x1AC00] =	vst v63  }
0x92: {  	_ =	swait.ge [sflag:s6], $0x2000  }
0x93: {  	[sflag:s6] =	ssyncset.done $0x0  }
0x94: {  	s23 =	rddreg [dreg:$0xa];
	[sflag:s6] =	ssyncadd.s32 $0xFFFFE000  }
0x95: {  	[spmem:s3] =	stream.indirect.scatter.add.f32 [tilespmem:s31], [sflag:$0x2], $0x40, s23, s5, $0xb8;
	[tilespmem:$0x1AC00] =	vst v63  }
0x96: {  	_ =	swait.ge [sflag:s7], $0x2000  }
0x97: {  	[sflag:s7] =	ssyncset.done $0x0  }
0x98: {  	s24 =	simm.s32 $0x380;
	[sflag:s7] =	ssyncadd.s32 $0xFFFFE000  }
0x99: {  	[tilespmem:s31], [sflag:$0x1] =	stream.indirect.gather [spmem:s2], $0x40, s24, s5, $0xb8;
	[tilespmem:$0x1AC00] =	vst v63  }
0x9a: {  	_ =	swait.ge [sflag:s6], $0x2000  }
0x9b: {  	[sflag:s6] =	ssyncset.done $0x0  }
0x9c: {  	s22 =	rddreg [dreg:$0xb];
	[sflag:s6] =	ssyncadd.s32 $0xFFFFE000  }
0x9d: {  	[spmem:s3] =	stream.indirect.scatter.add.f32 [tilespmem:s31], [sflag:$0x2], $0x40, s22, s5, $0xb8;
	[tilespmem:$0x1AC00] =	vst v63  }
0x9e: {  	_ =	swait.ge [sflag:s7], $0x2000  }
0x9f: {  	[sflag:s7] =	ssyncset.done $0x0  }
0xa0: {  	s23 =	simm.s32 $0x400;
	[sflag:s7] =	ssyncadd.s32 $0xFFFFE000  }
0xa1: {  	[tilespmem:s31], [sflag:$0x1] =	stream.indirect.gather [spmem:s2], $0x40, s23, s5, $0xb8;
	[tilespmem:$0x1AC00] =	vst v63  }
0xa2: {  	_ =	swait.ge [sflag:s6], $0x2000  }
0xa3: {  	[sflag:s6] =	ssyncset.done $0x0  }
0xa4: {  	s24 =	rddreg [dreg:$0xc];
	[sflag:s6] =	ssyncadd.s32 $0xFFFFE000  }
0xa5: {  	[spmem:s3] =	stream.indirect.scatter.add.f32 [tilespmem:s31], [sflag:$0x2], $0x40, s24, s5, $0xb8;
	[tilespmem:$0x1AC00] =	vst v63  }
0xa6: {  	_ =	swait.ge [sflag:s7], $0x2000  }
0xa7: {  	[sflag:s7] =	ssyncset.done $0x0  }
0xa8: {  	s22 =	simm.s32 $0x480;
	[sflag:s7] =	ssyncadd.s32 $0xFFFFE000  }
0xa9: {  	[tilespmem:s31], [sflag:$0x1] =	stream.indirect.gather [spmem:s2], $0x40, s22, s5, $0xb8;
	[tilespmem:$0x1AC00] =	vst v63  }
0xaa: {  	_ =	swait.ge [sflag:s6], $0x2000  }
0xab: {  	[sflag:s6] =	ssyncset.done $0x0  }
0xac: {  	s23 =	rddreg [dreg:$0xd];
	[sflag:s6] =	ssyncadd.s32 $0xFFFFE000  }
0xad: {  	[spmem:s3] =	stream.indirect.scatter.add.f32 [tilespmem:s31], [sflag:$0x2], $0x40, s23, s5, $0xb8;
	[tilespmem:$0x1AC00] =	vst v63  }
0xae: {  	_ =	swait.ge [sflag:s7], $0x2000  }
0xaf: {  	[sflag:s7] =	ssyncset.done $0x0  }
0xb0: {  	s24 =	simm.s32 $0x500;
	[sflag:s7] =	ssyncadd.s32 $0xFFFFE000  }
0xb1: {  	[tilespmem:s31], [sflag:$0x1] =	stream.indirect.gather [spmem:s2], $0x40, s24, s5, $0xb8;
	[tilespmem:$0x1AC00] =	vst v63  }
0xb2: {  	_ =	swait.ge [sflag:s6], $0x2000  }
0xb3: {  	[sflag:s6] =	ssyncset.done $0x0  }
0xb4: {  	s22 =	rddreg [dreg:$0xe];
	[sflag:s6] =	ssyncadd.s32 $0xFFFFE000  }
0xb5: {  	[spmem:s3] =	stream.indirect.scatter.add.f32 [tilespmem:s31], [sflag:$0x2], $0x40, s22, s5, $0xb8;
	[tilespmem:$0x1AC00] =	vst v63  }
0xb6: {  	_ =	swait.ge [sflag:s7], $0x2000  }
0xb7: {  	[sflag:s7] =	ssyncset.done $0x0  }
0xb8: {  	s23 =	simm.s32 $0x580;
	[sflag:s7] =	ssyncadd.s32 $0xFFFFE000  }
0xb9: {  	[tilespmem:s31], [sflag:$0x1] =	stream.indirect.gather [spmem:s2], $0x40, s23, s5, $0xb8;
	[tilespmem:$0x1AC00] =	vst v63  }
0xba: {  	_ =	swait.ge [sflag:s6], $0x2000  }
0xbb: {  	[sflag:s6] =	ssyncset.done $0x0  }
0xbc: {  	[sflag:s6] =	ssyncadd.s32 $0xFFFFE000  }
0xbd: {  	[spmem:s3] =	stream.indirect.scatter.add.f32 [tilespmem:s31], [sflag:$0x2], $0x40, s8, s5, $0xb8;
	[tilespmem:$0x1AC00] =	vst v63  }
0xbe: {  	_ =	swait.ge [sflag:s7], $0x2000  }
0xbf: {  	[sflag:s7] =	ssyncset.done $0x0  }
0xc0: {  	s24 =	simm.s32 $0x600;
	[sflag:s7] =	ssyncadd.s32 $0xFFFFE000  }
0xc1: {  	[tilespmem:s31], [sflag:$0x1] =	stream.indirect.gather [spmem:s2], $0x40, s24, s5, $0xb8;
	[tilespmem:$0x1AC00] =	vst v63  }
0xc2: {  	_ =	swait.ge [sflag:s6], $0x2000  }
0xc3: {  	[sflag:s6] =	ssyncset.done $0x0  }
0xc4: {  	[sflag:s6] =	ssyncadd.s32 $0xFFFFE000  }
0xc5: {  	[spmem:s3] =	stream.indirect.scatter.add.f32 [tilespmem:s31], [sflag:$0x2], $0x40, s9, s5, $0xb8;
	[tilespmem:$0x1AC00] =	vst v63  }
0xc6: {  	_ =	swait.ge [sflag:s7], $0x2000  }
0xc7: {  	[sflag:s7] =	ssyncset.done $0x0  }
0xc8: {  	s22 =	simm.s32 $0x680;
	[sflag:s7] =	ssyncadd.s32 $0xFFFFE000  }
0xc9: {  	[tilespmem:s31], [sflag:$0x1] =	stream.indirect.gather [spmem:s2], $0x40, s22, s5, $0xb8;
	[tilespmem:$0x1AC00] =	vst v63  }
0xca: {  	_ =	swait.ge [sflag:s6], $0x2000  }
0xcb: {  	[sflag:s6] =	ssyncset.done $0x0  }
0xcc: {  	[sflag:s6] =	ssyncadd.s32 $0xFFFFE000  }
0xcd: {  	[spmem:s3] =	stream.indirect.scatter.add.f32 [tilespmem:s31], [sflag:$0x2], $0x40, s10, s5, $0xb8;
	[tilespmem:$0x1AC00] =	vst v63  }
0xce: {  	_ =	swait.ge [sflag:s7], $0x2000  }
0xcf: {  	[sflag:s7] =	ssyncset.done $0x0  }
0xd0: {  	s23 =	simm.s32 $0x700;
	[sflag:s7] =	ssyncadd.s32 $0xFFFFE000  }
0xd1: {  	[tilespmem:s31], [sflag:$0x1] =	stream.indirect.gather [spmem:s2], $0x40, s23, s5, $0xb8;
	[tilespmem:$0x1AC00] =	vst v63  }
0xd2: {  	_ =	swait.ge [sflag:s6], $0x2000  }
0xd3: {  	[sflag:s6] =	ssyncset.done $0x0  }
0xd4: {  	[sflag:s6] =	ssyncadd.s32 $0xFFFFE000  }
0xd5: {  	[spmem:s3] =	stream.indirect.scatter.add.f32 [tilespmem:s31], [sflag:$0x2], $0x40, s11, s5, $0xb8;
	[tilespmem:$0x1AC00] =	vst v63  }
0xd6: {  	_ =	swait.ge [sflag:s7], $0x2000  }
0xd7: {  	[sflag:s7] =	ssyncset.done $0x0  }
0xd8: {  	s24 =	simm.s32 $0x780;
	[sflag:s7] =	ssyncadd.s32 $0xFFFFE000  }
0xd9: {  	[tilespmem:s31], [sflag:$0x1] =	stream.indirect.gather [spmem:s2], $0x40, s24, s5, $0xb8;
	[tilespmem:$0x1AC00] =	vst v63  }
0xda: {  	_ =	swait.ge [sflag:s6], $0x2000  }
0xdb: {  	[sflag:s6] =	ssyncset.done $0x0  }
0xdc: {  	[sflag:s6] =	ssyncadd.s32 $0xFFFFE000  }
0xdd: {  	[spmem:s3] =	stream.indirect.scatter.add.f32 [tilespmem:s31], [sflag:$0x2], $0x40, s12, s5, $0xb8;
	[tilespmem:$0x1AC00] =	vst v63  }
0xde: {  	_ =	swait.ge [sflag:s7], $0x2000  }
0xdf: {  	s15 =	simm.s32 $0x2000;
	s23 =	smov.u32 s16;
	[sflag:s7] =	ssyncset.done $0x0  }
.LBB2_2:
0xe0: {  	[sflag:s7] =	ssyncadd.s32 $0xFFFFE000;
	s23 =	sadd.s32 $0x100, s23  }
0xe1: {  	[tilespmem:s1], [sflag:$0x3] =	stream.linear.gather [hbm4b:s23+s4], $0x800, $0x38;
	[tilespmem:$0x1AC00] =	vst v63  }
0xe2: {  	_ =	swait.ge [sflag:s0], $0x800  }
0xe3: {  	s22 =	smov.u32 s15;
	[sflag:s0] =	ssyncset.done $0x0  }
0xe4: {  	s22 =	sshra.s32 s22, $0x2;
	[sflag:s0] =	ssyncadd.s32 $0xFFFFF800  }
0xe5: {  	[tilespmem:s31], [sflag:$0x1] =	stream.indirect.gather [spmem:s2], $0x40, s22, s5, $0xb8;
	[tilespmem:$0x1AC00] =	vst v63  }
0xe6: {  	_ =	swait.ge [sflag:s6], $0x2000  }
0xe7: {  	[sflag:s6] =	ssyncset.done $0x0  }
0xe8: {  	[sflag:s6] =	ssyncadd.s32 $0xFFFFE000  }
0xe9: {  	[spmem:s3] =	stream.indirect.scatter.add.f32 [tilespmem:s31], [sflag:$0x2], $0x40, s1, s5, $0xb8;
	[tilespmem:$0x1AC00] =	vst v63  }
0xea: {  	_ =	swait.ge [sflag:s7], $0x2000  }
0xeb: {  	[sflag:s7] =	ssyncset.done $0x0  }
0xec: {  	s24 =	sadd.s32 $0x80, s22;
	[sflag:s7] =	ssyncadd.s32 $0xFFFFE000  }
0xed: {  	[tilespmem:s31], [sflag:$0x1] =	stream.indirect.gather [spmem:s2], $0x40, s24, s5, $0xb8;
	[tilespmem:$0x1AC00] =	vst v63  }
0xee: {  	_ =	swait.ge [sflag:s6], $0x2000  }
0xef: {  	[sflag:s6] =	ssyncset.done $0x0  }
0xf0: {  	s24 =	rddreg [dreg:$0x5];
	[sflag:s6] =	ssyncadd.s32 $0xFFFFE000  }
0xf1: {  	[spmem:s3] =	stream.indirect.scatter.add.f32 [tilespmem:s31], [sflag:$0x2], $0x40, s24, s5, $0xb8;
	[tilespmem:$0x1AC00] =	vst v63  }
0xf2: {  	_ =	swait.ge [sflag:s7], $0x2000  }
0xf3: {  	[sflag:s7] =	ssyncset.done $0x0  }
0xf4: {  	s24 =	sadd.s32 $0x100, s22;
	[sflag:s7] =	ssyncadd.s32 $0xFFFFE000  }
0xf5: {  	[tilespmem:s31], [sflag:$0x1] =	stream.indirect.gather [spmem:s2], $0x40, s24, s5, $0xb8;
	[tilespmem:$0x1AC00] =	vst v63  }
0xf6: {  	_ =	swait.ge [sflag:s6], $0x2000  }
0xf7: {  	[sflag:s6] =	ssyncset.done $0x0  }
0xf8: {  	s24 =	rddreg [dreg:$0x6];
	[sflag:s6] =	ssyncadd.s32 $0xFFFFE000  }
0xf9: {  	[spmem:s3] =	stream.indirect.scatter.add.f32 [tilespmem:s31], [sflag:$0x2], $0x40, s24, s5, $0xb8;
	[tilespmem:$0x1AC00] =	vst v63  }
0xfa: {  	_ =	swait.ge [sflag:s7], $0x2000  }
0xfb: {  	[sflag:s7] =	ssyncset.done $0x0  }
0xfc: {  	s24 =	sadd.s32 $0x180, s22;
	[sflag:s7] =	ssyncadd.s32 $0xFFFFE000  }
0xfd: {  	[tilespmem:s31], [sflag:$0x1] =	stream.indirect.gather [spmem:s2], $0x40, s24, s5, $0xb8;
	[tilespmem:$0x1AC00] =	vst v63  }
0xfe: {  	_ =	swait.ge [sflag:s6], $0x2000  }
0xff: {  	[sflag:s6] =	ssyncset.done $0x0  }
0x100: {  	s24 =	rddreg [dreg:$0x7];
	[sflag:s6] =	ssyncadd.s32 $0xFFFFE000  }
0x101: {  	[spmem:s3] =	stream.indirect.scatter.add.f32 [tilespmem:s31], [sflag:$0x2], $0x40, s24, s5, $0xb8;
	[tilespmem:$0x1AC00] =	vst v63  }
0x102: {  	_ =	swait.ge [sflag:s7], $0x2000  }
0x103: {  	[sflag:s7] =	ssyncset.done $0x0  }
0x104: {  	s24 =	sadd.s32 $0x200, s22;
	[sflag:s7] =	ssyncadd.s32 $0xFFFFE000  }
0x105: {  	[tilespmem:s31], [sflag:$0x1] =	stream.indirect.gather [spmem:s2], $0x40, s24, s5, $0xb8;
	[tilespmem:$0x1AC00] =	vst v63  }
0x106: {  	_ =	swait.ge [sflag:s6], $0x2000  }
0x107: {  	[sflag:s6] =	ssyncset.done $0x0  }
0x108: {  	s24 =	rddreg [dreg:$0x8];
	[sflag:s6] =	ssyncadd.s32 $0xFFFFE000  }
0x109: {  	[spmem:s3] =	stream.indirect.scatter.add.f32 [tilespmem:s31], [sflag:$0x2], $0x40, s24, s5, $0xb8;
	[tilespmem:$0x1AC00] =	vst v63  }
0x10a: {  	_ =	swait.ge [sflag:s7], $0x2000  }
0x10b: {  	[sflag:s7] =	ssyncset.done $0x0  }
0x10c: {  	s24 =	sadd.s32 $0x280, s22;
	[sflag:s7] =	ssyncadd.s32 $0xFFFFE000  }
0x10d: {  	[tilespmem:s31], [sflag:$0x1] =	stream.indirect.gather [spmem:s2], $0x40, s24, s5, $0xb8;
	[tilespmem:$0x1AC00] =	vst v63  }
0x10e: {  	_ =	swait.ge [sflag:s6], $0x2000  }
0x10f: {  	[sflag:s6] =	ssyncset.done $0x0  }
0x110: {  	s24 =	rddreg [dreg:$0x9];
	[sflag:s6] =	ssyncadd.s32 $0xFFFFE000  }
0x111: {  	[spmem:s3] =	stream.indirect.scatter.add.f32 [tilespmem:s31], [sflag:$0x2], $0x40, s24, s5, $0xb8;
	[tilespmem:$0x1AC00] =	vst v63  }
0x112: {  	_ =	swait.ge [sflag:s7], $0x2000  }
0x113: {  	[sflag:s7] =	ssyncset.done $0x0  }
0x114: {  	s24 =	sadd.s32 $0x300, s22;
	[sflag:s7] =	ssyncadd.s32 $0xFFFFE000  }
0x115: {  	[tilespmem:s31], [sflag:$0x1] =	stream.indirect.gather [spmem:s2], $0x40, s24, s5, $0xb8;
	[tilespmem:$0x1AC00] =	vst v63  }
0x116: {  	_ =	swait.ge [sflag:s6], $0x2000  }
0x117: {  	[sflag:s6] =	ssyncset.done $0x0  }
0x118: {  	s24 =	rddreg [dreg:$0xa];
	[sflag:s6] =	ssyncadd.s32 $0xFFFFE000  }
0x119: {  	[spmem:s3] =	stream.indirect.scatter.add.f32 [tilespmem:s31], [sflag:$0x2], $0x40, s24, s5, $0xb8;
	[tilespmem:$0x1AC00] =	vst v63  }
0x11a: {  	_ =	swait.ge [sflag:s7], $0x2000  }
0x11b: {  	[sflag:s7] =	ssyncset.done $0x0  }
0x11c: {  	s24 =	sadd.s32 $0x380, s22;
	[sflag:s7] =	ssyncadd.s32 $0xFFFFE000  }
0x11d: {  	[tilespmem:s31], [sflag:$0x1] =	stream.indirect.gather [spmem:s2], $0x40, s24, s5, $0xb8;
	[tilespmem:$0x1AC00] =	vst v63  }
0x11e: {  	_ =	swait.ge [sflag:s6], $0x2000  }
0x11f: {  	[sflag:s6] =	ssyncset.done $0x0  }
0x120: {  	s24 =	rddreg [dreg:$0xb];
	[sflag:s6] =	ssyncadd.s32 $0xFFFFE000  }
0x121: {  	[spmem:s3] =	stream.indirect.scatter.add.f32 [tilespmem:s31], [sflag:$0x2], $0x40, s24, s5, $0xb8;
	[tilespmem:$0x1AC00] =	vst v63  }
0x122: {  	_ =	swait.ge [sflag:s7], $0x2000  }
0x123: {  	[sflag:s7] =	ssyncset.done $0x0  }
0x124: {  	s24 =	sadd.s32 $0x400, s22;
	[sflag:s7] =	ssyncadd.s32 $0xFFFFE000  }
0x125: {  	[tilespmem:s31], [sflag:$0x1] =	stream.indirect.gather [spmem:s2], $0x40, s24, s5, $0xb8;
	[tilespmem:$0x1AC00] =	vst v63  }
0x126: {  	_ =	swait.ge [sflag:s6], $0x2000  }
0x127: {  	[sflag:s6] =	ssyncset.done $0x0  }
0x128: {  	s24 =	rddreg [dreg:$0xc];
	[sflag:s6] =	ssyncadd.s32 $0xFFFFE000  }
0x129: {  	[spmem:s3] =	stream.indirect.scatter.add.f32 [tilespmem:s31], [sflag:$0x2], $0x40, s24, s5, $0xb8;
	[tilespmem:$0x1AC00] =	vst v63  }
0x12a: {  	_ =	swait.ge [sflag:s7], $0x2000  }
0x12b: {  	[sflag:s7] =	ssyncset.done $0x0  }
0x12c: {  	s24 =	sadd.s32 $0x480, s22;
	[sflag:s7] =	ssyncadd.s32 $0xFFFFE000  }
0x12d: {  	[tilespmem:s31], [sflag:$0x1] =	stream.indirect.gather [spmem:s2], $0x40, s24, s5, $0xb8;
	[tilespmem:$0x1AC00] =	vst v63  }
0x12e: {  	_ =	swait.ge [sflag:s6], $0x2000  }
0x12f: {  	[sflag:s6] =	ssyncset.done $0x0  }
0x130: {  	s24 =	rddreg [dreg:$0xd];
	[sflag:s6] =	ssyncadd.s32 $0xFFFFE000  }
0x131: {  	[spmem:s3] =	stream.indirect.scatter.add.f32 [tilespmem:s31], [sflag:$0x2], $0x40, s24, s5, $0xb8;
	[tilespmem:$0x1AC00] =	vst v63  }
0x132: {  	_ =	swait.ge [sflag:s7], $0x2000  }
0x133: {  	[sflag:s7] =	ssyncset.done $0x0  }
0x134: {  	s24 =	sadd.s32 $0x500, s22;
	[sflag:s7] =	ssyncadd.s32 $0xFFFFE000  }
0x135: {  	[tilespmem:s31], [sflag:$0x1] =	stream.indirect.gather [spmem:s2], $0x40, s24, s5, $0xb8;
	[tilespmem:$0x1AC00] =	vst v63  }
0x136: {  	_ =	swait.ge [sflag:s6], $0x2000  }
0x137: {  	[sflag:s6] =	ssyncset.done $0x0  }
0x138: {  	s24 =	rddreg [dreg:$0xe];
	[sflag:s6] =	ssyncadd.s32 $0xFFFFE000  }
0x139: {  	[spmem:s3] =	stream.indirect.scatter.add.f32 [tilespmem:s31], [sflag:$0x2], $0x40, s24, s5, $0xb8;
	[tilespmem:$0x1AC00] =	vst v63  }
0x13a: {  	_ =	swait.ge [sflag:s7], $0x2000  }
0x13b: {  	[sflag:s7] =	ssyncset.done $0x0  }
0x13c: {  	s24 =	sadd.s32 $0x580, s22;
	[sflag:s7] =	ssyncadd.s32 $0xFFFFE000  }
0x13d: {  	[tilespmem:s31], [sflag:$0x1] =	stream.indirect.gather [spmem:s2], $0x40, s24, s5, $0xb8;
	[tilespmem:$0x1AC00] =	vst v63  }
0x13e: {  	_ =	swait.ge [sflag:s6], $0x2000  }
0x13f: {  	[sflag:s6] =	ssyncset.done $0x0  }
0x140: {  	[sflag:s6] =	ssyncadd.s32 $0xFFFFE000  }
0x141: {  	[spmem:s3] =	stream.indirect.scatter.add.f32 [tilespmem:s31], [sflag:$0x2], $0x40, s8, s5, $0xb8;
	[tilespmem:$0x1AC00] =	vst v63  }
0x142: {  	_ =	swait.ge [sflag:s7], $0x2000  }
0x143: {  	[sflag:s7] =	ssyncset.done $0x0  }
0x144: {  	s24 =	sadd.s32 $0x600, s22;
	[sflag:s7] =	ssyncadd.s32 $0xFFFFE000  }
0x145: {  	[tilespmem:s31], [sflag:$0x1] =	stream.indirect.gather [spmem:s2], $0x40, s24, s5, $0xb8;
	[tilespmem:$0x1AC00] =	vst v63  }
0x146: {  	_ =	swait.ge [sflag:s6], $0x2000  }
0x147: {  	[sflag:s6] =	ssyncset.done $0x0  }
0x148: {  	[sflag:s6] =	ssyncadd.s32 $0xFFFFE000  }
0x149: {  	[spmem:s3] =	stream.indirect.scatter.add.f32 [tilespmem:s31], [sflag:$0x2], $0x40, s9, s5, $0xb8;
	[tilespmem:$0x1AC00] =	vst v63  }
0x14a: {  	_ =	swait.ge [sflag:s7], $0x2000  }
0x14b: {  	[sflag:s7] =	ssyncset.done $0x0  }
0x14c: {  	s24 =	sadd.s32 $0x680, s22;
	[sflag:s7] =	ssyncadd.s32 $0xFFFFE000  }
0x14d: {  	[tilespmem:s31], [sflag:$0x1] =	stream.indirect.gather [spmem:s2], $0x40, s24, s5, $0xb8;
	[tilespmem:$0x1AC00] =	vst v63  }
0x14e: {  	_ =	swait.ge [sflag:s6], $0x2000  }
0x14f: {  	[sflag:s6] =	ssyncset.done $0x0  }
0x150: {  	[sflag:s6] =	ssyncadd.s32 $0xFFFFE000  }
0x151: {  	[spmem:s3] =	stream.indirect.scatter.add.f32 [tilespmem:s31], [sflag:$0x2], $0x40, s10, s5, $0xb8;
	[tilespmem:$0x1AC00] =	vst v63  }
0x152: {  	_ =	swait.ge [sflag:s7], $0x2000  }
0x153: {  	[sflag:s7] =	ssyncset.done $0x0  }
0x154: {  	s24 =	sadd.s32 $0x700, s22;
	[sflag:s7] =	ssyncadd.s32 $0xFFFFE000  }
0x155: {  	[tilespmem:s31], [sflag:$0x1] =	stream.indirect.gather [spmem:s2], $0x40, s24, s5, $0xb8;
	[tilespmem:$0x1AC00] =	vst v63  }
0x156: {  	_ =	swait.ge [sflag:s6], $0x2000  }
0x157: {  	[sflag:s6] =	ssyncset.done $0x0  }
0x158: {  	[sflag:s6] =	ssyncadd.s32 $0xFFFFE000  }
0x159: {  	[spmem:s3] =	stream.indirect.scatter.add.f32 [tilespmem:s31], [sflag:$0x2], $0x40, s11, s5, $0xb8;
	[tilespmem:$0x1AC00] =	vst v63  }
0x15a: {  	_ =	swait.ge [sflag:s7], $0x2000  }
0x15b: {  	[sflag:s7] =	ssyncset.done $0x0  }
0x15c: {  	s22 =	sadd.s32 $0x780, s22;
	[sflag:s7] =	ssyncadd.s32 $0xFFFFE000  }
0x15d: {  	[tilespmem:s31], [sflag:$0x1] =	stream.indirect.gather [spmem:s2], $0x40, s22, s5, $0xb8;
	[tilespmem:$0x1AC00] =	vst v63  }
0x15e: {  	p0 =	sne.s32 s15, $0x8000;
	_ =	swait.ge [sflag:s6], $0x2000  }
.Ltmp0:
0x15f: {  	[sflag:s6] =	ssyncset.done $0x0;
	(pc) =	sbr.rel @p0 .LBB2_2-.Ltmp0, $4  }
0x160: {  	[sflag:s6] =	ssyncadd.s32 $0xFFFFE000  }
0x161: {  	[spmem:s3] =	stream.indirect.scatter.add.f32 [tilespmem:s31], [sflag:$0x2], $0x40, s12, s5, $0xb8;
	[tilespmem:$0x1AC00] =	vst v63  }
0x162: {  	_ =	swait.ge [sflag:s7], $0x2000  }
0x163: {  	s15 =	sadd.s32 $0x2000, s15;
	[sflag:s7] =	ssyncset.done $0x0  }
0x164: {  	[sflag:s7] =	ssyncadd.s32 $0xFFFFE000  }
0x165: {  	[bflag:$0x0] =	sbarrier.arrive $0xFFFF  }
0x166: {  	[tilespmem:s31], [sflag:$0x4] =	stream.linear.gather [spmem:s17], $0x2000, $0x38;
	[tilespmem:$0x1AC00] =	vst v63  }
0x167: {  	_ =	swait.ge [sflag:s30], $0x2000  }
0x168: {  	[sflag:s30] =	ssyncset.done $0x0  }
0x169: {  	s15 =	rddreg [dreg:$0x16];
	[sflag:s30] =	ssyncadd.s32 $0xFFFFE000  }
0x16a: {  	[hbm4b:s15+s4] =	stream.linear.scatter [tilespmem:s31], [sflag:$0x4], $0x2000, $0x38;
	[tilespmem:$0x1AC00] =	vst v63  }
0x16b: {  	_ =	swait.ge [sflag:s30], $0x2000  }
0x16c: {  	[sflag:s30] =	ssyncset.done $0x0  }
0x16d: {  	[sflag:s30] =	ssyncadd.s32 $0xFFFFE000  }
0x16e: {  	[tilespmem:s13], [sflag:$0x4] =	stream.linear.gather [spmem:s18], $0x2000, $0x38;
	[tilespmem:$0x1AC00] =	vst v63  }
0x16f: {  	_ =	swait.ge [sflag:s30], $0x2000  }
0x170: {  	[sflag:s30] =	ssyncset.done $0x0  }
0x171: {  	s23 =	rddreg [dreg:$0x17];
	[sflag:s30] =	ssyncadd.s32 $0xFFFFE000  }
0x172: {  	[hbm4b:s23+s4] =	stream.linear.scatter [tilespmem:s13], [sflag:$0x4], $0x2000, $0x38;
	[tilespmem:$0x1AC00] =	vst v63  }
0x173: {  	_ =	swait.ge [sflag:s30], $0x2000  }
0x174: {  	[sflag:s30] =	ssyncset.done $0x0  }
0x175: {  	[sflag:s30] =	ssyncadd.s32 $0xFFFFE000  }
0x176: {  	[tilespmem:s31], [sflag:$0x4] =	stream.linear.gather [spmem:s19], $0x2000, $0x38;
	[tilespmem:$0x1AC00] =	vst v63  }
0x177: {  	_ =	swait.ge [sflag:s30], $0x2000  }
0x178: {  	[sflag:s30] =	ssyncset.done $0x0  }
0x179: {  	s24 =	rddreg [dreg:$0x18];
	[sflag:s30] =	ssyncadd.s32 $0xFFFFE000  }
0x17a: {  	[hbm4b:s24+s4] =	stream.linear.scatter [tilespmem:s31], [sflag:$0x4], $0x2000, $0x38;
	[tilespmem:$0x1AC00] =	vst v63  }
0x17b: {  	_ =	swait.ge [sflag:s30], $0x2000  }
0x17c: {  	[sflag:s30] =	ssyncset.done $0x0  }
0x17d: {  	[sflag:s30] =	ssyncadd.s32 $0xFFFFE000  }
0x17e: {  	[tilespmem:s13], [sflag:$0x4] =	stream.linear.gather [spmem:s20], $0x2000, $0x38;
	[tilespmem:$0x1AC00] =	vst v63  }
0x17f: {  	_ =	swait.ge [sflag:s30], $0x2000  }
0x180: {  	[sflag:s30] =	ssyncset.done $0x0  }
0x181: {  	s22 =	rddreg [dreg:$0x19];
	[sflag:s30] =	ssyncadd.s32 $0xFFFFE000  }
0x182: {  	[hbm4b:s22+s4] =	stream.linear.scatter [tilespmem:s13], [sflag:$0x4], $0x2000, $0x38;
	[tilespmem:$0x1AC00] =	vst v63  }
0x183: {  	_ =	swait.ge [sflag:s30], $0x2000  }
0x184: {  	[sflag:s30] =	ssyncset.done $0x0  }
0x185: {  	[sflag:s30] =	ssyncadd.s32 $0xFFFFE000  }
0x186: {  	[tilespmem:s31], [sflag:$0x4] =	stream.linear.gather [spmem:s21], $0x1E00, $0x38;
	[tilespmem:$0x1AC00] =	vst v63  }
0x187: {  	_ =	swait.ge [sflag:s30], $0x1E00  }
0x188: {  	[sflag:s30] =	ssyncset.done $0x0  }
0x189: {  	s23 =	rddreg [dreg:$0x1a];
	[sflag:s30] =	ssyncadd.s32 $0xFFFFE200  }
0x18a: {  	[hbm4b:s23+s4] =	stream.linear.scatter [tilespmem:s31], [sflag:$0x4], $0x1E00, $0x38;
	[tilespmem:$0x1AC00] =	vst v63  }
0x18b: {  	_ =	swait.ge [sflag:s30], $0x1E00  }
0x18c: {  	s14 =	sadd.s32 $0x1, s14;
	s24 =	rddreg [dreg:$0x1b]  }
0x18d: {  	p0 =	sne.s32 s14, s24  }
.Ltmp1:
0x18e: {  	_ = 	snop;
	(pc) =	sbr.rel @p0 .LBB2_1-.Ltmp1, $3  }
0x18f: {  	_ =	sdelay $0x1  }
0x190: {  	[sflag:s30] =	ssyncset.done $0x0  }
0x191: {  	[sflag:s30] =	ssyncadd.s32 $0xFFFFE200  }
0x192: {  	_ =	sfence.sel $0x180000  }
0x193: {  	[bflag:$0x0] =	sbarrier.arrive $0xFFFF  }
0x194: {  	_ =	strace $0x9000004A  }
0x195: {  	s0 =	stileid.u32;
	[bflag:$0x2] =	sbarrier.arrive $0xFFFF  }
0x196: {  	p0 =	sne.s32 s0, $0x0;
	s0 =	rddreg [dreg:$0x4]  }
0x197: {  	s0 =	sadd.s32 @!p0 $0x100000, s0  }
0x198: {  	[sflag:s0] =	ssyncadd.tile.s32 @!p0 $0x1;
	_ =	shalt  }
.Lfunc_end2:
_tile_overlayer_lowered:
.L_overlay_start_2:
0x199: {  	(tag) =	ssettag $0x2  }
0x19a: {  	s0 =	rddreg [dreg:$0x0];
	s2 =	stileid.u32  }
0x19b: {  	s1 =	rddreg [dreg:$0x1];
	p0 =	sne.s32 s2, $0x0  }
0x19c: {  	s3 =	rddreg [dreg:$0x2];
	[bflag:$0x3] =	sbarrier.arrive $0xFFFF;
	s2 =	simm.s32 @!p0 $0x1C04  }
0x19d: {  	[timem:s3], [sflag:s2] =	dma.local @!p0 [hbm:s0], s1  }
0x19e: {  	s0 =	simm.s32 @!p0 $0x4  }
0x19f: {  	_ =	swait.ge @!p0 [sflag:s0], s1  }
0x1a0: {  	s1 =	ssub.s32 @!p0 $0x0, s1;
	[sflag:s0] =	ssyncset.done @!p0 $0x0  }
0x1a1: {  	[sflag:s0] =	ssyncadd.s32 @!p0 s1  }
0x1a2: {  	[bflag:$0x3] =	sbarrier.arrive $0xFFFF  }
0x1a3: {  	_ =	shalt  }

// kernel: kernel.7.cloned.1.call-start
scs
__scs_entry_jumppad:
0x0: {  	(pc) =	sbr.rel $0x88, $3  }
0x1: {  	(tag) =	ssettag $0x0;
	lr =	simm.s32 $0x1  }
0x2: {  	[smem:$0x3F99] =	sst lr;
	_ =	strace $0xD0000000  }
0x3: {  	_ = 	snop  }
0x4: {  	_ = 	snop  }
0x5: {  	_ = 	snop  }
0x6: {  	_ = 	snop  }
0x7: {  	_ = 	snop  }
__scs_overlays_trampoline_lowered:
0x8: {  	[smem:$0x3FA8] =	sst s0  }
0x9: {  	[smem:$0x3FA9] =	sst s1  }
0xa: {  	[smem:$0x3FAA] =	sst s2  }
0xb: {  	[smem:$0x3FAB] =	sst s3  }
0xc: {  	[smem:$0x3FAC] =	sst s4  }
0xd: {  	[smem:$0x3FAD] =	sst s5  }
0xe: {  	[smem:$0x3FAE] =	sst s6  }
0xf: {  	[smem:$0x3FAF] =	sst s7  }
0x10: {  	[smem:$0x3FB0] =	sst s8  }
0x11: {  	[smem:$0x3FB1] =	sst s9;
	s0 =	simm.s32 @!p0 $0x0  }
0x12: {  	s1 =	sld [smem:$0x3F97];
	s0 =	simm.s32 @p0 $0x1  }
0x13: {  	[smem:$0x3FB2] =	sst s0;
	s0 =	simm.s32 @!p1 $0x0  }
0x14: {  	s2 =	sld [smem:$0x3F96];
	s0 =	simm.s32 @p1 $0x1  }
0x15: {  	[smem:$0x3FB3] =	sst s0;
	s0 =	simm.s32 @!p2 $0x0  }
0x16: {  	s3 =	sld [smem:$0x3FDB];
	s0 =	simm.s32 @p2 $0x1  }
0x17: {  	s4 =	simm.s32 $0x1BF5;
	[smem:$0x3FB5] =	sst s0  }
0x18: {  	s0 =	sld [smem:$0x3F98];
	_ =	swait.ge [sflag:s4], $0x0  }
0x19: {  	s7 =	sld [smem:$0x3F99]  }
0x1a: {  	s8 =	sadd.s32 $0xFFFFE003, lr  }
0x1b: {  	s9 =	sadd.s32 $0xFFFFFEF7, lr;
	s5 =	simm.s32 $0xFFFFFFFF;
	p2 =	slt.u32 s8, $0xFFFFF086  }
0x1c: {  	p1 =	slt.u32 s9, $0xF7A;
	s5 =	simm.s32 @!p2 $0x0  }
0x1d: {  	s5 =	simm.s32 @p1 $0x1;
	p0 =	seq.s32 s7, s2  }
0x1e: {  	s7 =	smul.u32 @!p0 $0xF7A, s2;
	p2 =	seq.s32 @!p0 s5, $0x0  }
0x1f: {  	s9 =	smul.u32 $0xF7A, s1;
	s8 =	simm.s32 @!p0 $0x1BF5;
	p2 =	por !p2, p0  }
0x20: {  	[sflag:s8] =	ssyncset.s32 @!p0 $0xFFFFF086;
	s6 =	sadd.s32 @!p0 s3, s7;
	s7 =	simm.s32 @!p0 $0x108  }
0x21: {  	s3 =	sadd.s32 s3, s9;
	s6 =	sadd.s32 @!p0 $0x88, s6;
	s7 =	simm.s32 @p2 $0x1082  }
0x22: {  	[simem:s7], [sflag:s8] =	dma.local @!p0 [hbm:s6], $0xF7A  }
0x23: {  	s9 =	sor.u32 $0xD0000000, s2;
	s6 =	simm.s32 $0x108;
	_ =	swait.ge @!p0 [sflag:s8], $0x0  }
0x24: {  	s3 =	sadd.s32 $0x88, s3;
	s6 =	simm.s32 @!p1 $0x1082;
	[sflag:s4] =	ssyncset.s32 $0xFFFFF086  }
0x25: {  	[simem:s6], [sflag:s4] =	dma.local [hbm:s3], $0xF7A  }
0x26: {  	[smem:$0x3F99] =	sst s1;
	(tag) =	ssettag s2;
	_ =	strace s9  }
0x27: {  	s1 =	sld [smem:$0x3FA9]  }
0x28: {  	s2 =	sld [smem:$0x3FAA]  }
0x29: {  	s4 =	sld [smem:$0x3FAC]  }
0x2a: {  	p0 =	seq.s32 s5, $0x0;
	s5 =	sld [smem:$0x3FAD]  }
0x2b: {  	s6 =	sld [smem:$0x3FAE]  }
0x2c: {  	s7 =	sld [smem:$0x3FAF]  }
0x2d: {  	s3 =	simm.s32 $0x108;
	s8 =	sld [smem:$0x3FB0]  }
0x2e: {  	s3 =	simm.s32 @!p0 $0x1082;
	s9 =	sld [smem:$0x3FB1]  }
0x2f: {  	lr =	sadd.s32 s0, s3;
	s0 =	sld [smem:$0x3FA8]  }
0x30: {  	s3 =	sld [smem:$0x3FAB]  }
0x31: {  	[smem:$0x3FB4] =	sst s10  }
0x32: {  	s10 =	sld [smem:$0x3FB2];
	_ =	sdelay $0x3  }
0x33: {  	p0 =	seq.s32 s10, $0x1;
	s10 =	sld [smem:$0x3FB4];
	_ =	sdelay $0x3  }
0x34: {  	[smem:$0x3FB4] =	sst s10  }
0x35: {  	s10 =	sld [smem:$0x3FB3];
	_ =	sdelay $0x3  }
0x36: {  	p1 =	seq.s32 s10, $0x1;
	s10 =	sld [smem:$0x3FB4];
	_ =	sdelay $0x3  }
0x37: {  	[smem:$0x3FB4] =	sst s10  }
0x38: {  	s10 =	sld [smem:$0x3FB5]  }
0x39: {  	_ = 	snop;
	(pc) =	sbr.ind lr, $3  }
0x3a: {  	_ = 	snop  }
0x3b: {  	_ = 	snop  }
0x3c: {  	p2 =	seq.s32 s10, $0x1;
	s10 =	sld [smem:$0x3FB4]  }
0x3d: {  	_ =	shalt  }
0x3e: {  	_ =	shalt  }
0x3f: {  	_ =	shalt  }
0x40: {  	_ =	shalt  }
0x41: {  	_ =	shalt  }
0x42: {  	_ =	shalt  }
0x43: {  	_ =	shalt  }
0x44: {  	_ =	shalt  }
0x45: {  	_ =	shalt  }
0x46: {  	_ =	shalt  }
0x47: {  	_ =	shalt  }
0x48: {  	_ =	shalt  }
0x49: {  	_ =	shalt  }
0x4a: {  	_ =	shalt  }
0x4b: {  	_ =	shalt  }
0x4c: {  	_ =	shalt  }
0x4d: {  	_ =	shalt  }
0x4e: {  	_ =	shalt  }
0x4f: {  	_ =	shalt  }
0x50: {  	_ =	shalt  }
0x51: {  	_ =	shalt  }
0x52: {  	_ =	shalt  }
0x53: {  	_ =	shalt  }
0x54: {  	_ =	shalt  }
0x55: {  	_ =	shalt  }
0x56: {  	_ =	shalt  }
0x57: {  	_ =	shalt  }
0x58: {  	_ =	shalt  }
0x59: {  	_ =	shalt  }
0x5a: {  	_ =	shalt  }
0x5b: {  	_ =	shalt  }
0x5c: {  	_ =	shalt  }
0x5d: {  	_ =	shalt  }
0x5e: {  	_ =	shalt  }
0x5f: {  	_ =	shalt  }
0x60: {  	_ =	shalt  }
0x61: {  	_ =	shalt  }
0x62: {  	_ =	shalt  }
0x63: {  	_ =	shalt  }
0x64: {  	_ =	shalt  }
0x65: {  	_ =	shalt  }
0x66: {  	_ =	shalt  }
0x67: {  	_ =	shalt  }
0x68: {  	_ =	shalt  }
0x69: {  	_ =	shalt  }
0x6a: {  	_ =	shalt  }
0x6b: {  	_ =	shalt  }
0x6c: {  	_ =	shalt  }
0x6d: {  	_ =	shalt  }
0x6e: {  	_ =	shalt  }
0x6f: {  	_ =	shalt  }
0x70: {  	_ =	shalt  }
0x71: {  	_ =	shalt  }
0x72: {  	_ =	shalt  }
0x73: {  	_ =	shalt  }
0x74: {  	_ =	shalt  }
0x75: {  	_ =	shalt  }
0x76: {  	_ =	shalt  }
0x77: {  	_ =	shalt  }
0x78: {  	_ =	shalt  }
0x79: {  	_ =	shalt  }
0x7a: {  	_ =	shalt  }
0x7b: {  	_ =	shalt  }
0x7c: {  	_ =	shalt  }
0x7d: {  	_ =	shalt  }
0x7e: {  	_ =	shalt  }
0x7f: {  	_ =	shalt  }
0x80: {  	_ =	shalt  }
0x81: {  	_ =	shalt  }
0x82: {  	_ =	shalt  }
0x83: {  	_ =	shalt  }
0x84: {  	_ =	shalt  }
0x85: {  	_ =	shalt  }
0x86: {  	_ =	shalt  }
0x87: {  	_ =	shalt  }
.Lfunc_end0:
.L_simem_size_0:
called_computation_lowered:
.L_overlay_start_0:
0x88: {  	s2 =	sld [smem:$0x3FD9]  }
0x89: {  	s3 =	sld [smem:$0x3FFE];
	_ =	sdelay $0x1  }
0x8a: {  	s1 =	srdreg.scid  }
0x8b: {  	s0 =	sand.u32 $0x1, s1  }
0x8c: {  	s17 =	sshll.u32 s0, $0xA;
	s2 =	sadd.s32 s3, s2  }
0x8d: {  	s2 =	sadd.s32 s2, s17  }
0x8e: {  	[smem:$0x3FC0] =	sst s2  }
0x8f: {  	_ = 	snop  }
0x90: {  	s2 =	sld [smem:$0x3FD0];
	(tm) =	ssettm $0x1  }
0x91: {  	s18 =	sld [smem:$0x3FFB];
	_ =	sdelay $0x3  }
0x92: {  	_ =	strace s18  }
0x93: {  	s3 =	sld [smem:$0x3FFC];
	_ =	sdelay $0x3  }
0x94: {  	_ =	strace s3  }
0x95: {  	s3 =	sld [smem:$0x3FFD];
	_ =	sdelay $0x3  }
0x96: {  	_ =	strace s3  }
0x97: {  	_ =	strace $0x8FFFFFFF  }
0x98: {  	s19 =	sld [smem:$0x3FDB];
	_ =	sdelay $0x1  }
0x99: {  	s4 =	simm.s32 $_scs_section_size  }
0x9a: {  	s5 =	simm.s32 $_size__tile_overlayer_lowered;
	s6 =	simm.s32 $_tile_overlayer_lowered  }
0x9b: {  	s22 =	simm.s32 $0x1BFF;
	s21 =	sshll.u32 s6, $0x1;
	s3 =	sadd.s32 s4, s19  }
0x9c: {  	s7 =	simm.s32 $0x0;
	s20 =	sshll.u32 s5, $0x1;
	s5 =	sadd.s32 s21, s3  }
0x9d: {  	[timem:s7], [sflag:s22] =	dma.local [hbm:s5], s20  }
0x9e: {  	_ =	swait.ge [sflag:s22], s20  }
0x9f: {  	s4 =	ssub.s32 $0x0, s20;
	[sflag:s22] =	ssyncset.done $0x0  }
0xa0: {  	[sflag:s22] =	ssyncadd.s32 s4;
	_ =	sdelay $0x1  }
0xa1: {  	s23 =	simm.s32 $0x1B8B  }
0xa2: {  	_ =	swait.ge [sflag:s23], $0x1  }
0xa3: {  	[sflag:s23] =	ssyncset.done $0x0  }
0xa4: {  	s25 =	simm.s32 $0x1B8E;
	s24 =	sld [smem:$0x3FFE];
	[sflag:s23] =	ssyncadd.s32 $0xFFFFFFFF  }
0xa5: {  	s26 =	simm.s32 $execute0_lowered;
	[smem:$0x3FD2] =	sst s25  }
0xa6: {  	s5 =	sshll.u32 s26, $0x1;
	_ =	strace $0x80000046;
	[dreg:$0x1] =	wrdreg $0xFFFFFFFF  }
0xa7: {  	s28 =	simm.s32 $_size_execute0_lowered;
	s3 =	sadd.s32 s3, s5;
	[dreg:$0x0] =	wrdreg $0x0  }
0xa8: {  	s5 =	sshll.u32 s28, $0x1;
	[dreg:$0x2] =	wrdreg s3  }
0xa9: {  	[dreg:$0x3] =	wrdreg s5  }
0xaa: {  	[dreg:$0x4] =	wrdreg $0xC0  }
0xab: {  	_ =	task [dreg:s7], $0x5FFFF  }
0xac: {  	[dreg:$0x1] =	wrdreg $0xFFFFFFFF  }
0xad: {  	[dreg:$0x0] =	wrdreg $0x60  }
0xae: {  	[dreg:$0x2] =	wrdreg s24  }
0xaf: {  	[dreg:$0x3] =	wrdreg s2  }
0xb0: {  	[dreg:$0x4] =	wrdreg $0x98000  }
0xb1: {  	[dreg:$0x5] =	wrdreg $0x136000  }
0xb2: {  	[dreg:$0x6] =	wrdreg $0x9  }
0xb3: {  	_ =	task.clear_ibuf [dreg:s7], $0x7FFFF;
	_ =	strace $0x90000046  }
0xb4: {  	s29 =	simm.s32 $0x9;
	_ =	strace $0x80000048  }
0xb5: {  	_ =	swait.ge [sflag:s29], $0x1  }
0xb6: {  	[sflag:s29] =	ssyncadd.s32 $0xFFFFFFFF  }
0xb7: {  	_ =	strace $0x90000048  }
0xb8: {  	_ =	sfence  }
0xb9: {  	s30 =	sld [smem:$0x0];
	_ =	sdelay $0x2  }
0xba: {  	s31 =	sshll.u32 s1, $0xD;
	s1 =	sshrl.u32 s1, $0x2  }
0xbb: {  	s3 =	sand.u32 $0x4000, s31;
	s1 =	sadd.s32 s1, s30  }
0xbc: {  	s0 =	sor.u32 s3, s0;
	s1 =	sshll.u32 s1, $0x11  }
0xbd: {  	s0 =	sor.u32 s1, s0  }
0xbe: {  	s0 =	sadd.s32 $0x8F2B, s0  }
0xbf: {  	[sflag:s0] =	ssyncadd.remote.s32 $0x1  }
0xc0: {  	_ =	sfence.sel $0xFFFF  }
0xc1: {  	[dreg:$0x0] =	wrdreg $0xFFFFFFFF;
	(pc) =	sbr.abs _section_cstart, $3  }
0xc2: {  	[dreg:$0x1] =	wrdreg $0xFFFFFFFF  }
0xc3: {  	_ =	task.clear_ibuf [dreg:s7], $0x2FFFF;
	_ =	strace $0x9FFFFFFF  }
0xc4: {  	(tm) =	ssettm $0x7FFFFFFF  }
0xc5: {  	_ =	shalt  }
tec
execute0_lowered:
.L_overlay_start_1:
0x0: {  	(tag) =	ssettag $0x1  }
0x1: {  	s2 =	rddreg [dreg:$0x0]  }
0x2: {  	s6 =	rddreg [dreg:$0x1]  }
0x3: {  	s1 =	rddreg [dreg:$0x2]  }
0x4: {  	s3 =	rddreg [dreg:$0x3];
	s4 =	simm.s32 $0x0  }
0x5: {  	s13 =	stileid.u32;
	s5 =	srdreg.scid;
	s30 =	simm.s32 $0x4  }
0x6: {  	s31 =	simm.s32 $0x5800;
	[smem:$0x7FF] =	sst s4;
	s0 =	smul.u32 $0xA00, s13  }
0x7: {  	s7 =	sand.u32 $0x1, s5;
	s8 =	smul.u32 $0x5000, s13;
	s9 =	sadd.s32 $0xB800, s2  }
0x8: {  	s16 =	sadd.s32 $0x33000, s2;
	s12 =	smul.u32 $0x278, s13;
	s5 =	sadd.s32 $0x33400, s2  }
0x9: {  	_ =	strace $0x80000047;
	s10 =	smul.u32 $0x2780, s7;
	[dreg:$0xf] =	wrdreg s16  }
0xa: {  	s11 =	ssub.s32 $0x2, s7;
	s7 =	smul.u32 $0x9E000, s7;
	s16 =	simm.s32 $0x5080  }
0xb: {  	s0 =	sadd.s32 s0, s2;
	s17 =	sshrl.u32 s11, $0x1;
	s8 =	sshrl.u32 s8, $0x3  }
0xc: {  	s19 =	sadd.s32 $0x80, s12;
	s21 =	sadd.s32 $0x100, s12;
	s23 =	sadd.s32 $0x180, s12  }
0xd: {  	[dreg:$0x5] =	wrdreg s16;
	s2 =	ssub.s32 s11, s17;
	s6 =	sadd.s32 s6, s8  }
0xe: {  	s18 =	sadd.s32 s12, s10;
	s8 =	smul.u32 $0x9E00, s13;
	s20 =	sadd.s32 s10, s19  }
0xf: {  	s11 =	sshll.u32 s19, $0x6;
	s14 =	sadd.s32 s10, s21;
	s13 =	sshll.u32 s21, $0x6  }
0x10: {  	s24 =	sadd.s32 s10, s23;
	s12 =	sadd.s32 $0x200, s12;
	s17 =	simm.s32 $0x5100  }
0x11: {  	s19 =	simm.s32 $0x5180;
	s21 =	simm.s32 $0x5280;
	s16 =	sadd.s32 $0x1800, s0  }
0x12: {  	s0 =	simm.s32 $0x5000;
	[dreg:$0x10] =	wrdreg s6;
	s6 =	sshll.u32 s18, $0x3  }
0x13: {  	s22 =	sshll.u32 s14, $0x3;
	s14 =	sshll.u32 s23, $0x6;
	[dreg:$0x6] =	wrdreg s17  }
0x14: {  	s25 =	sadd.s32 s10, s12;
	s10 =	sshll.u32 s12, $0x6;
	[dreg:$0x7] =	wrdreg s19  }
0x15: {  	s12 =	sadd.s32 s7, s11;
	s18 =	sadd.s32 s7, s13;
	[dreg:$0x9] =	wrdreg s21  }
0x16: {  	s23 =	simm.s32 $0x5300;
	s19 =	sadd.s32 s13, s3;
	s2 =	smax.u32 s2, $0x1  }
0x17: {  	s6 =	sadd.s32 s9, s6;
	s26 =	sadd.s32 s8, s7;
	s15 =	sshrl.u32 s12, $0x3  }
0x18: {  	[dreg:$0xa] =	wrdreg s23;
	s12 =	sadd.s32 s8, s1;
	s17 =	sadd.s32 s8, s3  }
0x19: {  	s23 =	sadd.s32 s14, s1;
	s21 =	sadd.s32 s10, s3;
	[dreg:$0x1b] =	wrdreg s2  }
0x1a: {  	s2 =	simm.s32 $0x3;
	s8 =	simm.s32 $0x5580;
	[dreg:$0x11] =	wrdreg s6  }
0x1b: {  	s6 =	sshll.u32 s20, $0x3;
	s20 =	simm.s32 $0x5200;
	s28 =	sshrl.u32 s23, $0x3  }
0x1c: {  	s6 =	sadd.s32 s9, s6;
	[dreg:$0x8] =	wrdreg s20;
	s20 =	sadd.s32 s14, s3  }
0x1d: {  	[dreg:$0x12] =	wrdreg s6;
	s6 =	sadd.s32 s9, s22;
	s22 =	sadd.s32 s7, s14  }
0x1e: {  	s7 =	sadd.s32 s7, s10;
	s14 =	simm.s32 $0x0;
	[dreg:$0x13] =	wrdreg s6  }
0x1f: {  	s6 =	sshll.u32 s24, $0x3;
	s24 =	simm.s32 $0x5380;
	s7 =	sshrl.u32 s7, $0x3  }
0x20: {  	s6 =	sadd.s32 s9, s6;
	[dreg:$0xb] =	wrdreg s24;
	s24 =	sadd.s32 s10, s1  }
0x21: {  	[dreg:$0x14] =	wrdreg s6;
	s6 =	sshll.u32 s25, $0x3;
	s25 =	simm.s32 $0x5400  }
0x22: {  	s10 =	simm.s32 $0x5680;
	s6 =	sadd.s32 s9, s6;
	[dreg:$0xc] =	wrdreg s25  }
0x23: {  	s9 =	sshrl.u32 s26, $0x3;
	s26 =	simm.s32 $0x5480;
	[dreg:$0x15] =	wrdreg s6  }
0x24: {  	s29 =	sshrl.u32 s24, $0x3;
	s6 =	sadd.s32 s5, s9;
	[dreg:$0xd] =	wrdreg s26  }
0x25: {  	s9 =	sshrl.u32 s18, $0x3;
	s26 =	sshrl.u32 s12, $0x3;
	[dreg:$0x16] =	wrdreg s6  }
0x26: {  	s18 =	sadd.s32 s11, s3;
	s6 =	sadd.s32 s5, s15;
	[dreg:$0x1c] =	wrdreg s26  }
0x27: {  	s12 =	simm.s32 $0x5780;
	s9 =	sadd.s32 s5, s9;
	[dreg:$0x17] =	wrdreg s6  }
0x28: {  	s15 =	sadd.s32 s11, s1;
	s11 =	simm.s32 $0x5700;
	[dreg:$0x18] =	wrdreg s9  }
0x29: {  	s9 =	sshrl.u32 s22, $0x3;
	s22 =	sadd.s32 s13, s1;
	s25 =	sshrl.u32 s15, $0x3  }
0x2a: {  	s6 =	simm.s32 $0x1;
	s13 =	simm.s32 $0x7800;
	s9 =	sadd.s32 s5, s9  }
0x2b: {  	s5 =	sadd.s32 s5, s7;
	s26 =	sshrl.u32 s22, $0x3;
	[dreg:$0x19] =	wrdreg s9  }
0x2c: {  	s7 =	simm.s32 $0x2;
	s9 =	simm.s32 $0x5500;
	[dreg:$0x1a] =	wrdreg s5  }
0x2d: {  	s5 =	simm.s32 $0x80;
	[dreg:$0xe] =	wrdreg s9;
	s9 =	simm.s32 $0x5600  }
.LBB2_1:
0x2e: {  	s15 =	rddreg [dreg:$0x10]  }
0x2f: {  	[tilespmem:s4], [sflag:$0x4] =	stream.linear.gather [hbm4b:s15+s4], $0x5000, $0x38;
	[tilespmem:$0x1D400] =	vst v63  }
0x30: {  	s22 =	stileid.u32;
	_ =	swait.ge [sflag:s30], $0x5000  }
0x31: {  	s15 =	sshll.u32 s22, $0x6;
	[sflag:s30] =	ssyncset.done $0x0;
	s22 =	rddreg [dreg:$0x11]  }
0x32: {  	s15 =	sor.u32 $0x1C04, s15;
	s23 =	rddreg [dreg:$0x1c];
	[sflag:s30] =	ssyncadd.s32 $0xFFFFB000  }
0x33: {  	[spmem:s23], [sflag:s15] =	dma.local [hbm:s22], $0x400  }
0x34: {  	_ =	swait.ge [sflag:s30], $0x400  }
0x35: {  	[sflag:s30] =	ssyncset.done $0x0  }
0x36: {  	s23 =	rddreg [dreg:$0x12];
	[sflag:s30] =	ssyncadd.s32 $0xFFFFFC00  }
0x37: {  	[spmem:s25], [sflag:s15] =	dma.local [hbm:s23], $0x400  }
0x38: {  	_ =	swait.ge [sflag:s30], $0x400  }
0x39: {  	[sflag:s30] =	ssyncset.done $0x0  }
0x3a: {  	s24 =	rddreg [dreg:$0x13];
	[sflag:s30] =	ssyncadd.s32 $0xFFFFFC00  }
0x3b: {  	[spmem:s26], [sflag:s15] =	dma.local [hbm:s24], $0x400  }
0x3c: {  	_ =	swait.ge [sflag:s30], $0x400  }
0x3d: {  	[sflag:s30] =	ssyncset.done $0x0  }
0x3e: {  	s23 =	rddreg [dreg:$0x14];
	[sflag:s30] =	ssyncadd.s32 $0xFFFFFC00  }
0x3f: {  	[spmem:s28], [sflag:s15] =	dma.local [hbm:s23], $0x400  }
0x40: {  	_ =	swait.ge [sflag:s30], $0x400  }
0x41: {  	[sflag:s30] =	ssyncset.done $0x0  }
0x42: {  	s24 =	rddreg [dreg:$0x15];
	[sflag:s30] =	ssyncadd.s32 $0xFFFFFC00  }
0x43: {  	[spmem:s29], [sflag:s15] =	dma.local [hbm:s24], $0x3C0  }
0x44: {  	_ =	swait.ge [sflag:s30], $0x3C0  }
0x45: {  	[sflag:s30] =	ssyncset.done $0x0  }
0x46: {  	s22 =	rddreg [dreg:$0xf];
	[sflag:s30] =	ssyncadd.s32 $0xFFFFFC40  }
0x47: {  	[tilespmem:s31], [sflag:$0x4] =	stream.linear.gather [hbm4b:s22+s4], $0x2000, $0x38;
	[tilespmem:$0x1D400] =	vst v63  }
0x48: {  	_ =	swait.ge [sflag:s30], $0x2000  }
0x49: {  	[sflag:s30] =	ssyncset.done $0x0  }
0x4a: {  	[sflag:s30] =	ssyncadd.s32 $0xFFFFE000  }
0x4b: {  	[spmem:s17] =	stream.linear.scatter [tilespmem:s31], [sflag:$0x4], $0x2000, $0x38;
	[tilespmem:$0x1D400] =	vst v63  }
0x4c: {  	_ =	swait.ge [sflag:s30], $0x2000  }
0x4d: {  	[sflag:s30] =	ssyncset.done $0x0  }
0x4e: {  	[sflag:s30] =	ssyncadd.s32 $0xFFFFE000  }
0x4f: {  	[spmem:s18] =	stream.linear.scatter [tilespmem:s31], [sflag:$0x4], $0x2000, $0x38;
	[tilespmem:$0x1D400] =	vst v63  }
0x50: {  	_ =	swait.ge [sflag:s30], $0x2000  }
0x51: {  	[sflag:s30] =	ssyncset.done $0x0  }
0x52: {  	[sflag:s30] =	ssyncadd.s32 $0xFFFFE000  }
0x53: {  	[spmem:s19] =	stream.linear.scatter [tilespmem:s31], [sflag:$0x4], $0x2000, $0x38;
	[tilespmem:$0x1D400] =	vst v63  }
0x54: {  	_ =	swait.ge [sflag:s30], $0x2000  }
0x55: {  	[sflag:s30] =	ssyncset.done $0x0  }
0x56: {  	[sflag:s30] =	ssyncadd.s32 $0xFFFFE000  }
0x57: {  	[spmem:s20] =	stream.linear.scatter [tilespmem:s31], [sflag:$0x4], $0x2000, $0x38;
	[tilespmem:$0x1D400] =	vst v63  }
0x58: {  	_ =	swait.ge [sflag:s30], $0x2000  }
0x59: {  	[sflag:s30] =	ssyncset.done $0x0  }
0x5a: {  	[sflag:s30] =	ssyncadd.s32 $0xFFFFE000  }
0x5b: {  	[spmem:s21] =	stream.linear.scatter [tilespmem:s31], [sflag:$0x4], $0x1E00, $0x38;
	[tilespmem:$0x1D400] =	vst v63  }
0x5c: {  	_ =	swait.ge [sflag:s30], $0x1E00  }
0x5d: {  	[sflag:s30] =	ssyncset.done $0x0  }
0x5e: {  	[sflag:s30] =	ssyncadd.s32 $0xFFFFE200  }
0x5f: {  	[bflag:$0x0] =	sbarrier.arrive $0xFFFF  }
0x60: {  	[tilespmem:s0], [sflag:$0x3] =	stream.linear.gather [hbm4b:s16+s4], $0x800, $0x38;
	[tilespmem:$0x1D400] =	vst v63  }
0x61: {  	_ =	swait.ge [sflag:s2], $0x800  }
0x62: {  	[sflag:s2] =	ssyncset.done $0x0  }
0x63: {  	s23 =	simm.s32 $0x0;
	[sflag:s2] =	ssyncadd.s32 $0xFFFFF800  }
0x64: {  	[tilespmem:s31], [sflag:$0x1] =	stream.indirect.gather [spmem:s1], $0x40, s23, s5, $0xb8;
	[tilespmem:$0x1D400] =	vst v63  }
0x65: {  	_ =	swait.ge [sflag:s6], $0x2000  }
0x66: {  	[sflag:s6] =	ssyncset.done $0x0  }
0x67: {  	[sflag:s6] =	ssyncadd.s32 $0xFFFFE000  }
0x68: {  	[spmem:s3] =	stream.indirect.scatter.add.f32 [tilespmem:s31], [sflag:$0x2], $0x40, s0, s5, $0xb8;
	[tilespmem:$0x1D400] =	vst v63  }
0x69: {  	_ =	swait.ge [sflag:s7], $0x2000  }
0x6a: {  	[sflag:s7] =	ssyncset.done $0x0  }
0x6b: {  	s24 =	simm.s32 $0x80;
	[sflag:s7] =	ssyncadd.s32 $0xFFFFE000  }
0x6c: {  	[tilespmem:s31], [sflag:$0x1] =	stream.indirect.gather [spmem:s1], $0x40, s24, s5, $0xb8;
	[tilespmem:$0x1D400] =	vst v63  }
0x6d: {  	_ =	swait.ge [sflag:s6], $0x2000  }
0x6e: {  	[sflag:s6] =	ssyncset.done $0x0  }
0x6f: {  	s22 =	rddreg [dreg:$0x5];
	[sflag:s6] =	ssyncadd.s32 $0xFFFFE000  }
0x70: {  	[spmem:s3] =	stream.indirect.scatter.add.f32 [tilespmem:s31], [sflag:$0x2], $0x40, s22, s5, $0xb8;
	[tilespmem:$0x1D400] =	vst v63  }
0x71: {  	_ =	swait.ge [sflag:s7], $0x2000  }
0x72: {  	[sflag:s7] =	ssyncset.done $0x0  }
0x73: {  	s23 =	simm.s32 $0x100;
	[sflag:s7] =	ssyncadd.s32 $0xFFFFE000  }
0x74: {  	[tilespmem:s31], [sflag:$0x1] =	stream.indirect.gather [spmem:s1], $0x40, s23, s5, $0xb8;
	[tilespmem:$0x1D400] =	vst v63  }
0x75: {  	_ =	swait.ge [sflag:s6], $0x2000  }
0x76: {  	[sflag:s6] =	ssyncset.done $0x0  }
0x77: {  	s24 =	rddreg [dreg:$0x6];
	[sflag:s6] =	ssyncadd.s32 $0xFFFFE000  }
0x78: {  	[spmem:s3] =	stream.indirect.scatter.add.f32 [tilespmem:s31], [sflag:$0x2], $0x40, s24, s5, $0xb8;
	[tilespmem:$0x1D400] =	vst v63  }
0x79: {  	_ =	swait.ge [sflag:s7], $0x2000  }
0x7a: {  	[sflag:s7] =	ssyncset.done $0x0  }
0x7b: {  	s22 =	simm.s32 $0x180;
	[sflag:s7] =	ssyncadd.s32 $0xFFFFE000  }
0x7c: {  	[tilespmem:s31], [sflag:$0x1] =	stream.indirect.gather [spmem:s1], $0x40, s22, s5, $0xb8;
	[tilespmem:$0x1D400] =	vst v63  }
0x7d: {  	_ =	swait.ge [sflag:s6], $0x2000  }
0x7e: {  	[sflag:s6] =	ssyncset.done $0x0  }
0x7f: {  	s23 =	rddreg [dreg:$0x7];
	[sflag:s6] =	ssyncadd.s32 $0xFFFFE000  }
0x80: {  	[spmem:s3] =	stream.indirect.scatter.add.f32 [tilespmem:s31], [sflag:$0x2], $0x40, s23, s5, $0xb8;
	[tilespmem:$0x1D400] =	vst v63  }
0x81: {  	_ =	swait.ge [sflag:s7], $0x2000  }
0x82: {  	[sflag:s7] =	ssyncset.done $0x0  }
0x83: {  	s24 =	simm.s32 $0x200;
	[sflag:s7] =	ssyncadd.s32 $0xFFFFE000  }
0x84: {  	[tilespmem:s31], [sflag:$0x1] =	stream.indirect.gather [spmem:s1], $0x40, s24, s5, $0xb8;
	[tilespmem:$0x1D400] =	vst v63  }
0x85: {  	_ =	swait.ge [sflag:s6], $0x2000  }
0x86: {  	[sflag:s6] =	ssyncset.done $0x0  }
0x87: {  	s22 =	rddreg [dreg:$0x8];
	[sflag:s6] =	ssyncadd.s32 $0xFFFFE000  }
0x88: {  	[spmem:s3] =	stream.indirect.scatter.add.f32 [tilespmem:s31], [sflag:$0x2], $0x40, s22, s5, $0xb8;
	[tilespmem:$0x1D400] =	vst v63  }
0x89: {  	_ =	swait.ge [sflag:s7], $0x2000  }
0x8a: {  	[sflag:s7] =	ssyncset.done $0x0  }
0x8b: {  	s23 =	simm.s32 $0x280;
	[sflag:s7] =	ssyncadd.s32 $0xFFFFE000  }
0x8c: {  	[tilespmem:s31], [sflag:$0x1] =	stream.indirect.gather [spmem:s1], $0x40, s23, s5, $0xb8;
	[tilespmem:$0x1D400] =	vst v63  }
0x8d: {  	_ =	swait.ge [sflag:s6], $0x2000  }
0x8e: {  	[sflag:s6] =	ssyncset.done $0x0  }
0x8f: {  	s24 =	rddreg [dreg:$0x9];
	[sflag:s6] =	ssyncadd.s32 $0xFFFFE000  }
0x90: {  	[spmem:s3] =	stream.indirect.scatter.add.f32 [tilespmem:s31], [sflag:$0x2], $0x40, s24, s5, $0xb8;
	[tilespmem:$0x1D400] =	vst v63  }
0x91: {  	_ =	swait.ge [sflag:s7], $0x2000  }
0x92: {  	[sflag:s7] =	ssyncset.done $0x0  }
0x93: {  	s22 =	simm.s32 $0x300;
	[sflag:s7] =	ssyncadd.s32 $0xFFFFE000  }
0x94: {  	[tilespmem:s31], [sflag:$0x1] =	stream.indirect.gather [spmem:s1], $0x40, s22, s5, $0xb8;
	[tilespmem:$0x1D400] =	vst v63  }
0x95: {  	_ =	swait.ge [sflag:s6], $0x2000  }
0x96: {  	[sflag:s6] =	ssyncset.done $0x0  }
0x97: {  	s23 =	rddreg [dreg:$0xa];
	[sflag:s6] =	ssyncadd.s32 $0xFFFFE000  }
0x98: {  	[spmem:s3] =	stream.indirect.scatter.add.f32 [tilespmem:s31], [sflag:$0x2], $0x40, s23, s5, $0xb8;
	[tilespmem:$0x1D400] =	vst v63  }
0x99: {  	_ =	swait.ge [sflag:s7], $0x2000  }
0x9a: {  	[sflag:s7] =	ssyncset.done $0x0  }
0x9b: {  	s24 =	simm.s32 $0x380;
	[sflag:s7] =	ssyncadd.s32 $0xFFFFE000  }
0x9c: {  	[tilespmem:s31], [sflag:$0x1] =	stream.indirect.gather [spmem:s1], $0x40, s24, s5, $0xb8;
	[tilespmem:$0x1D400] =	vst v63  }
0x9d: {  	_ =	swait.ge [sflag:s6], $0x2000  }
0x9e: {  	[sflag:s6] =	ssyncset.done $0x0  }
0x9f: {  	s22 =	rddreg [dreg:$0xb];
	[sflag:s6] =	ssyncadd.s32 $0xFFFFE000  }
0xa0: {  	[spmem:s3] =	stream.indirect.scatter.add.f32 [tilespmem:s31], [sflag:$0x2], $0x40, s22, s5, $0xb8;
	[tilespmem:$0x1D400] =	vst v63  }
0xa1: {  	_ =	swait.ge [sflag:s7], $0x2000  }
0xa2: {  	[sflag:s7] =	ssyncset.done $0x0  }
0xa3: {  	s23 =	simm.s32 $0x400;
	[sflag:s7] =	ssyncadd.s32 $0xFFFFE000  }
0xa4: {  	[tilespmem:s31], [sflag:$0x1] =	stream.indirect.gather [spmem:s1], $0x40, s23, s5, $0xb8;
	[tilespmem:$0x1D400] =	vst v63  }
0xa5: {  	_ =	swait.ge [sflag:s6], $0x2000  }
0xa6: {  	[sflag:s6] =	ssyncset.done $0x0  }
0xa7: {  	s24 =	rddreg [dreg:$0xc];
	[sflag:s6] =	ssyncadd.s32 $0xFFFFE000  }
0xa8: {  	[spmem:s3] =	stream.indirect.scatter.add.f32 [tilespmem:s31], [sflag:$0x2], $0x40, s24, s5, $0xb8;
	[tilespmem:$0x1D400] =	vst v63  }
0xa9: {  	_ =	swait.ge [sflag:s7], $0x2000  }
0xaa: {  	[sflag:s7] =	ssyncset.done $0x0  }
0xab: {  	s22 =	simm.s32 $0x480;
	[sflag:s7] =	ssyncadd.s32 $0xFFFFE000  }
0xac: {  	[tilespmem:s31], [sflag:$0x1] =	stream.indirect.gather [spmem:s1], $0x40, s22, s5, $0xb8;
	[tilespmem:$0x1D400] =	vst v63  }
0xad: {  	_ =	swait.ge [sflag:s6], $0x2000  }
0xae: {  	[sflag:s6] =	ssyncset.done $0x0  }
0xaf: {  	s23 =	rddreg [dreg:$0xd];
	[sflag:s6] =	ssyncadd.s32 $0xFFFFE000  }
0xb0: {  	[spmem:s3] =	stream.indirect.scatter.add.f32 [tilespmem:s31], [sflag:$0x2], $0x40, s23, s5, $0xb8;
	[tilespmem:$0x1D400] =	vst v63  }
0xb1: {  	_ =	swait.ge [sflag:s7], $0x2000  }
0xb2: {  	[sflag:s7] =	ssyncset.done $0x0  }
0xb3: {  	s24 =	simm.s32 $0x500;
	[sflag:s7] =	ssyncadd.s32 $0xFFFFE000  }
0xb4: {  	[tilespmem:s31], [sflag:$0x1] =	stream.indirect.gather [spmem:s1], $0x40, s24, s5, $0xb8;
	[tilespmem:$0x1D400] =	vst v63  }
0xb5: {  	_ =	swait.ge [sflag:s6], $0x2000  }
0xb6: {  	[sflag:s6] =	ssyncset.done $0x0  }
0xb7: {  	s22 =	rddreg [dreg:$0xe];
	[sflag:s6] =	ssyncadd.s32 $0xFFFFE000  }
0xb8: {  	[spmem:s3] =	stream.indirect.scatter.add.f32 [tilespmem:s31], [sflag:$0x2], $0x40, s22, s5, $0xb8;
	[tilespmem:$0x1D400] =	vst v63  }
0xb9: {  	_ =	swait.ge [sflag:s7], $0x2000  }
0xba: {  	[sflag:s7] =	ssyncset.done $0x0  }
0xbb: {  	s23 =	simm.s32 $0x580;
	[sflag:s7] =	ssyncadd.s32 $0xFFFFE000  }
0xbc: {  	[tilespmem:s31], [sflag:$0x1] =	stream.indirect.gather [spmem:s1], $0x40, s23, s5, $0xb8;
	[tilespmem:$0x1D400] =	vst v63  }
0xbd: {  	_ =	swait.ge [sflag:s6], $0x2000  }
0xbe: {  	[sflag:s6] =	ssyncset.done $0x0  }
0xbf: {  	[sflag:s6] =	ssyncadd.s32 $0xFFFFE000  }
0xc0: {  	[spmem:s3] =	stream.indirect.scatter.add.f32 [tilespmem:s31], [sflag:$0x2], $0x40, s8, s5, $0xb8;
	[tilespmem:$0x1D400] =	vst v63  }
0xc1: {  	_ =	swait.ge [sflag:s7], $0x2000  }
0xc2: {  	[sflag:s7] =	ssyncset.done $0x0  }
0xc3: {  	s24 =	simm.s32 $0x600;
	[sflag:s7] =	ssyncadd.s32 $0xFFFFE000  }
0xc4: {  	[tilespmem:s31], [sflag:$0x1] =	stream.indirect.gather [spmem:s1], $0x40, s24, s5, $0xb8;
	[tilespmem:$0x1D400] =	vst v63  }
0xc5: {  	_ =	swait.ge [sflag:s6], $0x2000  }
0xc6: {  	[sflag:s6] =	ssyncset.done $0x0  }
0xc7: {  	[sflag:s6] =	ssyncadd.s32 $0xFFFFE000  }
0xc8: {  	[spmem:s3] =	stream.indirect.scatter.add.f32 [tilespmem:s31], [sflag:$0x2], $0x40, s9, s5, $0xb8;
	[tilespmem:$0x1D400] =	vst v63  }
0xc9: {  	_ =	swait.ge [sflag:s7], $0x2000  }
0xca: {  	[sflag:s7] =	ssyncset.done $0x0  }
0xcb: {  	s22 =	simm.s32 $0x680;
	[sflag:s7] =	ssyncadd.s32 $0xFFFFE000  }
0xcc: {  	[tilespmem:s31], [sflag:$0x1] =	stream.indirect.gather [spmem:s1], $0x40, s22, s5, $0xb8;
	[tilespmem:$0x1D400] =	vst v63  }
0xcd: {  	_ =	swait.ge [sflag:s6], $0x2000  }
0xce: {  	[sflag:s6] =	ssyncset.done $0x0  }
0xcf: {  	[sflag:s6] =	ssyncadd.s32 $0xFFFFE000  }
0xd0: {  	[spmem:s3] =	stream.indirect.scatter.add.f32 [tilespmem:s31], [sflag:$0x2], $0x40, s10, s5, $0xb8;
	[tilespmem:$0x1D400] =	vst v63  }
0xd1: {  	_ =	swait.ge [sflag:s7], $0x2000  }
0xd2: {  	[sflag:s7] =	ssyncset.done $0x0  }
0xd3: {  	s23 =	simm.s32 $0x700;
	[sflag:s7] =	ssyncadd.s32 $0xFFFFE000  }
0xd4: {  	[tilespmem:s31], [sflag:$0x1] =	stream.indirect.gather [spmem:s1], $0x40, s23, s5, $0xb8;
	[tilespmem:$0x1D400] =	vst v63  }
0xd5: {  	_ =	swait.ge [sflag:s6], $0x2000  }
0xd6: {  	[sflag:s6] =	ssyncset.done $0x0  }
0xd7: {  	[sflag:s6] =	ssyncadd.s32 $0xFFFFE000  }
0xd8: {  	[spmem:s3] =	stream.indirect.scatter.add.f32 [tilespmem:s31], [sflag:$0x2], $0x40, s11, s5, $0xb8;
	[tilespmem:$0x1D400] =	vst v63  }
0xd9: {  	_ =	swait.ge [sflag:s7], $0x2000  }
0xda: {  	[sflag:s7] =	ssyncset.done $0x0  }
0xdb: {  	s24 =	simm.s32 $0x780;
	[sflag:s7] =	ssyncadd.s32 $0xFFFFE000  }
0xdc: {  	[tilespmem:s31], [sflag:$0x1] =	stream.indirect.gather [spmem:s1], $0x40, s24, s5, $0xb8;
	[tilespmem:$0x1D400] =	vst v63  }
0xdd: {  	_ =	swait.ge [sflag:s6], $0x2000  }
0xde: {  	[sflag:s6] =	ssyncset.done $0x0  }
0xdf: {  	[sflag:s6] =	ssyncadd.s32 $0xFFFFE000  }
0xe0: {  	[spmem:s3] =	stream.indirect.scatter.add.f32 [tilespmem:s31], [sflag:$0x2], $0x40, s12, s5, $0xb8;
	[tilespmem:$0x1D400] =	vst v63  }
0xe1: {  	_ =	swait.ge [sflag:s7], $0x2000  }
0xe2: {  	s15 =	simm.s32 $0x2000;
	s23 =	smov.u32 s16;
	[sflag:s7] =	ssyncset.done $0x0  }
.LBB2_2:
0xe3: {  	[sflag:s7] =	ssyncadd.s32 $0xFFFFE000;
	s23 =	sadd.s32 $0x100, s23  }
0xe4: {  	[tilespmem:s0], [sflag:$0x3] =	stream.linear.gather [hbm4b:s23+s4], $0x800, $0x38;
	[tilespmem:$0x1D400] =	vst v63  }
0xe5: {  	_ =	swait.ge [sflag:s2], $0x800  }
0xe6: {  	s22 =	smov.u32 s15;
	[sflag:s2] =	ssyncset.done $0x0  }
0xe7: {  	s22 =	sshra.s32 s22, $0x2;
	[sflag:s2] =	ssyncadd.s32 $0xFFFFF800  }
0xe8: {  	[tilespmem:s31], [sflag:$0x1] =	stream.indirect.gather [spmem:s1], $0x40, s22, s5, $0xb8;
	[tilespmem:$0x1D400] =	vst v63  }
0xe9: {  	_ =	swait.ge [sflag:s6], $0x2000  }
0xea: {  	[sflag:s6] =	ssyncset.done $0x0  }
0xeb: {  	[sflag:s6] =	ssyncadd.s32 $0xFFFFE000  }
0xec: {  	[spmem:s3] =	stream.indirect.scatter.add.f32 [tilespmem:s31], [sflag:$0x2], $0x40, s0, s5, $0xb8;
	[tilespmem:$0x1D400] =	vst v63  }
0xed: {  	_ =	swait.ge [sflag:s7], $0x2000  }
0xee: {  	[sflag:s7] =	ssyncset.done $0x0  }
0xef: {  	s24 =	sadd.s32 $0x80, s22;
	[sflag:s7] =	ssyncadd.s32 $0xFFFFE000  }
0xf0: {  	[tilespmem:s31], [sflag:$0x1] =	stream.indirect.gather [spmem:s1], $0x40, s24, s5, $0xb8;
	[tilespmem:$0x1D400] =	vst v63  }
0xf1: {  	_ =	swait.ge [sflag:s6], $0x2000  }
0xf2: {  	[sflag:s6] =	ssyncset.done $0x0  }
0xf3: {  	s24 =	rddreg [dreg:$0x5];
	[sflag:s6] =	ssyncadd.s32 $0xFFFFE000  }
0xf4: {  	[spmem:s3] =	stream.indirect.scatter.add.f32 [tilespmem:s31], [sflag:$0x2], $0x40, s24, s5, $0xb8;
	[tilespmem:$0x1D400] =	vst v63  }
0xf5: {  	_ =	swait.ge [sflag:s7], $0x2000  }
0xf6: {  	[sflag:s7] =	ssyncset.done $0x0  }
0xf7: {  	s24 =	sadd.s32 $0x100, s22;
	[sflag:s7] =	ssyncadd.s32 $0xFFFFE000  }
0xf8: {  	[tilespmem:s31], [sflag:$0x1] =	stream.indirect.gather [spmem:s1], $0x40, s24, s5, $0xb8;
	[tilespmem:$0x1D400] =	vst v63  }
0xf9: {  	_ =	swait.ge [sflag:s6], $0x2000  }
0xfa: {  	[sflag:s6] =	ssyncset.done $0x0  }
0xfb: {  	s24 =	rddreg [dreg:$0x6];
	[sflag:s6] =	ssyncadd.s32 $0xFFFFE000  }
0xfc: {  	[spmem:s3] =	stream.indirect.scatter.add.f32 [tilespmem:s31], [sflag:$0x2], $0x40, s24, s5, $0xb8;
	[tilespmem:$0x1D400] =	vst v63  }
0xfd: {  	_ =	swait.ge [sflag:s7], $0x2000  }
0xfe: {  	[sflag:s7] =	ssyncset.done $0x0  }
0xff: {  	s24 =	sadd.s32 $0x180, s22;
	[sflag:s7] =	ssyncadd.s32 $0xFFFFE000  }
0x100: {  	[tilespmem:s31], [sflag:$0x1] =	stream.indirect.gather [spmem:s1], $0x40, s24, s5, $0xb8;
	[tilespmem:$0x1D400] =	vst v63  }
0x101: {  	_ =	swait.ge [sflag:s6], $0x2000  }
0x102: {  	[sflag:s6] =	ssyncset.done $0x0  }
0x103: {  	s24 =	rddreg [dreg:$0x7];
	[sflag:s6] =	ssyncadd.s32 $0xFFFFE000  }
0x104: {  	[spmem:s3] =	stream.indirect.scatter.add.f32 [tilespmem:s31], [sflag:$0x2], $0x40, s24, s5, $0xb8;
	[tilespmem:$0x1D400] =	vst v63  }
0x105: {  	_ =	swait.ge [sflag:s7], $0x2000  }
0x106: {  	[sflag:s7] =	ssyncset.done $0x0  }
0x107: {  	s24 =	sadd.s32 $0x200, s22;
	[sflag:s7] =	ssyncadd.s32 $0xFFFFE000  }
0x108: {  	[tilespmem:s31], [sflag:$0x1] =	stream.indirect.gather [spmem:s1], $0x40, s24, s5, $0xb8;
	[tilespmem:$0x1D400] =	vst v63  }
0x109: {  	_ =	swait.ge [sflag:s6], $0x2000  }
0x10a: {  	[sflag:s6] =	ssyncset.done $0x0  }
0x10b: {  	s24 =	rddreg [dreg:$0x8];
	[sflag:s6] =	ssyncadd.s32 $0xFFFFE000  }
0x10c: {  	[spmem:s3] =	stream.indirect.scatter.add.f32 [tilespmem:s31], [sflag:$0x2], $0x40, s24, s5, $0xb8;
	[tilespmem:$0x1D400] =	vst v63  }
0x10d: {  	_ =	swait.ge [sflag:s7], $0x2000  }
0x10e: {  	[sflag:s7] =	ssyncset.done $0x0  }
0x10f: {  	s24 =	sadd.s32 $0x280, s22;
	[sflag:s7] =	ssyncadd.s32 $0xFFFFE000  }
0x110: {  	[tilespmem:s31], [sflag:$0x1] =	stream.indirect.gather [spmem:s1], $0x40, s24, s5, $0xb8;
	[tilespmem:$0x1D400] =	vst v63  }
0x111: {  	_ =	swait.ge [sflag:s6], $0x2000  }
0x112: {  	[sflag:s6] =	ssyncset.done $0x0  }
0x113: {  	s24 =	rddreg [dreg:$0x9];
	[sflag:s6] =	ssyncadd.s32 $0xFFFFE000  }
0x114: {  	[spmem:s3] =	stream.indirect.scatter.add.f32 [tilespmem:s31], [sflag:$0x2], $0x40, s24, s5, $0xb8;
	[tilespmem:$0x1D400] =	vst v63  }
0x115: {  	_ =	swait.ge [sflag:s7], $0x2000  }
0x116: {  	[sflag:s7] =	ssyncset.done $0x0  }
0x117: {  	s24 =	sadd.s32 $0x300, s22;
	[sflag:s7] =	ssyncadd.s32 $0xFFFFE000  }
0x118: {  	[tilespmem:s31], [sflag:$0x1] =	stream.indirect.gather [spmem:s1], $0x40, s24, s5, $0xb8;
	[tilespmem:$0x1D400] =	vst v63  }
0x119: {  	_ =	swait.ge [sflag:s6], $0x2000  }
0x11a: {  	[sflag:s6] =	ssyncset.done $0x0  }
0x11b: {  	s24 =	rddreg [dreg:$0xa];
	[sflag:s6] =	ssyncadd.s32 $0xFFFFE000  }
0x11c: {  	[spmem:s3] =	stream.indirect.scatter.add.f32 [tilespmem:s31], [sflag:$0x2], $0x40, s24, s5, $0xb8;
	[tilespmem:$0x1D400] =	vst v63  }
0x11d: {  	_ =	swait.ge [sflag:s7], $0x2000  }
0x11e: {  	[sflag:s7] =	ssyncset.done $0x0  }
0x11f: {  	s24 =	sadd.s32 $0x380, s22;
	[sflag:s7] =	ssyncadd.s32 $0xFFFFE000  }
0x120: {  	[tilespmem:s31], [sflag:$0x1] =	stream.indirect.gather [spmem:s1], $0x40, s24, s5, $0xb8;
	[tilespmem:$0x1D400] =	vst v63  }
0x121: {  	_ =	swait.ge [sflag:s6], $0x2000  }
0x122: {  	[sflag:s6] =	ssyncset.done $0x0  }
0x123: {  	s24 =	rddreg [dreg:$0xb];
	[sflag:s6] =	ssyncadd.s32 $0xFFFFE000  }
0x124: {  	[spmem:s3] =	stream.indirect.scatter.add.f32 [tilespmem:s31], [sflag:$0x2], $0x40, s24, s5, $0xb8;
	[tilespmem:$0x1D400] =	vst v63  }
0x125: {  	_ =	swait.ge [sflag:s7], $0x2000  }
0x126: {  	[sflag:s7] =	ssyncset.done $0x0  }
0x127: {  	s24 =	sadd.s32 $0x400, s22;
	[sflag:s7] =	ssyncadd.s32 $0xFFFFE000  }
0x128: {  	[tilespmem:s31], [sflag:$0x1] =	stream.indirect.gather [spmem:s1], $0x40, s24, s5, $0xb8;
	[tilespmem:$0x1D400] =	vst v63  }
0x129: {  	_ =	swait.ge [sflag:s6], $0x2000  }
0x12a: {  	[sflag:s6] =	ssyncset.done $0x0  }
0x12b: {  	s24 =	rddreg [dreg:$0xc];
	[sflag:s6] =	ssyncadd.s32 $0xFFFFE000  }
0x12c: {  	[spmem:s3] =	stream.indirect.scatter.add.f32 [tilespmem:s31], [sflag:$0x2], $0x40, s24, s5, $0xb8;
	[tilespmem:$0x1D400] =	vst v63  }
0x12d: {  	_ =	swait.ge [sflag:s7], $0x2000  }
0x12e: {  	[sflag:s7] =	ssyncset.done $0x0  }
0x12f: {  	s24 =	sadd.s32 $0x480, s22;
	[sflag:s7] =	ssyncadd.s32 $0xFFFFE000  }
0x130: {  	[tilespmem:s31], [sflag:$0x1] =	stream.indirect.gather [spmem:s1], $0x40, s24, s5, $0xb8;
	[tilespmem:$0x1D400] =	vst v63  }
0x131: {  	_ =	swait.ge [sflag:s6], $0x2000  }
0x132: {  	[sflag:s6] =	ssyncset.done $0x0  }
0x133: {  	s24 =	rddreg [dreg:$0xd];
	[sflag:s6] =	ssyncadd.s32 $0xFFFFE000  }
0x134: {  	[spmem:s3] =	stream.indirect.scatter.add.f32 [tilespmem:s31], [sflag:$0x2], $0x40, s24, s5, $0xb8;
	[tilespmem:$0x1D400] =	vst v63  }
0x135: {  	_ =	swait.ge [sflag:s7], $0x2000  }
0x136: {  	[sflag:s7] =	ssyncset.done $0x0  }
0x137: {  	s24 =	sadd.s32 $0x500, s22;
	[sflag:s7] =	ssyncadd.s32 $0xFFFFE000  }
0x138: {  	[tilespmem:s31], [sflag:$0x1] =	stream.indirect.gather [spmem:s1], $0x40, s24, s5, $0xb8;
	[tilespmem:$0x1D400] =	vst v63  }
0x139: {  	_ =	swait.ge [sflag:s6], $0x2000  }
0x13a: {  	[sflag:s6] =	ssyncset.done $0x0  }
0x13b: {  	s24 =	rddreg [dreg:$0xe];
	[sflag:s6] =	ssyncadd.s32 $0xFFFFE000  }
0x13c: {  	[spmem:s3] =	stream.indirect.scatter.add.f32 [tilespmem:s31], [sflag:$0x2], $0x40, s24, s5, $0xb8;
	[tilespmem:$0x1D400] =	vst v63  }
0x13d: {  	_ =	swait.ge [sflag:s7], $0x2000  }
0x13e: {  	[sflag:s7] =	ssyncset.done $0x0  }
0x13f: {  	s24 =	sadd.s32 $0x580, s22;
	[sflag:s7] =	ssyncadd.s32 $0xFFFFE000  }
0x140: {  	[tilespmem:s31], [sflag:$0x1] =	stream.indirect.gather [spmem:s1], $0x40, s24, s5, $0xb8;
	[tilespmem:$0x1D400] =	vst v63  }
0x141: {  	_ =	swait.ge [sflag:s6], $0x2000  }
0x142: {  	[sflag:s6] =	ssyncset.done $0x0  }
0x143: {  	[sflag:s6] =	ssyncadd.s32 $0xFFFFE000  }
0x144: {  	[spmem:s3] =	stream.indirect.scatter.add.f32 [tilespmem:s31], [sflag:$0x2], $0x40, s8, s5, $0xb8;
	[tilespmem:$0x1D400] =	vst v63  }
0x145: {  	_ =	swait.ge [sflag:s7], $0x2000  }
0x146: {  	[sflag:s7] =	ssyncset.done $0x0  }
0x147: {  	s24 =	sadd.s32 $0x600, s22;
	[sflag:s7] =	ssyncadd.s32 $0xFFFFE000  }
0x148: {  	[tilespmem:s31], [sflag:$0x1] =	stream.indirect.gather [spmem:s1], $0x40, s24, s5, $0xb8;
	[tilespmem:$0x1D400] =	vst v63  }
0x149: {  	_ =	swait.ge [sflag:s6], $0x2000  }
0x14a: {  	[sflag:s6] =	ssyncset.done $0x0  }
0x14b: {  	[sflag:s6] =	ssyncadd.s32 $0xFFFFE000  }
0x14c: {  	[spmem:s3] =	stream.indirect.scatter.add.f32 [tilespmem:s31], [sflag:$0x2], $0x40, s9, s5, $0xb8;
	[tilespmem:$0x1D400] =	vst v63  }
0x14d: {  	_ =	swait.ge [sflag:s7], $0x2000  }
0x14e: {  	[sflag:s7] =	ssyncset.done $0x0  }
0x14f: {  	s24 =	sadd.s32 $0x680, s22;
	[sflag:s7] =	ssyncadd.s32 $0xFFFFE000  }
0x150: {  	[tilespmem:s31], [sflag:$0x1] =	stream.indirect.gather [spmem:s1], $0x40, s24, s5, $0xb8;
	[tilespmem:$0x1D400] =	vst v63  }
0x151: {  	_ =	swait.ge [sflag:s6], $0x2000  }
0x152: {  	[sflag:s6] =	ssyncset.done $0x0  }
0x153: {  	[sflag:s6] =	ssyncadd.s32 $0xFFFFE000  }
0x154: {  	[spmem:s3] =	stream.indirect.scatter.add.f32 [tilespmem:s31], [sflag:$0x2], $0x40, s10, s5, $0xb8;
	[tilespmem:$0x1D400] =	vst v63  }
0x155: {  	_ =	swait.ge [sflag:s7], $0x2000  }
0x156: {  	[sflag:s7] =	ssyncset.done $0x0  }
0x157: {  	s24 =	sadd.s32 $0x700, s22;
	[sflag:s7] =	ssyncadd.s32 $0xFFFFE000  }
0x158: {  	[tilespmem:s31], [sflag:$0x1] =	stream.indirect.gather [spmem:s1], $0x40, s24, s5, $0xb8;
	[tilespmem:$0x1D400] =	vst v63  }
0x159: {  	_ =	swait.ge [sflag:s6], $0x2000  }
0x15a: {  	[sflag:s6] =	ssyncset.done $0x0  }
0x15b: {  	[sflag:s6] =	ssyncadd.s32 $0xFFFFE000  }
0x15c: {  	[spmem:s3] =	stream.indirect.scatter.add.f32 [tilespmem:s31], [sflag:$0x2], $0x40, s11, s5, $0xb8;
	[tilespmem:$0x1D400] =	vst v63  }
0x15d: {  	_ =	swait.ge [sflag:s7], $0x2000  }
0x15e: {  	[sflag:s7] =	ssyncset.done $0x0  }
0x15f: {  	s22 =	sadd.s32 $0x780, s22;
	[sflag:s7] =	ssyncadd.s32 $0xFFFFE000  }
0x160: {  	[tilespmem:s31], [sflag:$0x1] =	stream.indirect.gather [spmem:s1], $0x40, s22, s5, $0xb8;
	[tilespmem:$0x1D400] =	vst v63  }
0x161: {  	p0 =	sne.s32 s15, $0x12000;
	_ =	swait.ge [sflag:s6], $0x2000  }
.Ltmp0:
0x162: {  	[sflag:s6] =	ssyncset.done $0x0;
	(pc) =	sbr.rel @p0 .LBB2_2-.Ltmp0, $4  }
0x163: {  	[sflag:s6] =	ssyncadd.s32 $0xFFFFE000  }
0x164: {  	[spmem:s3] =	stream.indirect.scatter.add.f32 [tilespmem:s31], [sflag:$0x2], $0x40, s12, s5, $0xb8;
	[tilespmem:$0x1D400] =	vst v63  }
0x165: {  	_ =	swait.ge [sflag:s7], $0x2000  }
0x166: {  	s15 =	sadd.s32 $0x2000, s15;
	[sflag:s7] =	ssyncset.done $0x0  }
0x167: {  	[sflag:s7] =	ssyncadd.s32 $0xFFFFE000  }
0x168: {  	[bflag:$0x0] =	sbarrier.arrive $0xFFFF  }
0x169: {  	[tilespmem:s31], [sflag:$0x4] =	stream.linear.gather [spmem:s17], $0x2000, $0x38;
	[tilespmem:$0x1D400] =	vst v63  }
0x16a: {  	_ =	swait.ge [sflag:s30], $0x2000  }
0x16b: {  	[sflag:s30] =	ssyncset.done $0x0  }
0x16c: {  	s15 =	rddreg [dreg:$0x16];
	[sflag:s30] =	ssyncadd.s32 $0xFFFFE000  }
0x16d: {  	[hbm4b:s15+s4] =	stream.linear.scatter [tilespmem:s31], [sflag:$0x4], $0x2000, $0x38;
	[tilespmem:$0x1D400] =	vst v63  }
0x16e: {  	_ =	swait.ge [sflag:s30], $0x2000  }
0x16f: {  	[sflag:s30] =	ssyncset.done $0x0  }
0x170: {  	[sflag:s30] =	ssyncadd.s32 $0xFFFFE000  }
0x171: {  	[tilespmem:s13], [sflag:$0x4] =	stream.linear.gather [spmem:s18], $0x2000, $0x38;
	[tilespmem:$0x1D400] =	vst v63  }
0x172: {  	_ =	swait.ge [sflag:s30], $0x2000  }
0x173: {  	[sflag:s30] =	ssyncset.done $0x0  }
0x174: {  	s23 =	rddreg [dreg:$0x17];
	[sflag:s30] =	ssyncadd.s32 $0xFFFFE000  }
0x175: {  	[hbm4b:s23+s4] =	stream.linear.scatter [tilespmem:s13], [sflag:$0x4], $0x2000, $0x38;
	[tilespmem:$0x1D400] =	vst v63  }
0x176: {  	_ =	swait.ge [sflag:s30], $0x2000  }
0x177: {  	[sflag:s30] =	ssyncset.done $0x0  }
0x178: {  	[sflag:s30] =	ssyncadd.s32 $0xFFFFE000  }
0x179: {  	[tilespmem:s31], [sflag:$0x4] =	stream.linear.gather [spmem:s19], $0x2000, $0x38;
	[tilespmem:$0x1D400] =	vst v63  }
0x17a: {  	_ =	swait.ge [sflag:s30], $0x2000  }
0x17b: {  	[sflag:s30] =	ssyncset.done $0x0  }
0x17c: {  	s24 =	rddreg [dreg:$0x18];
	[sflag:s30] =	ssyncadd.s32 $0xFFFFE000  }
0x17d: {  	[hbm4b:s24+s4] =	stream.linear.scatter [tilespmem:s31], [sflag:$0x4], $0x2000, $0x38;
	[tilespmem:$0x1D400] =	vst v63  }
0x17e: {  	_ =	swait.ge [sflag:s30], $0x2000  }
0x17f: {  	[sflag:s30] =	ssyncset.done $0x0  }
0x180: {  	[sflag:s30] =	ssyncadd.s32 $0xFFFFE000  }
0x181: {  	[tilespmem:s13], [sflag:$0x4] =	stream.linear.gather [spmem:s20], $0x2000, $0x38;
	[tilespmem:$0x1D400] =	vst v63  }
0x182: {  	_ =	swait.ge [sflag:s30], $0x2000  }
0x183: {  	[sflag:s30] =	ssyncset.done $0x0  }
0x184: {  	s22 =	rddreg [dreg:$0x19];
	[sflag:s30] =	ssyncadd.s32 $0xFFFFE000  }
0x185: {  	[hbm4b:s22+s4] =	stream.linear.scatter [tilespmem:s13], [sflag:$0x4], $0x2000, $0x38;
	[tilespmem:$0x1D400] =	vst v63  }
0x186: {  	_ =	swait.ge [sflag:s30], $0x2000  }
0x187: {  	[sflag:s30] =	ssyncset.done $0x0  }
0x188: {  	[sflag:s30] =	ssyncadd.s32 $0xFFFFE000  }
0x189: {  	[tilespmem:s31], [sflag:$0x4] =	stream.linear.gather [spmem:s21], $0x1E00, $0x38;
	[tilespmem:$0x1D400] =	vst v63  }
0x18a: {  	_ =	swait.ge [sflag:s30], $0x1E00  }
0x18b: {  	[sflag:s30] =	ssyncset.done $0x0  }
0x18c: {  	s23 =	rddreg [dreg:$0x1a];
	[sflag:s30] =	ssyncadd.s32 $0xFFFFE200  }
0x18d: {  	[hbm4b:s23+s4] =	stream.linear.scatter [tilespmem:s31], [sflag:$0x4], $0x1E00, $0x38;
	[tilespmem:$0x1D400] =	vst v63  }
0x18e: {  	_ =	swait.ge [sflag:s30], $0x1E00  }
0x18f: {  	s14 =	sadd.s32 $0x1, s14;
	s24 =	rddreg [dreg:$0x1b]  }
0x190: {  	p0 =	sne.s32 s14, s24  }
.Ltmp1:
0x191: {  	_ = 	snop;
	(pc) =	sbr.rel @p0 .LBB2_1-.Ltmp1, $3  }
0x192: {  	_ =	sdelay $0x1  }
0x193: {  	[sflag:s30] =	ssyncset.done $0x0  }
0x194: {  	[sflag:s30] =	ssyncadd.s32 $0xFFFFE200  }
0x195: {  	_ =	sfence.sel $0x180000  }
0x196: {  	[bflag:$0x0] =	sbarrier.arrive $0xFFFF  }
0x197: {  	_ =	strace $0x90000047  }
0x198: {  	s0 =	stileid.u32;
	[bflag:$0x2] =	sbarrier.arrive $0xFFFF  }
0x199: {  	p0 =	sne.s32 s0, $0x0;
	s0 =	rddreg [dreg:$0x4]  }
0x19a: {  	s0 =	sadd.s32 @!p0 $0x100000, s0  }
0x19b: {  	[sflag:s0] =	ssyncadd.tile.s32 @!p0 $0x1;
	_ =	shalt  }
.Lfunc_end2:
_tile_overlayer_lowered:
.L_overlay_start_2:
0x19c: {  	(tag) =	ssettag $0x2  }
0x19d: {  	s0 =	rddreg [dreg:$0x0];
	s2 =	stileid.u32  }
0x19e: {  	s1 =	rddreg [dreg:$0x1];
	p0 =	sne.s32 s2, $0x0  }
0x19f: {  	s3 =	rddreg [dreg:$0x2];
	[bflag:$0x3] =	sbarrier.arrive $0xFFFF;
	s2 =	simm.s32 @!p0 $0x1C04  }
0x1a0: {  	[timem:s3], [sflag:s2] =	dma.local @!p0 [hbm:s0], s1  }
0x1a1: {  	s0 =	simm.s32 @!p0 $0x4  }
0x1a2: {  	_ =	swait.ge @!p0 [sflag:s0], s1  }
0x1a3: {  	s1 =	ssub.s32 @!p0 $0x0, s1;
	[sflag:s0] =	ssyncset.done @!p0 $0x0  }
0x1a4: {  	[sflag:s0] =	ssyncadd.s32 @!p0 s1  }
0x1a5: {  	[bflag:$0x3] =	sbarrier.arrive $0xFFFF  }
0x1a6: {  	_ =	shalt  }

</sc_bundles>
